<compile_context>
chip_gen: v7x
topology: tpu7x:2x2x1
jax: 0.10.2.dev20260603
libtpu: 0.0.44.dev20260713+nightly
codegen_flags: <defaults>
</compile_context>

<pallas_src>
import functools

import jax
import jax.numpy as jnp
from jax import lax
from jax.experimental import pallas as pl
from jax.experimental.pallas import tpu as pltpu
from jax.experimental.pallas import tpu_sc as plsc

_N = 10000
_E = 320000
_H = 128
_NS = 16
_ROWS_A = 640
_ROWS_LAST = _N - 15 * _ROWS_A
_CHUNK = 128
_NFULL = 156
_EDGES_PER_TILE = _NFULL * _CHUNK
_NEXTRA = (_E - _NS * _EDGES_PER_TILE) // _CHUNK
_GRP = 12


def _sc_body(x_hbm, ei_hbm, out0_hbm, out1_hbm, acc,
             ib0, ib1, ib2, ib3, rb0, rb1, rb2,
             i0, i1, i2, i3, g0, g1, g2):
    c = lax.axis_index("c")
    s = lax.axis_index("s")
    ib = [ib0, ib1, ib2, ib3]
    isem = [i0, i1, i2, i3]
    rb = [rb0, rb1, rb2]
    gsem = [g0, g1, g2]

    r0 = s * _ROWS_A
    ebase = s * _EDGES_PER_TILE

    def seed_acc():
        @pl.when(s < _NS - 1)
        def _():
            pltpu.sync_copy(x_hbm.at[pl.ds(r0, _ROWS_A)],
                            acc.at[pl.ds(r0, _ROWS_A)])

        @pl.when(s == _NS - 1)
        def _():
            pltpu.sync_copy(x_hbm.at[pl.ds(15 * _ROWS_A, _ROWS_LAST)],
                            acc.at[pl.ds(15 * _ROWS_A, _ROWS_LAST)])

    def run_direction(srow, drow):
        def issue_idx(j, b):
            q = b % 4
            off = ebase + j * _CHUNK
            pltpu.async_copy(ei_hbm.at[:, pl.ds(off, _CHUNK)], ib[q], isem[q])

        def wait_idx(b):
            q = b % 4
            pltpu.make_async_copy(ei_hbm.at[:, pl.ds(0, _CHUNK)], ib[q],
                                  isem[q]).wait()

        def issue_gather(b):
            pltpu.async_copy(x_hbm.at[ib[b % 4].at[srow]], rb[b % 3],
                             gsem[b % 3])

        def wait_gather(b):
            pltpu.make_async_copy(x_hbm.at[pl.ds(0, _CHUNK)], rb[b % 3],
                                  gsem[b % 3]).wait()

        def scatter(b):
            pltpu.sync_copy(rb[b % 3], acc.at[ib[b % 4].at[drow]], add=True)

        def chunk_step(j, b, has_g2, has_i4):
            if has_g2:
                wait_idx(b + 2)
                issue_gather(b + 2)
            wait_gather(b)
            scatter(b)
            if has_i4:
                issue_idx(j + 4, b + 4)

        issue_idx(0, 0)
        issue_idx(1, 1)
        issue_idx(2, 2)
        issue_idx(3, 3)
        wait_idx(0)
        issue_gather(0)
        wait_idx(1)
        issue_gather(1)
        seed_acc()
        plsc.subcore_barrier()

        def group_body(k, carry):
            for b in range(_GRP):
                chunk_step(k * _GRP + b, b, True, True)
            return carry

        lax.fori_loop(0, (_NFULL // _GRP) - 1, group_body, 0)
        for j in range(_NFULL - _GRP, _NFULL):
            chunk_step(j, j % _GRP, j + 2 < _NFULL, j + 4 < _NFULL)

        @pl.when(s < _NEXTRA)
        def _():
            xoff = _NS * _EDGES_PER_TILE + s * _CHUNK
            pltpu.sync_copy(ei_hbm.at[:, pl.ds(xoff, _CHUNK)], ib[0])
            pltpu.async_copy(x_hbm.at[ib[0].at[srow]], rb[0], gsem[0])
            pltpu.make_async_copy(x_hbm.at[pl.ds(0, _CHUNK)], rb[0],
                                  gsem[0]).wait()
            pltpu.sync_copy(rb[0], acc.at[ib[0].at[drow]], add=True)

    @pl.when(c == 0)
    def _():
        run_direction(0, 1)

    @pl.when(c == 1)
    def _():
        run_direction(1, 0)

    plsc.subcore_barrier()

    def writeout(out_hbm):
        @pl.when(s < _NS - 1)
        def _():
            pltpu.sync_copy(acc.at[pl.ds(r0, _ROWS_A)],
                            out_hbm.at[pl.ds(r0, _ROWS_A)])

        @pl.when(s == _NS - 1)
        def _():
            pltpu.sync_copy(acc.at[pl.ds(15 * _ROWS_A, _ROWS_LAST)],
                            out_hbm.at[pl.ds(15 * _ROWS_A, _ROWS_LAST)])

    @pl.when(c == 0)
    def _():
        writeout(out0_hbm)

    @pl.when(c == 1)
    def _():
        writeout(out1_hbm)


_sc_agg = functools.partial(
    pl.kernel,
    out_type=[jax.ShapeDtypeStruct((_N, _H), jnp.float32),
              jax.ShapeDtypeStruct((_N, _H), jnp.float32)],
    mesh=plsc.VectorSubcoreMesh(core_axis_name="c", subcore_axis_name="s"),
    scratch_types=[
        pltpu.VMEM_SHARED((_N, _H), jnp.float32),
        pltpu.VMEM((2, _CHUNK), jnp.int32),
        pltpu.VMEM((2, _CHUNK), jnp.int32),
        pltpu.VMEM((2, _CHUNK), jnp.int32),
        pltpu.VMEM((2, _CHUNK), jnp.int32),
        pltpu.VMEM((_CHUNK, _H), jnp.float32),
        pltpu.VMEM((_CHUNK, _H), jnp.float32),
        pltpu.VMEM((_CHUNK, _H), jnp.float32),
        pltpu.SemaphoreType.DMA,
        pltpu.SemaphoreType.DMA,
        pltpu.SemaphoreType.DMA,
        pltpu.SemaphoreType.DMA,
        pltpu.SemaphoreType.DMA,
        pltpu.SemaphoreType.DMA,
        pltpu.SemaphoreType.DMA,
    ],
)(_sc_body)


_BLK = 2000


def _matT(a, w):
    return lax.dot_general(a, w, (((1,), (1,)), ((), ())),
                           preferred_element_type=jnp.float32)


def _dense_body(h1_ref, h2_ref, W1_ref, b1_ref, g1_ref, be1_ref,
                W2_ref, b2_ref, g2_ref, be2_ref,
                Wl1a_ref, Wl1b_ref, bl1_ref, Wl2_ref, bl2_ref, out_ref):
    def resblock(h, W, b, g, be):
        z = _matT(h, W) + b
        mu = jnp.mean(z, axis=-1, keepdims=True)
        var = jnp.mean((z - mu) * (z - mu), axis=-1, keepdims=True)
        ln = (z - mu) * lax.rsqrt(var + 1e-5) * g + be
        return h + jnp.maximum(ln, 0.0)

    r1 = resblock(h1_ref[:], W1_ref[:], b1_ref[:], g1_ref[:], be1_ref[:])
    r2 = resblock(h2_ref[:], W2_ref[:], b2_ref[:], g2_ref[:], be2_ref[:])
    hmid = jnp.maximum(
        _matT(r1, Wl1a_ref[:]) + _matT(r2, Wl1b_ref[:]) + bl1_ref[:], 0.0)
    out_ref[:] = jnp.maximum(_matT(hmid, Wl2_ref[:]) + bl2_ref[:], 0.0)


def _row_spec(nrows, ncols):
    return pl.BlockSpec((nrows, ncols), lambda i: (i, 0))


def _full_spec(nrows, ncols):
    return pl.BlockSpec((nrows, ncols), lambda i: (0, 0))


_dense_call = pl.pallas_call(
    _dense_body,
    grid=(_N // _BLK,),
    in_specs=[
        _row_spec(_BLK, _H), _row_spec(_BLK, _H),
        _full_spec(_H, _H), _full_spec(1, _H), _full_spec(1, _H), _full_spec(1, _H),
        _full_spec(_H, _H), _full_spec(1, _H), _full_spec(1, _H), _full_spec(1, _H),
        _full_spec(2 * _H, _H), _full_spec(2 * _H, _H), _full_spec(1, 2 * _H),
        _full_spec(_H, 2 * _H), _full_spec(1, _H),
    ],
    out_specs=_row_spec(_BLK, _H),
    out_shape=jax.ShapeDtypeStruct((_N, _H), jnp.float32),
)


@jax.jit
def _impl(x, ei, W1, b1, g1, be1, W2, b2, g2, be2, Wl1, bl1, Wl2, bl2):
    h1, h2 = _sc_agg(x, ei)
    return _dense_call(
        h1, h2,
        W1, b1[None, :], g1[None, :], be1[None, :],
        W2, b2[None, :], g2[None, :], be2[None, :],
        Wl1[:, :_H], Wl1[:, _H:], bl1[None, :],
        Wl2, bl2[None, :],
    )


def kernel(x, ei, W1, b1, g1, be1, W2, b2, g2, be2, Wl1, bl1, Wl2, bl2):
    return _impl(x, ei, W1, b1, g1, be1, W2, b2, g2, be2, Wl1, bl1, Wl2, bl2)

# --- scband reference (transcript-rebuilt; emitter-appended) ---
"""Pipeline reference for scband-rgin-60120952209623 (READ-ONLY COPY).

The authoritative reference and input builder live on the scoring server;
editing this copy changes nothing except your own understanding.
"""

import jax, jax.numpy as jnp
import numpy as np

HID = 128
N = 10000
E = 320000


def setup_inputs(seed: int = 0) -> dict:
    key = jax.random.key(seed)
    ks = jax.random.split(key, 12)
    x = jax.random.normal(ks[0], (N, HID), dtype=jnp.float32)
    ei = jax.random.randint(ks[1], (2, E), 0, N, dtype=jnp.int32)
    W1 = jax.random.normal(ks[2], (HID, HID), dtype=jnp.float32) * 0.05
    b1 = jnp.zeros((HID,), dtype=jnp.float32)
    g1 = jnp.ones((HID,), dtype=jnp.float32)
    be1 = jnp.zeros((HID,), dtype=jnp.float32)
    W2 = jax.random.normal(ks[3], (HID, HID), dtype=jnp.float32) * 0.05
    b2 = jnp.zeros((HID,), dtype=jnp.float32)
    g2 = jnp.ones((HID,), dtype=jnp.float32)
    be2 = jnp.zeros((HID,), dtype=jnp.float32)
    Wl1 = jax.random.normal(ks[4], (2 * HID, 2 * HID), dtype=jnp.float32) * 0.05
    bl1 = jnp.zeros((2 * HID,), dtype=jnp.float32)
    Wl2 = jax.random.normal(ks[5], (HID, 2 * HID), dtype=jnp.float32) * 0.05
    bl2 = jnp.zeros((HID,), dtype=jnp.float32)
    return {"x": x, "ei": ei, "W1": W1, "b1": b1, "g1": g1, "be1": be1,
            "W2": W2, "b2": b2, "g2": g2, "be2": be2,
            "Wl1": Wl1, "bl1": bl1, "Wl2": Wl2, "bl2": bl2}


def _layer_norm(z, g, b):
    mu = jnp.mean(z, axis=-1, keepdims=True)
    var = jnp.var(z, axis=-1, keepdims=True)
    return (z - mu) / jnp.sqrt(var + 1e-5) * g + b


def _gin_conv(x, src, dst, W, b, g, be):
    # GINConv with eps=0: h = (1+eps)*x_i + sum_{j in N(i)} x_j
    msgs = x[src]
    agg = jax.ops.segment_sum(msgs, dst, num_segments=N)
    h = agg + x
    # mlp: Linear -> LayerNorm -> ReLU, wrapped in ResBlock (h + mlp(h))
    m = jnp.maximum(_layer_norm(h @ W.T + b, g, be), 0.0)
    return h + m


def reference(x, ei, W1, b1, g1, be1, W2, b2, g2, be2, Wl1, bl1, Wl2, bl2):
    ret1 = _gin_conv(x, ei[0], ei[1], W1, b1, g1, be1)
    ret2 = _gin_conv(x, ei[1], ei[0], W2, b2, g2, be2)  # reversed edges
    c = jnp.concatenate((ret1, ret2), axis=-1)
    h = jnp.maximum(c @ Wl1.T + bl1, 0.0)
    out = jnp.maximum(h @ Wl2.T + bl2, 0.0)
    return out

if __name__ == "__main__":
    import jax
    _d = setup_inputs()
    print(jax.jit(kernel)(*tuple(_d.values())))

</pallas_src>

<mosaic_0001>
#map = affine_map<(d0, d1) -> (0, 0)>
module attributes {stable_mosaic.version = 14 : i64} {
  func.func @_sc_body(%arg0: i32, %arg1: i32, %arg2: memref<10000x128xf32, #tpu.memory_space<hbm>>, %arg3: memref<2x320000xi32, #tpu.memory_space<hbm>>, %arg4: memref<10000x128xf32, #tpu.memory_space<hbm>>, %arg5: memref<10000x128xf32, #tpu.memory_space<hbm>>, %arg6: memref<10000x128xf32, #tpu.memory_space<vmem_shared>>, %arg7: memref<2x128xi32, #tpu.memory_space<vmem>>, %arg8: memref<2x128xi32, #tpu.memory_space<vmem>>, %arg9: memref<2x128xi32, #tpu.memory_space<vmem>>, %arg10: memref<2x128xi32, #tpu.memory_space<vmem>>, %arg11: memref<128x128xf32, #tpu.memory_space<vmem>>, %arg12: memref<128x128xf32, #tpu.memory_space<vmem>>, %arg13: memref<128x128xf32, #tpu.memory_space<vmem>>, %arg14: memref<!tpu.dma_semaphore, #tpu.memory_space<semaphore_mem>>, %arg15: memref<!tpu.dma_semaphore, #tpu.memory_space<semaphore_mem>>, %arg16: memref<!tpu.dma_semaphore, #tpu.memory_space<semaphore_mem>>, %arg17: memref<!tpu.dma_semaphore, #tpu.memory_space<semaphore_mem>>, %arg18: memref<!tpu.dma_semaphore, #tpu.memory_space<semaphore_mem>>, %arg19: memref<!tpu.dma_semaphore, #tpu.memory_space<semaphore_mem>>, %arg20: memref<!tpu.dma_semaphore, #tpu.memory_space<semaphore_mem>>) attributes {dimension_semantics = [#tpu.dimension_semantics<core_parallel>, #tpu.dimension_semantics<subcore_parallel>], iteration_bounds = array<i64: 2, 16>, scalar_prefetch = 0 : i64, scratch_operands = 15 : i64, tpu.core_type = #tpu.core_type<sc_vector_subcore>, window_params = [{transform_indices = #map}, {transform_indices = #map}, {transform_indices = #map}, {transform_indices = #map}]} {
    %mul3A = arith.constant 640 : i32
    %mul3A_0 = arith.muli %arg1, %mul3A : i32
    %mul3A_1 = arith.constant 19968 : i32
    %mul3A_2 = arith.muli %arg1, %mul3A_1 : i32
    %eq3A = arith.constant 0 : i32
    %eq3A_3 = arith.cmpi eq, %arg0, %eq3A : i32
    %convert_element_type3A = arith.extui %eq3A_3 : i1 to i32
    %cond3A = arith.constant 0 : i32
    %cond3A_4 = arith.cmpi ne, %convert_element_type3A, %cond3A : i32
    scf.if %cond3A_4 {
      %add3A = arith.constant 0 : i32
      %add3A_20 = arith.addi %mul3A_2, %add3A : i32
      %dma_start3A = arith.constant 0 : i32
      %dma_start3A_21 = tpu.memref_slice %arg3[%dma_start3A, %add3A_20] : memref<2x320000xi32, #tpu.memory_space<hbm>> -> memref<2x128xi32, #tpu.memory_space<hbm>>
      %dma_start3A_22 = arith.constant 0 : i32
      %dma_start3A_23 = tpu.memref_slice %arg3[%dma_start3A_22, %add3A_20] : memref<2x320000xi32, #tpu.memory_space<hbm>> -> memref<2x128xi32, #tpu.memory_space<hbm>>
      tpu.enqueue_dma source(%dma_start3A_23 : memref<2x128xi32, #tpu.memory_space<hbm>>) target(%arg7 : memref<2x128xi32, #tpu.memory_space<vmem>>) target_semaphore(%arg14 : memref<!tpu.dma_semaphore, #tpu.memory_space<semaphore_mem>>)
      %add3A_24 = arith.constant 128 : i32
      %add3A_25 = arith.addi %mul3A_2, %add3A_24 : i32
      %dma_start3A_26 = arith.constant 0 : i32
      %dma_start3A_27 = tpu.memref_slice %arg3[%dma_start3A_26, %add3A_25] : memref<2x320000xi32, #tpu.memory_space<hbm>> -> memref<2x128xi32, #tpu.memory_space<hbm>>
      %dma_start3A_28 = arith.constant 0 : i32
      %dma_start3A_29 = tpu.memref_slice %arg3[%dma_start3A_28, %add3A_25] : memref<2x320000xi32, #tpu.memory_space<hbm>> -> memref<2x128xi32, #tpu.memory_space<hbm>>
      tpu.enqueue_dma source(%dma_start3A_29 : memref<2x128xi32, #tpu.memory_space<hbm>>) target(%arg8 : memref<2x128xi32, #tpu.memory_space<vmem>>) target_semaphore(%arg15 : memref<!tpu.dma_semaphore, #tpu.memory_space<semaphore_mem>>)
      %add3A_30 = arith.constant 256 : i32
      %add3A_31 = arith.addi %mul3A_2, %add3A_30 : i32
      %dma_start3A_32 = arith.constant 0 : i32
      %dma_start3A_33 = tpu.memref_slice %arg3[%dma_start3A_32, %add3A_31] : memref<2x320000xi32, #tpu.memory_space<hbm>> -> memref<2x128xi32, #tpu.memory_space<hbm>>
      %dma_start3A_34 = arith.constant 0 : i32
      %dma_start3A_35 = tpu.memref_slice %arg3[%dma_start3A_34, %add3A_31] : memref<2x320000xi32, #tpu.memory_space<hbm>> -> memref<2x128xi32, #tpu.memory_space<hbm>>
      tpu.enqueue_dma source(%dma_start3A_35 : memref<2x128xi32, #tpu.memory_space<hbm>>) target(%arg9 : memref<2x128xi32, #tpu.memory_space<vmem>>) target_semaphore(%arg16 : memref<!tpu.dma_semaphore, #tpu.memory_space<semaphore_mem>>)
      %add3A_36 = arith.constant 384 : i32
      %add3A_37 = arith.addi %mul3A_2, %add3A_36 : i32
      %dma_start3A_38 = arith.constant 0 : i32
      %dma_start3A_39 = tpu.memref_slice %arg3[%dma_start3A_38, %add3A_37] : memref<2x320000xi32, #tpu.memory_space<hbm>> -> memref<2x128xi32, #tpu.memory_space<hbm>>
      %dma_start3A_40 = arith.constant 0 : i32
      %dma_start3A_41 = tpu.memref_slice %arg3[%dma_start3A_40, %add3A_37] : memref<2x320000xi32, #tpu.memory_space<hbm>> -> memref<2x128xi32, #tpu.memory_space<hbm>>
      tpu.enqueue_dma source(%dma_start3A_41 : memref<2x128xi32, #tpu.memory_space<hbm>>) target(%arg10 : memref<2x128xi32, #tpu.memory_space<vmem>>) target_semaphore(%arg17 : memref<!tpu.dma_semaphore, #tpu.memory_space<semaphore_mem>>)
      %dma_wait3A = arith.constant 0 : i32
      %dma_wait3A_42 = arith.constant 0 : i32
      %dma_wait3A_43 = tpu.memref_slice %arg3[%dma_wait3A, %dma_wait3A_42] : memref<2x320000xi32, #tpu.memory_space<hbm>> -> memref<2x128xi32, #tpu.memory_space<hbm>>
      %dma_wait3A_44 = arith.constant 0 : i32
      %dma_wait3A_45 = arith.constant 0 : i32
      %dma_wait3A_46 = tpu.memref_slice %arg3[%dma_wait3A_44, %dma_wait3A_45] : memref<2x320000xi32, #tpu.memory_space<hbm>> -> memref<2x128xi32, #tpu.memory_space<hbm>>
      tpu.wait_dma2 semaphore(%arg14 : memref<!tpu.dma_semaphore, #tpu.memory_space<semaphore_mem>>) src(%dma_wait3A_46 : memref<2x128xi32, #tpu.memory_space<hbm>>) dst(%arg7 : memref<2x128xi32, #tpu.memory_space<vmem>>)
      %dma_start3A_47 = arith.constant 0 : i32
      %dma_start3A_48 = arith.constant 0 : i32
      %dma_start3A_49 = tpu.memref_slice %arg7[%dma_start3A_47, %dma_start3A_48] : memref<2x128xi32, #tpu.memory_space<vmem>> -> memref<1x128xi32, #tpu.memory_space<vmem>>
      %dma_start3A_50 = tpu.memref_squeeze %dma_start3A_49 : memref<1x128xi32, #tpu.memory_space<vmem>> -> memref<128xi32, #tpu.memory_space<vmem>>
      %dma_start3A_51 = arith.constant 0 : i32
      %dma_start3A_52 = arith.constant 0 : i32
      %dma_start3A_53 = tpu.memref_slice %arg2[%dma_start3A_51, %dma_start3A_52] : memref<10000x128xf32, #tpu.memory_space<hbm>> -> memref<10000x128xf32, #tpu.memory_space<hbm>>
      tpu.enqueue_indirect_dma source(%dma_start3A_53 : memref<10000x128xf32, #tpu.memory_space<hbm>>) target(%arg11 : memref<128x128xf32, #tpu.memory_space<vmem>>) offsets(%dma_start3A_50 : memref<128xi32, #tpu.memory_space<vmem>>) semaphore(%arg18 : memref<!tpu.dma_semaphore, #tpu.memory_space<semaphore_mem>>)
      %dma_wait3A_54 = arith.constant 0 : i32
      %dma_wait3A_55 = arith.constant 0 : i32
      %dma_wait3A_56 = tpu.memref_slice %arg3[%dma_wait3A_54, %dma_wait3A_55] : memref<2x320000xi32, #tpu.memory_space<hbm>> -> memref<2x128xi32, #tpu.memory_space<hbm>>
      %dma_wait3A_57 = arith.constant 0 : i32
      %dma_wait3A_58 = arith.constant 0 : i32
      %dma_wait3A_59 = tpu.memref_slice %arg3[%dma_wait3A_57, %dma_wait3A_58] : memref<2x320000xi32, #tpu.memory_space<hbm>> -> memref<2x128xi32, #tpu.memory_space<hbm>>
      tpu.wait_dma2 semaphore(%arg15 : memref<!tpu.dma_semaphore, #tpu.memory_space<semaphore_mem>>) src(%dma_wait3A_59 : memref<2x128xi32, #tpu.memory_space<hbm>>) dst(%arg8 : memref<2x128xi32, #tpu.memory_space<vmem>>)
      %dma_start3A_60 = arith.constant 0 : i32
      %dma_start3A_61 = arith.constant 0 : i32
      %dma_start3A_62 = tpu.memref_slice %arg8[%dma_start3A_60, %dma_start3A_61] : memref<2x128xi32, #tpu.memory_space<vmem>> -> memref<1x128xi32, #tpu.memory_space<vmem>>
      %dma_start3A_63 = tpu.memref_squeeze %dma_start3A_62 : memref<1x128xi32, #tpu.memory_space<vmem>> -> memref<128xi32, #tpu.memory_space<vmem>>
      %dma_start3A_64 = arith.constant 0 : i32
      %dma_start3A_65 = arith.constant 0 : i32
      %dma_start3A_66 = tpu.memref_slice %arg2[%dma_start3A_64, %dma_start3A_65] : memref<10000x128xf32, #tpu.memory_space<hbm>> -> memref<10000x128xf32, #tpu.memory_space<hbm>>
      tpu.enqueue_indirect_dma source(%dma_start3A_66 : memref<10000x128xf32, #tpu.memory_space<hbm>>) target(%arg12 : memref<128x128xf32, #tpu.memory_space<vmem>>) offsets(%dma_start3A_63 : memref<128xi32, #tpu.memory_space<vmem>>) semaphore(%arg19 : memref<!tpu.dma_semaphore, #tpu.memory_space<semaphore_mem>>)
      %lt3A = arith.constant 15 : i32
      %lt3A_67 = arith.cmpi slt, %arg1, %lt3A : i32
      %convert_element_type3A_68 = arith.extui %lt3A_67 : i1 to i32
      %cond3A_69 = arith.constant 0 : i32
      %cond3A_70 = arith.cmpi ne, %convert_element_type3A_68, %cond3A_69 : i32
      scf.if %cond3A_70 {
        "tpu.region"() ({
          %run_scoped3A_348 = tpu.sem_alloc : memref<!tpu.dma_semaphore, #tpu.memory_space<semaphore_mem>>
          %dma_start3A_349 = arith.constant 0 : i32
          %dma_start3A_350 = tpu.memref_slice %arg6[%mul3A_0, %dma_start3A_349] : memref<10000x128xf32, #tpu.memory_space<vmem_shared>> -> memref<640x128xf32, #tpu.memory_space<vmem_shared>>
          %dma_start3A_351 = arith.constant 0 : i32
          %dma_start3A_352 = tpu.memref_slice %arg2[%mul3A_0, %dma_start3A_351] : memref<10000x128xf32, #tpu.memory_space<hbm>> -> memref<640x128xf32, #tpu.memory_space<hbm>>
          tpu.enqueue_dma source(%dma_start3A_352 : memref<640x128xf32, #tpu.memory_space<hbm>>) target(%dma_start3A_350 : memref<640x128xf32, #tpu.memory_space<vmem_shared>>) target_semaphore(%run_scoped3A_348 : memref<!tpu.dma_semaphore, #tpu.memory_space<semaphore_mem>>)
          %dma_wait3A_353 = arith.constant 0 : i32
          %dma_wait3A_354 = tpu.memref_slice %arg6[%mul3A_0, %dma_wait3A_353] : memref<10000x128xf32, #tpu.memory_space<vmem_shared>> -> memref<640x128xf32, #tpu.memory_space<vmem_shared>>
          %dma_wait3A_355 = arith.constant 0 : i32
          %dma_wait3A_356 = tpu.memref_slice %arg2[%mul3A_0, %dma_wait3A_355] : memref<10000x128xf32, #tpu.memory_space<hbm>> -> memref<640x128xf32, #tpu.memory_space<hbm>>
          tpu.wait_dma2 semaphore(%run_scoped3A_348 : memref<!tpu.dma_semaphore, #tpu.memory_space<semaphore_mem>>) src(%dma_wait3A_356 : memref<640x128xf32, #tpu.memory_space<hbm>>) dst(%dma_wait3A_354 : memref<640x128xf32, #tpu.memory_space<vmem_shared>>)
          tpu.yield
        }) : () -> ()
      } else {
      }
      %eq3A_71 = arith.constant 15 : i32
      %eq3A_72 = arith.cmpi eq, %arg1, %eq3A_71 : i32
      %convert_element_type3A_73 = arith.extui %eq3A_72 : i1 to i32
      %cond3A_74 = arith.constant 0 : i32
      %cond3A_75 = arith.cmpi ne, %convert_element_type3A_73, %cond3A_74 : i32
      scf.if %cond3A_75 {
        "tpu.region"() ({
          %run_scoped3A_348 = tpu.sem_alloc : memref<!tpu.dma_semaphore, #tpu.memory_space<semaphore_mem>>
          %dma_start3A_349 = arith.constant 9600 : i32
          %dma_start3A_350 = arith.constant 0 : i32
          %dma_start3A_351 = tpu.memref_slice %arg6[%dma_start3A_349, %dma_start3A_350] : memref<10000x128xf32, #tpu.memory_space<vmem_shared>> -> memref<400x128xf32, #tpu.memory_space<vmem_shared>>
          %dma_start3A_352 = arith.constant 9600 : i32
          %dma_start3A_353 = arith.constant 0 : i32
          %dma_start3A_354 = tpu.memref_slice %arg2[%dma_start3A_352, %dma_start3A_353] : memref<10000x128xf32, #tpu.memory_space<hbm>> -> memref<400x128xf32, #tpu.memory_space<hbm>>
          tpu.enqueue_dma source(%dma_start3A_354 : memref<400x128xf32, #tpu.memory_space<hbm>>) target(%dma_start3A_351 : memref<400x128xf32, #tpu.memory_space<vmem_shared>>) target_semaphore(%run_scoped3A_348 : memref<!tpu.dma_semaphore, #tpu.memory_space<semaphore_mem>>)
          %dma_wait3A_355 = arith.constant 9600 : i32
          %dma_wait3A_356 = arith.constant 0 : i32
          %dma_wait3A_357 = tpu.memref_slice %arg6[%dma_wait3A_355, %dma_wait3A_356] : memref<10000x128xf32, #tpu.memory_space<vmem_shared>> -> memref<400x128xf32, #tpu.memory_space<vmem_shared>>
          %dma_wait3A_358 = arith.constant 9600 : i32
          %dma_wait3A_359 = arith.constant 0 : i32
          %dma_wait3A_360 = tpu.memref_slice %arg2[%dma_wait3A_358, %dma_wait3A_359] : memref<10000x128xf32, #tpu.memory_space<hbm>> -> memref<400x128xf32, #tpu.memory_space<hbm>>
          tpu.wait_dma2 semaphore(%run_scoped3A_348 : memref<!tpu.dma_semaphore, #tpu.memory_space<semaphore_mem>>) src(%dma_wait3A_360 : memref<400x128xf32, #tpu.memory_space<hbm>>) dst(%dma_wait3A_357 : memref<400x128xf32, #tpu.memory_space<vmem_shared>>)
          tpu.yield
        }) : () -> ()
      } else {
      }
      %barrier3A_76 = arith.constant 0 : index
      tpu.barrier barrier_id(%barrier3A_76)
      %scan3A = arith.constant 0 : i32
      %scan3A_77 = arith.constant 0 : i32
      %scan3A_78 = arith.constant 12 : i32
      %scan3A_79 = arith.addi %scan3A_77, %scan3A_78 : i32
      %scan3A_80 = arith.constant 1 : i32
      scf.for %scan3A_348 = %scan3A_77 to %scan3A_79 step %scan3A_80  : i32 {
        %mul3A_349 = arith.constant 12 : i32
        %mul3A_350 = arith.muli %scan3A_348, %mul3A_349 : i32
        %add3A_351 = arith.constant 0 : i32
        %add3A_352 = arith.addi %mul3A_350, %add3A_351 : i32
        %dma_wait3A_353 = arith.constant 0 : i32
        %dma_wait3A_354 = arith.constant 0 : i32
        %dma_wait3A_355 = tpu.memref_slice %arg3[%dma_wait3A_353, %dma_wait3A_354] : memref<2x320000xi32, #tpu.memory_space<hbm>> -> memref<2x128xi32, #tpu.memory_space<hbm>>
        %dma_wait3A_356 = arith.constant 0 : i32
        %dma_wait3A_357 = arith.constant 0 : i32
        %dma_wait3A_358 = tpu.memref_slice %arg3[%dma_wait3A_356, %dma_wait3A_357] : memref<2x320000xi32, #tpu.memory_space<hbm>> -> memref<2x128xi32, #tpu.memory_space<hbm>>
        tpu.wait_dma2 semaphore(%arg16 : memref<!tpu.dma_semaphore, #tpu.memory_space<semaphore_mem>>) src(%dma_wait3A_358 : memref<2x128xi32, #tpu.memory_space<hbm>>) dst(%arg9 : memref<2x128xi32, #tpu.memory_space<vmem>>)
        %dma_start3A_359 = arith.constant 0 : i32
        %dma_start3A_360 = arith.constant 0 : i32
        %dma_start3A_361 = tpu.memref_slice %arg9[%dma_start3A_359, %dma_start3A_360] : memref<2x128xi32, #tpu.memory_space<vmem>> -> memref<1x128xi32, #tpu.memory_space<vmem>>
        %dma_start3A_362 = tpu.memref_squeeze %dma_start3A_361 : memref<1x128xi32, #tpu.memory_space<vmem>> -> memref<128xi32, #tpu.memory_space<vmem>>
        %dma_start3A_363 = arith.constant 0 : i32
        %dma_start3A_364 = arith.constant 0 : i32
        %dma_start3A_365 = tpu.memref_slice %arg2[%dma_start3A_363, %dma_start3A_364] : memref<10000x128xf32, #tpu.memory_space<hbm>> -> memref<10000x128xf32, #tpu.memory_space<hbm>>
        tpu.enqueue_indirect_dma source(%dma_start3A_365 : memref<10000x128xf32, #tpu.memory_space<hbm>>) target(%arg13 : memref<128x128xf32, #tpu.memory_space<vmem>>) offsets(%dma_start3A_362 : memref<128xi32, #tpu.memory_space<vmem>>) semaphore(%arg20 : memref<!tpu.dma_semaphore, #tpu.memory_space<semaphore_mem>>)
        %dma_wait3A_366 = arith.constant 0 : i32
        %dma_wait3A_367 = arith.constant 0 : i32
        %dma_wait3A_368 = tpu.memref_slice %arg2[%dma_wait3A_366, %dma_wait3A_367] : memref<10000x128xf32, #tpu.memory_space<hbm>> -> memref<128x128xf32, #tpu.memory_space<hbm>>
        %dma_wait3A_369 = arith.constant 0 : i32
        %dma_wait3A_370 = arith.constant 0 : i32
        %dma_wait3A_371 = tpu.memref_slice %arg2[%dma_wait3A_369, %dma_wait3A_370] : memref<10000x128xf32, #tpu.memory_space<hbm>> -> memref<128x128xf32, #tpu.memory_space<hbm>>
        tpu.wait_dma2 semaphore(%arg18 : memref<!tpu.dma_semaphore, #tpu.memory_space<semaphore_mem>>) src(%dma_wait3A_371 : memref<128x128xf32, #tpu.memory_space<hbm>>) dst(%arg11 : memref<128x128xf32, #tpu.memory_space<vmem>>)
        %run_scoped3A_372 = arith.constant 1 : i32
        "tpu.region"() ({
          %run_scoped3A_745 = tpu.sem_alloc : memref<!tpu.dma_semaphore, #tpu.memory_space<semaphore_mem>>
          %dma_start3A_746 = arith.constant 0 : i32
          %dma_start3A_747 = tpu.memref_slice %arg7[%run_scoped3A_372, %dma_start3A_746] : memref<2x128xi32, #tpu.memory_space<vmem>> -> memref<1x128xi32, #tpu.memory_space<vmem>>
          %dma_start3A_748 = tpu.memref_squeeze %dma_start3A_747 : memref<1x128xi32, #tpu.memory_space<vmem>> -> memref<128xi32, #tpu.memory_space<vmem>>
          %dma_start3A_749 = arith.constant 0 : i32
          %dma_start3A_750 = arith.constant 0 : i32
          %dma_start3A_751 = tpu.memref_slice %arg6[%dma_start3A_749, %dma_start3A_750] : memref<10000x128xf32, #tpu.memory_space<vmem_shared>> -> memref<10000x128xf32, #tpu.memory_space<vmem_shared>>
          tpu.enqueue_indirect_dma source(%arg11 : memref<128x128xf32, #tpu.memory_space<vmem>>) target(%dma_start3A_751 : memref<10000x128xf32, #tpu.memory_space<vmem_shared>>) offsets(%dma_start3A_748 : memref<128xi32, #tpu.memory_space<vmem>>) semaphore(%run_scoped3A_745 : memref<!tpu.dma_semaphore, #tpu.memory_space<semaphore_mem>>) {add = true}
          %dma_wait3A_752 = arith.constant 0 : i32
          %dma_wait3A_753 = tpu.memref_slice %arg7[%run_scoped3A_372, %dma_wait3A_752] : memref<2x128xi32, #tpu.memory_space<vmem>> -> memref<1x128xi32, #tpu.memory_space<vmem>>
          %dma_wait3A_754 = tpu.memref_squeeze %dma_wait3A_753 : memref<1x128xi32, #tpu.memory_space<vmem>> -> memref<128xi32, #tpu.memory_space<vmem>>
          %dma_wait3A_755 = arith.constant 0 : i32
          %dma_wait3A_756 = arith.constant 0 : i32
          %dma_wait3A_757 = tpu.memref_slice %arg6[%dma_wait3A_755, %dma_wait3A_756] : memref<10000x128xf32, #tpu.memory_space<vmem_shared>> -> memref<10000x128xf32, #tpu.memory_space<vmem_shared>>
          tpu.wait_indirect_dma semaphore(%run_scoped3A_745 : memref<!tpu.dma_semaphore, #tpu.memory_space<semaphore_mem>>) src(%arg11 : memref<128x128xf32, #tpu.memory_space<vmem>>) dst(%dma_wait3A_757 : memref<10000x128xf32, #tpu.memory_space<vmem_shared>>)
          tpu.yield
        }) : () -> ()
        %add3A_373 = arith.constant 4 : i32
        %add3A_374 = arith.addi %add3A_352, %add3A_373 : i32
        %mul3A_375 = arith.constant 128 : i32
        %mul3A_376 = arith.muli %add3A_374, %mul3A_375 : i32
        %add3A_377 = arith.addi %mul3A_2, %mul3A_376 : i32
        %dma_start3A_378 = arith.constant 0 : i32
        %dma_start3A_379 = tpu.memref_slice %arg3[%dma_start3A_378, %add3A_377] : memref<2x320000xi32, #tpu.memory_space<hbm>> -> memref<2x128xi32, #tpu.memory_space<hbm>>
        %dma_start3A_380 = arith.constant 0 : i32
        %dma_start3A_381 = tpu.memref_slice %arg3[%dma_start3A_380, %add3A_377] : memref<2x320000xi32, #tpu.memory_space<hbm>> -> memref<2x128xi32, #tpu.memory_space<hbm>>
        tpu.enqueue_dma source(%dma_start3A_381 : memref<2x128xi32, #tpu.memory_space<hbm>>) target(%arg7 : memref<2x128xi32, #tpu.memory_space<vmem>>) target_semaphore(%arg14 : memref<!tpu.dma_semaphore, #tpu.memory_space<semaphore_mem>>)
        %mul3A_382 = arith.constant 12 : i32
        %mul3A_383 = arith.muli %scan3A_348, %mul3A_382 : i32
        %add3A_384 = arith.constant 1 : i32
        %add3A_385 = arith.addi %mul3A_383, %add3A_384 : i32
        %dma_wait3A_386 = arith.constant 0 : i32
        %dma_wait3A_387 = arith.constant 0 : i32
        %dma_wait3A_388 = tpu.memref_slice %arg3[%dma_wait3A_386, %dma_wait3A_387] : memref<2x320000xi32, #tpu.memory_space<hbm>> -> memref<2x128xi32, #tpu.memory_space<hbm>>
        %dma_wait3A_389 = arith.constant 0 : i32
        %dma_wait3A_390 = arith.constant 0 : i32
        %dma_wait3A_391 = tpu.memref_slice %arg3[%dma_wait3A_389, %dma_wait3A_390] : memref<2x320000xi32, #tpu.memory_space<hbm>> -> memref<2x128xi32, #tpu.memory_space<hbm>>
        tpu.wait_dma2 semaphore(%arg17 : memref<!tpu.dma_semaphore, #tpu.memory_space<semaphore_mem>>) src(%dma_wait3A_391 : memref<2x128xi32, #tpu.memory_space<hbm>>) dst(%arg10 : memref<2x128xi32, #tpu.memory_space<vmem>>)
        %dma_start3A_392 = arith.constant 0 : i32
        %dma_start3A_393 = arith.constant 0 : i32
        %dma_start3A_394 = tpu.memref_slice %arg10[%dma_start3A_392, %dma_start3A_393] : memref<2x128xi32, #tpu.memory_space<vmem>> -> memref<1x128xi32, #tpu.memory_space<vmem>>
        %dma_start3A_395 = tpu.memref_squeeze %dma_start3A_394 : memref<1x128xi32, #tpu.memory_space<vmem>> -> memref<128xi32, #tpu.memory_space<vmem>>
        %dma_start3A_396 = arith.constant 0 : i32
        %dma_start3A_397 = arith.constant 0 : i32
        %dma_start3A_398 = tpu.memref_slice %arg2[%dma_start3A_396, %dma_start3A_397] : memref<10000x128xf32, #tpu.memory_space<hbm>> -> memref<10000x128xf32, #tpu.memory_space<hbm>>
        tpu.enqueue_indirect_dma source(%dma_start3A_398 : memref<10000x128xf32, #tpu.memory_space<hbm>>) target(%arg11 : memref<128x128xf32, #tpu.memory_space<vmem>>) offsets(%dma_start3A_395 : memref<128xi32, #tpu.memory_space<vmem>>) semaphore(%arg18 : memref<!tpu.dma_semaphore, #tpu.memory_space<semaphore_mem>>)
        %dma_wait3A_399 = arith.constant 0 : i32
        %dma_wait3A_400 = arith.constant 0 : i32
        %dma_wait3A_401 = tpu.memref_slice %arg2[%dma_wait3A_399, %dma_wait3A_400] : memref<10000x128xf32, #tpu.memory_space<hbm>> -> memref<128x128xf32, #tpu.memory_space<hbm>>
        %dma_wait3A_402 = arith.constant 0 : i32
        %dma_wait3A_403 = arith.constant 0 : i32
        %dma_wait3A_404 = tpu.memref_slice %arg2[%dma_wait3A_402, %dma_wait3A_403] : memref<10000x128xf32, #tpu.memory_space<hbm>> -> memref<128x128xf32, #tpu.memory_space<hbm>>
        tpu.wait_dma2 semaphore(%arg19 : memref<!tpu.dma_semaphore, #tpu.memory_space<semaphore_mem>>) src(%dma_wait3A_404 : memref<128x128xf32, #tpu.memory_space<hbm>>) dst(%arg12 : memref<128x128xf32, #tpu.memory_space<vmem>>)
        %run_scoped3A_405 = arith.constant 1 : i32
        "tpu.region"() ({
          %run_scoped3A_745 = tpu.sem_alloc : memref<!tpu.dma_semaphore, #tpu.memory_space<semaphore_mem>>
          %dma_start3A_746 = arith.constant 0 : i32
          %dma_start3A_747 = tpu.memref_slice %arg8[%run_scoped3A_405, %dma_start3A_746] : memref<2x128xi32, #tpu.memory_space<vmem>> -> memref<1x128xi32, #tpu.memory_space<vmem>>
          %dma_start3A_748 = tpu.memref_squeeze %dma_start3A_747 : memref<1x128xi32, #tpu.memory_space<vmem>> -> memref<128xi32, #tpu.memory_space<vmem>>
          %dma_start3A_749 = arith.constant 0 : i32
          %dma_start3A_750 = arith.constant 0 : i32
          %dma_start3A_751 = tpu.memref_slice %arg6[%dma_start3A_749, %dma_start3A_750] : memref<10000x128xf32, #tpu.memory_space<vmem_shared>> -> memref<10000x128xf32, #tpu.memory_space<vmem_shared>>
          tpu.enqueue_indirect_dma source(%arg12 : memref<128x128xf32, #tpu.memory_space<vmem>>) target(%dma_start3A_751 : memref<10000x128xf32, #tpu.memory_space<vmem_shared>>) offsets(%dma_start3A_748 : memref<128xi32, #tpu.memory_space<vmem>>) semaphore(%run_scoped3A_745 : memref<!tpu.dma_semaphore, #tpu.memory_space<semaphore_mem>>) {add = true}
          %dma_wait3A_752 = arith.constant 0 : i32
          %dma_wait3A_753 = tpu.memref_slice %arg8[%run_scoped3A_405, %dma_wait3A_752] : memref<2x128xi32, #tpu.memory_space<vmem>> -> memref<1x128xi32, #tpu.memory_space<vmem>>
          %dma_wait3A_754 = tpu.memref_squeeze %dma_wait3A_753 : memref<1x128xi32, #tpu.memory_space<vmem>> -> memref<128xi32, #tpu.memory_space<vmem>>
          %dma_wait3A_755 = arith.constant 0 : i32
          %dma_wait3A_756 = arith.constant 0 : i32
          %dma_wait3A_757 = tpu.memref_slice %arg6[%dma_wait3A_755, %dma_wait3A_756] : memref<10000x128xf32, #tpu.memory_space<vmem_shared>> -> memref<10000x128xf32, #tpu.memory_space<vmem_shared>>
          tpu.wait_indirect_dma semaphore(%run_scoped3A_745 : memref<!tpu.dma_semaphore, #tpu.memory_space<semaphore_mem>>) src(%arg12 : memref<128x128xf32, #tpu.memory_space<vmem>>) dst(%dma_wait3A_757 : memref<10000x128xf32, #tpu.memory_space<vmem_shared>>)
          tpu.yield
        }) : () -> ()
        %add3A_406 = arith.constant 4 : i32
        %add3A_407 = arith.addi %add3A_385, %add3A_406 : i32
        %mul3A_408 = arith.constant 128 : i32
        %mul3A_409 = arith.muli %add3A_407, %mul3A_408 : i32
        %add3A_410 = arith.addi %mul3A_2, %mul3A_409 : i32
        %dma_start3A_411 = arith.constant 0 : i32
        %dma_start3A_412 = tpu.memref_slice %arg3[%dma_start3A_411, %add3A_410] : memref<2x320000xi32, #tpu.memory_space<hbm>> -> memref<2x128xi32, #tpu.memory_space<hbm>>
        %dma_start3A_413 = arith.constant 0 : i32
        %dma_start3A_414 = tpu.memref_slice %arg3[%dma_start3A_413, %add3A_410] : memref<2x320000xi32, #tpu.memory_space<hbm>> -> memref<2x128xi32, #tpu.memory_space<hbm>>
        tpu.enqueue_dma source(%dma_start3A_414 : memref<2x128xi32, #tpu.memory_space<hbm>>) target(%arg8 : memref<2x128xi32, #tpu.memory_space<vmem>>) target_semaphore(%arg15 : memref<!tpu.dma_semaphore, #tpu.memory_space<semaphore_mem>>)
        %mul3A_415 = arith.constant 12 : i32
        %mul3A_416 = arith.muli %scan3A_348, %mul3A_415 : i32
        %add3A_417 = arith.constant 2 : i32
        %add3A_418 = arith.addi %mul3A_416, %add3A_417 : i32
        %dma_wait3A_419 = arith.constant 0 : i32
        %dma_wait3A_420 = arith.constant 0 : i32
        %dma_wait3A_421 = tpu.memref_slice %arg3[%dma_wait3A_419, %dma_wait3A_420] : memref<2x320000xi32, #tpu.memory_space<hbm>> -> memref<2x128xi32, #tpu.memory_space<hbm>>
        %dma_wait3A_422 = arith.constant 0 : i32
        %dma_wait3A_423 = arith.constant 0 : i32
        %dma_wait3A_424 = tpu.memref_slice %arg3[%dma_wait3A_422, %dma_wait3A_423] : memref<2x320000xi32, #tpu.memory_space<hbm>> -> memref<2x128xi32, #tpu.memory_space<hbm>>
        tpu.wait_dma2 semaphore(%arg14 : memref<!tpu.dma_semaphore, #tpu.memory_space<semaphore_mem>>) src(%dma_wait3A_424 : memref<2x128xi32, #tpu.memory_space<hbm>>) dst(%arg7 : memref<2x128xi32, #tpu.memory_space<vmem>>)
        %dma_start3A_425 = arith.constant 0 : i32
        %dma_start3A_426 = arith.constant 0 : i32
        %dma_start3A_427 = tpu.memref_slice %arg7[%dma_start3A_425, %dma_start3A_426] : memref<2x128xi32, #tpu.memory_space<vmem>> -> memref<1x128xi32, #tpu.memory_space<vmem>>
        %dma_start3A_428 = tpu.memref_squeeze %dma_start3A_427 : memref<1x128xi32, #tpu.memory_space<vmem>> -> memref<128xi32, #tpu.memory_space<vmem>>
        %dma_start3A_429 = arith.constant 0 : i32
        %dma_start3A_430 = arith.constant 0 : i32
        %dma_start3A_431 = tpu.memref_slice %arg2[%dma_start3A_429, %dma_start3A_430] : memref<10000x128xf32, #tpu.memory_space<hbm>> -> memref<10000x128xf32, #tpu.memory_space<hbm>>
        tpu.enqueue_indirect_dma source(%dma_start3A_431 : memref<10000x128xf32, #tpu.memory_space<hbm>>) target(%arg12 : memref<128x128xf32, #tpu.memory_space<vmem>>) offsets(%dma_start3A_428 : memref<128xi32, #tpu.memory_space<vmem>>) semaphore(%arg19 : memref<!tpu.dma_semaphore, #tpu.memory_space<semaphore_mem>>)
        %dma_wait3A_432 = arith.constant 0 : i32
        %dma_wait3A_433 = arith.constant 0 : i32
        %dma_wait3A_434 = tpu.memref_slice %arg2[%dma_wait3A_432, %dma_wait3A_433] : memref<10000x128xf32, #tpu.memory_space<hbm>> -> memref<128x128xf32, #tpu.memory_space<hbm>>
        %dma_wait3A_435 = arith.constant 0 : i32
        %dma_wait3A_436 = arith.constant 0 : i32
        %dma_wait3A_437 = tpu.memref_slice %arg2[%dma_wait3A_435, %dma_wait3A_436] : memref<10000x128xf32, #tpu.memory_space<hbm>> -> memref<128x128xf32, #tpu.memory_space<hbm>>
        tpu.wait_dma2 semaphore(%arg20 : memref<!tpu.dma_semaphore, #tpu.memory_space<semaphore_mem>>) src(%dma_wait3A_437 : memref<128x128xf32, #tpu.memory_space<hbm>>) dst(%arg13 : memref<128x128xf32, #tpu.memory_space<vmem>>)
        %run_scoped3A_438 = arith.constant 1 : i32
        "tpu.region"() ({
          %run_scoped3A_745 = tpu.sem_alloc : memref<!tpu.dma_semaphore, #tpu.memory_space<semaphore_mem>>
          %dma_start3A_746 = arith.constant 0 : i32
          %dma_start3A_747 = tpu.memref_slice %arg9[%run_scoped3A_438, %dma_start3A_746] : memref<2x128xi32, #tpu.memory_space<vmem>> -> memref<1x128xi32, #tpu.memory_space<vmem>>
          %dma_start3A_748 = tpu.memref_squeeze %dma_start3A_747 : memref<1x128xi32, #tpu.memory_space<vmem>> -> memref<128xi32, #tpu.memory_space<vmem>>
          %dma_start3A_749 = arith.constant 0 : i32
          %dma_start3A_750 = arith.constant 0 : i32
          %dma_start3A_751 = tpu.memref_slice %arg6[%dma_start3A_749, %dma_start3A_750] : memref<10000x128xf32, #tpu.memory_space<vmem_shared>> -> memref<10000x128xf32, #tpu.memory_space<vmem_shared>>
          tpu.enqueue_indirect_dma source(%arg13 : memref<128x128xf32, #tpu.memory_space<vmem>>) target(%dma_start3A_751 : memref<10000x128xf32, #tpu.memory_space<vmem_shared>>) offsets(%dma_start3A_748 : memref<128xi32, #tpu.memory_space<vmem>>) semaphore(%run_scoped3A_745 : memref<!tpu.dma_semaphore, #tpu.memory_space<semaphore_mem>>) {add = true}
          %dma_wait3A_752 = arith.constant 0 : i32
          %dma_wait3A_753 = tpu.memref_slice %arg9[%run_scoped3A_438, %dma_wait3A_752] : memref<2x128xi32, #tpu.memory_space<vmem>> -> memref<1x128xi32, #tpu.memory_space<vmem>>
          %dma_wait3A_754 = tpu.memref_squeeze %dma_wait3A_753 : memref<1x128xi32, #tpu.memory_space<vmem>> -> memref<128xi32, #tpu.memory_space<vmem>>
          %dma_wait3A_755 = arith.constant 0 : i32
          %dma_wait3A_756 = arith.constant 0 : i32
          %dma_wait3A_757 = tpu.memref_slice %arg6[%dma_wait3A_755, %dma_wait3A_756] : memref<10000x128xf32, #tpu.memory_space<vmem_shared>> -> memref<10000x128xf32, #tpu.memory_space<vmem_shared>>
          tpu.wait_indirect_dma semaphore(%run_scoped3A_745 : memref<!tpu.dma_semaphore, #tpu.memory_space<semaphore_mem>>) src(%arg13 : memref<128x128xf32, #tpu.memory_space<vmem>>) dst(%dma_wait3A_757 : memref<10000x128xf32, #tpu.memory_space<vmem_shared>>)
          tpu.yield
        }) : () -> ()
        %add3A_439 = arith.constant 4 : i32
        %add3A_440 = arith.addi %add3A_418, %add3A_439 : i32
        %mul3A_441 = arith.constant 128 : i32
        %mul3A_442 = arith.muli %add3A_440, %mul3A_441 : i32
        %add3A_443 = arith.addi %mul3A_2, %mul3A_442 : i32
        %dma_start3A_444 = arith.constant 0 : i32
        %dma_start3A_445 = tpu.memref_slice %arg3[%dma_start3A_444, %add3A_443] : memref<2x320000xi32, #tpu.memory_space<hbm>> -> memref<2x128xi32, #tpu.memory_space<hbm>>
        %dma_start3A_446 = arith.constant 0 : i32
        %dma_start3A_447 = tpu.memref_slice %arg3[%dma_start3A_446, %add3A_443] : memref<2x320000xi32, #tpu.memory_space<hbm>> -> memref<2x128xi32, #tpu.memory_space<hbm>>
        tpu.enqueue_dma source(%dma_start3A_447 : memref<2x128xi32, #tpu.memory_space<hbm>>) target(%arg9 : memref<2x128xi32, #tpu.memory_space<vmem>>) target_semaphore(%arg16 : memref<!tpu.dma_semaphore, #tpu.memory_space<semaphore_mem>>)
        %mul3A_448 = arith.constant 12 : i32
        %mul3A_449 = arith.muli %scan3A_348, %mul3A_448 : i32
        %add3A_450 = arith.constant 3 : i32
        %add3A_451 = arith.addi %mul3A_449, %add3A_450 : i32
        %dma_wait3A_452 = arith.constant 0 : i32
        %dma_wait3A_453 = arith.constant 0 : i32
        %dma_wait3A_454 = tpu.memref_slice %arg3[%dma_wait3A_452, %dma_wait3A_453] : memref<2x320000xi32, #tpu.memory_space<hbm>> -> memref<2x128xi32, #tpu.memory_space<hbm>>
        %dma_wait3A_455 = arith.constant 0 : i32
        %dma_wait3A_456 = arith.constant 0 : i32
        %dma_wait3A_457 = tpu.memref_slice %arg3[%dma_wait3A_455, %dma_wait3A_456] : memref<2x320000xi32, #tpu.memory_space<hbm>> -> memref<2x128xi32, #tpu.memory_space<hbm>>
        tpu.wait_dma2 semaphore(%arg15 : memref<!tpu.dma_semaphore, #tpu.memory_space<semaphore_mem>>) src(%dma_wait3A_457 : memref<2x128xi32, #tpu.memory_space<hbm>>) dst(%arg8 : memref<2x128xi32, #tpu.memory_space<vmem>>)
        %dma_start3A_458 = arith.constant 0 : i32
        %dma_start3A_459 = arith.constant 0 : i32
        %dma_start3A_460 = tpu.memref_slice %arg8[%dma_start3A_458, %dma_start3A_459] : memref<2x128xi32, #tpu.memory_space<vmem>> -> memref<1x128xi32, #tpu.memory_space<vmem>>
        %dma_start3A_461 = tpu.memref_squeeze %dma_start3A_460 : memref<1x128xi32, #tpu.memory_space<vmem>> -> memref<128xi32, #tpu.memory_space<vmem>>
        %dma_start3A_462 = arith.constant 0 : i32
        %dma_start3A_463 = arith.constant 0 : i32
        %dma_start3A_464 = tpu.memref_slice %arg2[%dma_start3A_462, %dma_start3A_463] : memref<10000x128xf32, #tpu.memory_space<hbm>> -> memref<10000x128xf32, #tpu.memory_space<hbm>>
        tpu.enqueue_indirect_dma source(%dma_start3A_464 : memref<10000x128xf32, #tpu.memory_space<hbm>>) target(%arg13 : memref<128x128xf32, #tpu.memory_space<vmem>>) offsets(%dma_start3A_461 : memref<128xi32, #tpu.memory_space<vmem>>) semaphore(%arg20 : memref<!tpu.dma_semaphore, #tpu.memory_space<semaphore_mem>>)
        %dma_wait3A_465 = arith.constant 0 : i32
        %dma_wait3A_466 = arith.constant 0 : i32
        %dma_wait3A_467 = tpu.memref_slice %arg2[%dma_wait3A_465, %dma_wait3A_466] : memref<10000x128xf32, #tpu.memory_space<hbm>> -> memref<128x128xf32, #tpu.memory_space<hbm>>
        %dma_wait3A_468 = arith.constant 0 : i32
        %dma_wait3A_469 = arith.constant 0 : i32
        %dma_wait3A_470 = tpu.memref_slice %arg2[%dma_wait3A_468, %dma_wait3A_469] : memref<10000x128xf32, #tpu.memory_space<hbm>> -> memref<128x128xf32, #tpu.memory_space<hbm>>
        tpu.wait_dma2 semaphore(%arg18 : memref<!tpu.dma_semaphore, #tpu.memory_space<semaphore_mem>>) src(%dma_wait3A_470 : memref<128x128xf32, #tpu.memory_space<hbm>>) dst(%arg11 : memref<128x128xf32, #tpu.memory_space<vmem>>)
        %run_scoped3A_471 = arith.constant 1 : i32
        "tpu.region"() ({
          %run_scoped3A_745 = tpu.sem_alloc : memref<!tpu.dma_semaphore, #tpu.memory_space<semaphore_mem>>
          %dma_start3A_746 = arith.constant 0 : i32
          %dma_start3A_747 = tpu.memref_slice %arg10[%run_scoped3A_471, %dma_start3A_746] : memref<2x128xi32, #tpu.memory_space<vmem>> -> memref<1x128xi32, #tpu.memory_space<vmem>>
          %dma_start3A_748 = tpu.memref_squeeze %dma_start3A_747 : memref<1x128xi32, #tpu.memory_space<vmem>> -> memref<128xi32, #tpu.memory_space<vmem>>
          %dma_start3A_749 = arith.constant 0 : i32
          %dma_start3A_750 = arith.constant 0 : i32
          %dma_start3A_751 = tpu.memref_slice %arg6[%dma_start3A_749, %dma_start3A_750] : memref<10000x128xf32, #tpu.memory_space<vmem_shared>> -> memref<10000x128xf32, #tpu.memory_space<vmem_shared>>
          tpu.enqueue_indirect_dma source(%arg11 : memref<128x128xf32, #tpu.memory_space<vmem>>) target(%dma_start3A_751 : memref<10000x128xf32, #tpu.memory_space<vmem_shared>>) offsets(%dma_start3A_748 : memref<128xi32, #tpu.memory_space<vmem>>) semaphore(%run_scoped3A_745 : memref<!tpu.dma_semaphore, #tpu.memory_space<semaphore_mem>>) {add = true}
          %dma_wait3A_752 = arith.constant 0 : i32
          %dma_wait3A_753 = tpu.memref_slice %arg10[%run_scoped3A_471, %dma_wait3A_752] : memref<2x128xi32, #tpu.memory_space<vmem>> -> memref<1x128xi32, #tpu.memory_space<vmem>>
          %dma_wait3A_754 = tpu.memref_squeeze %dma_wait3A_753 : memref<1x128xi32, #tpu.memory_space<vmem>> -> memref<128xi32, #tpu.memory_space<vmem>>
          %dma_wait3A_755 = arith.constant 0 : i32
          %dma_wait3A_756 = arith.constant 0 : i32
          %dma_wait3A_757 = tpu.memref_slice %arg6[%dma_wait3A_755, %dma_wait3A_756] : memref<10000x128xf32, #tpu.memory_space<vmem_shared>> -> memref<10000x128xf32, #tpu.memory_space<vmem_shared>>
          tpu.wait_indirect_dma semaphore(%run_scoped3A_745 : memref<!tpu.dma_semaphore, #tpu.memory_space<semaphore_mem>>) src(%arg11 : memref<128x128xf32, #tpu.memory_space<vmem>>) dst(%dma_wait3A_757 : memref<10000x128xf32, #tpu.memory_space<vmem_shared>>)
          tpu.yield
        }) : () -> ()
        %add3A_472 = arith.constant 4 : i32
        %add3A_473 = arith.addi %add3A_451, %add3A_472 : i32
        %mul3A_474 = arith.constant 128 : i32
        %mul3A_475 = arith.muli %add3A_473, %mul3A_474 : i32
        %add3A_476 = arith.addi %mul3A_2, %mul3A_475 : i32
        %dma_start3A_477 = arith.constant 0 : i32
        %dma_start3A_478 = tpu.memref_slice %arg3[%dma_start3A_477, %add3A_476] : memref<2x320000xi32, #tpu.memory_space<hbm>> -> memref<2x128xi32, #tpu.memory_space<hbm>>
        %dma_start3A_479 = arith.constant 0 : i32
        %dma_start3A_480 = tpu.memref_slice %arg3[%dma_start3A_479, %add3A_476] : memref<2x320000xi32, #tpu.memory_space<hbm>> -> memref<2x128xi32, #tpu.memory_space<hbm>>
        tpu.enqueue_dma source(%dma_start3A_480 : memref<2x128xi32, #tpu.memory_space<hbm>>) target(%arg10 : memref<2x128xi32, #tpu.memory_space<vmem>>) target_semaphore(%arg17 : memref<!tpu.dma_semaphore, #tpu.memory_space<semaphore_mem>>)
        %mul3A_481 = arith.constant 12 : i32
        %mul3A_482 = arith.muli %scan3A_348, %mul3A_481 : i32
        %add3A_483 = arith.constant 4 : i32
        %add3A_484 = arith.addi %mul3A_482, %add3A_483 : i32
        %dma_wait3A_485 = arith.constant 0 : i32
        %dma_wait3A_486 = arith.constant 0 : i32
        %dma_wait3A_487 = tpu.memref_slice %arg3[%dma_wait3A_485, %dma_wait3A_486] : memref<2x320000xi32, #tpu.memory_space<hbm>> -> memref<2x128xi32, #tpu.memory_space<hbm>>
        %dma_wait3A_488 = arith.constant 0 : i32
        %dma_wait3A_489 = arith.constant 0 : i32
        %dma_wait3A_490 = tpu.memref_slice %arg3[%dma_wait3A_488, %dma_wait3A_489] : memref<2x320000xi32, #tpu.memory_space<hbm>> -> memref<2x128xi32, #tpu.memory_space<hbm>>
        tpu.wait_dma2 semaphore(%arg16 : memref<!tpu.dma_semaphore, #tpu.memory_space<semaphore_mem>>) src(%dma_wait3A_490 : memref<2x128xi32, #tpu.memory_space<hbm>>) dst(%arg9 : memref<2x128xi32, #tpu.memory_space<vmem>>)
        %dma_start3A_491 = arith.constant 0 : i32
        %dma_start3A_492 = arith.constant 0 : i32
        %dma_start3A_493 = tpu.memref_slice %arg9[%dma_start3A_491, %dma_start3A_492] : memref<2x128xi32, #tpu.memory_space<vmem>> -> memref<1x128xi32, #tpu.memory_space<vmem>>
        %dma_start3A_494 = tpu.memref_squeeze %dma_start3A_493 : memref<1x128xi32, #tpu.memory_space<vmem>> -> memref<128xi32, #tpu.memory_space<vmem>>
        %dma_start3A_495 = arith.constant 0 : i32
        %dma_start3A_496 = arith.constant 0 : i32
        %dma_start3A_497 = tpu.memref_slice %arg2[%dma_start3A_495, %dma_start3A_496] : memref<10000x128xf32, #tpu.memory_space<hbm>> -> memref<10000x128xf32, #tpu.memory_space<hbm>>
        tpu.enqueue_indirect_dma source(%dma_start3A_497 : memref<10000x128xf32, #tpu.memory_space<hbm>>) target(%arg11 : memref<128x128xf32, #tpu.memory_space<vmem>>) offsets(%dma_start3A_494 : memref<128xi32, #tpu.memory_space<vmem>>) semaphore(%arg18 : memref<!tpu.dma_semaphore, #tpu.memory_space<semaphore_mem>>)
        %dma_wait3A_498 = arith.constant 0 : i32
        %dma_wait3A_499 = arith.constant 0 : i32
        %dma_wait3A_500 = tpu.memref_slice %arg2[%dma_wait3A_498, %dma_wait3A_499] : memref<10000x128xf32, #tpu.memory_space<hbm>> -> memref<128x128xf32, #tpu.memory_space<hbm>>
        %dma_wait3A_501 = arith.constant 0 : i32
        %dma_wait3A_502 = arith.constant 0 : i32
        %dma_wait3A_503 = tpu.memref_slice %arg2[%dma_wait3A_501, %dma_wait3A_502] : memref<10000x128xf32, #tpu.memory_space<hbm>> -> memref<128x128xf32, #tpu.memory_space<hbm>>
        tpu.wait_dma2 semaphore(%arg19 : memref<!tpu.dma_semaphore, #tpu.memory_space<semaphore_mem>>) src(%dma_wait3A_503 : memref<128x128xf32, #tpu.memory_space<hbm>>) dst(%arg12 : memref<128x128xf32, #tpu.memory_space<vmem>>)
        %run_scoped3A_504 = arith.constant 1 : i32
        "tpu.region"() ({
          %run_scoped3A_745 = tpu.sem_alloc : memref<!tpu.dma_semaphore, #tpu.memory_space<semaphore_mem>>
          %dma_start3A_746 = arith.constant 0 : i32
          %dma_start3A_747 = tpu.memref_slice %arg7[%run_scoped3A_504, %dma_start3A_746] : memref<2x128xi32, #tpu.memory_space<vmem>> -> memref<1x128xi32, #tpu.memory_space<vmem>>
          %dma_start3A_748 = tpu.memref_squeeze %dma_start3A_747 : memref<1x128xi32, #tpu.memory_space<vmem>> -> memref<128xi32, #tpu.memory_space<vmem>>
          %dma_start3A_749 = arith.constant 0 : i32
          %dma_start3A_750 = arith.constant 0 : i32
          %dma_start3A_751 = tpu.memref_slice %arg6[%dma_start3A_749, %dma_start3A_750] : memref<10000x128xf32, #tpu.memory_space<vmem_shared>> -> memref<10000x128xf32, #tpu.memory_space<vmem_shared>>
          tpu.enqueue_indirect_dma source(%arg12 : memref<128x128xf32, #tpu.memory_space<vmem>>) target(%dma_start3A_751 : memref<10000x128xf32, #tpu.memory_space<vmem_shared>>) offsets(%dma_start3A_748 : memref<128xi32, #tpu.memory_space<vmem>>) semaphore(%run_scoped3A_745 : memref<!tpu.dma_semaphore, #tpu.memory_space<semaphore_mem>>) {add = true}
          %dma_wait3A_752 = arith.constant 0 : i32
          %dma_wait3A_753 = tpu.memref_slice %arg7[%run_scoped3A_504, %dma_wait3A_752] : memref<2x128xi32, #tpu.memory_space<vmem>> -> memref<1x128xi32, #tpu.memory_space<vmem>>
          %dma_wait3A_754 = tpu.memref_squeeze %dma_wait3A_753 : memref<1x128xi32, #tpu.memory_space<vmem>> -> memref<128xi32, #tpu.memory_space<vmem>>
          %dma_wait3A_755 = arith.constant 0 : i32
          %dma_wait3A_756 = arith.constant 0 : i32
          %dma_wait3A_757 = tpu.memref_slice %arg6[%dma_wait3A_755, %dma_wait3A_756] : memref<10000x128xf32, #tpu.memory_space<vmem_shared>> -> memref<10000x128xf32, #tpu.memory_space<vmem_shared>>
          tpu.wait_indirect_dma semaphore(%run_scoped3A_745 : memref<!tpu.dma_semaphore, #tpu.memory_space<semaphore_mem>>) src(%arg12 : memref<128x128xf32, #tpu.memory_space<vmem>>) dst(%dma_wait3A_757 : memref<10000x128xf32, #tpu.memory_space<vmem_shared>>)
          tpu.yield
        }) : () -> ()
        %add3A_505 = arith.constant 4 : i32
        %add3A_506 = arith.addi %add3A_484, %add3A_505 : i32
        %mul3A_507 = arith.constant 128 : i32
        %mul3A_508 = arith.muli %add3A_506, %mul3A_507 : i32
        %add3A_509 = arith.addi %mul3A_2, %mul3A_508 : i32
        %dma_start3A_510 = arith.constant 0 : i32
        %dma_start3A_511 = tpu.memref_slice %arg3[%dma_start3A_510, %add3A_509] : memref<2x320000xi32, #tpu.memory_space<hbm>> -> memref<2x128xi32, #tpu.memory_space<hbm>>
        %dma_start3A_512 = arith.constant 0 : i32
        %dma_start3A_513 = tpu.memref_slice %arg3[%dma_start3A_512, %add3A_509] : memref<2x320000xi32, #tpu.memory_space<hbm>> -> memref<2x128xi32, #tpu.memory_space<hbm>>
        tpu.enqueue_dma source(%dma_start3A_513 : memref<2x128xi32, #tpu.memory_space<hbm>>) target(%arg7 : memref<2x128xi32, #tpu.memory_space<vmem>>) target_semaphore(%arg14 : memref<!tpu.dma_semaphore, #tpu.memory_space<semaphore_mem>>)
        %mul3A_514 = arith.constant 12 : i32
        %mul3A_515 = arith.muli %scan3A_348, %mul3A_514 : i32
        %add3A_516 = arith.constant 5 : i32
        %add3A_517 = arith.addi %mul3A_515, %add3A_516 : i32
        %dma_wait3A_518 = arith.constant 0 : i32
        %dma_wait3A_519 = arith.constant 0 : i32
        %dma_wait3A_520 = tpu.memref_slice %arg3[%dma_wait3A_518, %dma_wait3A_519] : memref<2x320000xi32, #tpu.memory_space<hbm>> -> memref<2x128xi32, #tpu.memory_space<hbm>>
        %dma_wait3A_521 = arith.constant 0 : i32
        %dma_wait3A_522 = arith.constant 0 : i32
        %dma_wait3A_523 = tpu.memref_slice %arg3[%dma_wait3A_521, %dma_wait3A_522] : memref<2x320000xi32, #tpu.memory_space<hbm>> -> memref<2x128xi32, #tpu.memory_space<hbm>>
        tpu.wait_dma2 semaphore(%arg17 : memref<!tpu.dma_semaphore, #tpu.memory_space<semaphore_mem>>) src(%dma_wait3A_523 : memref<2x128xi32, #tpu.memory_space<hbm>>) dst(%arg10 : memref<2x128xi32, #tpu.memory_space<vmem>>)
        %dma_start3A_524 = arith.constant 0 : i32
        %dma_start3A_525 = arith.constant 0 : i32
        %dma_start3A_526 = tpu.memref_slice %arg10[%dma_start3A_524, %dma_start3A_525] : memref<2x128xi32, #tpu.memory_space<vmem>> -> memref<1x128xi32, #tpu.memory_space<vmem>>
        %dma_start3A_527 = tpu.memref_squeeze %dma_start3A_526 : memref<1x128xi32, #tpu.memory_space<vmem>> -> memref<128xi32, #tpu.memory_space<vmem>>
        %dma_start3A_528 = arith.constant 0 : i32
        %dma_start3A_529 = arith.constant 0 : i32
        %dma_start3A_530 = tpu.memref_slice %arg2[%dma_start3A_528, %dma_start3A_529] : memref<10000x128xf32, #tpu.memory_space<hbm>> -> memref<10000x128xf32, #tpu.memory_space<hbm>>
        tpu.enqueue_indirect_dma source(%dma_start3A_530 : memref<10000x128xf32, #tpu.memory_space<hbm>>) target(%arg12 : memref<128x128xf32, #tpu.memory_space<vmem>>) offsets(%dma_start3A_527 : memref<128xi32, #tpu.memory_space<vmem>>) semaphore(%arg19 : memref<!tpu.dma_semaphore, #tpu.memory_space<semaphore_mem>>)
        %dma_wait3A_531 = arith.constant 0 : i32
        %dma_wait3A_532 = arith.constant 0 : i32
        %dma_wait3A_533 = tpu.memref_slice %arg2[%dma_wait3A_531, %dma_wait3A_532] : memref<10000x128xf32, #tpu.memory_space<hbm>> -> memref<128x128xf32, #tpu.memory_space<hbm>>
        %dma_wait3A_534 = arith.constant 0 : i32
        %dma_wait3A_535 = arith.constant 0 : i32
        %dma_wait3A_536 = tpu.memref_slice %arg2[%dma_wait3A_534, %dma_wait3A_535] : memref<10000x128xf32, #tpu.memory_space<hbm>> -> memref<128x128xf32, #tpu.memory_space<hbm>>
        tpu.wait_dma2 semaphore(%arg20 : memref<!tpu.dma_semaphore, #tpu.memory_space<semaphore_mem>>) src(%dma_wait3A_536 : memref<128x128xf32, #tpu.memory_space<hbm>>) dst(%arg13 : memref<128x128xf32, #tpu.memory_space<vmem>>)
        %run_scoped3A_537 = arith.constant 1 : i32
        "tpu.region"() ({
          %run_scoped3A_745 = tpu.sem_alloc : memref<!tpu.dma_semaphore, #tpu.memory_space<semaphore_mem>>
          %dma_start3A_746 = arith.constant 0 : i32
          %dma_start3A_747 = tpu.memref_slice %arg8[%run_scoped3A_537, %dma_start3A_746] : memref<2x128xi32, #tpu.memory_space<vmem>> -> memref<1x128xi32, #tpu.memory_space<vmem>>
          %dma_start3A_748 = tpu.memref_squeeze %dma_start3A_747 : memref<1x128xi32, #tpu.memory_space<vmem>> -> memref<128xi32, #tpu.memory_space<vmem>>
          %dma_start3A_749 = arith.constant 0 : i32
          %dma_start3A_750 = arith.constant 0 : i32
          %dma_start3A_751 = tpu.memref_slice %arg6[%dma_start3A_749, %dma_start3A_750] : memref<10000x128xf32, #tpu.memory_space<vmem_shared>> -> memref<10000x128xf32, #tpu.memory_space<vmem_shared>>
          tpu.enqueue_indirect_dma source(%arg13 : memref<128x128xf32, #tpu.memory_space<vmem>>) target(%dma_start3A_751 : memref<10000x128xf32, #tpu.memory_space<vmem_shared>>) offsets(%dma_start3A_748 : memref<128xi32, #tpu.memory_space<vmem>>) semaphore(%run_scoped3A_745 : memref<!tpu.dma_semaphore, #tpu.memory_space<semaphore_mem>>) {add = true}
          %dma_wait3A_752 = arith.constant 0 : i32
          %dma_wait3A_753 = tpu.memref_slice %arg8[%run_scoped3A_537, %dma_wait3A_752] : memref<2x128xi32, #tpu.memory_space<vmem>> -> memref<1x128xi32, #tpu.memory_space<vmem>>
          %dma_wait3A_754 = tpu.memref_squeeze %dma_wait3A_753 : memref<1x128xi32, #tpu.memory_space<vmem>> -> memref<128xi32, #tpu.memory_space<vmem>>
          %dma_wait3A_755 = arith.constant 0 : i32
          %dma_wait3A_756 = arith.constant 0 : i32
          %dma_wait3A_757 = tpu.memref_slice %arg6[%dma_wait3A_755, %dma_wait3A_756] : memref<10000x128xf32, #tpu.memory_space<vmem_shared>> -> memref<10000x128xf32, #tpu.memory_space<vmem_shared>>
          tpu.wait_indirect_dma semaphore(%run_scoped3A_745 : memref<!tpu.dma_semaphore, #tpu.memory_space<semaphore_mem>>) src(%arg13 : memref<128x128xf32, #tpu.memory_space<vmem>>) dst(%dma_wait3A_757 : memref<10000x128xf32, #tpu.memory_space<vmem_shared>>)
          tpu.yield
        }) : () -> ()
        %add3A_538 = arith.constant 4 : i32
        %add3A_539 = arith.addi %add3A_517, %add3A_538 : i32
        %mul3A_540 = arith.constant 128 : i32
        %mul3A_541 = arith.muli %add3A_539, %mul3A_540 : i32
        %add3A_542 = arith.addi %mul3A_2, %mul3A_541 : i32
        %dma_start3A_543 = arith.constant 0 : i32
        %dma_start3A_544 = tpu.memref_slice %arg3[%dma_start3A_543, %add3A_542] : memref<2x320000xi32, #tpu.memory_space<hbm>> -> memref<2x128xi32, #tpu.memory_space<hbm>>
        %dma_start3A_545 = arith.constant 0 : i32
        %dma_start3A_546 = tpu.memref_slice %arg3[%dma_start3A_545, %add3A_542] : memref<2x320000xi32, #tpu.memory_space<hbm>> -> memref<2x128xi32, #tpu.memory_space<hbm>>
        tpu.enqueue_dma source(%dma_start3A_546 : memref<2x128xi32, #tpu.memory_space<hbm>>) target(%arg8 : memref<2x128xi32, #tpu.memory_space<vmem>>) target_semaphore(%arg15 : memref<!tpu.dma_semaphore, #tpu.memory_space<semaphore_mem>>)
        %mul3A_547 = arith.constant 12 : i32
        %mul3A_548 = arith.muli %scan3A_348, %mul3A_547 : i32
        %add3A_549 = arith.constant 6 : i32
        %add3A_550 = arith.addi %mul3A_548, %add3A_549 : i32
        %dma_wait3A_551 = arith.constant 0 : i32
        %dma_wait3A_552 = arith.constant 0 : i32
        %dma_wait3A_553 = tpu.memref_slice %arg3[%dma_wait3A_551, %dma_wait3A_552] : memref<2x320000xi32, #tpu.memory_space<hbm>> -> memref<2x128xi32, #tpu.memory_space<hbm>>
        %dma_wait3A_554 = arith.constant 0 : i32
        %dma_wait3A_555 = arith.constant 0 : i32
        %dma_wait3A_556 = tpu.memref_slice %arg3[%dma_wait3A_554, %dma_wait3A_555] : memref<2x320000xi32, #tpu.memory_space<hbm>> -> memref<2x128xi32, #tpu.memory_space<hbm>>
        tpu.wait_dma2 semaphore(%arg14 : memref<!tpu.dma_semaphore, #tpu.memory_space<semaphore_mem>>) src(%dma_wait3A_556 : memref<2x128xi32, #tpu.memory_space<hbm>>) dst(%arg7 : memref<2x128xi32, #tpu.memory_space<vmem>>)
        %dma_start3A_557 = arith.constant 0 : i32
        %dma_start3A_558 = arith.constant 0 : i32
        %dma_start3A_559 = tpu.memref_slice %arg7[%dma_start3A_557, %dma_start3A_558] : memref<2x128xi32, #tpu.memory_space<vmem>> -> memref<1x128xi32, #tpu.memory_space<vmem>>
        %dma_start3A_560 = tpu.memref_squeeze %dma_start3A_559 : memref<1x128xi32, #tpu.memory_space<vmem>> -> memref<128xi32, #tpu.memory_space<vmem>>
        %dma_start3A_561 = arith.constant 0 : i32
        %dma_start3A_562 = arith.constant 0 : i32
        %dma_start3A_563 = tpu.memref_slice %arg2[%dma_start3A_561, %dma_start3A_562] : memref<10000x128xf32, #tpu.memory_space<hbm>> -> memref<10000x128xf32, #tpu.memory_space<hbm>>
        tpu.enqueue_indirect_dma source(%dma_start3A_563 : memref<10000x128xf32, #tpu.memory_space<hbm>>) target(%arg13 : memref<128x128xf32, #tpu.memory_space<vmem>>) offsets(%dma_start3A_560 : memref<128xi32, #tpu.memory_space<vmem>>) semaphore(%arg20 : memref<!tpu.dma_semaphore, #tpu.memory_space<semaphore_mem>>)
        %dma_wait3A_564 = arith.constant 0 : i32
        %dma_wait3A_565 = arith.constant 0 : i32
        %dma_wait3A_566 = tpu.memref_slice %arg2[%dma_wait3A_564, %dma_wait3A_565] : memref<10000x128xf32, #tpu.memory_space<hbm>> -> memref<128x128xf32, #tpu.memory_space<hbm>>
        %dma_wait3A_567 = arith.constant 0 : i32
        %dma_wait3A_568 = arith.constant 0 : i32
        %dma_wait3A_569 = tpu.memref_slice %arg2[%dma_wait3A_567, %dma_wait3A_568] : memref<10000x128xf32, #tpu.memory_space<hbm>> -> memref<128x128xf32, #tpu.memory_space<hbm>>
        tpu.wait_dma2 semaphore(%arg18 : memref<!tpu.dma_semaphore, #tpu.memory_space<semaphore_mem>>) src(%dma_wait3A_569 : memref<128x128xf32, #tpu.memory_space<hbm>>) dst(%arg11 : memref<128x128xf32, #tpu.memory_space<vmem>>)
        %run_scoped3A_570 = arith.constant 1 : i32
        "tpu.region"() ({
          %run_scoped3A_745 = tpu.sem_alloc : memref<!tpu.dma_semaphore, #tpu.memory_space<semaphore_mem>>
          %dma_start3A_746 = arith.constant 0 : i32
          %dma_start3A_747 = tpu.memref_slice %arg9[%run_scoped3A_570, %dma_start3A_746] : memref<2x128xi32, #tpu.memory_space<vmem>> -> memref<1x128xi32, #tpu.memory_space<vmem>>
          %dma_start3A_748 = tpu.memref_squeeze %dma_start3A_747 : memref<1x128xi32, #tpu.memory_space<vmem>> -> memref<128xi32, #tpu.memory_space<vmem>>
          %dma_start3A_749 = arith.constant 0 : i32
          %dma_start3A_750 = arith.constant 0 : i32
          %dma_start3A_751 = tpu.memref_slice %arg6[%dma_start3A_749, %dma_start3A_750] : memref<10000x128xf32, #tpu.memory_space<vmem_shared>> -> memref<10000x128xf32, #tpu.memory_space<vmem_shared>>
          tpu.enqueue_indirect_dma source(%arg11 : memref<128x128xf32, #tpu.memory_space<vmem>>) target(%dma_start3A_751 : memref<10000x128xf32, #tpu.memory_space<vmem_shared>>) offsets(%dma_start3A_748 : memref<128xi32, #tpu.memory_space<vmem>>) semaphore(%run_scoped3A_745 : memref<!tpu.dma_semaphore, #tpu.memory_space<semaphore_mem>>) {add = true}
          %dma_wait3A_752 = arith.constant 0 : i32
          %dma_wait3A_753 = tpu.memref_slice %arg9[%run_scoped3A_570, %dma_wait3A_752] : memref<2x128xi32, #tpu.memory_space<vmem>> -> memref<1x128xi32, #tpu.memory_space<vmem>>
          %dma_wait3A_754 = tpu.memref_squeeze %dma_wait3A_753 : memref<1x128xi32, #tpu.memory_space<vmem>> -> memref<128xi32, #tpu.memory_space<vmem>>
          %dma_wait3A_755 = arith.constant 0 : i32
          %dma_wait3A_756 = arith.constant 0 : i32
          %dma_wait3A_757 = tpu.memref_slice %arg6[%dma_wait3A_755, %dma_wait3A_756] : memref<10000x128xf32, #tpu.memory_space<vmem_shared>> -> memref<10000x128xf32, #tpu.memory_space<vmem_shared>>
          tpu.wait_indirect_dma semaphore(%run_scoped3A_745 : memref<!tpu.dma_semaphore, #tpu.memory_space<semaphore_mem>>) src(%arg11 : memref<128x128xf32, #tpu.memory_space<vmem>>) dst(%dma_wait3A_757 : memref<10000x128xf32, #tpu.memory_space<vmem_shared>>)
          tpu.yield
        }) : () -> ()
        %add3A_571 = arith.constant 4 : i32
        %add3A_572 = arith.addi %add3A_550, %add3A_571 : i32
        %mul3A_573 = arith.constant 128 : i32
        %mul3A_574 = arith.muli %add3A_572, %mul3A_573 : i32
        %add3A_575 = arith.addi %mul3A_2, %mul3A_574 : i32
        %dma_start3A_576 = arith.constant 0 : i32
        %dma_start3A_577 = tpu.memref_slice %arg3[%dma_start3A_576, %add3A_575] : memref<2x320000xi32, #tpu.memory_space<hbm>> -> memref<2x128xi32, #tpu.memory_space<hbm>>
        %dma_start3A_578 = arith.constant 0 : i32
        %dma_start3A_579 = tpu.memref_slice %arg3[%dma_start3A_578, %add3A_575] : memref<2x320000xi32, #tpu.memory_space<hbm>> -> memref<2x128xi32, #tpu.memory_space<hbm>>
        tpu.enqueue_dma source(%dma_start3A_579 : memref<2x128xi32, #tpu.memory_space<hbm>>) target(%arg9 : memref<2x128xi32, #tpu.memory_space<vmem>>) target_semaphore(%arg16 : memref<!tpu.dma_semaphore, #tpu.memory_space<semaphore_mem>>)
        %mul3A_580 = arith.constant 12 : i32
        %mul3A_581 = arith.muli %scan3A_348, %mul3A_580 : i32
        %add3A_582 = arith.constant 7 : i32
        %add3A_583 = arith.addi %mul3A_581, %add3A_582 : i32
        %dma_wait3A_584 = arith.constant 0 : i32
        %dma_wait3A_585 = arith.constant 0 : i32
        %dma_wait3A_586 = tpu.memref_slice %arg3[%dma_wait3A_584, %dma_wait3A_585] : memref<2x320000xi32, #tpu.memory_space<hbm>> -> memref<2x128xi32, #tpu.memory_space<hbm>>
        %dma_wait3A_587 = arith.constant 0 : i32
        %dma_wait3A_588 = arith.constant 0 : i32
        %dma_wait3A_589 = tpu.memref_slice %arg3[%dma_wait3A_587, %dma_wait3A_588] : memref<2x320000xi32, #tpu.memory_space<hbm>> -> memref<2x128xi32, #tpu.memory_space<hbm>>
        tpu.wait_dma2 semaphore(%arg15 : memref<!tpu.dma_semaphore, #tpu.memory_space<semaphore_mem>>) src(%dma_wait3A_589 : memref<2x128xi32, #tpu.memory_space<hbm>>) dst(%arg8 : memref<2x128xi32, #tpu.memory_space<vmem>>)
        %dma_start3A_590 = arith.constant 0 : i32
        %dma_start3A_591 = arith.constant 0 : i32
        %dma_start3A_592 = tpu.memref_slice %arg8[%dma_start3A_590, %dma_start3A_591] : memref<2x128xi32, #tpu.memory_space<vmem>> -> memref<1x128xi32, #tpu.memory_space<vmem>>
        %dma_start3A_593 = tpu.memref_squeeze %dma_start3A_592 : memref<1x128xi32, #tpu.memory_space<vmem>> -> memref<128xi32, #tpu.memory_space<vmem>>
        %dma_start3A_594 = arith.constant 0 : i32
        %dma_start3A_595 = arith.constant 0 : i32
        %dma_start3A_596 = tpu.memref_slice %arg2[%dma_start3A_594, %dma_start3A_595] : memref<10000x128xf32, #tpu.memory_space<hbm>> -> memref<10000x128xf32, #tpu.memory_space<hbm>>
        tpu.enqueue_indirect_dma source(%dma_start3A_596 : memref<10000x128xf32, #tpu.memory_space<hbm>>) target(%arg11 : memref<128x128xf32, #tpu.memory_space<vmem>>) offsets(%dma_start3A_593 : memref<128xi32, #tpu.memory_space<vmem>>) semaphore(%arg18 : memref<!tpu.dma_semaphore, #tpu.memory_space<semaphore_mem>>)
        %dma_wait3A_597 = arith.constant 0 : i32
        %dma_wait3A_598 = arith.constant 0 : i32
        %dma_wait3A_599 = tpu.memref_slice %arg2[%dma_wait3A_597, %dma_wait3A_598] : memref<10000x128xf32, #tpu.memory_space<hbm>> -> memref<128x128xf32, #tpu.memory_space<hbm>>
        %dma_wait3A_600 = arith.constant 0 : i32
        %dma_wait3A_601 = arith.constant 0 : i32
        %dma_wait3A_602 = tpu.memref_slice %arg2[%dma_wait3A_600, %dma_wait3A_601] : memref<10000x128xf32, #tpu.memory_space<hbm>> -> memref<128x128xf32, #tpu.memory_space<hbm>>
        tpu.wait_dma2 semaphore(%arg19 : memref<!tpu.dma_semaphore, #tpu.memory_space<semaphore_mem>>) src(%dma_wait3A_602 : memref<128x128xf32, #tpu.memory_space<hbm>>) dst(%arg12 : memref<128x128xf32, #tpu.memory_space<vmem>>)
        %run_scoped3A_603 = arith.constant 1 : i32
        "tpu.region"() ({
          %run_scoped3A_745 = tpu.sem_alloc : memref<!tpu.dma_semaphore, #tpu.memory_space<semaphore_mem>>
          %dma_start3A_746 = arith.constant 0 : i32
          %dma_start3A_747 = tpu.memref_slice %arg10[%run_scoped3A_603, %dma_start3A_746] : memref<2x128xi32, #tpu.memory_space<vmem>> -> memref<1x128xi32, #tpu.memory_space<vmem>>
          %dma_start3A_748 = tpu.memref_squeeze %dma_start3A_747 : memref<1x128xi32, #tpu.memory_space<vmem>> -> memref<128xi32, #tpu.memory_space<vmem>>
          %dma_start3A_749 = arith.constant 0 : i32
          %dma_start3A_750 = arith.constant 0 : i32
          %dma_start3A_751 = tpu.memref_slice %arg6[%dma_start3A_749, %dma_start3A_750] : memref<10000x128xf32, #tpu.memory_space<vmem_shared>> -> memref<10000x128xf32, #tpu.memory_space<vmem_shared>>
          tpu.enqueue_indirect_dma source(%arg12 : memref<128x128xf32, #tpu.memory_space<vmem>>) target(%dma_start3A_751 : memref<10000x128xf32, #tpu.memory_space<vmem_shared>>) offsets(%dma_start3A_748 : memref<128xi32, #tpu.memory_space<vmem>>) semaphore(%run_scoped3A_745 : memref<!tpu.dma_semaphore, #tpu.memory_space<semaphore_mem>>) {add = true}
          %dma_wait3A_752 = arith.constant 0 : i32
          %dma_wait3A_753 = tpu.memref_slice %arg10[%run_scoped3A_603, %dma_wait3A_752] : memref<2x128xi32, #tpu.memory_space<vmem>> -> memref<1x128xi32, #tpu.memory_space<vmem>>
          %dma_wait3A_754 = tpu.memref_squeeze %dma_wait3A_753 : memref<1x128xi32, #tpu.memory_space<vmem>> -> memref<128xi32, #tpu.memory_space<vmem>>
          %dma_wait3A_755 = arith.constant 0 : i32
          %dma_wait3A_756 = arith.constant 0 : i32
          %dma_wait3A_757 = tpu.memref_slice %arg6[%dma_wait3A_755, %dma_wait3A_756] : memref<10000x128xf32, #tpu.memory_space<vmem_shared>> -> memref<10000x128xf32, #tpu.memory_space<vmem_shared>>
          tpu.wait_indirect_dma semaphore(%run_scoped3A_745 : memref<!tpu.dma_semaphore, #tpu.memory_space<semaphore_mem>>) src(%arg12 : memref<128x128xf32, #tpu.memory_space<vmem>>) dst(%dma_wait3A_757 : memref<10000x128xf32, #tpu.memory_space<vmem_shared>>)
          tpu.yield
        }) : () -> ()
        %add3A_604 = arith.constant 4 : i32
        %add3A_605 = arith.addi %add3A_583, %add3A_604 : i32
        %mul3A_606 = arith.constant 128 : i32
        %mul3A_607 = arith.muli %add3A_605, %mul3A_606 : i32
        %add3A_608 = arith.addi %mul3A_2, %mul3A_607 : i32
        %dma_start3A_609 = arith.constant 0 : i32
        %dma_start3A_610 = tpu.memref_slice %arg3[%dma_start3A_609, %add3A_608] : memref<2x320000xi32, #tpu.memory_space<hbm>> -> memref<2x128xi32, #tpu.memory_space<hbm>>
        %dma_start3A_611 = arith.constant 0 : i32
        %dma_start3A_612 = tpu.memref_slice %arg3[%dma_start3A_611, %add3A_608] : memref<2x320000xi32, #tpu.memory_space<hbm>> -> memref<2x128xi32, #tpu.memory_space<hbm>>
        tpu.enqueue_dma source(%dma_start3A_612 : memref<2x128xi32, #tpu.memory_space<hbm>>) target(%arg10 : memref<2x128xi32, #tpu.memory_space<vmem>>) target_semaphore(%arg17 : memref<!tpu.dma_semaphore, #tpu.memory_space<semaphore_mem>>)
        %mul3A_613 = arith.constant 12 : i32
        %mul3A_614 = arith.muli %scan3A_348, %mul3A_613 : i32
        %add3A_615 = arith.constant 8 : i32
        %add3A_616 = arith.addi %mul3A_614, %add3A_615 : i32
        %dma_wait3A_617 = arith.constant 0 : i32
        %dma_wait3A_618 = arith.constant 0 : i32
        %dma_wait3A_619 = tpu.memref_slice %arg3[%dma_wait3A_617, %dma_wait3A_618] : memref<2x320000xi32, #tpu.memory_space<hbm>> -> memref<2x128xi32, #tpu.memory_space<hbm>>
        %dma_wait3A_620 = arith.constant 0 : i32
        %dma_wait3A_621 = arith.constant 0 : i32
        %dma_wait3A_622 = tpu.memref_slice %arg3[%dma_wait3A_620, %dma_wait3A_621] : memref<2x320000xi32, #tpu.memory_space<hbm>> -> memref<2x128xi32, #tpu.memory_space<hbm>>
        tpu.wait_dma2 semaphore(%arg16 : memref<!tpu.dma_semaphore, #tpu.memory_space<semaphore_mem>>) src(%dma_wait3A_622 : memref<2x128xi32, #tpu.memory_space<hbm>>) dst(%arg9 : memref<2x128xi32, #tpu.memory_space<vmem>>)
        %dma_start3A_623 = arith.constant 0 : i32
        %dma_start3A_624 = arith.constant 0 : i32
        %dma_start3A_625 = tpu.memref_slice %arg9[%dma_start3A_623, %dma_start3A_624] : memref<2x128xi32, #tpu.memory_space<vmem>> -> memref<1x128xi32, #tpu.memory_space<vmem>>
        %dma_start3A_626 = tpu.memref_squeeze %dma_start3A_625 : memref<1x128xi32, #tpu.memory_space<vmem>> -> memref<128xi32, #tpu.memory_space<vmem>>
        %dma_start3A_627 = arith.constant 0 : i32
        %dma_start3A_628 = arith.constant 0 : i32
        %dma_start3A_629 = tpu.memref_slice %arg2[%dma_start3A_627, %dma_start3A_628] : memref<10000x128xf32, #tpu.memory_space<hbm>> -> memref<10000x128xf32, #tpu.memory_space<hbm>>
        tpu.enqueue_indirect_dma source(%dma_start3A_629 : memref<10000x128xf32, #tpu.memory_space<hbm>>) target(%arg12 : memref<128x128xf32, #tpu.memory_space<vmem>>) offsets(%dma_start3A_626 : memref<128xi32, #tpu.memory_space<vmem>>) semaphore(%arg19 : memref<!tpu.dma_semaphore, #tpu.memory_space<semaphore_mem>>)
        %dma_wait3A_630 = arith.constant 0 : i32
        %dma_wait3A_631 = arith.constant 0 : i32
        %dma_wait3A_632 = tpu.memref_slice %arg2[%dma_wait3A_630, %dma_wait3A_631] : memref<10000x128xf32, #tpu.memory_space<hbm>> -> memref<128x128xf32, #tpu.memory_space<hbm>>
        %dma_wait3A_633 = arith.constant 0 : i32
        %dma_wait3A_634 = arith.constant 0 : i32
        %dma_wait3A_635 = tpu.memref_slice %arg2[%dma_wait3A_633, %dma_wait3A_634] : memref<10000x128xf32, #tpu.memory_space<hbm>> -> memref<128x128xf32, #tpu.memory_space<hbm>>
        tpu.wait_dma2 semaphore(%arg20 : memref<!tpu.dma_semaphore, #tpu.memory_space<semaphore_mem>>) src(%dma_wait3A_635 : memref<128x128xf32, #tpu.memory_space<hbm>>) dst(%arg13 : memref<128x128xf32, #tpu.memory_space<vmem>>)
        %run_scoped3A_636 = arith.constant 1 : i32
        "tpu.region"() ({
          %run_scoped3A_745 = tpu.sem_alloc : memref<!tpu.dma_semaphore, #tpu.memory_space<semaphore_mem>>
          %dma_start3A_746 = arith.constant 0 : i32
          %dma_start3A_747 = tpu.memref_slice %arg7[%run_scoped3A_636, %dma_start3A_746] : memref<2x128xi32, #tpu.memory_space<vmem>> -> memref<1x128xi32, #tpu.memory_space<vmem>>
          %dma_start3A_748 = tpu.memref_squeeze %dma_start3A_747 : memref<1x128xi32, #tpu.memory_space<vmem>> -> memref<128xi32, #tpu.memory_space<vmem>>
          %dma_start3A_749 = arith.constant 0 : i32
          %dma_start3A_750 = arith.constant 0 : i32
          %dma_start3A_751 = tpu.memref_slice %arg6[%dma_start3A_749, %dma_start3A_750] : memref<10000x128xf32, #tpu.memory_space<vmem_shared>> -> memref<10000x128xf32, #tpu.memory_space<vmem_shared>>
          tpu.enqueue_indirect_dma source(%arg13 : memref<128x128xf32, #tpu.memory_space<vmem>>) target(%dma_start3A_751 : memref<10000x128xf32, #tpu.memory_space<vmem_shared>>) offsets(%dma_start3A_748 : memref<128xi32, #tpu.memory_space<vmem>>) semaphore(%run_scoped3A_745 : memref<!tpu.dma_semaphore, #tpu.memory_space<semaphore_mem>>) {add = true}
          %dma_wait3A_752 = arith.constant 0 : i32
          %dma_wait3A_753 = tpu.memref_slice %arg7[%run_scoped3A_636, %dma_wait3A_752] : memref<2x128xi32, #tpu.memory_space<vmem>> -> memref<1x128xi32, #tpu.memory_space<vmem>>
          %dma_wait3A_754 = tpu.memref_squeeze %dma_wait3A_753 : memref<1x128xi32, #tpu.memory_space<vmem>> -> memref<128xi32, #tpu.memory_space<vmem>>
          %dma_wait3A_755 = arith.constant 0 : i32
          %dma_wait3A_756 = arith.constant 0 : i32
          %dma_wait3A_757 = tpu.memref_slice %arg6[%dma_wait3A_755, %dma_wait3A_756] : memref<10000x128xf32, #tpu.memory_space<vmem_shared>> -> memref<10000x128xf32, #tpu.memory_space<vmem_shared>>
          tpu.wait_indirect_dma semaphore(%run_scoped3A_745 : memref<!tpu.dma_semaphore, #tpu.memory_space<semaphore_mem>>) src(%arg13 : memref<128x128xf32, #tpu.memory_space<vmem>>) dst(%dma_wait3A_757 : memref<10000x128xf32, #tpu.memory_space<vmem_shared>>)
          tpu.yield
        }) : () -> ()
        %add3A_637 = arith.constant 4 : i32
        %add3A_638 = arith.addi %add3A_616, %add3A_637 : i32
        %mul3A_639 = arith.constant 128 : i32
        %mul3A_640 = arith.muli %add3A_638, %mul3A_639 : i32
        %add3A_641 = arith.addi %mul3A_2, %mul3A_640 : i32
        %dma_start3A_642 = arith.constant 0 : i32
        %dma_start3A_643 = tpu.memref_slice %arg3[%dma_start3A_642, %add3A_641] : memref<2x320000xi32, #tpu.memory_space<hbm>> -> memref<2x128xi32, #tpu.memory_space<hbm>>
        %dma_start3A_644 = arith.constant 0 : i32
        %dma_start3A_645 = tpu.memref_slice %arg3[%dma_start3A_644, %add3A_641] : memref<2x320000xi32, #tpu.memory_space<hbm>> -> memref<2x128xi32, #tpu.memory_space<hbm>>
        tpu.enqueue_dma source(%dma_start3A_645 : memref<2x128xi32, #tpu.memory_space<hbm>>) target(%arg7 : memref<2x128xi32, #tpu.memory_space<vmem>>) target_semaphore(%arg14 : memref<!tpu.dma_semaphore, #tpu.memory_space<semaphore_mem>>)
        %mul3A_646 = arith.constant 12 : i32
        %mul3A_647 = arith.muli %scan3A_348, %mul3A_646 : i32
        %add3A_648 = arith.constant 9 : i32
        %add3A_649 = arith.addi %mul3A_647, %add3A_648 : i32
        %dma_wait3A_650 = arith.constant 0 : i32
        %dma_wait3A_651 = arith.constant 0 : i32
        %dma_wait3A_652 = tpu.memref_slice %arg3[%dma_wait3A_650, %dma_wait3A_651] : memref<2x320000xi32, #tpu.memory_space<hbm>> -> memref<2x128xi32, #tpu.memory_space<hbm>>
        %dma_wait3A_653 = arith.constant 0 : i32
        %dma_wait3A_654 = arith.constant 0 : i32
        %dma_wait3A_655 = tpu.memref_slice %arg3[%dma_wait3A_653, %dma_wait3A_654] : memref<2x320000xi32, #tpu.memory_space<hbm>> -> memref<2x128xi32, #tpu.memory_space<hbm>>
        tpu.wait_dma2 semaphore(%arg17 : memref<!tpu.dma_semaphore, #tpu.memory_space<semaphore_mem>>) src(%dma_wait3A_655 : memref<2x128xi32, #tpu.memory_space<hbm>>) dst(%arg10 : memref<2x128xi32, #tpu.memory_space<vmem>>)
        %dma_start3A_656 = arith.constant 0 : i32
        %dma_start3A_657 = arith.constant 0 : i32
        %dma_start3A_658 = tpu.memref_slice %arg10[%dma_start3A_656, %dma_start3A_657] : memref<2x128xi32, #tpu.memory_space<vmem>> -> memref<1x128xi32, #tpu.memory_space<vmem>>
        %dma_start3A_659 = tpu.memref_squeeze %dma_start3A_658 : memref<1x128xi32, #tpu.memory_space<vmem>> -> memref<128xi32, #tpu.memory_space<vmem>>
        %dma_start3A_660 = arith.constant 0 : i32
        %dma_start3A_661 = arith.constant 0 : i32
        %dma_start3A_662 = tpu.memref_slice %arg2[%dma_start3A_660, %dma_start3A_661] : memref<10000x128xf32, #tpu.memory_space<hbm>> -> memref<10000x128xf32, #tpu.memory_space<hbm>>
        tpu.enqueue_indirect_dma source(%dma_start3A_662 : memref<10000x128xf32, #tpu.memory_space<hbm>>) target(%arg13 : memref<128x128xf32, #tpu.memory_space<vmem>>) offsets(%dma_start3A_659 : memref<128xi32, #tpu.memory_space<vmem>>) semaphore(%arg20 : memref<!tpu.dma_semaphore, #tpu.memory_space<semaphore_mem>>)
        %dma_wait3A_663 = arith.constant 0 : i32
        %dma_wait3A_664 = arith.constant 0 : i32
        %dma_wait3A_665 = tpu.memref_slice %arg2[%dma_wait3A_663, %dma_wait3A_664] : memref<10000x128xf32, #tpu.memory_space<hbm>> -> memref<128x128xf32, #tpu.memory_space<hbm>>
        %dma_wait3A_666 = arith.constant 0 : i32
        %dma_wait3A_667 = arith.constant 0 : i32
        %dma_wait3A_668 = tpu.memref_slice %arg2[%dma_wait3A_666, %dma_wait3A_667] : memref<10000x128xf32, #tpu.memory_space<hbm>> -> memref<128x128xf32, #tpu.memory_space<hbm>>
        tpu.wait_dma2 semaphore(%arg18 : memref<!tpu.dma_semaphore, #tpu.memory_space<semaphore_mem>>) src(%dma_wait3A_668 : memref<128x128xf32, #tpu.memory_space<hbm>>) dst(%arg11 : memref<128x128xf32, #tpu.memory_space<vmem>>)
        %run_scoped3A_669 = arith.constant 1 : i32
        "tpu.region"() ({
          %run_scoped3A_745 = tpu.sem_alloc : memref<!tpu.dma_semaphore, #tpu.memory_space<semaphore_mem>>
          %dma_start3A_746 = arith.constant 0 : i32
          %dma_start3A_747 = tpu.memref_slice %arg8[%run_scoped3A_669, %dma_start3A_746] : memref<2x128xi32, #tpu.memory_space<vmem>> -> memref<1x128xi32, #tpu.memory_space<vmem>>
          %dma_start3A_748 = tpu.memref_squeeze %dma_start3A_747 : memref<1x128xi32, #tpu.memory_space<vmem>> -> memref<128xi32, #tpu.memory_space<vmem>>
          %dma_start3A_749 = arith.constant 0 : i32
          %dma_start3A_750 = arith.constant 0 : i32
          %dma_start3A_751 = tpu.memref_slice %arg6[%dma_start3A_749, %dma_start3A_750] : memref<10000x128xf32, #tpu.memory_space<vmem_shared>> -> memref<10000x128xf32, #tpu.memory_space<vmem_shared>>
          tpu.enqueue_indirect_dma source(%arg11 : memref<128x128xf32, #tpu.memory_space<vmem>>) target(%dma_start3A_751 : memref<10000x128xf32, #tpu.memory_space<vmem_shared>>) offsets(%dma_start3A_748 : memref<128xi32, #tpu.memory_space<vmem>>) semaphore(%run_scoped3A_745 : memref<!tpu.dma_semaphore, #tpu.memory_space<semaphore_mem>>) {add = true}
          %dma_wait3A_752 = arith.constant 0 : i32
          %dma_wait3A_753 = tpu.memref_slice %arg8[%run_scoped3A_669, %dma_wait3A_752] : memref<2x128xi32, #tpu.memory_space<vmem>> -> memref<1x128xi32, #tpu.memory_space<vmem>>
          %dma_wait3A_754 = tpu.memref_squeeze %dma_wait3A_753 : memref<1x128xi32, #tpu.memory_space<vmem>> -> memref<128xi32, #tpu.memory_space<vmem>>
          %dma_wait3A_755 = arith.constant 0 : i32
          %dma_wait3A_756 = arith.constant 0 : i32
          %dma_wait3A_757 = tpu.memref_slice %arg6[%dma_wait3A_755, %dma_wait3A_756] : memref<10000x128xf32, #tpu.memory_space<vmem_shared>> -> memref<10000x128xf32, #tpu.memory_space<vmem_shared>>
          tpu.wait_indirect_dma semaphore(%run_scoped3A_745 : memref<!tpu.dma_semaphore, #tpu.memory_space<semaphore_mem>>) src(%arg11 : memref<128x128xf32, #tpu.memory_space<vmem>>) dst(%dma_wait3A_757 : memref<10000x128xf32, #tpu.memory_space<vmem_shared>>)
          tpu.yield
        }) : () -> ()
        %add3A_670 = arith.constant 4 : i32
        %add3A_671 = arith.addi %add3A_649, %add3A_670 : i32
        %mul3A_672 = arith.constant 128 : i32
        %mul3A_673 = arith.muli %add3A_671, %mul3A_672 : i32
        %add3A_674 = arith.addi %mul3A_2, %mul3A_673 : i32
        %dma_start3A_675 = arith.constant 0 : i32
        %dma_start3A_676 = tpu.memref_slice %arg3[%dma_start3A_675, %add3A_674] : memref<2x320000xi32, #tpu.memory_space<hbm>> -> memref<2x128xi32, #tpu.memory_space<hbm>>
        %dma_start3A_677 = arith.constant 0 : i32
        %dma_start3A_678 = tpu.memref_slice %arg3[%dma_start3A_677, %add3A_674] : memref<2x320000xi32, #tpu.memory_space<hbm>> -> memref<2x128xi32, #tpu.memory_space<hbm>>
        tpu.enqueue_dma source(%dma_start3A_678 : memref<2x128xi32, #tpu.memory_space<hbm>>) target(%arg8 : memref<2x128xi32, #tpu.memory_space<vmem>>) target_semaphore(%arg15 : memref<!tpu.dma_semaphore, #tpu.memory_space<semaphore_mem>>)
        %mul3A_679 = arith.constant 12 : i32
        %mul3A_680 = arith.muli %scan3A_348, %mul3A_679 : i32
        %add3A_681 = arith.constant 10 : i32
        %add3A_682 = arith.addi %mul3A_680, %add3A_681 : i32
        %dma_wait3A_683 = arith.constant 0 : i32
        %dma_wait3A_684 = arith.constant 0 : i32
        %dma_wait3A_685 = tpu.memref_slice %arg3[%dma_wait3A_683, %dma_wait3A_684] : memref<2x320000xi32, #tpu.memory_space<hbm>> -> memref<2x128xi32, #tpu.memory_space<hbm>>
        %dma_wait3A_686 = arith.constant 0 : i32
        %dma_wait3A_687 = arith.constant 0 : i32
        %dma_wait3A_688 = tpu.memref_slice %arg3[%dma_wait3A_686, %dma_wait3A_687] : memref<2x320000xi32, #tpu.memory_space<hbm>> -> memref<2x128xi32, #tpu.memory_space<hbm>>
        tpu.wait_dma2 semaphore(%arg14 : memref<!tpu.dma_semaphore, #tpu.memory_space<semaphore_mem>>) src(%dma_wait3A_688 : memref<2x128xi32, #tpu.memory_space<hbm>>) dst(%arg7 : memref<2x128xi32, #tpu.memory_space<vmem>>)
        %dma_start3A_689 = arith.constant 0 : i32
        %dma_start3A_690 = arith.constant 0 : i32
        %dma_start3A_691 = tpu.memref_slice %arg7[%dma_start3A_689, %dma_start3A_690] : memref<2x128xi32, #tpu.memory_space<vmem>> -> memref<1x128xi32, #tpu.memory_space<vmem>>
        %dma_start3A_692 = tpu.memref_squeeze %dma_start3A_691 : memref<1x128xi32, #tpu.memory_space<vmem>> -> memref<128xi32, #tpu.memory_space<vmem>>
        %dma_start3A_693 = arith.constant 0 : i32
        %dma_start3A_694 = arith.constant 0 : i32
        %dma_start3A_695 = tpu.memref_slice %arg2[%dma_start3A_693, %dma_start3A_694] : memref<10000x128xf32, #tpu.memory_space<hbm>> -> memref<10000x128xf32, #tpu.memory_space<hbm>>
        tpu.enqueue_indirect_dma source(%dma_start3A_695 : memref<10000x128xf32, #tpu.memory_space<hbm>>) target(%arg11 : memref<128x128xf32, #tpu.memory_space<vmem>>) offsets(%dma_start3A_692 : memref<128xi32, #tpu.memory_space<vmem>>) semaphore(%arg18 : memref<!tpu.dma_semaphore, #tpu.memory_space<semaphore_mem>>)
        %dma_wait3A_696 = arith.constant 0 : i32
        %dma_wait3A_697 = arith.constant 0 : i32
        %dma_wait3A_698 = tpu.memref_slice %arg2[%dma_wait3A_696, %dma_wait3A_697] : memref<10000x128xf32, #tpu.memory_space<hbm>> -> memref<128x128xf32, #tpu.memory_space<hbm>>
        %dma_wait3A_699 = arith.constant 0 : i32
        %dma_wait3A_700 = arith.constant 0 : i32
        %dma_wait3A_701 = tpu.memref_slice %arg2[%dma_wait3A_699, %dma_wait3A_700] : memref<10000x128xf32, #tpu.memory_space<hbm>> -> memref<128x128xf32, #tpu.memory_space<hbm>>
        tpu.wait_dma2 semaphore(%arg19 : memref<!tpu.dma_semaphore, #tpu.memory_space<semaphore_mem>>) src(%dma_wait3A_701 : memref<128x128xf32, #tpu.memory_space<hbm>>) dst(%arg12 : memref<128x128xf32, #tpu.memory_space<vmem>>)
        %run_scoped3A_702 = arith.constant 1 : i32
        "tpu.region"() ({
          %run_scoped3A_745 = tpu.sem_alloc : memref<!tpu.dma_semaphore, #tpu.memory_space<semaphore_mem>>
          %dma_start3A_746 = arith.constant 0 : i32
          %dma_start3A_747 = tpu.memref_slice %arg9[%run_scoped3A_702, %dma_start3A_746] : memref<2x128xi32, #tpu.memory_space<vmem>> -> memref<1x128xi32, #tpu.memory_space<vmem>>
          %dma_start3A_748 = tpu.memref_squeeze %dma_start3A_747 : memref<1x128xi32, #tpu.memory_space<vmem>> -> memref<128xi32, #tpu.memory_space<vmem>>
          %dma_start3A_749 = arith.constant 0 : i32
          %dma_start3A_750 = arith.constant 0 : i32
          %dma_start3A_751 = tpu.memref_slice %arg6[%dma_start3A_749, %dma_start3A_750] : memref<10000x128xf32, #tpu.memory_space<vmem_shared>> -> memref<10000x128xf32, #tpu.memory_space<vmem_shared>>
          tpu.enqueue_indirect_dma source(%arg12 : memref<128x128xf32, #tpu.memory_space<vmem>>) target(%dma_start3A_751 : memref<10000x128xf32, #tpu.memory_space<vmem_shared>>) offsets(%dma_start3A_748 : memref<128xi32, #tpu.memory_space<vmem>>) semaphore(%run_scoped3A_745 : memref<!tpu.dma_semaphore, #tpu.memory_space<semaphore_mem>>) {add = true}
          %dma_wait3A_752 = arith.constant 0 : i32
          %dma_wait3A_753 = tpu.memref_slice %arg9[%run_scoped3A_702, %dma_wait3A_752] : memref<2x128xi32, #tpu.memory_space<vmem>> -> memref<1x128xi32, #tpu.memory_space<vmem>>
          %dma_wait3A_754 = tpu.memref_squeeze %dma_wait3A_753 : memref<1x128xi32, #tpu.memory_space<vmem>> -> memref<128xi32, #tpu.memory_space<vmem>>
          %dma_wait3A_755 = arith.constant 0 : i32
          %dma_wait3A_756 = arith.constant 0 : i32
          %dma_wait3A_757 = tpu.memref_slice %arg6[%dma_wait3A_755, %dma_wait3A_756] : memref<10000x128xf32, #tpu.memory_space<vmem_shared>> -> memref<10000x128xf32, #tpu.memory_space<vmem_shared>>
          tpu.wait_indirect_dma semaphore(%run_scoped3A_745 : memref<!tpu.dma_semaphore, #tpu.memory_space<semaphore_mem>>) src(%arg12 : memref<128x128xf32, #tpu.memory_space<vmem>>) dst(%dma_wait3A_757 : memref<10000x128xf32, #tpu.memory_space<vmem_shared>>)
          tpu.yield
        }) : () -> ()
        %add3A_703 = arith.constant 4 : i32
        %add3A_704 = arith.addi %add3A_682, %add3A_703 : i32
        %mul3A_705 = arith.constant 128 : i32
        %mul3A_706 = arith.muli %add3A_704, %mul3A_705 : i32
        %add3A_707 = arith.addi %mul3A_2, %mul3A_706 : i32
        %dma_start3A_708 = arith.constant 0 : i32
        %dma_start3A_709 = tpu.memref_slice %arg3[%dma_start3A_708, %add3A_707] : memref<2x320000xi32, #tpu.memory_space<hbm>> -> memref<2x128xi32, #tpu.memory_space<hbm>>
        %dma_start3A_710 = arith.constant 0 : i32
        %dma_start3A_711 = tpu.memref_slice %arg3[%dma_start3A_710, %add3A_707] : memref<2x320000xi32, #tpu.memory_space<hbm>> -> memref<2x128xi32, #tpu.memory_space<hbm>>
        tpu.enqueue_dma source(%dma_start3A_711 : memref<2x128xi32, #tpu.memory_space<hbm>>) target(%arg9 : memref<2x128xi32, #tpu.memory_space<vmem>>) target_semaphore(%arg16 : memref<!tpu.dma_semaphore, #tpu.memory_space<semaphore_mem>>)
        %mul3A_712 = arith.constant 12 : i32
        %mul3A_713 = arith.muli %scan3A_348, %mul3A_712 : i32
        %add3A_714 = arith.constant 11 : i32
        %add3A_715 = arith.addi %mul3A_713, %add3A_714 : i32
        %dma_wait3A_716 = arith.constant 0 : i32
        %dma_wait3A_717 = arith.constant 0 : i32
        %dma_wait3A_718 = tpu.memref_slice %arg3[%dma_wait3A_716, %dma_wait3A_717] : memref<2x320000xi32, #tpu.memory_space<hbm>> -> memref<2x128xi32, #tpu.memory_space<hbm>>
        %dma_wait3A_719 = arith.constant 0 : i32
        %dma_wait3A_720 = arith.constant 0 : i32
        %dma_wait3A_721 = tpu.memref_slice %arg3[%dma_wait3A_719, %dma_wait3A_720] : memref<2x320000xi32, #tpu.memory_space<hbm>> -> memref<2x128xi32, #tpu.memory_space<hbm>>
        tpu.wait_dma2 semaphore(%arg15 : memref<!tpu.dma_semaphore, #tpu.memory_space<semaphore_mem>>) src(%dma_wait3A_721 : memref<2x128xi32, #tpu.memory_space<hbm>>) dst(%arg8 : memref<2x128xi32, #tpu.memory_space<vmem>>)
        %dma_start3A_722 = arith.constant 0 : i32
        %dma_start3A_723 = arith.constant 0 : i32
        %dma_start3A_724 = tpu.memref_slice %arg8[%dma_start3A_722, %dma_start3A_723] : memref<2x128xi32, #tpu.memory_space<vmem>> -> memref<1x128xi32, #tpu.memory_space<vmem>>
        %dma_start3A_725 = tpu.memref_squeeze %dma_start3A_724 : memref<1x128xi32, #tpu.memory_space<vmem>> -> memref<128xi32, #tpu.memory_space<vmem>>
        %dma_start3A_726 = arith.constant 0 : i32
        %dma_start3A_727 = arith.constant 0 : i32
        %dma_start3A_728 = tpu.memref_slice %arg2[%dma_start3A_726, %dma_start3A_727] : memref<10000x128xf32, #tpu.memory_space<hbm>> -> memref<10000x128xf32, #tpu.memory_space<hbm>>
        tpu.enqueue_indirect_dma source(%dma_start3A_728 : memref<10000x128xf32, #tpu.memory_space<hbm>>) target(%arg12 : memref<128x128xf32, #tpu.memory_space<vmem>>) offsets(%dma_start3A_725 : memref<128xi32, #tpu.memory_space<vmem>>) semaphore(%arg19 : memref<!tpu.dma_semaphore, #tpu.memory_space<semaphore_mem>>)
        %dma_wait3A_729 = arith.constant 0 : i32
        %dma_wait3A_730 = arith.constant 0 : i32
        %dma_wait3A_731 = tpu.memref_slice %arg2[%dma_wait3A_729, %dma_wait3A_730] : memref<10000x128xf32, #tpu.memory_space<hbm>> -> memref<128x128xf32, #tpu.memory_space<hbm>>
        %dma_wait3A_732 = arith.constant 0 : i32
        %dma_wait3A_733 = arith.constant 0 : i32
        %dma_wait3A_734 = tpu.memref_slice %arg2[%dma_wait3A_732, %dma_wait3A_733] : memref<10000x128xf32, #tpu.memory_space<hbm>> -> memref<128x128xf32, #tpu.memory_space<hbm>>
        tpu.wait_dma2 semaphore(%arg20 : memref<!tpu.dma_semaphore, #tpu.memory_space<semaphore_mem>>) src(%dma_wait3A_734 : memref<128x128xf32, #tpu.memory_space<hbm>>) dst(%arg13 : memref<128x128xf32, #tpu.memory_space<vmem>>)
        %run_scoped3A_735 = arith.constant 1 : i32
        "tpu.region"() ({
          %run_scoped3A_745 = tpu.sem_alloc : memref<!tpu.dma_semaphore, #tpu.memory_space<semaphore_mem>>
          %dma_start3A_746 = arith.constant 0 : i32
          %dma_start3A_747 = tpu.memref_slice %arg10[%run_scoped3A_735, %dma_start3A_746] : memref<2x128xi32, #tpu.memory_space<vmem>> -> memref<1x128xi32, #tpu.memory_space<vmem>>
          %dma_start3A_748 = tpu.memref_squeeze %dma_start3A_747 : memref<1x128xi32, #tpu.memory_space<vmem>> -> memref<128xi32, #tpu.memory_space<vmem>>
          %dma_start3A_749 = arith.constant 0 : i32
          %dma_start3A_750 = arith.constant 0 : i32
          %dma_start3A_751 = tpu.memref_slice %arg6[%dma_start3A_749, %dma_start3A_750] : memref<10000x128xf32, #tpu.memory_space<vmem_shared>> -> memref<10000x128xf32, #tpu.memory_space<vmem_shared>>
          tpu.enqueue_indirect_dma source(%arg13 : memref<128x128xf32, #tpu.memory_space<vmem>>) target(%dma_start3A_751 : memref<10000x128xf32, #tpu.memory_space<vmem_shared>>) offsets(%dma_start3A_748 : memref<128xi32, #tpu.memory_space<vmem>>) semaphore(%run_scoped3A_745 : memref<!tpu.dma_semaphore, #tpu.memory_space<semaphore_mem>>) {add = true}
          %dma_wait3A_752 = arith.constant 0 : i32
          %dma_wait3A_753 = tpu.memref_slice %arg10[%run_scoped3A_735, %dma_wait3A_752] : memref<2x128xi32, #tpu.memory_space<vmem>> -> memref<1x128xi32, #tpu.memory_space<vmem>>
          %dma_wait3A_754 = tpu.memref_squeeze %dma_wait3A_753 : memref<1x128xi32, #tpu.memory_space<vmem>> -> memref<128xi32, #tpu.memory_space<vmem>>
          %dma_wait3A_755 = arith.constant 0 : i32
          %dma_wait3A_756 = arith.constant 0 : i32
          %dma_wait3A_757 = tpu.memref_slice %arg6[%dma_wait3A_755, %dma_wait3A_756] : memref<10000x128xf32, #tpu.memory_space<vmem_shared>> -> memref<10000x128xf32, #tpu.memory_space<vmem_shared>>
          tpu.wait_indirect_dma semaphore(%run_scoped3A_745 : memref<!tpu.dma_semaphore, #tpu.memory_space<semaphore_mem>>) src(%arg13 : memref<128x128xf32, #tpu.memory_space<vmem>>) dst(%dma_wait3A_757 : memref<10000x128xf32, #tpu.memory_space<vmem_shared>>)
          tpu.yield
        }) : () -> ()
        %add3A_736 = arith.constant 4 : i32
        %add3A_737 = arith.addi %add3A_715, %add3A_736 : i32
        %mul3A_738 = arith.constant 128 : i32
        %mul3A_739 = arith.muli %add3A_737, %mul3A_738 : i32
        %add3A_740 = arith.addi %mul3A_2, %mul3A_739 : i32
        %dma_start3A_741 = arith.constant 0 : i32
        %dma_start3A_742 = tpu.memref_slice %arg3[%dma_start3A_741, %add3A_740] : memref<2x320000xi32, #tpu.memory_space<hbm>> -> memref<2x128xi32, #tpu.memory_space<hbm>>
        %dma_start3A_743 = arith.constant 0 : i32
        %dma_start3A_744 = tpu.memref_slice %arg3[%dma_start3A_743, %add3A_740] : memref<2x320000xi32, #tpu.memory_space<hbm>> -> memref<2x128xi32, #tpu.memory_space<hbm>>
        tpu.enqueue_dma source(%dma_start3A_744 : memref<2x128xi32, #tpu.memory_space<hbm>>) target(%arg10 : memref<2x128xi32, #tpu.memory_space<vmem>>) target_semaphore(%arg17 : memref<!tpu.dma_semaphore, #tpu.memory_space<semaphore_mem>>)
      }
      %scan3A_81 = arith.constant 12 : i32
      %dma_wait3A_82 = arith.constant 0 : i32
      %dma_wait3A_83 = arith.constant 0 : i32
      %dma_wait3A_84 = tpu.memref_slice %arg3[%dma_wait3A_82, %dma_wait3A_83] : memref<2x320000xi32, #tpu.memory_space<hbm>> -> memref<2x128xi32, #tpu.memory_space<hbm>>
      %dma_wait3A_85 = arith.constant 0 : i32
      %dma_wait3A_86 = arith.constant 0 : i32
      %dma_wait3A_87 = tpu.memref_slice %arg3[%dma_wait3A_85, %dma_wait3A_86] : memref<2x320000xi32, #tpu.memory_space<hbm>> -> memref<2x128xi32, #tpu.memory_space<hbm>>
      tpu.wait_dma2 semaphore(%arg16 : memref<!tpu.dma_semaphore, #tpu.memory_space<semaphore_mem>>) src(%dma_wait3A_87 : memref<2x128xi32, #tpu.memory_space<hbm>>) dst(%arg9 : memref<2x128xi32, #tpu.memory_space<vmem>>)
      %dma_start3A_88 = arith.constant 0 : i32
      %dma_start3A_89 = arith.constant 0 : i32
      %dma_start3A_90 = tpu.memref_slice %arg9[%dma_start3A_88, %dma_start3A_89] : memref<2x128xi32, #tpu.memory_space<vmem>> -> memref<1x128xi32, #tpu.memory_space<vmem>>
      %dma_start3A_91 = tpu.memref_squeeze %dma_start3A_90 : memref<1x128xi32, #tpu.memory_space<vmem>> -> memref<128xi32, #tpu.memory_space<vmem>>
      %dma_start3A_92 = arith.constant 0 : i32
      %dma_start3A_93 = arith.constant 0 : i32
      %dma_start3A_94 = tpu.memref_slice %arg2[%dma_start3A_92, %dma_start3A_93] : memref<10000x128xf32, #tpu.memory_space<hbm>> -> memref<10000x128xf32, #tpu.memory_space<hbm>>
      tpu.enqueue_indirect_dma source(%dma_start3A_94 : memref<10000x128xf32, #tpu.memory_space<hbm>>) target(%arg13 : memref<128x128xf32, #tpu.memory_space<vmem>>) offsets(%dma_start3A_91 : memref<128xi32, #tpu.memory_space<vmem>>) semaphore(%arg20 : memref<!tpu.dma_semaphore, #tpu.memory_space<semaphore_mem>>)
      %dma_wait3A_95 = arith.constant 0 : i32
      %dma_wait3A_96 = arith.constant 0 : i32
      %dma_wait3A_97 = tpu.memref_slice %arg2[%dma_wait3A_95, %dma_wait3A_96] : memref<10000x128xf32, #tpu.memory_space<hbm>> -> memref<128x128xf32, #tpu.memory_space<hbm>>
      %dma_wait3A_98 = arith.constant 0 : i32
      %dma_wait3A_99 = arith.constant 0 : i32
      %dma_wait3A_100 = tpu.memref_slice %arg2[%dma_wait3A_98, %dma_wait3A_99] : memref<10000x128xf32, #tpu.memory_space<hbm>> -> memref<128x128xf32, #tpu.memory_space<hbm>>
      tpu.wait_dma2 semaphore(%arg18 : memref<!tpu.dma_semaphore, #tpu.memory_space<semaphore_mem>>) src(%dma_wait3A_100 : memref<128x128xf32, #tpu.memory_space<hbm>>) dst(%arg11 : memref<128x128xf32, #tpu.memory_space<vmem>>)
      %run_scoped3A = arith.constant 1 : i32
      "tpu.region"() ({
        %run_scoped3A_348 = tpu.sem_alloc : memref<!tpu.dma_semaphore, #tpu.memory_space<semaphore_mem>>
        %dma_start3A_349 = arith.constant 0 : i32
        %dma_start3A_350 = tpu.memref_slice %arg7[%run_scoped3A, %dma_start3A_349] : memref<2x128xi32, #tpu.memory_space<vmem>> -> memref<1x128xi32, #tpu.memory_space<vmem>>
        %dma_start3A_351 = tpu.memref_squeeze %dma_start3A_350 : memref<1x128xi32, #tpu.memory_space<vmem>> -> memref<128xi32, #tpu.memory_space<vmem>>
        %dma_start3A_352 = arith.constant 0 : i32
        %dma_start3A_353 = arith.constant 0 : i32
        %dma_start3A_354 = tpu.memref_slice %arg6[%dma_start3A_352, %dma_start3A_353] : memref<10000x128xf32, #tpu.memory_space<vmem_shared>> -> memref<10000x128xf32, #tpu.memory_space<vmem_shared>>
        tpu.enqueue_indirect_dma source(%arg11 : memref<128x128xf32, #tpu.memory_space<vmem>>) target(%dma_start3A_354 : memref<10000x128xf32, #tpu.memory_space<vmem_shared>>) offsets(%dma_start3A_351 : memref<128xi32, #tpu.memory_space<vmem>>) semaphore(%run_scoped3A_348 : memref<!tpu.dma_semaphore, #tpu.memory_space<semaphore_mem>>) {add = true}
        %dma_wait3A_355 = arith.constant 0 : i32
        %dma_wait3A_356 = tpu.memref_slice %arg7[%run_scoped3A, %dma_wait3A_355] : memref<2x128xi32, #tpu.memory_space<vmem>> -> memref<1x128xi32, #tpu.memory_space<vmem>>
        %dma_wait3A_357 = tpu.memref_squeeze %dma_wait3A_356 : memref<1x128xi32, #tpu.memory_space<vmem>> -> memref<128xi32, #tpu.memory_space<vmem>>
        %dma_wait3A_358 = arith.constant 0 : i32
        %dma_wait3A_359 = arith.constant 0 : i32
        %dma_wait3A_360 = tpu.memref_slice %arg6[%dma_wait3A_358, %dma_wait3A_359] : memref<10000x128xf32, #tpu.memory_space<vmem_shared>> -> memref<10000x128xf32, #tpu.memory_space<vmem_shared>>
        tpu.wait_indirect_dma semaphore(%run_scoped3A_348 : memref<!tpu.dma_semaphore, #tpu.memory_space<semaphore_mem>>) src(%arg11 : memref<128x128xf32, #tpu.memory_space<vmem>>) dst(%dma_wait3A_360 : memref<10000x128xf32, #tpu.memory_space<vmem_shared>>)
        tpu.yield
      }) : () -> ()
      %add3A_101 = arith.constant 18944 : i32
      %add3A_102 = arith.addi %mul3A_2, %add3A_101 : i32
      %dma_start3A_103 = arith.constant 0 : i32
      %dma_start3A_104 = tpu.memref_slice %arg3[%dma_start3A_103, %add3A_102] : memref<2x320000xi32, #tpu.memory_space<hbm>> -> memref<2x128xi32, #tpu.memory_space<hbm>>
      %dma_start3A_105 = arith.constant 0 : i32
      %dma_start3A_106 = tpu.memref_slice %arg3[%dma_start3A_105, %add3A_102] : memref<2x320000xi32, #tpu.memory_space<hbm>> -> memref<2x128xi32, #tpu.memory_space<hbm>>
      tpu.enqueue_dma source(%dma_start3A_106 : memref<2x128xi32, #tpu.memory_space<hbm>>) target(%arg7 : memref<2x128xi32, #tpu.memory_space<vmem>>) target_semaphore(%arg14 : memref<!tpu.dma_semaphore, #tpu.memory_space<semaphore_mem>>)
      %dma_wait3A_107 = arith.constant 0 : i32
      %dma_wait3A_108 = arith.constant 0 : i32
      %dma_wait3A_109 = tpu.memref_slice %arg3[%dma_wait3A_107, %dma_wait3A_108] : memref<2x320000xi32, #tpu.memory_space<hbm>> -> memref<2x128xi32, #tpu.memory_space<hbm>>
      %dma_wait3A_110 = arith.constant 0 : i32
      %dma_wait3A_111 = arith.constant 0 : i32
      %dma_wait3A_112 = tpu.memref_slice %arg3[%dma_wait3A_110, %dma_wait3A_111] : memref<2x320000xi32, #tpu.memory_space<hbm>> -> memref<2x128xi32, #tpu.memory_space<hbm>>
      tpu.wait_dma2 semaphore(%arg17 : memref<!tpu.dma_semaphore, #tpu.memory_space<semaphore_mem>>) src(%dma_wait3A_112 : memref<2x128xi32, #tpu.memory_space<hbm>>) dst(%arg10 : memref<2x128xi32, #tpu.memory_space<vmem>>)
      %dma_start3A_113 = arith.constant 0 : i32
      %dma_start3A_114 = arith.constant 0 : i32
      %dma_start3A_115 = tpu.memref_slice %arg10[%dma_start3A_113, %dma_start3A_114] : memref<2x128xi32, #tpu.memory_space<vmem>> -> memref<1x128xi32, #tpu.memory_space<vmem>>
      %dma_start3A_116 = tpu.memref_squeeze %dma_start3A_115 : memref<1x128xi32, #tpu.memory_space<vmem>> -> memref<128xi32, #tpu.memory_space<vmem>>
      %dma_start3A_117 = arith.constant 0 : i32
      %dma_start3A_118 = arith.constant 0 : i32
      %dma_start3A_119 = tpu.memref_slice %arg2[%dma_start3A_117, %dma_start3A_118] : memref<10000x128xf32, #tpu.memory_space<hbm>> -> memref<10000x128xf32, #tpu.memory_space<hbm>>
      tpu.enqueue_indirect_dma source(%dma_start3A_119 : memref<10000x128xf32, #tpu.memory_space<hbm>>) target(%arg11 : memref<128x128xf32, #tpu.memory_space<vmem>>) offsets(%dma_start3A_116 : memref<128xi32, #tpu.memory_space<vmem>>) semaphore(%arg18 : memref<!tpu.dma_semaphore, #tpu.memory_space<semaphore_mem>>)
      %dma_wait3A_120 = arith.constant 0 : i32
      %dma_wait3A_121 = arith.constant 0 : i32
      %dma_wait3A_122 = tpu.memref_slice %arg2[%dma_wait3A_120, %dma_wait3A_121] : memref<10000x128xf32, #tpu.memory_space<hbm>> -> memref<128x128xf32, #tpu.memory_space<hbm>>
      %dma_wait3A_123 = arith.constant 0 : i32
      %dma_wait3A_124 = arith.constant 0 : i32
      %dma_wait3A_125 = tpu.memref_slice %arg2[%dma_wait3A_123, %dma_wait3A_124] : memref<10000x128xf32, #tpu.memory_space<hbm>> -> memref<128x128xf32, #tpu.memory_space<hbm>>
      tpu.wait_dma2 semaphore(%arg19 : memref<!tpu.dma_semaphore, #tpu.memory_space<semaphore_mem>>) src(%dma_wait3A_125 : memref<128x128xf32, #tpu.memory_space<hbm>>) dst(%arg12 : memref<128x128xf32, #tpu.memory_space<vmem>>)
      %run_scoped3A_126 = arith.constant 1 : i32
      "tpu.region"() ({
        %run_scoped3A_348 = tpu.sem_alloc : memref<!tpu.dma_semaphore, #tpu.memory_space<semaphore_mem>>
        %dma_start3A_349 = arith.constant 0 : i32
        %dma_start3A_350 = tpu.memref_slice %arg8[%run_scoped3A_126, %dma_start3A_349] : memref<2x128xi32, #tpu.memory_space<vmem>> -> memref<1x128xi32, #tpu.memory_space<vmem>>
        %dma_start3A_351 = tpu.memref_squeeze %dma_start3A_350 : memref<1x128xi32, #tpu.memory_space<vmem>> -> memref<128xi32, #tpu.memory_space<vmem>>
        %dma_start3A_352 = arith.constant 0 : i32
        %dma_start3A_353 = arith.constant 0 : i32
        %dma_start3A_354 = tpu.memref_slice %arg6[%dma_start3A_352, %dma_start3A_353] : memref<10000x128xf32, #tpu.memory_space<vmem_shared>> -> memref<10000x128xf32, #tpu.memory_space<vmem_shared>>
        tpu.enqueue_indirect_dma source(%arg12 : memref<128x128xf32, #tpu.memory_space<vmem>>) target(%dma_start3A_354 : memref<10000x128xf32, #tpu.memory_space<vmem_shared>>) offsets(%dma_start3A_351 : memref<128xi32, #tpu.memory_space<vmem>>) semaphore(%run_scoped3A_348 : memref<!tpu.dma_semaphore, #tpu.memory_space<semaphore_mem>>) {add = true}
        %dma_wait3A_355 = arith.constant 0 : i32
        %dma_wait3A_356 = tpu.memref_slice %arg8[%run_scoped3A_126, %dma_wait3A_355] : memref<2x128xi32, #tpu.memory_space<vmem>> -> memref<1x128xi32, #tpu.memory_space<vmem>>
        %dma_wait3A_357 = tpu.memref_squeeze %dma_wait3A_356 : memref<1x128xi32, #tpu.memory_space<vmem>> -> memref<128xi32, #tpu.memory_space<vmem>>
        %dma_wait3A_358 = arith.constant 0 : i32
        %dma_wait3A_359 = arith.constant 0 : i32
        %dma_wait3A_360 = tpu.memref_slice %arg6[%dma_wait3A_358, %dma_wait3A_359] : memref<10000x128xf32, #tpu.memory_space<vmem_shared>> -> memref<10000x128xf32, #tpu.memory_space<vmem_shared>>
        tpu.wait_indirect_dma semaphore(%run_scoped3A_348 : memref<!tpu.dma_semaphore, #tpu.memory_space<semaphore_mem>>) src(%arg12 : memref<128x128xf32, #tpu.memory_space<vmem>>) dst(%dma_wait3A_360 : memref<10000x128xf32, #tpu.memory_space<vmem_shared>>)
        tpu.yield
      }) : () -> ()
      %add3A_127 = arith.constant 19072 : i32
      %add3A_128 = arith.addi %mul3A_2, %add3A_127 : i32
      %dma_start3A_129 = arith.constant 0 : i32
      %dma_start3A_130 = tpu.memref_slice %arg3[%dma_start3A_129, %add3A_128] : memref<2x320000xi32, #tpu.memory_space<hbm>> -> memref<2x128xi32, #tpu.memory_space<hbm>>
      %dma_start3A_131 = arith.constant 0 : i32
      %dma_start3A_132 = tpu.memref_slice %arg3[%dma_start3A_131, %add3A_128] : memref<2x320000xi32, #tpu.memory_space<hbm>> -> memref<2x128xi32, #tpu.memory_space<hbm>>
      tpu.enqueue_dma source(%dma_start3A_132 : memref<2x128xi32, #tpu.memory_space<hbm>>) target(%arg8 : memref<2x128xi32, #tpu.memory_space<vmem>>) target_semaphore(%arg15 : memref<!tpu.dma_semaphore, #tpu.memory_space<semaphore_mem>>)
      %dma_wait3A_133 = arith.constant 0 : i32
      %dma_wait3A_134 = arith.constant 0 : i32
      %dma_wait3A_135 = tpu.memref_slice %arg3[%dma_wait3A_133, %dma_wait3A_134] : memref<2x320000xi32, #tpu.memory_space<hbm>> -> memref<2x128xi32, #tpu.memory_space<hbm>>
      %dma_wait3A_136 = arith.constant 0 : i32
      %dma_wait3A_137 = arith.constant 0 : i32
      %dma_wait3A_138 = tpu.memref_slice %arg3[%dma_wait3A_136, %dma_wait3A_137] : memref<2x320000xi32, #tpu.memory_space<hbm>> -> memref<2x128xi32, #tpu.memory_space<hbm>>
      tpu.wait_dma2 semaphore(%arg14 : memref<!tpu.dma_semaphore, #tpu.memory_space<semaphore_mem>>) src(%dma_wait3A_138 : memref<2x128xi32, #tpu.memory_space<hbm>>) dst(%arg7 : memref<2x128xi32, #tpu.memory_space<vmem>>)
      %dma_start3A_139 = arith.constant 0 : i32
      %dma_start3A_140 = arith.constant 0 : i32
      %dma_start3A_141 = tpu.memref_slice %arg7[%dma_start3A_139, %dma_start3A_140] : memref<2x128xi32, #tpu.memory_space<vmem>> -> memref<1x128xi32, #tpu.memory_space<vmem>>
      %dma_start3A_142 = tpu.memref_squeeze %dma_start3A_141 : memref<1x128xi32, #tpu.memory_space<vmem>> -> memref<128xi32, #tpu.memory_space<vmem>>
      %dma_start3A_143 = arith.constant 0 : i32
      %dma_start3A_144 = arith.constant 0 : i32
      %dma_start3A_145 = tpu.memref_slice %arg2[%dma_start3A_143, %dma_start3A_144] : memref<10000x128xf32, #tpu.memory_space<hbm>> -> memref<10000x128xf32, #tpu.memory_space<hbm>>
      tpu.enqueue_indirect_dma source(%dma_start3A_145 : memref<10000x128xf32, #tpu.memory_space<hbm>>) target(%arg12 : memref<128x128xf32, #tpu.memory_space<vmem>>) offsets(%dma_start3A_142 : memref<128xi32, #tpu.memory_space<vmem>>) semaphore(%arg19 : memref<!tpu.dma_semaphore, #tpu.memory_space<semaphore_mem>>)
      %dma_wait3A_146 = arith.constant 0 : i32
      %dma_wait3A_147 = arith.constant 0 : i32
      %dma_wait3A_148 = tpu.memref_slice %arg2[%dma_wait3A_146, %dma_wait3A_147] : memref<10000x128xf32, #tpu.memory_space<hbm>> -> memref<128x128xf32, #tpu.memory_space<hbm>>
      %dma_wait3A_149 = arith.constant 0 : i32
      %dma_wait3A_150 = arith.constant 0 : i32
      %dma_wait3A_151 = tpu.memref_slice %arg2[%dma_wait3A_149, %dma_wait3A_150] : memref<10000x128xf32, #tpu.memory_space<hbm>> -> memref<128x128xf32, #tpu.memory_space<hbm>>
      tpu.wait_dma2 semaphore(%arg20 : memref<!tpu.dma_semaphore, #tpu.memory_space<semaphore_mem>>) src(%dma_wait3A_151 : memref<128x128xf32, #tpu.memory_space<hbm>>) dst(%arg13 : memref<128x128xf32, #tpu.memory_space<vmem>>)
      %run_scoped3A_152 = arith.constant 1 : i32
      "tpu.region"() ({
        %run_scoped3A_348 = tpu.sem_alloc : memref<!tpu.dma_semaphore, #tpu.memory_space<semaphore_mem>>
        %dma_start3A_349 = arith.constant 0 : i32
        %dma_start3A_350 = tpu.memref_slice %arg9[%run_scoped3A_152, %dma_start3A_349] : memref<2x128xi32, #tpu.memory_space<vmem>> -> memref<1x128xi32, #tpu.memory_space<vmem>>
        %dma_start3A_351 = tpu.memref_squeeze %dma_start3A_350 : memref<1x128xi32, #tpu.memory_space<vmem>> -> memref<128xi32, #tpu.memory_space<vmem>>
        %dma_start3A_352 = arith.constant 0 : i32
        %dma_start3A_353 = arith.constant 0 : i32
        %dma_start3A_354 = tpu.memref_slice %arg6[%dma_start3A_352, %dma_start3A_353] : memref<10000x128xf32, #tpu.memory_space<vmem_shared>> -> memref<10000x128xf32, #tpu.memory_space<vmem_shared>>
        tpu.enqueue_indirect_dma source(%arg13 : memref<128x128xf32, #tpu.memory_space<vmem>>) target(%dma_start3A_354 : memref<10000x128xf32, #tpu.memory_space<vmem_shared>>) offsets(%dma_start3A_351 : memref<128xi32, #tpu.memory_space<vmem>>) semaphore(%run_scoped3A_348 : memref<!tpu.dma_semaphore, #tpu.memory_space<semaphore_mem>>) {add = true}
        %dma_wait3A_355 = arith.constant 0 : i32
        %dma_wait3A_356 = tpu.memref_slice %arg9[%run_scoped3A_152, %dma_wait3A_355] : memref<2x128xi32, #tpu.memory_space<vmem>> -> memref<1x128xi32, #tpu.memory_space<vmem>>
        %dma_wait3A_357 = tpu.memref_squeeze %dma_wait3A_356 : memref<1x128xi32, #tpu.memory_space<vmem>> -> memref<128xi32, #tpu.memory_space<vmem>>
        %dma_wait3A_358 = arith.constant 0 : i32
        %dma_wait3A_359 = arith.constant 0 : i32
        %dma_wait3A_360 = tpu.memref_slice %arg6[%dma_wait3A_358, %dma_wait3A_359] : memref<10000x128xf32, #tpu.memory_space<vmem_shared>> -> memref<10000x128xf32, #tpu.memory_space<vmem_shared>>
        tpu.wait_indirect_dma semaphore(%run_scoped3A_348 : memref<!tpu.dma_semaphore, #tpu.memory_space<semaphore_mem>>) src(%arg13 : memref<128x128xf32, #tpu.memory_space<vmem>>) dst(%dma_wait3A_360 : memref<10000x128xf32, #tpu.memory_space<vmem_shared>>)
        tpu.yield
      }) : () -> ()
      %add3A_153 = arith.constant 19200 : i32
      %add3A_154 = arith.addi %mul3A_2, %add3A_153 : i32
      %dma_start3A_155 = arith.constant 0 : i32
      %dma_start3A_156 = tpu.memref_slice %arg3[%dma_start3A_155, %add3A_154] : memref<2x320000xi32, #tpu.memory_space<hbm>> -> memref<2x128xi32, #tpu.memory_space<hbm>>
      %dma_start3A_157 = arith.constant 0 : i32
      %dma_start3A_158 = tpu.memref_slice %arg3[%dma_start3A_157, %add3A_154] : memref<2x320000xi32, #tpu.memory_space<hbm>> -> memref<2x128xi32, #tpu.memory_space<hbm>>
      tpu.enqueue_dma source(%dma_start3A_158 : memref<2x128xi32, #tpu.memory_space<hbm>>) target(%arg9 : memref<2x128xi32, #tpu.memory_space<vmem>>) target_semaphore(%arg16 : memref<!tpu.dma_semaphore, #tpu.memory_space<semaphore_mem>>)
      %dma_wait3A_159 = arith.constant 0 : i32
      %dma_wait3A_160 = arith.constant 0 : i32
      %dma_wait3A_161 = tpu.memref_slice %arg3[%dma_wait3A_159, %dma_wait3A_160] : memref<2x320000xi32, #tpu.memory_space<hbm>> -> memref<2x128xi32, #tpu.memory_space<hbm>>
      %dma_wait3A_162 = arith.constant 0 : i32
      %dma_wait3A_163 = arith.constant 0 : i32
      %dma_wait3A_164 = tpu.memref_slice %arg3[%dma_wait3A_162, %dma_wait3A_163] : memref<2x320000xi32, #tpu.memory_space<hbm>> -> memref<2x128xi32, #tpu.memory_space<hbm>>
      tpu.wait_dma2 semaphore(%arg15 : memref<!tpu.dma_semaphore, #tpu.memory_space<semaphore_mem>>) src(%dma_wait3A_164 : memref<2x128xi32, #tpu.memory_space<hbm>>) dst(%arg8 : memref<2x128xi32, #tpu.memory_space<vmem>>)
      %dma_start3A_165 = arith.constant 0 : i32
      %dma_start3A_166 = arith.constant 0 : i32
      %dma_start3A_167 = tpu.memref_slice %arg8[%dma_start3A_165, %dma_start3A_166] : memref<2x128xi32, #tpu.memory_space<vmem>> -> memref<1x128xi32, #tpu.memory_space<vmem>>
      %dma_start3A_168 = tpu.memref_squeeze %dma_start3A_167 : memref<1x128xi32, #tpu.memory_space<vmem>> -> memref<128xi32, #tpu.memory_space<vmem>>
      %dma_start3A_169 = arith.constant 0 : i32
      %dma_start3A_170 = arith.constant 0 : i32
      %dma_start3A_171 = tpu.memref_slice %arg2[%dma_start3A_169, %dma_start3A_170] : memref<10000x128xf32, #tpu.memory_space<hbm>> -> memref<10000x128xf32, #tpu.memory_space<hbm>>
      tpu.enqueue_indirect_dma source(%dma_start3A_171 : memref<10000x128xf32, #tpu.memory_space<hbm>>) target(%arg13 : memref<128x128xf32, #tpu.memory_space<vmem>>) offsets(%dma_start3A_168 : memref<128xi32, #tpu.memory_space<vmem>>) semaphore(%arg20 : memref<!tpu.dma_semaphore, #tpu.memory_space<semaphore_mem>>)
      %dma_wait3A_172 = arith.constant 0 : i32
      %dma_wait3A_173 = arith.constant 0 : i32
      %dma_wait3A_174 = tpu.memref_slice %arg2[%dma_wait3A_172, %dma_wait3A_173] : memref<10000x128xf32, #tpu.memory_space<hbm>> -> memref<128x128xf32, #tpu.memory_space<hbm>>
      %dma_wait3A_175 = arith.constant 0 : i32
      %dma_wait3A_176 = arith.constant 0 : i32
      %dma_wait3A_177 = tpu.memref_slice %arg2[%dma_wait3A_175, %dma_wait3A_176] : memref<10000x128xf32, #tpu.memory_space<hbm>> -> memref<128x128xf32, #tpu.memory_space<hbm>>
      tpu.wait_dma2 semaphore(%arg18 : memref<!tpu.dma_semaphore, #tpu.memory_space<semaphore_mem>>) src(%dma_wait3A_177 : memref<128x128xf32, #tpu.memory_space<hbm>>) dst(%arg11 : memref<128x128xf32, #tpu.memory_space<vmem>>)
      %run_scoped3A_178 = arith.constant 1 : i32
      "tpu.region"() ({
        %run_scoped3A_348 = tpu.sem_alloc : memref<!tpu.dma_semaphore, #tpu.memory_space<semaphore_mem>>
        %dma_start3A_349 = arith.constant 0 : i32
        %dma_start3A_350 = tpu.memref_slice %arg10[%run_scoped3A_178, %dma_start3A_349] : memref<2x128xi32, #tpu.memory_space<vmem>> -> memref<1x128xi32, #tpu.memory_space<vmem>>
        %dma_start3A_351 = tpu.memref_squeeze %dma_start3A_350 : memref<1x128xi32, #tpu.memory_space<vmem>> -> memref<128xi32, #tpu.memory_space<vmem>>
        %dma_start3A_352 = arith.constant 0 : i32
        %dma_start3A_353 = arith.constant 0 : i32
        %dma_start3A_354 = tpu.memref_slice %arg6[%dma_start3A_352, %dma_start3A_353] : memref<10000x128xf32, #tpu.memory_space<vmem_shared>> -> memref<10000x128xf32, #tpu.memory_space<vmem_shared>>
        tpu.enqueue_indirect_dma source(%arg11 : memref<128x128xf32, #tpu.memory_space<vmem>>) target(%dma_start3A_354 : memref<10000x128xf32, #tpu.memory_space<vmem_shared>>) offsets(%dma_start3A_351 : memref<128xi32, #tpu.memory_space<vmem>>) semaphore(%run_scoped3A_348 : memref<!tpu.dma_semaphore, #tpu.memory_space<semaphore_mem>>) {add = true}
        %dma_wait3A_355 = arith.constant 0 : i32
        %dma_wait3A_356 = tpu.memref_slice %arg10[%run_scoped3A_178, %dma_wait3A_355] : memref<2x128xi32, #tpu.memory_space<vmem>> -> memref<1x128xi32, #tpu.memory_space<vmem>>
        %dma_wait3A_357 = tpu.memref_squeeze %dma_wait3A_356 : memref<1x128xi32, #tpu.memory_space<vmem>> -> memref<128xi32, #tpu.memory_space<vmem>>
        %dma_wait3A_358 = arith.constant 0 : i32
        %dma_wait3A_359 = arith.constant 0 : i32
        %dma_wait3A_360 = tpu.memref_slice %arg6[%dma_wait3A_358, %dma_wait3A_359] : memref<10000x128xf32, #tpu.memory_space<vmem_shared>> -> memref<10000x128xf32, #tpu.memory_space<vmem_shared>>
        tpu.wait_indirect_dma semaphore(%run_scoped3A_348 : memref<!tpu.dma_semaphore, #tpu.memory_space<semaphore_mem>>) src(%arg11 : memref<128x128xf32, #tpu.memory_space<vmem>>) dst(%dma_wait3A_360 : memref<10000x128xf32, #tpu.memory_space<vmem_shared>>)
        tpu.yield
      }) : () -> ()
      %add3A_179 = arith.constant 19328 : i32
      %add3A_180 = arith.addi %mul3A_2, %add3A_179 : i32
      %dma_start3A_181 = arith.constant 0 : i32
      %dma_start3A_182 = tpu.memref_slice %arg3[%dma_start3A_181, %add3A_180] : memref<2x320000xi32, #tpu.memory_space<hbm>> -> memref<2x128xi32, #tpu.memory_space<hbm>>
      %dma_start3A_183 = arith.constant 0 : i32
      %dma_start3A_184 = tpu.memref_slice %arg3[%dma_start3A_183, %add3A_180] : memref<2x320000xi32, #tpu.memory_space<hbm>> -> memref<2x128xi32, #tpu.memory_space<hbm>>
      tpu.enqueue_dma source(%dma_start3A_184 : memref<2x128xi32, #tpu.memory_space<hbm>>) target(%arg10 : memref<2x128xi32, #tpu.memory_space<vmem>>) target_semaphore(%arg17 : memref<!tpu.dma_semaphore, #tpu.memory_space<semaphore_mem>>)
      %dma_wait3A_185 = arith.constant 0 : i32
      %dma_wait3A_186 = arith.constant 0 : i32
      %dma_wait3A_187 = tpu.memref_slice %arg3[%dma_wait3A_185, %dma_wait3A_186] : memref<2x320000xi32, #tpu.memory_space<hbm>> -> memref<2x128xi32, #tpu.memory_space<hbm>>
      %dma_wait3A_188 = arith.constant 0 : i32
      %dma_wait3A_189 = arith.constant 0 : i32
      %dma_wait3A_190 = tpu.memref_slice %arg3[%dma_wait3A_188, %dma_wait3A_189] : memref<2x320000xi32, #tpu.memory_space<hbm>> -> memref<2x128xi32, #tpu.memory_space<hbm>>
      tpu.wait_dma2 semaphore(%arg16 : memref<!tpu.dma_semaphore, #tpu.memory_space<semaphore_mem>>) src(%dma_wait3A_190 : memref<2x128xi32, #tpu.memory_space<hbm>>) dst(%arg9 : memref<2x128xi32, #tpu.memory_space<vmem>>)
      %dma_start3A_191 = arith.constant 0 : i32
      %dma_start3A_192 = arith.constant 0 : i32
      %dma_start3A_193 = tpu.memref_slice %arg9[%dma_start3A_191, %dma_start3A_192] : memref<2x128xi32, #tpu.memory_space<vmem>> -> memref<1x128xi32, #tpu.memory_space<vmem>>
      %dma_start3A_194 = tpu.memref_squeeze %dma_start3A_193 : memref<1x128xi32, #tpu.memory_space<vmem>> -> memref<128xi32, #tpu.memory_space<vmem>>
      %dma_start3A_195 = arith.constant 0 : i32
      %dma_start3A_196 = arith.constant 0 : i32
      %dma_start3A_197 = tpu.memref_slice %arg2[%dma_start3A_195, %dma_start3A_196] : memref<10000x128xf32, #tpu.memory_space<hbm>> -> memref<10000x128xf32, #tpu.memory_space<hbm>>
      tpu.enqueue_indirect_dma source(%dma_start3A_197 : memref<10000x128xf32, #tpu.memory_space<hbm>>) target(%arg11 : memref<128x128xf32, #tpu.memory_space<vmem>>) offsets(%dma_start3A_194 : memref<128xi32, #tpu.memory_space<vmem>>) semaphore(%arg18 : memref<!tpu.dma_semaphore, #tpu.memory_space<semaphore_mem>>)
      %dma_wait3A_198 = arith.constant 0 : i32
      %dma_wait3A_199 = arith.constant 0 : i32
      %dma_wait3A_200 = tpu.memref_slice %arg2[%dma_wait3A_198, %dma_wait3A_199] : memref<10000x128xf32, #tpu.memory_space<hbm>> -> memref<128x128xf32, #tpu.memory_space<hbm>>
      %dma_wait3A_201 = arith.constant 0 : i32
      %dma_wait3A_202 = arith.constant 0 : i32
      %dma_wait3A_203 = tpu.memref_slice %arg2[%dma_wait3A_201, %dma_wait3A_202] : memref<10000x128xf32, #tpu.memory_space<hbm>> -> memref<128x128xf32, #tpu.memory_space<hbm>>
      tpu.wait_dma2 semaphore(%arg19 : memref<!tpu.dma_semaphore, #tpu.memory_space<semaphore_mem>>) src(%dma_wait3A_203 : memref<128x128xf32, #tpu.memory_space<hbm>>) dst(%arg12 : memref<128x128xf32, #tpu.memory_space<vmem>>)
      %run_scoped3A_204 = arith.constant 1 : i32
      "tpu.region"() ({
        %run_scoped3A_348 = tpu.sem_alloc : memref<!tpu.dma_semaphore, #tpu.memory_space<semaphore_mem>>
        %dma_start3A_349 = arith.constant 0 : i32
        %dma_start3A_350 = tpu.memref_slice %arg7[%run_scoped3A_204, %dma_start3A_349] : memref<2x128xi32, #tpu.memory_space<vmem>> -> memref<1x128xi32, #tpu.memory_space<vmem>>
        %dma_start3A_351 = tpu.memref_squeeze %dma_start3A_350 : memref<1x128xi32, #tpu.memory_space<vmem>> -> memref<128xi32, #tpu.memory_space<vmem>>
        %dma_start3A_352 = arith.constant 0 : i32
        %dma_start3A_353 = arith.constant 0 : i32
        %dma_start3A_354 = tpu.memref_slice %arg6[%dma_start3A_352, %dma_start3A_353] : memref<10000x128xf32, #tpu.memory_space<vmem_shared>> -> memref<10000x128xf32, #tpu.memory_space<vmem_shared>>
        tpu.enqueue_indirect_dma source(%arg12 : memref<128x128xf32, #tpu.memory_space<vmem>>) target(%dma_start3A_354 : memref<10000x128xf32, #tpu.memory_space<vmem_shared>>) offsets(%dma_start3A_351 : memref<128xi32, #tpu.memory_space<vmem>>) semaphore(%run_scoped3A_348 : memref<!tpu.dma_semaphore, #tpu.memory_space<semaphore_mem>>) {add = true}
        %dma_wait3A_355 = arith.constant 0 : i32
        %dma_wait3A_356 = tpu.memref_slice %arg7[%run_scoped3A_204, %dma_wait3A_355] : memref<2x128xi32, #tpu.memory_space<vmem>> -> memref<1x128xi32, #tpu.memory_space<vmem>>
        %dma_wait3A_357 = tpu.memref_squeeze %dma_wait3A_356 : memref<1x128xi32, #tpu.memory_space<vmem>> -> memref<128xi32, #tpu.memory_space<vmem>>
        %dma_wait3A_358 = arith.constant 0 : i32
        %dma_wait3A_359 = arith.constant 0 : i32
        %dma_wait3A_360 = tpu.memref_slice %arg6[%dma_wait3A_358, %dma_wait3A_359] : memref<10000x128xf32, #tpu.memory_space<vmem_shared>> -> memref<10000x128xf32, #tpu.memory_space<vmem_shared>>
        tpu.wait_indirect_dma semaphore(%run_scoped3A_348 : memref<!tpu.dma_semaphore, #tpu.memory_space<semaphore_mem>>) src(%arg12 : memref<128x128xf32, #tpu.memory_space<vmem>>) dst(%dma_wait3A_360 : memref<10000x128xf32, #tpu.memory_space<vmem_shared>>)
        tpu.yield
      }) : () -> ()
      %add3A_205 = arith.constant 19456 : i32
      %add3A_206 = arith.addi %mul3A_2, %add3A_205 : i32
      %dma_start3A_207 = arith.constant 0 : i32
      %dma_start3A_208 = tpu.memref_slice %arg3[%dma_start3A_207, %add3A_206] : memref<2x320000xi32, #tpu.memory_space<hbm>> -> memref<2x128xi32, #tpu.memory_space<hbm>>
      %dma_start3A_209 = arith.constant 0 : i32
      %dma_start3A_210 = tpu.memref_slice %arg3[%dma_start3A_209, %add3A_206] : memref<2x320000xi32, #tpu.memory_space<hbm>> -> memref<2x128xi32, #tpu.memory_space<hbm>>
      tpu.enqueue_dma source(%dma_start3A_210 : memref<2x128xi32, #tpu.memory_space<hbm>>) target(%arg7 : memref<2x128xi32, #tpu.memory_space<vmem>>) target_semaphore(%arg14 : memref<!tpu.dma_semaphore, #tpu.memory_space<semaphore_mem>>)
      %dma_wait3A_211 = arith.constant 0 : i32
      %dma_wait3A_212 = arith.constant 0 : i32
      %dma_wait3A_213 = tpu.memref_slice %arg3[%dma_wait3A_211, %dma_wait3A_212] : memref<2x320000xi32, #tpu.memory_space<hbm>> -> memref<2x128xi32, #tpu.memory_space<hbm>>
      %dma_wait3A_214 = arith.constant 0 : i32
      %dma_wait3A_215 = arith.constant 0 : i32
      %dma_wait3A_216 = tpu.memref_slice %arg3[%dma_wait3A_214, %dma_wait3A_215] : memref<2x320000xi32, #tpu.memory_space<hbm>> -> memref<2x128xi32, #tpu.memory_space<hbm>>
      tpu.wait_dma2 semaphore(%arg17 : memref<!tpu.dma_semaphore, #tpu.memory_space<semaphore_mem>>) src(%dma_wait3A_216 : memref<2x128xi32, #tpu.memory_space<hbm>>) dst(%arg10 : memref<2x128xi32, #tpu.memory_space<vmem>>)
      %dma_start3A_217 = arith.constant 0 : i32
      %dma_start3A_218 = arith.constant 0 : i32
      %dma_start3A_219 = tpu.memref_slice %arg10[%dma_start3A_217, %dma_start3A_218] : memref<2x128xi32, #tpu.memory_space<vmem>> -> memref<1x128xi32, #tpu.memory_space<vmem>>
      %dma_start3A_220 = tpu.memref_squeeze %dma_start3A_219 : memref<1x128xi32, #tpu.memory_space<vmem>> -> memref<128xi32, #tpu.memory_space<vmem>>
      %dma_start3A_221 = arith.constant 0 : i32
      %dma_start3A_222 = arith.constant 0 : i32
      %dma_start3A_223 = tpu.memref_slice %arg2[%dma_start3A_221, %dma_start3A_222] : memref<10000x128xf32, #tpu.memory_space<hbm>> -> memref<10000x128xf32, #tpu.memory_space<hbm>>
      tpu.enqueue_indirect_dma source(%dma_start3A_223 : memref<10000x128xf32, #tpu.memory_space<hbm>>) target(%arg12 : memref<128x128xf32, #tpu.memory_space<vmem>>) offsets(%dma_start3A_220 : memref<128xi32, #tpu.memory_space<vmem>>) semaphore(%arg19 : memref<!tpu.dma_semaphore, #tpu.memory_space<semaphore_mem>>)
      %dma_wait3A_224 = arith.constant 0 : i32
      %dma_wait3A_225 = arith.constant 0 : i32
      %dma_wait3A_226 = tpu.memref_slice %arg2[%dma_wait3A_224, %dma_wait3A_225] : memref<10000x128xf32, #tpu.memory_space<hbm>> -> memref<128x128xf32, #tpu.memory_space<hbm>>
      %dma_wait3A_227 = arith.constant 0 : i32
      %dma_wait3A_228 = arith.constant 0 : i32
      %dma_wait3A_229 = tpu.memref_slice %arg2[%dma_wait3A_227, %dma_wait3A_228] : memref<10000x128xf32, #tpu.memory_space<hbm>> -> memref<128x128xf32, #tpu.memory_space<hbm>>
      tpu.wait_dma2 semaphore(%arg20 : memref<!tpu.dma_semaphore, #tpu.memory_space<semaphore_mem>>) src(%dma_wait3A_229 : memref<128x128xf32, #tpu.memory_space<hbm>>) dst(%arg13 : memref<128x128xf32, #tpu.memory_space<vmem>>)
      %run_scoped3A_230 = arith.constant 1 : i32
      "tpu.region"() ({
        %run_scoped3A_348 = tpu.sem_alloc : memref<!tpu.dma_semaphore, #tpu.memory_space<semaphore_mem>>
        %dma_start3A_349 = arith.constant 0 : i32
        %dma_start3A_350 = tpu.memref_slice %arg8[%run_scoped3A_230, %dma_start3A_349] : memref<2x128xi32, #tpu.memory_space<vmem>> -> memref<1x128xi32, #tpu.memory_space<vmem>>
        %dma_start3A_351 = tpu.memref_squeeze %dma_start3A_350 : memref<1x128xi32, #tpu.memory_space<vmem>> -> memref<128xi32, #tpu.memory_space<vmem>>
        %dma_start3A_352 = arith.constant 0 : i32
        %dma_start3A_353 = arith.constant 0 : i32
        %dma_start3A_354 = tpu.memref_slice %arg6[%dma_start3A_352, %dma_start3A_353] : memref<10000x128xf32, #tpu.memory_space<vmem_shared>> -> memref<10000x128xf32, #tpu.memory_space<vmem_shared>>
        tpu.enqueue_indirect_dma source(%arg13 : memref<128x128xf32, #tpu.memory_space<vmem>>) target(%dma_start3A_354 : memref<10000x128xf32, #tpu.memory_space<vmem_shared>>) offsets(%dma_start3A_351 : memref<128xi32, #tpu.memory_space<vmem>>) semaphore(%run_scoped3A_348 : memref<!tpu.dma_semaphore, #tpu.memory_space<semaphore_mem>>) {add = true}
        %dma_wait3A_355 = arith.constant 0 : i32
        %dma_wait3A_356 = tpu.memref_slice %arg8[%run_scoped3A_230, %dma_wait3A_355] : memref<2x128xi32, #tpu.memory_space<vmem>> -> memref<1x128xi32, #tpu.memory_space<vmem>>
        %dma_wait3A_357 = tpu.memref_squeeze %dma_wait3A_356 : memref<1x128xi32, #tpu.memory_space<vmem>> -> memref<128xi32, #tpu.memory_space<vmem>>
        %dma_wait3A_358 = arith.constant 0 : i32
        %dma_wait3A_359 = arith.constant 0 : i32
        %dma_wait3A_360 = tpu.memref_slice %arg6[%dma_wait3A_358, %dma_wait3A_359] : memref<10000x128xf32, #tpu.memory_space<vmem_shared>> -> memref<10000x128xf32, #tpu.memory_space<vmem_shared>>
        tpu.wait_indirect_dma semaphore(%run_scoped3A_348 : memref<!tpu.dma_semaphore, #tpu.memory_space<semaphore_mem>>) src(%arg13 : memref<128x128xf32, #tpu.memory_space<vmem>>) dst(%dma_wait3A_360 : memref<10000x128xf32, #tpu.memory_space<vmem_shared>>)
        tpu.yield
      }) : () -> ()
      %add3A_231 = arith.constant 19584 : i32
      %add3A_232 = arith.addi %mul3A_2, %add3A_231 : i32
      %dma_start3A_233 = arith.constant 0 : i32
      %dma_start3A_234 = tpu.memref_slice %arg3[%dma_start3A_233, %add3A_232] : memref<2x320000xi32, #tpu.memory_space<hbm>> -> memref<2x128xi32, #tpu.memory_space<hbm>>
      %dma_start3A_235 = arith.constant 0 : i32
      %dma_start3A_236 = tpu.memref_slice %arg3[%dma_start3A_235, %add3A_232] : memref<2x320000xi32, #tpu.memory_space<hbm>> -> memref<2x128xi32, #tpu.memory_space<hbm>>
      tpu.enqueue_dma source(%dma_start3A_236 : memref<2x128xi32, #tpu.memory_space<hbm>>) target(%arg8 : memref<2x128xi32, #tpu.memory_space<vmem>>) target_semaphore(%arg15 : memref<!tpu.dma_semaphore, #tpu.memory_space<semaphore_mem>>)
      %dma_wait3A_237 = arith.constant 0 : i32
      %dma_wait3A_238 = arith.constant 0 : i32
      %dma_wait3A_239 = tpu.memref_slice %arg3[%dma_wait3A_237, %dma_wait3A_238] : memref<2x320000xi32, #tpu.memory_space<hbm>> -> memref<2x128xi32, #tpu.memory_space<hbm>>
      %dma_wait3A_240 = arith.constant 0 : i32
      %dma_wait3A_241 = arith.constant 0 : i32
      %dma_wait3A_242 = tpu.memref_slice %arg3[%dma_wait3A_240, %dma_wait3A_241] : memref<2x320000xi32, #tpu.memory_space<hbm>> -> memref<2x128xi32, #tpu.memory_space<hbm>>
      tpu.wait_dma2 semaphore(%arg14 : memref<!tpu.dma_semaphore, #tpu.memory_space<semaphore_mem>>) src(%dma_wait3A_242 : memref<2x128xi32, #tpu.memory_space<hbm>>) dst(%arg7 : memref<2x128xi32, #tpu.memory_space<vmem>>)
      %dma_start3A_243 = arith.constant 0 : i32
      %dma_start3A_244 = arith.constant 0 : i32
      %dma_start3A_245 = tpu.memref_slice %arg7[%dma_start3A_243, %dma_start3A_244] : memref<2x128xi32, #tpu.memory_space<vmem>> -> memref<1x128xi32, #tpu.memory_space<vmem>>
      %dma_start3A_246 = tpu.memref_squeeze %dma_start3A_245 : memref<1x128xi32, #tpu.memory_space<vmem>> -> memref<128xi32, #tpu.memory_space<vmem>>
      %dma_start3A_247 = arith.constant 0 : i32
      %dma_start3A_248 = arith.constant 0 : i32
      %dma_start3A_249 = tpu.memref_slice %arg2[%dma_start3A_247, %dma_start3A_248] : memref<10000x128xf32, #tpu.memory_space<hbm>> -> memref<10000x128xf32, #tpu.memory_space<hbm>>
      tpu.enqueue_indirect_dma source(%dma_start3A_249 : memref<10000x128xf32, #tpu.memory_space<hbm>>) target(%arg13 : memref<128x128xf32, #tpu.memory_space<vmem>>) offsets(%dma_start3A_246 : memref<128xi32, #tpu.memory_space<vmem>>) semaphore(%arg20 : memref<!tpu.dma_semaphore, #tpu.memory_space<semaphore_mem>>)
      %dma_wait3A_250 = arith.constant 0 : i32
      %dma_wait3A_251 = arith.constant 0 : i32
      %dma_wait3A_252 = tpu.memref_slice %arg2[%dma_wait3A_250, %dma_wait3A_251] : memref<10000x128xf32, #tpu.memory_space<hbm>> -> memref<128x128xf32, #tpu.memory_space<hbm>>
      %dma_wait3A_253 = arith.constant 0 : i32
      %dma_wait3A_254 = arith.constant 0 : i32
      %dma_wait3A_255 = tpu.memref_slice %arg2[%dma_wait3A_253, %dma_wait3A_254] : memref<10000x128xf32, #tpu.memory_space<hbm>> -> memref<128x128xf32, #tpu.memory_space<hbm>>
      tpu.wait_dma2 semaphore(%arg18 : memref<!tpu.dma_semaphore, #tpu.memory_space<semaphore_mem>>) src(%dma_wait3A_255 : memref<128x128xf32, #tpu.memory_space<hbm>>) dst(%arg11 : memref<128x128xf32, #tpu.memory_space<vmem>>)
      %run_scoped3A_256 = arith.constant 1 : i32
      "tpu.region"() ({
        %run_scoped3A_348 = tpu.sem_alloc : memref<!tpu.dma_semaphore, #tpu.memory_space<semaphore_mem>>
        %dma_start3A_349 = arith.constant 0 : i32
        %dma_start3A_350 = tpu.memref_slice %arg9[%run_scoped3A_256, %dma_start3A_349] : memref<2x128xi32, #tpu.memory_space<vmem>> -> memref<1x128xi32, #tpu.memory_space<vmem>>
        %dma_start3A_351 = tpu.memref_squeeze %dma_start3A_350 : memref<1x128xi32, #tpu.memory_space<vmem>> -> memref<128xi32, #tpu.memory_space<vmem>>
        %dma_start3A_352 = arith.constant 0 : i32
        %dma_start3A_353 = arith.constant 0 : i32
        %dma_start3A_354 = tpu.memref_slice %arg6[%dma_start3A_352, %dma_start3A_353] : memref<10000x128xf32, #tpu.memory_space<vmem_shared>> -> memref<10000x128xf32, #tpu.memory_space<vmem_shared>>
        tpu.enqueue_indirect_dma source(%arg11 : memref<128x128xf32, #tpu.memory_space<vmem>>) target(%dma_start3A_354 : memref<10000x128xf32, #tpu.memory_space<vmem_shared>>) offsets(%dma_start3A_351 : memref<128xi32, #tpu.memory_space<vmem>>) semaphore(%run_scoped3A_348 : memref<!tpu.dma_semaphore, #tpu.memory_space<semaphore_mem>>) {add = true}
        %dma_wait3A_355 = arith.constant 0 : i32
        %dma_wait3A_356 = tpu.memref_slice %arg9[%run_scoped3A_256, %dma_wait3A_355] : memref<2x128xi32, #tpu.memory_space<vmem>> -> memref<1x128xi32, #tpu.memory_space<vmem>>
        %dma_wait3A_357 = tpu.memref_squeeze %dma_wait3A_356 : memref<1x128xi32, #tpu.memory_space<vmem>> -> memref<128xi32, #tpu.memory_space<vmem>>
        %dma_wait3A_358 = arith.constant 0 : i32
        %dma_wait3A_359 = arith.constant 0 : i32
        %dma_wait3A_360 = tpu.memref_slice %arg6[%dma_wait3A_358, %dma_wait3A_359] : memref<10000x128xf32, #tpu.memory_space<vmem_shared>> -> memref<10000x128xf32, #tpu.memory_space<vmem_shared>>
        tpu.wait_indirect_dma semaphore(%run_scoped3A_348 : memref<!tpu.dma_semaphore, #tpu.memory_space<semaphore_mem>>) src(%arg11 : memref<128x128xf32, #tpu.memory_space<vmem>>) dst(%dma_wait3A_360 : memref<10000x128xf32, #tpu.memory_space<vmem_shared>>)
        tpu.yield
      }) : () -> ()
      %add3A_257 = arith.constant 19712 : i32
      %add3A_258 = arith.addi %mul3A_2, %add3A_257 : i32
      %dma_start3A_259 = arith.constant 0 : i32
      %dma_start3A_260 = tpu.memref_slice %arg3[%dma_start3A_259, %add3A_258] : memref<2x320000xi32, #tpu.memory_space<hbm>> -> memref<2x128xi32, #tpu.memory_space<hbm>>
      %dma_start3A_261 = arith.constant 0 : i32
      %dma_start3A_262 = tpu.memref_slice %arg3[%dma_start3A_261, %add3A_258] : memref<2x320000xi32, #tpu.memory_space<hbm>> -> memref<2x128xi32, #tpu.memory_space<hbm>>
      tpu.enqueue_dma source(%dma_start3A_262 : memref<2x128xi32, #tpu.memory_space<hbm>>) target(%arg9 : memref<2x128xi32, #tpu.memory_space<vmem>>) target_semaphore(%arg16 : memref<!tpu.dma_semaphore, #tpu.memory_space<semaphore_mem>>)
      %dma_wait3A_263 = arith.constant 0 : i32
      %dma_wait3A_264 = arith.constant 0 : i32
      %dma_wait3A_265 = tpu.memref_slice %arg3[%dma_wait3A_263, %dma_wait3A_264] : memref<2x320000xi32, #tpu.memory_space<hbm>> -> memref<2x128xi32, #tpu.memory_space<hbm>>
      %dma_wait3A_266 = arith.constant 0 : i32
      %dma_wait3A_267 = arith.constant 0 : i32
      %dma_wait3A_268 = tpu.memref_slice %arg3[%dma_wait3A_266, %dma_wait3A_267] : memref<2x320000xi32, #tpu.memory_space<hbm>> -> memref<2x128xi32, #tpu.memory_space<hbm>>
      tpu.wait_dma2 semaphore(%arg15 : memref<!tpu.dma_semaphore, #tpu.memory_space<semaphore_mem>>) src(%dma_wait3A_268 : memref<2x128xi32, #tpu.memory_space<hbm>>) dst(%arg8 : memref<2x128xi32, #tpu.memory_space<vmem>>)
      %dma_start3A_269 = arith.constant 0 : i32
      %dma_start3A_270 = arith.constant 0 : i32
      %dma_start3A_271 = tpu.memref_slice %arg8[%dma_start3A_269, %dma_start3A_270] : memref<2x128xi32, #tpu.memory_space<vmem>> -> memref<1x128xi32, #tpu.memory_space<vmem>>
      %dma_start3A_272 = tpu.memref_squeeze %dma_start3A_271 : memref<1x128xi32, #tpu.memory_space<vmem>> -> memref<128xi32, #tpu.memory_space<vmem>>
      %dma_start3A_273 = arith.constant 0 : i32
      %dma_start3A_274 = arith.constant 0 : i32
      %dma_start3A_275 = tpu.memref_slice %arg2[%dma_start3A_273, %dma_start3A_274] : memref<10000x128xf32, #tpu.memory_space<hbm>> -> memref<10000x128xf32, #tpu.memory_space<hbm>>
      tpu.enqueue_indirect_dma source(%dma_start3A_275 : memref<10000x128xf32, #tpu.memory_space<hbm>>) target(%arg11 : memref<128x128xf32, #tpu.memory_space<vmem>>) offsets(%dma_start3A_272 : memref<128xi32, #tpu.memory_space<vmem>>) semaphore(%arg18 : memref<!tpu.dma_semaphore, #tpu.memory_space<semaphore_mem>>)
      %dma_wait3A_276 = arith.constant 0 : i32
      %dma_wait3A_277 = arith.constant 0 : i32
      %dma_wait3A_278 = tpu.memref_slice %arg2[%dma_wait3A_276, %dma_wait3A_277] : memref<10000x128xf32, #tpu.memory_space<hbm>> -> memref<128x128xf32, #tpu.memory_space<hbm>>
      %dma_wait3A_279 = arith.constant 0 : i32
      %dma_wait3A_280 = arith.constant 0 : i32
      %dma_wait3A_281 = tpu.memref_slice %arg2[%dma_wait3A_279, %dma_wait3A_280] : memref<10000x128xf32, #tpu.memory_space<hbm>> -> memref<128x128xf32, #tpu.memory_space<hbm>>
      tpu.wait_dma2 semaphore(%arg19 : memref<!tpu.dma_semaphore, #tpu.memory_space<semaphore_mem>>) src(%dma_wait3A_281 : memref<128x128xf32, #tpu.memory_space<hbm>>) dst(%arg12 : memref<128x128xf32, #tpu.memory_space<vmem>>)
      %run_scoped3A_282 = arith.constant 1 : i32
      "tpu.region"() ({
        %run_scoped3A_348 = tpu.sem_alloc : memref<!tpu.dma_semaphore, #tpu.memory_space<semaphore_mem>>
        %dma_start3A_349 = arith.constant 0 : i32
        %dma_start3A_350 = tpu.memref_slice %arg10[%run_scoped3A_282, %dma_start3A_349] : memref<2x128xi32, #tpu.memory_space<vmem>> -> memref<1x128xi32, #tpu.memory_space<vmem>>
        %dma_start3A_351 = tpu.memref_squeeze %dma_start3A_350 : memref<1x128xi32, #tpu.memory_space<vmem>> -> memref<128xi32, #tpu.memory_space<vmem>>
        %dma_start3A_352 = arith.constant 0 : i32
        %dma_start3A_353 = arith.constant 0 : i32
        %dma_start3A_354 = tpu.memref_slice %arg6[%dma_start3A_352, %dma_start3A_353] : memref<10000x128xf32, #tpu.memory_space<vmem_shared>> -> memref<10000x128xf32, #tpu.memory_space<vmem_shared>>
        tpu.enqueue_indirect_dma source(%arg12 : memref<128x128xf32, #tpu.memory_space<vmem>>) target(%dma_start3A_354 : memref<10000x128xf32, #tpu.memory_space<vmem_shared>>) offsets(%dma_start3A_351 : memref<128xi32, #tpu.memory_space<vmem>>) semaphore(%run_scoped3A_348 : memref<!tpu.dma_semaphore, #tpu.memory_space<semaphore_mem>>) {add = true}
        %dma_wait3A_355 = arith.constant 0 : i32
        %dma_wait3A_356 = tpu.memref_slice %arg10[%run_scoped3A_282, %dma_wait3A_355] : memref<2x128xi32, #tpu.memory_space<vmem>> -> memref<1x128xi32, #tpu.memory_space<vmem>>
        %dma_wait3A_357 = tpu.memref_squeeze %dma_wait3A_356 : memref<1x128xi32, #tpu.memory_space<vmem>> -> memref<128xi32, #tpu.memory_space<vmem>>
        %dma_wait3A_358 = arith.constant 0 : i32
        %dma_wait3A_359 = arith.constant 0 : i32
        %dma_wait3A_360 = tpu.memref_slice %arg6[%dma_wait3A_358, %dma_wait3A_359] : memref<10000x128xf32, #tpu.memory_space<vmem_shared>> -> memref<10000x128xf32, #tpu.memory_space<vmem_shared>>
        tpu.wait_indirect_dma semaphore(%run_scoped3A_348 : memref<!tpu.dma_semaphore, #tpu.memory_space<semaphore_mem>>) src(%arg12 : memref<128x128xf32, #tpu.memory_space<vmem>>) dst(%dma_wait3A_360 : memref<10000x128xf32, #tpu.memory_space<vmem_shared>>)
        tpu.yield
      }) : () -> ()
      %add3A_283 = arith.constant 19840 : i32
      %add3A_284 = arith.addi %mul3A_2, %add3A_283 : i32
      %dma_start3A_285 = arith.constant 0 : i32
      %dma_start3A_286 = tpu.memref_slice %arg3[%dma_start3A_285, %add3A_284] : memref<2x320000xi32, #tpu.memory_space<hbm>> -> memref<2x128xi32, #tpu.memory_space<hbm>>
      %dma_start3A_287 = arith.constant 0 : i32
      %dma_start3A_288 = tpu.memref_slice %arg3[%dma_start3A_287, %add3A_284] : memref<2x320000xi32, #tpu.memory_space<hbm>> -> memref<2x128xi32, #tpu.memory_space<hbm>>
      tpu.enqueue_dma source(%dma_start3A_288 : memref<2x128xi32, #tpu.memory_space<hbm>>) target(%arg10 : memref<2x128xi32, #tpu.memory_space<vmem>>) target_semaphore(%arg17 : memref<!tpu.dma_semaphore, #tpu.memory_space<semaphore_mem>>)
      %dma_wait3A_289 = arith.constant 0 : i32
      %dma_wait3A_290 = arith.constant 0 : i32
      %dma_wait3A_291 = tpu.memref_slice %arg3[%dma_wait3A_289, %dma_wait3A_290] : memref<2x320000xi32, #tpu.memory_space<hbm>> -> memref<2x128xi32, #tpu.memory_space<hbm>>
      %dma_wait3A_292 = arith.constant 0 : i32
      %dma_wait3A_293 = arith.constant 0 : i32
      %dma_wait3A_294 = tpu.memref_slice %arg3[%dma_wait3A_292, %dma_wait3A_293] : memref<2x320000xi32, #tpu.memory_space<hbm>> -> memref<2x128xi32, #tpu.memory_space<hbm>>
      tpu.wait_dma2 semaphore(%arg16 : memref<!tpu.dma_semaphore, #tpu.memory_space<semaphore_mem>>) src(%dma_wait3A_294 : memref<2x128xi32, #tpu.memory_space<hbm>>) dst(%arg9 : memref<2x128xi32, #tpu.memory_space<vmem>>)
      %dma_start3A_295 = arith.constant 0 : i32
      %dma_start3A_296 = arith.constant 0 : i32
      %dma_start3A_297 = tpu.memref_slice %arg9[%dma_start3A_295, %dma_start3A_296] : memref<2x128xi32, #tpu.memory_space<vmem>> -> memref<1x128xi32, #tpu.memory_space<vmem>>
      %dma_start3A_298 = tpu.memref_squeeze %dma_start3A_297 : memref<1x128xi32, #tpu.memory_space<vmem>> -> memref<128xi32, #tpu.memory_space<vmem>>
      %dma_start3A_299 = arith.constant 0 : i32
      %dma_start3A_300 = arith.constant 0 : i32
      %dma_start3A_301 = tpu.memref_slice %arg2[%dma_start3A_299, %dma_start3A_300] : memref<10000x128xf32, #tpu.memory_space<hbm>> -> memref<10000x128xf32, #tpu.memory_space<hbm>>
      tpu.enqueue_indirect_dma source(%dma_start3A_301 : memref<10000x128xf32, #tpu.memory_space<hbm>>) target(%arg12 : memref<128x128xf32, #tpu.memory_space<vmem>>) offsets(%dma_start3A_298 : memref<128xi32, #tpu.memory_space<vmem>>) semaphore(%arg19 : memref<!tpu.dma_semaphore, #tpu.memory_space<semaphore_mem>>)
      %dma_wait3A_302 = arith.constant 0 : i32
      %dma_wait3A_303 = arith.constant 0 : i32
      %dma_wait3A_304 = tpu.memref_slice %arg2[%dma_wait3A_302, %dma_wait3A_303] : memref<10000x128xf32, #tpu.memory_space<hbm>> -> memref<128x128xf32, #tpu.memory_space<hbm>>
      %dma_wait3A_305 = arith.constant 0 : i32
      %dma_wait3A_306 = arith.constant 0 : i32
      %dma_wait3A_307 = tpu.memref_slice %arg2[%dma_wait3A_305, %dma_wait3A_306] : memref<10000x128xf32, #tpu.memory_space<hbm>> -> memref<128x128xf32, #tpu.memory_space<hbm>>
      tpu.wait_dma2 semaphore(%arg20 : memref<!tpu.dma_semaphore, #tpu.memory_space<semaphore_mem>>) src(%dma_wait3A_307 : memref<128x128xf32, #tpu.memory_space<hbm>>) dst(%arg13 : memref<128x128xf32, #tpu.memory_space<vmem>>)
      %run_scoped3A_308 = arith.constant 1 : i32
      "tpu.region"() ({
        %run_scoped3A_348 = tpu.sem_alloc : memref<!tpu.dma_semaphore, #tpu.memory_space<semaphore_mem>>
        %dma_start3A_349 = arith.constant 0 : i32
        %dma_start3A_350 = tpu.memref_slice %arg7[%run_scoped3A_308, %dma_start3A_349] : memref<2x128xi32, #tpu.memory_space<vmem>> -> memref<1x128xi32, #tpu.memory_space<vmem>>
        %dma_start3A_351 = tpu.memref_squeeze %dma_start3A_350 : memref<1x128xi32, #tpu.memory_space<vmem>> -> memref<128xi32, #tpu.memory_space<vmem>>
        %dma_start3A_352 = arith.constant 0 : i32
        %dma_start3A_353 = arith.constant 0 : i32
        %dma_start3A_354 = tpu.memref_slice %arg6[%dma_start3A_352, %dma_start3A_353] : memref<10000x128xf32, #tpu.memory_space<vmem_shared>> -> memref<10000x128xf32, #tpu.memory_space<vmem_shared>>
        tpu.enqueue_indirect_dma source(%arg13 : memref<128x128xf32, #tpu.memory_space<vmem>>) target(%dma_start3A_354 : memref<10000x128xf32, #tpu.memory_space<vmem_shared>>) offsets(%dma_start3A_351 : memref<128xi32, #tpu.memory_space<vmem>>) semaphore(%run_scoped3A_348 : memref<!tpu.dma_semaphore, #tpu.memory_space<semaphore_mem>>) {add = true}
        %dma_wait3A_355 = arith.constant 0 : i32
        %dma_wait3A_356 = tpu.memref_slice %arg7[%run_scoped3A_308, %dma_wait3A_355] : memref<2x128xi32, #tpu.memory_space<vmem>> -> memref<1x128xi32, #tpu.memory_space<vmem>>
        %dma_wait3A_357 = tpu.memref_squeeze %dma_wait3A_356 : memref<1x128xi32, #tpu.memory_space<vmem>> -> memref<128xi32, #tpu.memory_space<vmem>>
        %dma_wait3A_358 = arith.constant 0 : i32
        %dma_wait3A_359 = arith.constant 0 : i32
        %dma_wait3A_360 = tpu.memref_slice %arg6[%dma_wait3A_358, %dma_wait3A_359] : memref<10000x128xf32, #tpu.memory_space<vmem_shared>> -> memref<10000x128xf32, #tpu.memory_space<vmem_shared>>
        tpu.wait_indirect_dma semaphore(%run_scoped3A_348 : memref<!tpu.dma_semaphore, #tpu.memory_space<semaphore_mem>>) src(%arg13 : memref<128x128xf32, #tpu.memory_space<vmem>>) dst(%dma_wait3A_360 : memref<10000x128xf32, #tpu.memory_space<vmem_shared>>)
        tpu.yield
      }) : () -> ()
      %dma_wait3A_309 = arith.constant 0 : i32
      %dma_wait3A_310 = arith.constant 0 : i32
      %dma_wait3A_311 = tpu.memref_slice %arg3[%dma_wait3A_309, %dma_wait3A_310] : memref<2x320000xi32, #tpu.memory_space<hbm>> -> memref<2x128xi32, #tpu.memory_space<hbm>>
      %dma_wait3A_312 = arith.constant 0 : i32
      %dma_wait3A_313 = arith.constant 0 : i32
      %dma_wait3A_314 = tpu.memref_slice %arg3[%dma_wait3A_312, %dma_wait3A_313] : memref<2x320000xi32, #tpu.memory_space<hbm>> -> memref<2x128xi32, #tpu.memory_space<hbm>>
      tpu.wait_dma2 semaphore(%arg17 : memref<!tpu.dma_semaphore, #tpu.memory_space<semaphore_mem>>) src(%dma_wait3A_314 : memref<2x128xi32, #tpu.memory_space<hbm>>) dst(%arg10 : memref<2x128xi32, #tpu.memory_space<vmem>>)
      %dma_start3A_315 = arith.constant 0 : i32
      %dma_start3A_316 = arith.constant 0 : i32
      %dma_start3A_317 = tpu.memref_slice %arg10[%dma_start3A_315, %dma_start3A_316] : memref<2x128xi32, #tpu.memory_space<vmem>> -> memref<1x128xi32, #tpu.memory_space<vmem>>
      %dma_start3A_318 = tpu.memref_squeeze %dma_start3A_317 : memref<1x128xi32, #tpu.memory_space<vmem>> -> memref<128xi32, #tpu.memory_space<vmem>>
      %dma_start3A_319 = arith.constant 0 : i32
      %dma_start3A_320 = arith.constant 0 : i32
      %dma_start3A_321 = tpu.memref_slice %arg2[%dma_start3A_319, %dma_start3A_320] : memref<10000x128xf32, #tpu.memory_space<hbm>> -> memref<10000x128xf32, #tpu.memory_space<hbm>>
      tpu.enqueue_indirect_dma source(%dma_start3A_321 : memref<10000x128xf32, #tpu.memory_space<hbm>>) target(%arg13 : memref<128x128xf32, #tpu.memory_space<vmem>>) offsets(%dma_start3A_318 : memref<128xi32, #tpu.memory_space<vmem>>) semaphore(%arg20 : memref<!tpu.dma_semaphore, #tpu.memory_space<semaphore_mem>>)
      %dma_wait3A_322 = arith.constant 0 : i32
      %dma_wait3A_323 = arith.constant 0 : i32
      %dma_wait3A_324 = tpu.memref_slice %arg2[%dma_wait3A_322, %dma_wait3A_323] : memref<10000x128xf32, #tpu.memory_space<hbm>> -> memref<128x128xf32, #tpu.memory_space<hbm>>
      %dma_wait3A_325 = arith.constant 0 : i32
      %dma_wait3A_326 = arith.constant 0 : i32
      %dma_wait3A_327 = tpu.memref_slice %arg2[%dma_wait3A_325, %dma_wait3A_326] : memref<10000x128xf32, #tpu.memory_space<hbm>> -> memref<128x128xf32, #tpu.memory_space<hbm>>
      tpu.wait_dma2 semaphore(%arg18 : memref<!tpu.dma_semaphore, #tpu.memory_space<semaphore_mem>>) src(%dma_wait3A_327 : memref<128x128xf32, #tpu.memory_space<hbm>>) dst(%arg11 : memref<128x128xf32, #tpu.memory_space<vmem>>)
      %run_scoped3A_328 = arith.constant 1 : i32
      "tpu.region"() ({
        %run_scoped3A_348 = tpu.sem_alloc : memref<!tpu.dma_semaphore, #tpu.memory_space<semaphore_mem>>
        %dma_start3A_349 = arith.constant 0 : i32
        %dma_start3A_350 = tpu.memref_slice %arg8[%run_scoped3A_328, %dma_start3A_349] : memref<2x128xi32, #tpu.memory_space<vmem>> -> memref<1x128xi32, #tpu.memory_space<vmem>>
        %dma_start3A_351 = tpu.memref_squeeze %dma_start3A_350 : memref<1x128xi32, #tpu.memory_space<vmem>> -> memref<128xi32, #tpu.memory_space<vmem>>
        %dma_start3A_352 = arith.constant 0 : i32
        %dma_start3A_353 = arith.constant 0 : i32
        %dma_start3A_354 = tpu.memref_slice %arg6[%dma_start3A_352, %dma_start3A_353] : memref<10000x128xf32, #tpu.memory_space<vmem_shared>> -> memref<10000x128xf32, #tpu.memory_space<vmem_shared>>
        tpu.enqueue_indirect_dma source(%arg11 : memref<128x128xf32, #tpu.memory_space<vmem>>) target(%dma_start3A_354 : memref<10000x128xf32, #tpu.memory_space<vmem_shared>>) offsets(%dma_start3A_351 : memref<128xi32, #tpu.memory_space<vmem>>) semaphore(%run_scoped3A_348 : memref<!tpu.dma_semaphore, #tpu.memory_space<semaphore_mem>>) {add = true}
        %dma_wait3A_355 = arith.constant 0 : i32
        %dma_wait3A_356 = tpu.memref_slice %arg8[%run_scoped3A_328, %dma_wait3A_355] : memref<2x128xi32, #tpu.memory_space<vmem>> -> memref<1x128xi32, #tpu.memory_space<vmem>>
        %dma_wait3A_357 = tpu.memref_squeeze %dma_wait3A_356 : memref<1x128xi32, #tpu.memory_space<vmem>> -> memref<128xi32, #tpu.memory_space<vmem>>
        %dma_wait3A_358 = arith.constant 0 : i32
        %dma_wait3A_359 = arith.constant 0 : i32
        %dma_wait3A_360 = tpu.memref_slice %arg6[%dma_wait3A_358, %dma_wait3A_359] : memref<10000x128xf32, #tpu.memory_space<vmem_shared>> -> memref<10000x128xf32, #tpu.memory_space<vmem_shared>>
        tpu.wait_indirect_dma semaphore(%run_scoped3A_348 : memref<!tpu.dma_semaphore, #tpu.memory_space<semaphore_mem>>) src(%arg11 : memref<128x128xf32, #tpu.memory_space<vmem>>) dst(%dma_wait3A_360 : memref<10000x128xf32, #tpu.memory_space<vmem_shared>>)
        tpu.yield
      }) : () -> ()
      %dma_wait3A_329 = arith.constant 0 : i32
      %dma_wait3A_330 = arith.constant 0 : i32
      %dma_wait3A_331 = tpu.memref_slice %arg2[%dma_wait3A_329, %dma_wait3A_330] : memref<10000x128xf32, #tpu.memory_space<hbm>> -> memref<128x128xf32, #tpu.memory_space<hbm>>
      %dma_wait3A_332 = arith.constant 0 : i32
      %dma_wait3A_333 = arith.constant 0 : i32
      %dma_wait3A_334 = tpu.memref_slice %arg2[%dma_wait3A_332, %dma_wait3A_333] : memref<10000x128xf32, #tpu.memory_space<hbm>> -> memref<128x128xf32, #tpu.memory_space<hbm>>
      tpu.wait_dma2 semaphore(%arg19 : memref<!tpu.dma_semaphore, #tpu.memory_space<semaphore_mem>>) src(%dma_wait3A_334 : memref<128x128xf32, #tpu.memory_space<hbm>>) dst(%arg12 : memref<128x128xf32, #tpu.memory_space<vmem>>)
      %run_scoped3A_335 = arith.constant 1 : i32
      "tpu.region"() ({
        %run_scoped3A_348 = tpu.sem_alloc : memref<!tpu.dma_semaphore, #tpu.memory_space<semaphore_mem>>
        %dma_start3A_349 = arith.constant 0 : i32
        %dma_start3A_350 = tpu.memref_slice %arg9[%run_scoped3A_335, %dma_start3A_349] : memref<2x128xi32, #tpu.memory_space<vmem>> -> memref<1x128xi32, #tpu.memory_space<vmem>>
        %dma_start3A_351 = tpu.memref_squeeze %dma_start3A_350 : memref<1x128xi32, #tpu.memory_space<vmem>> -> memref<128xi32, #tpu.memory_space<vmem>>
        %dma_start3A_352 = arith.constant 0 : i32
        %dma_start3A_353 = arith.constant 0 : i32
        %dma_start3A_354 = tpu.memref_slice %arg6[%dma_start3A_352, %dma_start3A_353] : memref<10000x128xf32, #tpu.memory_space<vmem_shared>> -> memref<10000x128xf32, #tpu.memory_space<vmem_shared>>
        tpu.enqueue_indirect_dma source(%arg12 : memref<128x128xf32, #tpu.memory_space<vmem>>) target(%dma_start3A_354 : memref<10000x128xf32, #tpu.memory_space<vmem_shared>>) offsets(%dma_start3A_351 : memref<128xi32, #tpu.memory_space<vmem>>) semaphore(%run_scoped3A_348 : memref<!tpu.dma_semaphore, #tpu.memory_space<semaphore_mem>>) {add = true}
        %dma_wait3A_355 = arith.constant 0 : i32
        %dma_wait3A_356 = tpu.memref_slice %arg9[%run_scoped3A_335, %dma_wait3A_355] : memref<2x128xi32, #tpu.memory_space<vmem>> -> memref<1x128xi32, #tpu.memory_space<vmem>>
        %dma_wait3A_357 = tpu.memref_squeeze %dma_wait3A_356 : memref<1x128xi32, #tpu.memory_space<vmem>> -> memref<128xi32, #tpu.memory_space<vmem>>
        %dma_wait3A_358 = arith.constant 0 : i32
        %dma_wait3A_359 = arith.constant 0 : i32
        %dma_wait3A_360 = tpu.memref_slice %arg6[%dma_wait3A_358, %dma_wait3A_359] : memref<10000x128xf32, #tpu.memory_space<vmem_shared>> -> memref<10000x128xf32, #tpu.memory_space<vmem_shared>>
        tpu.wait_indirect_dma semaphore(%run_scoped3A_348 : memref<!tpu.dma_semaphore, #tpu.memory_space<semaphore_mem>>) src(%arg12 : memref<128x128xf32, #tpu.memory_space<vmem>>) dst(%dma_wait3A_360 : memref<10000x128xf32, #tpu.memory_space<vmem_shared>>)
        tpu.yield
      }) : () -> ()
      %dma_wait3A_336 = arith.constant 0 : i32
      %dma_wait3A_337 = arith.constant 0 : i32
      %dma_wait3A_338 = tpu.memref_slice %arg2[%dma_wait3A_336, %dma_wait3A_337] : memref<10000x128xf32, #tpu.memory_space<hbm>> -> memref<128x128xf32, #tpu.memory_space<hbm>>
      %dma_wait3A_339 = arith.constant 0 : i32
      %dma_wait3A_340 = arith.constant 0 : i32
      %dma_wait3A_341 = tpu.memref_slice %arg2[%dma_wait3A_339, %dma_wait3A_340] : memref<10000x128xf32, #tpu.memory_space<hbm>> -> memref<128x128xf32, #tpu.memory_space<hbm>>
      tpu.wait_dma2 semaphore(%arg20 : memref<!tpu.dma_semaphore, #tpu.memory_space<semaphore_mem>>) src(%dma_wait3A_341 : memref<128x128xf32, #tpu.memory_space<hbm>>) dst(%arg13 : memref<128x128xf32, #tpu.memory_space<vmem>>)
      %run_scoped3A_342 = arith.constant 1 : i32
      "tpu.region"() ({
        %run_scoped3A_348 = tpu.sem_alloc : memref<!tpu.dma_semaphore, #tpu.memory_space<semaphore_mem>>
        %dma_start3A_349 = arith.constant 0 : i32
        %dma_start3A_350 = tpu.memref_slice %arg10[%run_scoped3A_342, %dma_start3A_349] : memref<2x128xi32, #tpu.memory_space<vmem>> -> memref<1x128xi32, #tpu.memory_space<vmem>>
        %dma_start3A_351 = tpu.memref_squeeze %dma_start3A_350 : memref<1x128xi32, #tpu.memory_space<vmem>> -> memref<128xi32, #tpu.memory_space<vmem>>
        %dma_start3A_352 = arith.constant 0 : i32
        %dma_start3A_353 = arith.constant 0 : i32
        %dma_start3A_354 = tpu.memref_slice %arg6[%dma_start3A_352, %dma_start3A_353] : memref<10000x128xf32, #tpu.memory_space<vmem_shared>> -> memref<10000x128xf32, #tpu.memory_space<vmem_shared>>
        tpu.enqueue_indirect_dma source(%arg13 : memref<128x128xf32, #tpu.memory_space<vmem>>) target(%dma_start3A_354 : memref<10000x128xf32, #tpu.memory_space<vmem_shared>>) offsets(%dma_start3A_351 : memref<128xi32, #tpu.memory_space<vmem>>) semaphore(%run_scoped3A_348 : memref<!tpu.dma_semaphore, #tpu.memory_space<semaphore_mem>>) {add = true}
        %dma_wait3A_355 = arith.constant 0 : i32
        %dma_wait3A_356 = tpu.memref_slice %arg10[%run_scoped3A_342, %dma_wait3A_355] : memref<2x128xi32, #tpu.memory_space<vmem>> -> memref<1x128xi32, #tpu.memory_space<vmem>>
        %dma_wait3A_357 = tpu.memref_squeeze %dma_wait3A_356 : memref<1x128xi32, #tpu.memory_space<vmem>> -> memref<128xi32, #tpu.memory_space<vmem>>
        %dma_wait3A_358 = arith.constant 0 : i32
        %dma_wait3A_359 = arith.constant 0 : i32
        %dma_wait3A_360 = tpu.memref_slice %arg6[%dma_wait3A_358, %dma_wait3A_359] : memref<10000x128xf32, #tpu.memory_space<vmem_shared>> -> memref<10000x128xf32, #tpu.memory_space<vmem_shared>>
        tpu.wait_indirect_dma semaphore(%run_scoped3A_348 : memref<!tpu.dma_semaphore, #tpu.memory_space<semaphore_mem>>) src(%arg13 : memref<128x128xf32, #tpu.memory_space<vmem>>) dst(%dma_wait3A_360 : memref<10000x128xf32, #tpu.memory_space<vmem_shared>>)
        tpu.yield
      }) : () -> ()
      %lt3A_343 = arith.constant 4 : i32
      %lt3A_344 = arith.cmpi slt, %arg1, %lt3A_343 : i32
      %convert_element_type3A_345 = arith.extui %lt3A_344 : i1 to i32
      %cond3A_346 = arith.constant 0 : i32
      %cond3A_347 = arith.cmpi ne, %convert_element_type3A_345, %cond3A_346 : i32
      scf.if %cond3A_347 {
        %mul3A_348 = arith.constant 128 : i32
        %mul3A_349 = arith.muli %arg1, %mul3A_348 : i32
        %add3A_350 = arith.constant 319488 : i32
        %add3A_351 = arith.addi %add3A_350, %mul3A_349 : i32
        "tpu.region"() ({
          %run_scoped3A_366 = tpu.sem_alloc : memref<!tpu.dma_semaphore, #tpu.memory_space<semaphore_mem>>
          %dma_start3A_367 = arith.constant 0 : i32
          %dma_start3A_368 = tpu.memref_slice %arg3[%dma_start3A_367, %add3A_351] : memref<2x320000xi32, #tpu.memory_space<hbm>> -> memref<2x128xi32, #tpu.memory_space<hbm>>
          %dma_start3A_369 = arith.constant 0 : i32
          %dma_start3A_370 = tpu.memref_slice %arg3[%dma_start3A_369, %add3A_351] : memref<2x320000xi32, #tpu.memory_space<hbm>> -> memref<2x128xi32, #tpu.memory_space<hbm>>
          tpu.enqueue_dma source(%dma_start3A_370 : memref<2x128xi32, #tpu.memory_space<hbm>>) target(%arg7 : memref<2x128xi32, #tpu.memory_space<vmem>>) target_semaphore(%run_scoped3A_366 : memref<!tpu.dma_semaphore, #tpu.memory_space<semaphore_mem>>)
          %dma_wait3A_371 = arith.constant 0 : i32
          %dma_wait3A_372 = tpu.memref_slice %arg3[%dma_wait3A_371, %add3A_351] : memref<2x320000xi32, #tpu.memory_space<hbm>> -> memref<2x128xi32, #tpu.memory_space<hbm>>
          %dma_wait3A_373 = arith.constant 0 : i32
          %dma_wait3A_374 = tpu.memref_slice %arg3[%dma_wait3A_373, %add3A_351] : memref<2x320000xi32, #tpu.memory_space<hbm>> -> memref<2x128xi32, #tpu.memory_space<hbm>>
          tpu.wait_dma2 semaphore(%run_scoped3A_366 : memref<!tpu.dma_semaphore, #tpu.memory_space<semaphore_mem>>) src(%dma_wait3A_374 : memref<2x128xi32, #tpu.memory_space<hbm>>) dst(%arg7 : memref<2x128xi32, #tpu.memory_space<vmem>>)
          tpu.yield
        }) : () -> ()
        %dma_start3A_352 = arith.constant 0 : i32
        %dma_start3A_353 = arith.constant 0 : i32
        %dma_start3A_354 = tpu.memref_slice %arg7[%dma_start3A_352, %dma_start3A_353] : memref<2x128xi32, #tpu.memory_space<vmem>> -> memref<1x128xi32, #tpu.memory_space<vmem>>
        %dma_start3A_355 = tpu.memref_squeeze %dma_start3A_354 : memref<1x128xi32, #tpu.memory_space<vmem>> -> memref<128xi32, #tpu.memory_space<vmem>>
        %dma_start3A_356 = arith.constant 0 : i32
        %dma_start3A_357 = arith.constant 0 : i32
        %dma_start3A_358 = tpu.memref_slice %arg2[%dma_start3A_356, %dma_start3A_357] : memref<10000x128xf32, #tpu.memory_space<hbm>> -> memref<10000x128xf32, #tpu.memory_space<hbm>>
        tpu.enqueue_indirect_dma source(%dma_start3A_358 : memref<10000x128xf32, #tpu.memory_space<hbm>>) target(%arg11 : memref<128x128xf32, #tpu.memory_space<vmem>>) offsets(%dma_start3A_355 : memref<128xi32, #tpu.memory_space<vmem>>) semaphore(%arg18 : memref<!tpu.dma_semaphore, #tpu.memory_space<semaphore_mem>>)
        %dma_wait3A_359 = arith.constant 0 : i32
        %dma_wait3A_360 = arith.constant 0 : i32
        %dma_wait3A_361 = tpu.memref_slice %arg2[%dma_wait3A_359, %dma_wait3A_360] : memref<10000x128xf32, #tpu.memory_space<hbm>> -> memref<128x128xf32, #tpu.memory_space<hbm>>
        %dma_wait3A_362 = arith.constant 0 : i32
        %dma_wait3A_363 = arith.constant 0 : i32
        %dma_wait3A_364 = tpu.memref_slice %arg2[%dma_wait3A_362, %dma_wait3A_363] : memref<10000x128xf32, #tpu.memory_space<hbm>> -> memref<128x128xf32, #tpu.memory_space<hbm>>
        tpu.wait_dma2 semaphore(%arg18 : memref<!tpu.dma_semaphore, #tpu.memory_space<semaphore_mem>>) src(%dma_wait3A_364 : memref<128x128xf32, #tpu.memory_space<hbm>>) dst(%arg11 : memref<128x128xf32, #tpu.memory_space<vmem>>)
        %run_scoped3A_365 = arith.constant 1 : i32
        "tpu.region"() ({
          %run_scoped3A_366 = tpu.sem_alloc : memref<!tpu.dma_semaphore, #tpu.memory_space<semaphore_mem>>
          %dma_start3A_367 = arith.constant 0 : i32
          %dma_start3A_368 = tpu.memref_slice %arg7[%run_scoped3A_365, %dma_start3A_367] : memref<2x128xi32, #tpu.memory_space<vmem>> -> memref<1x128xi32, #tpu.memory_space<vmem>>
          %dma_start3A_369 = tpu.memref_squeeze %dma_start3A_368 : memref<1x128xi32, #tpu.memory_space<vmem>> -> memref<128xi32, #tpu.memory_space<vmem>>
          %dma_start3A_370 = arith.constant 0 : i32
          %dma_start3A_371 = arith.constant 0 : i32
          %dma_start3A_372 = tpu.memref_slice %arg6[%dma_start3A_370, %dma_start3A_371] : memref<10000x128xf32, #tpu.memory_space<vmem_shared>> -> memref<10000x128xf32, #tpu.memory_space<vmem_shared>>
          tpu.enqueue_indirect_dma source(%arg11 : memref<128x128xf32, #tpu.memory_space<vmem>>) target(%dma_start3A_372 : memref<10000x128xf32, #tpu.memory_space<vmem_shared>>) offsets(%dma_start3A_369 : memref<128xi32, #tpu.memory_space<vmem>>) semaphore(%run_scoped3A_366 : memref<!tpu.dma_semaphore, #tpu.memory_space<semaphore_mem>>) {add = true}
          %dma_wait3A_373 = arith.constant 0 : i32
          %dma_wait3A_374 = tpu.memref_slice %arg7[%run_scoped3A_365, %dma_wait3A_373] : memref<2x128xi32, #tpu.memory_space<vmem>> -> memref<1x128xi32, #tpu.memory_space<vmem>>
          %dma_wait3A_375 = tpu.memref_squeeze %dma_wait3A_374 : memref<1x128xi32, #tpu.memory_space<vmem>> -> memref<128xi32, #tpu.memory_space<vmem>>
          %dma_wait3A_376 = arith.constant 0 : i32
          %dma_wait3A_377 = arith.constant 0 : i32
          %dma_wait3A_378 = tpu.memref_slice %arg6[%dma_wait3A_376, %dma_wait3A_377] : memref<10000x128xf32, #tpu.memory_space<vmem_shared>> -> memref<10000x128xf32, #tpu.memory_space<vmem_shared>>
          tpu.wait_indirect_dma semaphore(%run_scoped3A_366 : memref<!tpu.dma_semaphore, #tpu.memory_space<semaphore_mem>>) src(%arg11 : memref<128x128xf32, #tpu.memory_space<vmem>>) dst(%dma_wait3A_378 : memref<10000x128xf32, #tpu.memory_space<vmem_shared>>)
          tpu.yield
        }) : () -> ()
      } else {
      }
    } else {
    }
    %eq3A_5 = arith.constant 1 : i32
    %eq3A_6 = arith.cmpi eq, %arg0, %eq3A_5 : i32
    %convert_element_type3A_7 = arith.extui %eq3A_6 : i1 to i32
    %cond3A_8 = arith.constant 0 : i32
    %cond3A_9 = arith.cmpi ne, %convert_element_type3A_7, %cond3A_8 : i32
    scf.if %cond3A_9 {
      %add3A = arith.constant 0 : i32
      %add3A_20 = arith.addi %mul3A_2, %add3A : i32
      %dma_start3A = arith.constant 0 : i32
      %dma_start3A_21 = tpu.memref_slice %arg3[%dma_start3A, %add3A_20] : memref<2x320000xi32, #tpu.memory_space<hbm>> -> memref<2x128xi32, #tpu.memory_space<hbm>>
      %dma_start3A_22 = arith.constant 0 : i32
      %dma_start3A_23 = tpu.memref_slice %arg3[%dma_start3A_22, %add3A_20] : memref<2x320000xi32, #tpu.memory_space<hbm>> -> memref<2x128xi32, #tpu.memory_space<hbm>>
      tpu.enqueue_dma source(%dma_start3A_23 : memref<2x128xi32, #tpu.memory_space<hbm>>) target(%arg7 : memref<2x128xi32, #tpu.memory_space<vmem>>) target_semaphore(%arg14 : memref<!tpu.dma_semaphore, #tpu.memory_space<semaphore_mem>>)
      %add3A_24 = arith.constant 128 : i32
      %add3A_25 = arith.addi %mul3A_2, %add3A_24 : i32
      %dma_start3A_26 = arith.constant 0 : i32
      %dma_start3A_27 = tpu.memref_slice %arg3[%dma_start3A_26, %add3A_25] : memref<2x320000xi32, #tpu.memory_space<hbm>> -> memref<2x128xi32, #tpu.memory_space<hbm>>
      %dma_start3A_28 = arith.constant 0 : i32
      %dma_start3A_29 = tpu.memref_slice %arg3[%dma_start3A_28, %add3A_25] : memref<2x320000xi32, #tpu.memory_space<hbm>> -> memref<2x128xi32, #tpu.memory_space<hbm>>
      tpu.enqueue_dma source(%dma_start3A_29 : memref<2x128xi32, #tpu.memory_space<hbm>>) target(%arg8 : memref<2x128xi32, #tpu.memory_space<vmem>>) target_semaphore(%arg15 : memref<!tpu.dma_semaphore, #tpu.memory_space<semaphore_mem>>)
      %add3A_30 = arith.constant 256 : i32
      %add3A_31 = arith.addi %mul3A_2, %add3A_30 : i32
      %dma_start3A_32 = arith.constant 0 : i32
      %dma_start3A_33 = tpu.memref_slice %arg3[%dma_start3A_32, %add3A_31] : memref<2x320000xi32, #tpu.memory_space<hbm>> -> memref<2x128xi32, #tpu.memory_space<hbm>>
      %dma_start3A_34 = arith.constant 0 : i32
      %dma_start3A_35 = tpu.memref_slice %arg3[%dma_start3A_34, %add3A_31] : memref<2x320000xi32, #tpu.memory_space<hbm>> -> memref<2x128xi32, #tpu.memory_space<hbm>>
      tpu.enqueue_dma source(%dma_start3A_35 : memref<2x128xi32, #tpu.memory_space<hbm>>) target(%arg9 : memref<2x128xi32, #tpu.memory_space<vmem>>) target_semaphore(%arg16 : memref<!tpu.dma_semaphore, #tpu.memory_space<semaphore_mem>>)
      %add3A_36 = arith.constant 384 : i32
      %add3A_37 = arith.addi %mul3A_2, %add3A_36 : i32
      %dma_start3A_38 = arith.constant 0 : i32
      %dma_start3A_39 = tpu.memref_slice %arg3[%dma_start3A_38, %add3A_37] : memref<2x320000xi32, #tpu.memory_space<hbm>> -> memref<2x128xi32, #tpu.memory_space<hbm>>
      %dma_start3A_40 = arith.constant 0 : i32
      %dma_start3A_41 = tpu.memref_slice %arg3[%dma_start3A_40, %add3A_37] : memref<2x320000xi32, #tpu.memory_space<hbm>> -> memref<2x128xi32, #tpu.memory_space<hbm>>
      tpu.enqueue_dma source(%dma_start3A_41 : memref<2x128xi32, #tpu.memory_space<hbm>>) target(%arg10 : memref<2x128xi32, #tpu.memory_space<vmem>>) target_semaphore(%arg17 : memref<!tpu.dma_semaphore, #tpu.memory_space<semaphore_mem>>)
      %dma_wait3A = arith.constant 0 : i32
      %dma_wait3A_42 = arith.constant 0 : i32
      %dma_wait3A_43 = tpu.memref_slice %arg3[%dma_wait3A, %dma_wait3A_42] : memref<2x320000xi32, #tpu.memory_space<hbm>> -> memref<2x128xi32, #tpu.memory_space<hbm>>
      %dma_wait3A_44 = arith.constant 0 : i32
      %dma_wait3A_45 = arith.constant 0 : i32
      %dma_wait3A_46 = tpu.memref_slice %arg3[%dma_wait3A_44, %dma_wait3A_45] : memref<2x320000xi32, #tpu.memory_space<hbm>> -> memref<2x128xi32, #tpu.memory_space<hbm>>
      tpu.wait_dma2 semaphore(%arg14 : memref<!tpu.dma_semaphore, #tpu.memory_space<semaphore_mem>>) src(%dma_wait3A_46 : memref<2x128xi32, #tpu.memory_space<hbm>>) dst(%arg7 : memref<2x128xi32, #tpu.memory_space<vmem>>)
      %dma_start3A_47 = arith.constant 1 : i32
      %dma_start3A_48 = arith.constant 0 : i32
      %dma_start3A_49 = tpu.memref_slice %arg7[%dma_start3A_47, %dma_start3A_48] : memref<2x128xi32, #tpu.memory_space<vmem>> -> memref<1x128xi32, #tpu.memory_space<vmem>>
      %dma_start3A_50 = tpu.memref_squeeze %dma_start3A_49 : memref<1x128xi32, #tpu.memory_space<vmem>> -> memref<128xi32, #tpu.memory_space<vmem>>
      %dma_start3A_51 = arith.constant 0 : i32
      %dma_start3A_52 = arith.constant 0 : i32
      %dma_start3A_53 = tpu.memref_slice %arg2[%dma_start3A_51, %dma_start3A_52] : memref<10000x128xf32, #tpu.memory_space<hbm>> -> memref<10000x128xf32, #tpu.memory_space<hbm>>
      tpu.enqueue_indirect_dma source(%dma_start3A_53 : memref<10000x128xf32, #tpu.memory_space<hbm>>) target(%arg11 : memref<128x128xf32, #tpu.memory_space<vmem>>) offsets(%dma_start3A_50 : memref<128xi32, #tpu.memory_space<vmem>>) semaphore(%arg18 : memref<!tpu.dma_semaphore, #tpu.memory_space<semaphore_mem>>)
      %dma_wait3A_54 = arith.constant 0 : i32
      %dma_wait3A_55 = arith.constant 0 : i32
      %dma_wait3A_56 = tpu.memref_slice %arg3[%dma_wait3A_54, %dma_wait3A_55] : memref<2x320000xi32, #tpu.memory_space<hbm>> -> memref<2x128xi32, #tpu.memory_space<hbm>>
      %dma_wait3A_57 = arith.constant 0 : i32
      %dma_wait3A_58 = arith.constant 0 : i32
      %dma_wait3A_59 = tpu.memref_slice %arg3[%dma_wait3A_57, %dma_wait3A_58] : memref<2x320000xi32, #tpu.memory_space<hbm>> -> memref<2x128xi32, #tpu.memory_space<hbm>>
      tpu.wait_dma2 semaphore(%arg15 : memref<!tpu.dma_semaphore, #tpu.memory_space<semaphore_mem>>) src(%dma_wait3A_59 : memref<2x128xi32, #tpu.memory_space<hbm>>) dst(%arg8 : memref<2x128xi32, #tpu.memory_space<vmem>>)
      %dma_start3A_60 = arith.constant 1 : i32
      %dma_start3A_61 = arith.constant 0 : i32
      %dma_start3A_62 = tpu.memref_slice %arg8[%dma_start3A_60, %dma_start3A_61] : memref<2x128xi32, #tpu.memory_space<vmem>> -> memref<1x128xi32, #tpu.memory_space<vmem>>
      %dma_start3A_63 = tpu.memref_squeeze %dma_start3A_62 : memref<1x128xi32, #tpu.memory_space<vmem>> -> memref<128xi32, #tpu.memory_space<vmem>>
      %dma_start3A_64 = arith.constant 0 : i32
      %dma_start3A_65 = arith.constant 0 : i32
      %dma_start3A_66 = tpu.memref_slice %arg2[%dma_start3A_64, %dma_start3A_65] : memref<10000x128xf32, #tpu.memory_space<hbm>> -> memref<10000x128xf32, #tpu.memory_space<hbm>>
      tpu.enqueue_indirect_dma source(%dma_start3A_66 : memref<10000x128xf32, #tpu.memory_space<hbm>>) target(%arg12 : memref<128x128xf32, #tpu.memory_space<vmem>>) offsets(%dma_start3A_63 : memref<128xi32, #tpu.memory_space<vmem>>) semaphore(%arg19 : memref<!tpu.dma_semaphore, #tpu.memory_space<semaphore_mem>>)
      %lt3A = arith.constant 15 : i32
      %lt3A_67 = arith.cmpi slt, %arg1, %lt3A : i32
      %convert_element_type3A_68 = arith.extui %lt3A_67 : i1 to i32
      %cond3A_69 = arith.constant 0 : i32
      %cond3A_70 = arith.cmpi ne, %convert_element_type3A_68, %cond3A_69 : i32
      scf.if %cond3A_70 {
        "tpu.region"() ({
          %run_scoped3A_348 = tpu.sem_alloc : memref<!tpu.dma_semaphore, #tpu.memory_space<semaphore_mem>>
          %dma_start3A_349 = arith.constant 0 : i32
          %dma_start3A_350 = tpu.memref_slice %arg6[%mul3A_0, %dma_start3A_349] : memref<10000x128xf32, #tpu.memory_space<vmem_shared>> -> memref<640x128xf32, #tpu.memory_space<vmem_shared>>
          %dma_start3A_351 = arith.constant 0 : i32
          %dma_start3A_352 = tpu.memref_slice %arg2[%mul3A_0, %dma_start3A_351] : memref<10000x128xf32, #tpu.memory_space<hbm>> -> memref<640x128xf32, #tpu.memory_space<hbm>>
          tpu.enqueue_dma source(%dma_start3A_352 : memref<640x128xf32, #tpu.memory_space<hbm>>) target(%dma_start3A_350 : memref<640x128xf32, #tpu.memory_space<vmem_shared>>) target_semaphore(%run_scoped3A_348 : memref<!tpu.dma_semaphore, #tpu.memory_space<semaphore_mem>>)
          %dma_wait3A_353 = arith.constant 0 : i32
          %dma_wait3A_354 = tpu.memref_slice %arg6[%mul3A_0, %dma_wait3A_353] : memref<10000x128xf32, #tpu.memory_space<vmem_shared>> -> memref<640x128xf32, #tpu.memory_space<vmem_shared>>
          %dma_wait3A_355 = arith.constant 0 : i32
          %dma_wait3A_356 = tpu.memref_slice %arg2[%mul3A_0, %dma_wait3A_355] : memref<10000x128xf32, #tpu.memory_space<hbm>> -> memref<640x128xf32, #tpu.memory_space<hbm>>
          tpu.wait_dma2 semaphore(%run_scoped3A_348 : memref<!tpu.dma_semaphore, #tpu.memory_space<semaphore_mem>>) src(%dma_wait3A_356 : memref<640x128xf32, #tpu.memory_space<hbm>>) dst(%dma_wait3A_354 : memref<640x128xf32, #tpu.memory_space<vmem_shared>>)
          tpu.yield
        }) : () -> ()
      } else {
      }
      %eq3A_71 = arith.constant 15 : i32
      %eq3A_72 = arith.cmpi eq, %arg1, %eq3A_71 : i32
      %convert_element_type3A_73 = arith.extui %eq3A_72 : i1 to i32
      %cond3A_74 = arith.constant 0 : i32
      %cond3A_75 = arith.cmpi ne, %convert_element_type3A_73, %cond3A_74 : i32
      scf.if %cond3A_75 {
        "tpu.region"() ({
          %run_scoped3A_348 = tpu.sem_alloc : memref<!tpu.dma_semaphore, #tpu.memory_space<semaphore_mem>>
          %dma_start3A_349 = arith.constant 9600 : i32
          %dma_start3A_350 = arith.constant 0 : i32
          %dma_start3A_351 = tpu.memref_slice %arg6[%dma_start3A_349, %dma_start3A_350] : memref<10000x128xf32, #tpu.memory_space<vmem_shared>> -> memref<400x128xf32, #tpu.memory_space<vmem_shared>>
          %dma_start3A_352 = arith.constant 9600 : i32
          %dma_start3A_353 = arith.constant 0 : i32
          %dma_start3A_354 = tpu.memref_slice %arg2[%dma_start3A_352, %dma_start3A_353] : memref<10000x128xf32, #tpu.memory_space<hbm>> -> memref<400x128xf32, #tpu.memory_space<hbm>>
          tpu.enqueue_dma source(%dma_start3A_354 : memref<400x128xf32, #tpu.memory_space<hbm>>) target(%dma_start3A_351 : memref<400x128xf32, #tpu.memory_space<vmem_shared>>) target_semaphore(%run_scoped3A_348 : memref<!tpu.dma_semaphore, #tpu.memory_space<semaphore_mem>>)
          %dma_wait3A_355 = arith.constant 9600 : i32
          %dma_wait3A_356 = arith.constant 0 : i32
          %dma_wait3A_357 = tpu.memref_slice %arg6[%dma_wait3A_355, %dma_wait3A_356] : memref<10000x128xf32, #tpu.memory_space<vmem_shared>> -> memref<400x128xf32, #tpu.memory_space<vmem_shared>>
          %dma_wait3A_358 = arith.constant 9600 : i32
          %dma_wait3A_359 = arith.constant 0 : i32
          %dma_wait3A_360 = tpu.memref_slice %arg2[%dma_wait3A_358, %dma_wait3A_359] : memref<10000x128xf32, #tpu.memory_space<hbm>> -> memref<400x128xf32, #tpu.memory_space<hbm>>
          tpu.wait_dma2 semaphore(%run_scoped3A_348 : memref<!tpu.dma_semaphore, #tpu.memory_space<semaphore_mem>>) src(%dma_wait3A_360 : memref<400x128xf32, #tpu.memory_space<hbm>>) dst(%dma_wait3A_357 : memref<400x128xf32, #tpu.memory_space<vmem_shared>>)
          tpu.yield
        }) : () -> ()
      } else {
      }
      %barrier3A_76 = arith.constant 0 : index
      tpu.barrier barrier_id(%barrier3A_76)
      %scan3A = arith.constant 0 : i32
      %scan3A_77 = arith.constant 0 : i32
      %scan3A_78 = arith.constant 12 : i32
      %scan3A_79 = arith.addi %scan3A_77, %scan3A_78 : i32
      %scan3A_80 = arith.constant 1 : i32
      scf.for %scan3A_348 = %scan3A_77 to %scan3A_79 step %scan3A_80  : i32 {
        %mul3A_349 = arith.constant 12 : i32
        %mul3A_350 = arith.muli %scan3A_348, %mul3A_349 : i32
        %add3A_351 = arith.constant 0 : i32
        %add3A_352 = arith.addi %mul3A_350, %add3A_351 : i32
        %dma_wait3A_353 = arith.constant 0 : i32
        %dma_wait3A_354 = arith.constant 0 : i32
        %dma_wait3A_355 = tpu.memref_slice %arg3[%dma_wait3A_353, %dma_wait3A_354] : memref<2x320000xi32, #tpu.memory_space<hbm>> -> memref<2x128xi32, #tpu.memory_space<hbm>>
        %dma_wait3A_356 = arith.constant 0 : i32
        %dma_wait3A_357 = arith.constant 0 : i32
        %dma_wait3A_358 = tpu.memref_slice %arg3[%dma_wait3A_356, %dma_wait3A_357] : memref<2x320000xi32, #tpu.memory_space<hbm>> -> memref<2x128xi32, #tpu.memory_space<hbm>>
        tpu.wait_dma2 semaphore(%arg16 : memref<!tpu.dma_semaphore, #tpu.memory_space<semaphore_mem>>) src(%dma_wait3A_358 : memref<2x128xi32, #tpu.memory_space<hbm>>) dst(%arg9 : memref<2x128xi32, #tpu.memory_space<vmem>>)
        %dma_start3A_359 = arith.constant 1 : i32
        %dma_start3A_360 = arith.constant 0 : i32
        %dma_start3A_361 = tpu.memref_slice %arg9[%dma_start3A_359, %dma_start3A_360] : memref<2x128xi32, #tpu.memory_space<vmem>> -> memref<1x128xi32, #tpu.memory_space<vmem>>
        %dma_start3A_362 = tpu.memref_squeeze %dma_start3A_361 : memref<1x128xi32, #tpu.memory_space<vmem>> -> memref<128xi32, #tpu.memory_space<vmem>>
        %dma_start3A_363 = arith.constant 0 : i32
        %dma_start3A_364 = arith.constant 0 : i32
        %dma_start3A_365 = tpu.memref_slice %arg2[%dma_start3A_363, %dma_start3A_364] : memref<10000x128xf32, #tpu.memory_space<hbm>> -> memref<10000x128xf32, #tpu.memory_space<hbm>>
        tpu.enqueue_indirect_dma source(%dma_start3A_365 : memref<10000x128xf32, #tpu.memory_space<hbm>>) target(%arg13 : memref<128x128xf32, #tpu.memory_space<vmem>>) offsets(%dma_start3A_362 : memref<128xi32, #tpu.memory_space<vmem>>) semaphore(%arg20 : memref<!tpu.dma_semaphore, #tpu.memory_space<semaphore_mem>>)
        %dma_wait3A_366 = arith.constant 0 : i32
        %dma_wait3A_367 = arith.constant 0 : i32
        %dma_wait3A_368 = tpu.memref_slice %arg2[%dma_wait3A_366, %dma_wait3A_367] : memref<10000x128xf32, #tpu.memory_space<hbm>> -> memref<128x128xf32, #tpu.memory_space<hbm>>
        %dma_wait3A_369 = arith.constant 0 : i32
        %dma_wait3A_370 = arith.constant 0 : i32
        %dma_wait3A_371 = tpu.memref_slice %arg2[%dma_wait3A_369, %dma_wait3A_370] : memref<10000x128xf32, #tpu.memory_space<hbm>> -> memref<128x128xf32, #tpu.memory_space<hbm>>
        tpu.wait_dma2 semaphore(%arg18 : memref<!tpu.dma_semaphore, #tpu.memory_space<semaphore_mem>>) src(%dma_wait3A_371 : memref<128x128xf32, #tpu.memory_space<hbm>>) dst(%arg11 : memref<128x128xf32, #tpu.memory_space<vmem>>)
        %run_scoped3A_372 = arith.constant 0 : i32
        "tpu.region"() ({
          %run_scoped3A_745 = tpu.sem_alloc : memref<!tpu.dma_semaphore, #tpu.memory_space<semaphore_mem>>
          %dma_start3A_746 = arith.constant 0 : i32
          %dma_start3A_747 = tpu.memref_slice %arg7[%run_scoped3A_372, %dma_start3A_746] : memref<2x128xi32, #tpu.memory_space<vmem>> -> memref<1x128xi32, #tpu.memory_space<vmem>>
          %dma_start3A_748 = tpu.memref_squeeze %dma_start3A_747 : memref<1x128xi32, #tpu.memory_space<vmem>> -> memref<128xi32, #tpu.memory_space<vmem>>
          %dma_start3A_749 = arith.constant 0 : i32
          %dma_start3A_750 = arith.constant 0 : i32
          %dma_start3A_751 = tpu.memref_slice %arg6[%dma_start3A_749, %dma_start3A_750] : memref<10000x128xf32, #tpu.memory_space<vmem_shared>> -> memref<10000x128xf32, #tpu.memory_space<vmem_shared>>
          tpu.enqueue_indirect_dma source(%arg11 : memref<128x128xf32, #tpu.memory_space<vmem>>) target(%dma_start3A_751 : memref<10000x128xf32, #tpu.memory_space<vmem_shared>>) offsets(%dma_start3A_748 : memref<128xi32, #tpu.memory_space<vmem>>) semaphore(%run_scoped3A_745 : memref<!tpu.dma_semaphore, #tpu.memory_space<semaphore_mem>>) {add = true}
          %dma_wait3A_752 = arith.constant 0 : i32
          %dma_wait3A_753 = tpu.memref_slice %arg7[%run_scoped3A_372, %dma_wait3A_752] : memref<2x128xi32, #tpu.memory_space<vmem>> -> memref<1x128xi32, #tpu.memory_space<vmem>>
          %dma_wait3A_754 = tpu.memref_squeeze %dma_wait3A_753 : memref<1x128xi32, #tpu.memory_space<vmem>> -> memref<128xi32, #tpu.memory_space<vmem>>
          %dma_wait3A_755 = arith.constant 0 : i32
          %dma_wait3A_756 = arith.constant 0 : i32
          %dma_wait3A_757 = tpu.memref_slice %arg6[%dma_wait3A_755, %dma_wait3A_756] : memref<10000x128xf32, #tpu.memory_space<vmem_shared>> -> memref<10000x128xf32, #tpu.memory_space<vmem_shared>>
          tpu.wait_indirect_dma semaphore(%run_scoped3A_745 : memref<!tpu.dma_semaphore, #tpu.memory_space<semaphore_mem>>) src(%arg11 : memref<128x128xf32, #tpu.memory_space<vmem>>) dst(%dma_wait3A_757 : memref<10000x128xf32, #tpu.memory_space<vmem_shared>>)
          tpu.yield
        }) : () -> ()
        %add3A_373 = arith.constant 4 : i32
        %add3A_374 = arith.addi %add3A_352, %add3A_373 : i32
        %mul3A_375 = arith.constant 128 : i32
        %mul3A_376 = arith.muli %add3A_374, %mul3A_375 : i32
        %add3A_377 = arith.addi %mul3A_2, %mul3A_376 : i32
        %dma_start3A_378 = arith.constant 0 : i32
        %dma_start3A_379 = tpu.memref_slice %arg3[%dma_start3A_378, %add3A_377] : memref<2x320000xi32, #tpu.memory_space<hbm>> -> memref<2x128xi32, #tpu.memory_space<hbm>>
        %dma_start3A_380 = arith.constant 0 : i32
        %dma_start3A_381 = tpu.memref_slice %arg3[%dma_start3A_380, %add3A_377] : memref<2x320000xi32, #tpu.memory_space<hbm>> -> memref<2x128xi32, #tpu.memory_space<hbm>>
        tpu.enqueue_dma source(%dma_start3A_381 : memref<2x128xi32, #tpu.memory_space<hbm>>) target(%arg7 : memref<2x128xi32, #tpu.memory_space<vmem>>) target_semaphore(%arg14 : memref<!tpu.dma_semaphore, #tpu.memory_space<semaphore_mem>>)
        %mul3A_382 = arith.constant 12 : i32
        %mul3A_383 = arith.muli %scan3A_348, %mul3A_382 : i32
        %add3A_384 = arith.constant 1 : i32
        %add3A_385 = arith.addi %mul3A_383, %add3A_384 : i32
        %dma_wait3A_386 = arith.constant 0 : i32
        %dma_wait3A_387 = arith.constant 0 : i32
        %dma_wait3A_388 = tpu.memref_slice %arg3[%dma_wait3A_386, %dma_wait3A_387] : memref<2x320000xi32, #tpu.memory_space<hbm>> -> memref<2x128xi32, #tpu.memory_space<hbm>>
        %dma_wait3A_389 = arith.constant 0 : i32
        %dma_wait3A_390 = arith.constant 0 : i32
        %dma_wait3A_391 = tpu.memref_slice %arg3[%dma_wait3A_389, %dma_wait3A_390] : memref<2x320000xi32, #tpu.memory_space<hbm>> -> memref<2x128xi32, #tpu.memory_space<hbm>>
        tpu.wait_dma2 semaphore(%arg17 : memref<!tpu.dma_semaphore, #tpu.memory_space<semaphore_mem>>) src(%dma_wait3A_391 : memref<2x128xi32, #tpu.memory_space<hbm>>) dst(%arg10 : memref<2x128xi32, #tpu.memory_space<vmem>>)
        %dma_start3A_392 = arith.constant 1 : i32
        %dma_start3A_393 = arith.constant 0 : i32
        %dma_start3A_394 = tpu.memref_slice %arg10[%dma_start3A_392, %dma_start3A_393] : memref<2x128xi32, #tpu.memory_space<vmem>> -> memref<1x128xi32, #tpu.memory_space<vmem>>
        %dma_start3A_395 = tpu.memref_squeeze %dma_start3A_394 : memref<1x128xi32, #tpu.memory_space<vmem>> -> memref<128xi32, #tpu.memory_space<vmem>>
        %dma_start3A_396 = arith.constant 0 : i32
        %dma_start3A_397 = arith.constant 0 : i32
        %dma_start3A_398 = tpu.memref_slice %arg2[%dma_start3A_396, %dma_start3A_397] : memref<10000x128xf32, #tpu.memory_space<hbm>> -> memref<10000x128xf32, #tpu.memory_space<hbm>>
        tpu.enqueue_indirect_dma source(%dma_start3A_398 : memref<10000x128xf32, #tpu.memory_space<hbm>>) target(%arg11 : memref<128x128xf32, #tpu.memory_space<vmem>>) offsets(%dma_start3A_395 : memref<128xi32, #tpu.memory_space<vmem>>) semaphore(%arg18 : memref<!tpu.dma_semaphore, #tpu.memory_space<semaphore_mem>>)
        %dma_wait3A_399 = arith.constant 0 : i32
        %dma_wait3A_400 = arith.constant 0 : i32
        %dma_wait3A_401 = tpu.memref_slice %arg2[%dma_wait3A_399, %dma_wait3A_400] : memref<10000x128xf32, #tpu.memory_space<hbm>> -> memref<128x128xf32, #tpu.memory_space<hbm>>
        %dma_wait3A_402 = arith.constant 0 : i32
        %dma_wait3A_403 = arith.constant 0 : i32
        %dma_wait3A_404 = tpu.memref_slice %arg2[%dma_wait3A_402, %dma_wait3A_403] : memref<10000x128xf32, #tpu.memory_space<hbm>> -> memref<128x128xf32, #tpu.memory_space<hbm>>
        tpu.wait_dma2 semaphore(%arg19 : memref<!tpu.dma_semaphore, #tpu.memory_space<semaphore_mem>>) src(%dma_wait3A_404 : memref<128x128xf32, #tpu.memory_space<hbm>>) dst(%arg12 : memref<128x128xf32, #tpu.memory_space<vmem>>)
        %run_scoped3A_405 = arith.constant 0 : i32
        "tpu.region"() ({
          %run_scoped3A_745 = tpu.sem_alloc : memref<!tpu.dma_semaphore, #tpu.memory_space<semaphore_mem>>
          %dma_start3A_746 = arith.constant 0 : i32
          %dma_start3A_747 = tpu.memref_slice %arg8[%run_scoped3A_405, %dma_start3A_746] : memref<2x128xi32, #tpu.memory_space<vmem>> -> memref<1x128xi32, #tpu.memory_space<vmem>>
          %dma_start3A_748 = tpu.memref_squeeze %dma_start3A_747 : memref<1x128xi32, #tpu.memory_space<vmem>> -> memref<128xi32, #tpu.memory_space<vmem>>
          %dma_start3A_749 = arith.constant 0 : i32
          %dma_start3A_750 = arith.constant 0 : i32
          %dma_start3A_751 = tpu.memref_slice %arg6[%dma_start3A_749, %dma_start3A_750] : memref<10000x128xf32, #tpu.memory_space<vmem_shared>> -> memref<10000x128xf32, #tpu.memory_space<vmem_shared>>
          tpu.enqueue_indirect_dma source(%arg12 : memref<128x128xf32, #tpu.memory_space<vmem>>) target(%dma_start3A_751 : memref<10000x128xf32, #tpu.memory_space<vmem_shared>>) offsets(%dma_start3A_748 : memref<128xi32, #tpu.memory_space<vmem>>) semaphore(%run_scoped3A_745 : memref<!tpu.dma_semaphore, #tpu.memory_space<semaphore_mem>>) {add = true}
          %dma_wait3A_752 = arith.constant 0 : i32
          %dma_wait3A_753 = tpu.memref_slice %arg8[%run_scoped3A_405, %dma_wait3A_752] : memref<2x128xi32, #tpu.memory_space<vmem>> -> memref<1x128xi32, #tpu.memory_space<vmem>>
          %dma_wait3A_754 = tpu.memref_squeeze %dma_wait3A_753 : memref<1x128xi32, #tpu.memory_space<vmem>> -> memref<128xi32, #tpu.memory_space<vmem>>
          %dma_wait3A_755 = arith.constant 0 : i32
          %dma_wait3A_756 = arith.constant 0 : i32
          %dma_wait3A_757 = tpu.memref_slice %arg6[%dma_wait3A_755, %dma_wait3A_756] : memref<10000x128xf32, #tpu.memory_space<vmem_shared>> -> memref<10000x128xf32, #tpu.memory_space<vmem_shared>>
          tpu.wait_indirect_dma semaphore(%run_scoped3A_745 : memref<!tpu.dma_semaphore, #tpu.memory_space<semaphore_mem>>) src(%arg12 : memref<128x128xf32, #tpu.memory_space<vmem>>) dst(%dma_wait3A_757 : memref<10000x128xf32, #tpu.memory_space<vmem_shared>>)
          tpu.yield
        }) : () -> ()
        %add3A_406 = arith.constant 4 : i32
        %add3A_407 = arith.addi %add3A_385, %add3A_406 : i32
        %mul3A_408 = arith.constant 128 : i32
        %mul3A_409 = arith.muli %add3A_407, %mul3A_408 : i32
        %add3A_410 = arith.addi %mul3A_2, %mul3A_409 : i32
        %dma_start3A_411 = arith.constant 0 : i32
        %dma_start3A_412 = tpu.memref_slice %arg3[%dma_start3A_411, %add3A_410] : memref<2x320000xi32, #tpu.memory_space<hbm>> -> memref<2x128xi32, #tpu.memory_space<hbm>>
        %dma_start3A_413 = arith.constant 0 : i32
        %dma_start3A_414 = tpu.memref_slice %arg3[%dma_start3A_413, %add3A_410] : memref<2x320000xi32, #tpu.memory_space<hbm>> -> memref<2x128xi32, #tpu.memory_space<hbm>>
        tpu.enqueue_dma source(%dma_start3A_414 : memref<2x128xi32, #tpu.memory_space<hbm>>) target(%arg8 : memref<2x128xi32, #tpu.memory_space<vmem>>) target_semaphore(%arg15 : memref<!tpu.dma_semaphore, #tpu.memory_space<semaphore_mem>>)
        %mul3A_415 = arith.constant 12 : i32
        %mul3A_416 = arith.muli %scan3A_348, %mul3A_415 : i32
        %add3A_417 = arith.constant 2 : i32
        %add3A_418 = arith.addi %mul3A_416, %add3A_417 : i32
        %dma_wait3A_419 = arith.constant 0 : i32
        %dma_wait3A_420 = arith.constant 0 : i32
        %dma_wait3A_421 = tpu.memref_slice %arg3[%dma_wait3A_419, %dma_wait3A_420] : memref<2x320000xi32, #tpu.memory_space<hbm>> -> memref<2x128xi32, #tpu.memory_space<hbm>>
        %dma_wait3A_422 = arith.constant 0 : i32
        %dma_wait3A_423 = arith.constant 0 : i32
        %dma_wait3A_424 = tpu.memref_slice %arg3[%dma_wait3A_422, %dma_wait3A_423] : memref<2x320000xi32, #tpu.memory_space<hbm>> -> memref<2x128xi32, #tpu.memory_space<hbm>>
        tpu.wait_dma2 semaphore(%arg14 : memref<!tpu.dma_semaphore, #tpu.memory_space<semaphore_mem>>) src(%dma_wait3A_424 : memref<2x128xi32, #tpu.memory_space<hbm>>) dst(%arg7 : memref<2x128xi32, #tpu.memory_space<vmem>>)
        %dma_start3A_425 = arith.constant 1 : i32
        %dma_start3A_426 = arith.constant 0 : i32
        %dma_start3A_427 = tpu.memref_slice %arg7[%dma_start3A_425, %dma_start3A_426] : memref<2x128xi32, #tpu.memory_space<vmem>> -> memref<1x128xi32, #tpu.memory_space<vmem>>
        %dma_start3A_428 = tpu.memref_squeeze %dma_start3A_427 : memref<1x128xi32, #tpu.memory_space<vmem>> -> memref<128xi32, #tpu.memory_space<vmem>>
        %dma_start3A_429 = arith.constant 0 : i32
        %dma_start3A_430 = arith.constant 0 : i32
        %dma_start3A_431 = tpu.memref_slice %arg2[%dma_start3A_429, %dma_start3A_430] : memref<10000x128xf32, #tpu.memory_space<hbm>> -> memref<10000x128xf32, #tpu.memory_space<hbm>>
        tpu.enqueue_indirect_dma source(%dma_start3A_431 : memref<10000x128xf32, #tpu.memory_space<hbm>>) target(%arg12 : memref<128x128xf32, #tpu.memory_space<vmem>>) offsets(%dma_start3A_428 : memref<128xi32, #tpu.memory_space<vmem>>) semaphore(%arg19 : memref<!tpu.dma_semaphore, #tpu.memory_space<semaphore_mem>>)
        %dma_wait3A_432 = arith.constant 0 : i32
        %dma_wait3A_433 = arith.constant 0 : i32
        %dma_wait3A_434 = tpu.memref_slice %arg2[%dma_wait3A_432, %dma_wait3A_433] : memref<10000x128xf32, #tpu.memory_space<hbm>> -> memref<128x128xf32, #tpu.memory_space<hbm>>
        %dma_wait3A_435 = arith.constant 0 : i32
        %dma_wait3A_436 = arith.constant 0 : i32
        %dma_wait3A_437 = tpu.memref_slice %arg2[%dma_wait3A_435, %dma_wait3A_436] : memref<10000x128xf32, #tpu.memory_space<hbm>> -> memref<128x128xf32, #tpu.memory_space<hbm>>
        tpu.wait_dma2 semaphore(%arg20 : memref<!tpu.dma_semaphore, #tpu.memory_space<semaphore_mem>>) src(%dma_wait3A_437 : memref<128x128xf32, #tpu.memory_space<hbm>>) dst(%arg13 : memref<128x128xf32, #tpu.memory_space<vmem>>)
        %run_scoped3A_438 = arith.constant 0 : i32
        "tpu.region"() ({
          %run_scoped3A_745 = tpu.sem_alloc : memref<!tpu.dma_semaphore, #tpu.memory_space<semaphore_mem>>
          %dma_start3A_746 = arith.constant 0 : i32
          %dma_start3A_747 = tpu.memref_slice %arg9[%run_scoped3A_438, %dma_start3A_746] : memref<2x128xi32, #tpu.memory_space<vmem>> -> memref<1x128xi32, #tpu.memory_space<vmem>>
          %dma_start3A_748 = tpu.memref_squeeze %dma_start3A_747 : memref<1x128xi32, #tpu.memory_space<vmem>> -> memref<128xi32, #tpu.memory_space<vmem>>
          %dma_start3A_749 = arith.constant 0 : i32
          %dma_start3A_750 = arith.constant 0 : i32
          %dma_start3A_751 = tpu.memref_slice %arg6[%dma_start3A_749, %dma_start3A_750] : memref<10000x128xf32, #tpu.memory_space<vmem_shared>> -> memref<10000x128xf32, #tpu.memory_space<vmem_shared>>
          tpu.enqueue_indirect_dma source(%arg13 : memref<128x128xf32, #tpu.memory_space<vmem>>) target(%dma_start3A_751 : memref<10000x128xf32, #tpu.memory_space<vmem_shared>>) offsets(%dma_start3A_748 : memref<128xi32, #tpu.memory_space<vmem>>) semaphore(%run_scoped3A_745 : memref<!tpu.dma_semaphore, #tpu.memory_space<semaphore_mem>>) {add = true}
          %dma_wait3A_752 = arith.constant 0 : i32
          %dma_wait3A_753 = tpu.memref_slice %arg9[%run_scoped3A_438, %dma_wait3A_752] : memref<2x128xi32, #tpu.memory_space<vmem>> -> memref<1x128xi32, #tpu.memory_space<vmem>>
          %dma_wait3A_754 = tpu.memref_squeeze %dma_wait3A_753 : memref<1x128xi32, #tpu.memory_space<vmem>> -> memref<128xi32, #tpu.memory_space<vmem>>
          %dma_wait3A_755 = arith.constant 0 : i32
          %dma_wait3A_756 = arith.constant 0 : i32
          %dma_wait3A_757 = tpu.memref_slice %arg6[%dma_wait3A_755, %dma_wait3A_756] : memref<10000x128xf32, #tpu.memory_space<vmem_shared>> -> memref<10000x128xf32, #tpu.memory_space<vmem_shared>>
          tpu.wait_indirect_dma semaphore(%run_scoped3A_745 : memref<!tpu.dma_semaphore, #tpu.memory_space<semaphore_mem>>) src(%arg13 : memref<128x128xf32, #tpu.memory_space<vmem>>) dst(%dma_wait3A_757 : memref<10000x128xf32, #tpu.memory_space<vmem_shared>>)
          tpu.yield
        }) : () -> ()
        %add3A_439 = arith.constant 4 : i32
        %add3A_440 = arith.addi %add3A_418, %add3A_439 : i32
        %mul3A_441 = arith.constant 128 : i32
        %mul3A_442 = arith.muli %add3A_440, %mul3A_441 : i32
        %add3A_443 = arith.addi %mul3A_2, %mul3A_442 : i32
        %dma_start3A_444 = arith.constant 0 : i32
        %dma_start3A_445 = tpu.memref_slice %arg3[%dma_start3A_444, %add3A_443] : memref<2x320000xi32, #tpu.memory_space<hbm>> -> memref<2x128xi32, #tpu.memory_space<hbm>>
        %dma_start3A_446 = arith.constant 0 : i32
        %dma_start3A_447 = tpu.memref_slice %arg3[%dma_start3A_446, %add3A_443] : memref<2x320000xi32, #tpu.memory_space<hbm>> -> memref<2x128xi32, #tpu.memory_space<hbm>>
        tpu.enqueue_dma source(%dma_start3A_447 : memref<2x128xi32, #tpu.memory_space<hbm>>) target(%arg9 : memref<2x128xi32, #tpu.memory_space<vmem>>) target_semaphore(%arg16 : memref<!tpu.dma_semaphore, #tpu.memory_space<semaphore_mem>>)
        %mul3A_448 = arith.constant 12 : i32
        %mul3A_449 = arith.muli %scan3A_348, %mul3A_448 : i32
        %add3A_450 = arith.constant 3 : i32
        %add3A_451 = arith.addi %mul3A_449, %add3A_450 : i32
        %dma_wait3A_452 = arith.constant 0 : i32
        %dma_wait3A_453 = arith.constant 0 : i32
        %dma_wait3A_454 = tpu.memref_slice %arg3[%dma_wait3A_452, %dma_wait3A_453] : memref<2x320000xi32, #tpu.memory_space<hbm>> -> memref<2x128xi32, #tpu.memory_space<hbm>>
        %dma_wait3A_455 = arith.constant 0 : i32
        %dma_wait3A_456 = arith.constant 0 : i32
        %dma_wait3A_457 = tpu.memref_slice %arg3[%dma_wait3A_455, %dma_wait3A_456] : memref<2x320000xi32, #tpu.memory_space<hbm>> -> memref<2x128xi32, #tpu.memory_space<hbm>>
        tpu.wait_dma2 semaphore(%arg15 : memref<!tpu.dma_semaphore, #tpu.memory_space<semaphore_mem>>) src(%dma_wait3A_457 : memref<2x128xi32, #tpu.memory_space<hbm>>) dst(%arg8 : memref<2x128xi32, #tpu.memory_space<vmem>>)
        %dma_start3A_458 = arith.constant 1 : i32
        %dma_start3A_459 = arith.constant 0 : i32
        %dma_start3A_460 = tpu.memref_slice %arg8[%dma_start3A_458, %dma_start3A_459] : memref<2x128xi32, #tpu.memory_space<vmem>> -> memref<1x128xi32, #tpu.memory_space<vmem>>
        %dma_start3A_461 = tpu.memref_squeeze %dma_start3A_460 : memref<1x128xi32, #tpu.memory_space<vmem>> -> memref<128xi32, #tpu.memory_space<vmem>>
        %dma_start3A_462 = arith.constant 0 : i32
        %dma_start3A_463 = arith.constant 0 : i32
        %dma_start3A_464 = tpu.memref_slice %arg2[%dma_start3A_462, %dma_start3A_463] : memref<10000x128xf32, #tpu.memory_space<hbm>> -> memref<10000x128xf32, #tpu.memory_space<hbm>>
        tpu.enqueue_indirect_dma source(%dma_start3A_464 : memref<10000x128xf32, #tpu.memory_space<hbm>>) target(%arg13 : memref<128x128xf32, #tpu.memory_space<vmem>>) offsets(%dma_start3A_461 : memref<128xi32, #tpu.memory_space<vmem>>) semaphore(%arg20 : memref<!tpu.dma_semaphore, #tpu.memory_space<semaphore_mem>>)
        %dma_wait3A_465 = arith.constant 0 : i32
        %dma_wait3A_466 = arith.constant 0 : i32
        %dma_wait3A_467 = tpu.memref_slice %arg2[%dma_wait3A_465, %dma_wait3A_466] : memref<10000x128xf32, #tpu.memory_space<hbm>> -> memref<128x128xf32, #tpu.memory_space<hbm>>
        %dma_wait3A_468 = arith.constant 0 : i32
        %dma_wait3A_469 = arith.constant 0 : i32
        %dma_wait3A_470 = tpu.memref_slice %arg2[%dma_wait3A_468, %dma_wait3A_469] : memref<10000x128xf32, #tpu.memory_space<hbm>> -> memref<128x128xf32, #tpu.memory_space<hbm>>
        tpu.wait_dma2 semaphore(%arg18 : memref<!tpu.dma_semaphore, #tpu.memory_space<semaphore_mem>>) src(%dma_wait3A_470 : memref<128x128xf32, #tpu.memory_space<hbm>>) dst(%arg11 : memref<128x128xf32, #tpu.memory_space<vmem>>)
        %run_scoped3A_471 = arith.constant 0 : i32
        "tpu.region"() ({
          %run_scoped3A_745 = tpu.sem_alloc : memref<!tpu.dma_semaphore, #tpu.memory_space<semaphore_mem>>
          %dma_start3A_746 = arith.constant 0 : i32
          %dma_start3A_747 = tpu.memref_slice %arg10[%run_scoped3A_471, %dma_start3A_746] : memref<2x128xi32, #tpu.memory_space<vmem>> -> memref<1x128xi32, #tpu.memory_space<vmem>>
          %dma_start3A_748 = tpu.memref_squeeze %dma_start3A_747 : memref<1x128xi32, #tpu.memory_space<vmem>> -> memref<128xi32, #tpu.memory_space<vmem>>
          %dma_start3A_749 = arith.constant 0 : i32
          %dma_start3A_750 = arith.constant 0 : i32
          %dma_start3A_751 = tpu.memref_slice %arg6[%dma_start3A_749, %dma_start3A_750] : memref<10000x128xf32, #tpu.memory_space<vmem_shared>> -> memref<10000x128xf32, #tpu.memory_space<vmem_shared>>
          tpu.enqueue_indirect_dma source(%arg11 : memref<128x128xf32, #tpu.memory_space<vmem>>) target(%dma_start3A_751 : memref<10000x128xf32, #tpu.memory_space<vmem_shared>>) offsets(%dma_start3A_748 : memref<128xi32, #tpu.memory_space<vmem>>) semaphore(%run_scoped3A_745 : memref<!tpu.dma_semaphore, #tpu.memory_space<semaphore_mem>>) {add = true}
          %dma_wait3A_752 = arith.constant 0 : i32
          %dma_wait3A_753 = tpu.memref_slice %arg10[%run_scoped3A_471, %dma_wait3A_752] : memref<2x128xi32, #tpu.memory_space<vmem>> -> memref<1x128xi32, #tpu.memory_space<vmem>>
          %dma_wait3A_754 = tpu.memref_squeeze %dma_wait3A_753 : memref<1x128xi32, #tpu.memory_space<vmem>> -> memref<128xi32, #tpu.memory_space<vmem>>
          %dma_wait3A_755 = arith.constant 0 : i32
          %dma_wait3A_756 = arith.constant 0 : i32
          %dma_wait3A_757 = tpu.memref_slice %arg6[%dma_wait3A_755, %dma_wait3A_756] : memref<10000x128xf32, #tpu.memory_space<vmem_shared>> -> memref<10000x128xf32, #tpu.memory_space<vmem_shared>>
          tpu.wait_indirect_dma semaphore(%run_scoped3A_745 : memref<!tpu.dma_semaphore, #tpu.memory_space<semaphore_mem>>) src(%arg11 : memref<128x128xf32, #tpu.memory_space<vmem>>) dst(%dma_wait3A_757 : memref<10000x128xf32, #tpu.memory_space<vmem_shared>>)
          tpu.yield
        }) : () -> ()
        %add3A_472 = arith.constant 4 : i32
        %add3A_473 = arith.addi %add3A_451, %add3A_472 : i32
        %mul3A_474 = arith.constant 128 : i32
        %mul3A_475 = arith.muli %add3A_473, %mul3A_474 : i32
        %add3A_476 = arith.addi %mul3A_2, %mul3A_475 : i32
        %dma_start3A_477 = arith.constant 0 : i32
        %dma_start3A_478 = tpu.memref_slice %arg3[%dma_start3A_477, %add3A_476] : memref<2x320000xi32, #tpu.memory_space<hbm>> -> memref<2x128xi32, #tpu.memory_space<hbm>>
        %dma_start3A_479 = arith.constant 0 : i32
        %dma_start3A_480 = tpu.memref_slice %arg3[%dma_start3A_479, %add3A_476] : memref<2x320000xi32, #tpu.memory_space<hbm>> -> memref<2x128xi32, #tpu.memory_space<hbm>>
        tpu.enqueue_dma source(%dma_start3A_480 : memref<2x128xi32, #tpu.memory_space<hbm>>) target(%arg10 : memref<2x128xi32, #tpu.memory_space<vmem>>) target_semaphore(%arg17 : memref<!tpu.dma_semaphore, #tpu.memory_space<semaphore_mem>>)
        %mul3A_481 = arith.constant 12 : i32
        %mul3A_482 = arith.muli %scan3A_348, %mul3A_481 : i32
        %add3A_483 = arith.constant 4 : i32
        %add3A_484 = arith.addi %mul3A_482, %add3A_483 : i32
        %dma_wait3A_485 = arith.constant 0 : i32
        %dma_wait3A_486 = arith.constant 0 : i32
        %dma_wait3A_487 = tpu.memref_slice %arg3[%dma_wait3A_485, %dma_wait3A_486] : memref<2x320000xi32, #tpu.memory_space<hbm>> -> memref<2x128xi32, #tpu.memory_space<hbm>>
        %dma_wait3A_488 = arith.constant 0 : i32
        %dma_wait3A_489 = arith.constant 0 : i32
        %dma_wait3A_490 = tpu.memref_slice %arg3[%dma_wait3A_488, %dma_wait3A_489] : memref<2x320000xi32, #tpu.memory_space<hbm>> -> memref<2x128xi32, #tpu.memory_space<hbm>>
        tpu.wait_dma2 semaphore(%arg16 : memref<!tpu.dma_semaphore, #tpu.memory_space<semaphore_mem>>) src(%dma_wait3A_490 : memref<2x128xi32, #tpu.memory_space<hbm>>) dst(%arg9 : memref<2x128xi32, #tpu.memory_space<vmem>>)
        %dma_start3A_491 = arith.constant 1 : i32
        %dma_start3A_492 = arith.constant 0 : i32
        %dma_start3A_493 = tpu.memref_slice %arg9[%dma_start3A_491, %dma_start3A_492] : memref<2x128xi32, #tpu.memory_space<vmem>> -> memref<1x128xi32, #tpu.memory_space<vmem>>
        %dma_start3A_494 = tpu.memref_squeeze %dma_start3A_493 : memref<1x128xi32, #tpu.memory_space<vmem>> -> memref<128xi32, #tpu.memory_space<vmem>>
        %dma_start3A_495 = arith.constant 0 : i32
        %dma_start3A_496 = arith.constant 0 : i32
        %dma_start3A_497 = tpu.memref_slice %arg2[%dma_start3A_495, %dma_start3A_496] : memref<10000x128xf32, #tpu.memory_space<hbm>> -> memref<10000x128xf32, #tpu.memory_space<hbm>>
        tpu.enqueue_indirect_dma source(%dma_start3A_497 : memref<10000x128xf32, #tpu.memory_space<hbm>>) target(%arg11 : memref<128x128xf32, #tpu.memory_space<vmem>>) offsets(%dma_start3A_494 : memref<128xi32, #tpu.memory_space<vmem>>) semaphore(%arg18 : memref<!tpu.dma_semaphore, #tpu.memory_space<semaphore_mem>>)
        %dma_wait3A_498 = arith.constant 0 : i32
        %dma_wait3A_499 = arith.constant 0 : i32
        %dma_wait3A_500 = tpu.memref_slice %arg2[%dma_wait3A_498, %dma_wait3A_499] : memref<10000x128xf32, #tpu.memory_space<hbm>> -> memref<128x128xf32, #tpu.memory_space<hbm>>
        %dma_wait3A_501 = arith.constant 0 : i32
        %dma_wait3A_502 = arith.constant 0 : i32
        %dma_wait3A_503 = tpu.memref_slice %arg2[%dma_wait3A_501, %dma_wait3A_502] : memref<10000x128xf32, #tpu.memory_space<hbm>> -> memref<128x128xf32, #tpu.memory_space<hbm>>
        tpu.wait_dma2 semaphore(%arg19 : memref<!tpu.dma_semaphore, #tpu.memory_space<semaphore_mem>>) src(%dma_wait3A_503 : memref<128x128xf32, #tpu.memory_space<hbm>>) dst(%arg12 : memref<128x128xf32, #tpu.memory_space<vmem>>)
        %run_scoped3A_504 = arith.constant 0 : i32
        "tpu.region"() ({
          %run_scoped3A_745 = tpu.sem_alloc : memref<!tpu.dma_semaphore, #tpu.memory_space<semaphore_mem>>
          %dma_start3A_746 = arith.constant 0 : i32
          %dma_start3A_747 = tpu.memref_slice %arg7[%run_scoped3A_504, %dma_start3A_746] : memref<2x128xi32, #tpu.memory_space<vmem>> -> memref<1x128xi32, #tpu.memory_space<vmem>>
          %dma_start3A_748 = tpu.memref_squeeze %dma_start3A_747 : memref<1x128xi32, #tpu.memory_space<vmem>> -> memref<128xi32, #tpu.memory_space<vmem>>
          %dma_start3A_749 = arith.constant 0 : i32
          %dma_start3A_750 = arith.constant 0 : i32
          %dma_start3A_751 = tpu.memref_slice %arg6[%dma_start3A_749, %dma_start3A_750] : memref<10000x128xf32, #tpu.memory_space<vmem_shared>> -> memref<10000x128xf32, #tpu.memory_space<vmem_shared>>
          tpu.enqueue_indirect_dma source(%arg12 : memref<128x128xf32, #tpu.memory_space<vmem>>) target(%dma_start3A_751 : memref<10000x128xf32, #tpu.memory_space<vmem_shared>>) offsets(%dma_start3A_748 : memref<128xi32, #tpu.memory_space<vmem>>) semaphore(%run_scoped3A_745 : memref<!tpu.dma_semaphore, #tpu.memory_space<semaphore_mem>>) {add = true}
          %dma_wait3A_752 = arith.constant 0 : i32
          %dma_wait3A_753 = tpu.memref_slice %arg7[%run_scoped3A_504, %dma_wait3A_752] : memref<2x128xi32, #tpu.memory_space<vmem>> -> memref<1x128xi32, #tpu.memory_space<vmem>>
          %dma_wait3A_754 = tpu.memref_squeeze %dma_wait3A_753 : memref<1x128xi32, #tpu.memory_space<vmem>> -> memref<128xi32, #tpu.memory_space<vmem>>
          %dma_wait3A_755 = arith.constant 0 : i32
          %dma_wait3A_756 = arith.constant 0 : i32
          %dma_wait3A_757 = tpu.memref_slice %arg6[%dma_wait3A_755, %dma_wait3A_756] : memref<10000x128xf32, #tpu.memory_space<vmem_shared>> -> memref<10000x128xf32, #tpu.memory_space<vmem_shared>>
          tpu.wait_indirect_dma semaphore(%run_scoped3A_745 : memref<!tpu.dma_semaphore, #tpu.memory_space<semaphore_mem>>) src(%arg12 : memref<128x128xf32, #tpu.memory_space<vmem>>) dst(%dma_wait3A_757 : memref<10000x128xf32, #tpu.memory_space<vmem_shared>>)
          tpu.yield
        }) : () -> ()
        %add3A_505 = arith.constant 4 : i32
        %add3A_506 = arith.addi %add3A_484, %add3A_505 : i32
        %mul3A_507 = arith.constant 128 : i32
        %mul3A_508 = arith.muli %add3A_506, %mul3A_507 : i32
        %add3A_509 = arith.addi %mul3A_2, %mul3A_508 : i32
        %dma_start3A_510 = arith.constant 0 : i32
        %dma_start3A_511 = tpu.memref_slice %arg3[%dma_start3A_510, %add3A_509] : memref<2x320000xi32, #tpu.memory_space<hbm>> -> memref<2x128xi32, #tpu.memory_space<hbm>>
        %dma_start3A_512 = arith.constant 0 : i32
        %dma_start3A_513 = tpu.memref_slice %arg3[%dma_start3A_512, %add3A_509] : memref<2x320000xi32, #tpu.memory_space<hbm>> -> memref<2x128xi32, #tpu.memory_space<hbm>>
        tpu.enqueue_dma source(%dma_start3A_513 : memref<2x128xi32, #tpu.memory_space<hbm>>) target(%arg7 : memref<2x128xi32, #tpu.memory_space<vmem>>) target_semaphore(%arg14 : memref<!tpu.dma_semaphore, #tpu.memory_space<semaphore_mem>>)
        %mul3A_514 = arith.constant 12 : i32
        %mul3A_515 = arith.muli %scan3A_348, %mul3A_514 : i32
        %add3A_516 = arith.constant 5 : i32
        %add3A_517 = arith.addi %mul3A_515, %add3A_516 : i32
        %dma_wait3A_518 = arith.constant 0 : i32
        %dma_wait3A_519 = arith.constant 0 : i32
        %dma_wait3A_520 = tpu.memref_slice %arg3[%dma_wait3A_518, %dma_wait3A_519] : memref<2x320000xi32, #tpu.memory_space<hbm>> -> memref<2x128xi32, #tpu.memory_space<hbm>>
        %dma_wait3A_521 = arith.constant 0 : i32
        %dma_wait3A_522 = arith.constant 0 : i32
        %dma_wait3A_523 = tpu.memref_slice %arg3[%dma_wait3A_521, %dma_wait3A_522] : memref<2x320000xi32, #tpu.memory_space<hbm>> -> memref<2x128xi32, #tpu.memory_space<hbm>>
        tpu.wait_dma2 semaphore(%arg17 : memref<!tpu.dma_semaphore, #tpu.memory_space<semaphore_mem>>) src(%dma_wait3A_523 : memref<2x128xi32, #tpu.memory_space<hbm>>) dst(%arg10 : memref<2x128xi32, #tpu.memory_space<vmem>>)
        %dma_start3A_524 = arith.constant 1 : i32
        %dma_start3A_525 = arith.constant 0 : i32
        %dma_start3A_526 = tpu.memref_slice %arg10[%dma_start3A_524, %dma_start3A_525] : memref<2x128xi32, #tpu.memory_space<vmem>> -> memref<1x128xi32, #tpu.memory_space<vmem>>
        %dma_start3A_527 = tpu.memref_squeeze %dma_start3A_526 : memref<1x128xi32, #tpu.memory_space<vmem>> -> memref<128xi32, #tpu.memory_space<vmem>>
        %dma_start3A_528 = arith.constant 0 : i32
        %dma_start3A_529 = arith.constant 0 : i32
        %dma_start3A_530 = tpu.memref_slice %arg2[%dma_start3A_528, %dma_start3A_529] : memref<10000x128xf32, #tpu.memory_space<hbm>> -> memref<10000x128xf32, #tpu.memory_space<hbm>>
        tpu.enqueue_indirect_dma source(%dma_start3A_530 : memref<10000x128xf32, #tpu.memory_space<hbm>>) target(%arg12 : memref<128x128xf32, #tpu.memory_space<vmem>>) offsets(%dma_start3A_527 : memref<128xi32, #tpu.memory_space<vmem>>) semaphore(%arg19 : memref<!tpu.dma_semaphore, #tpu.memory_space<semaphore_mem>>)
        %dma_wait3A_531 = arith.constant 0 : i32
        %dma_wait3A_532 = arith.constant 0 : i32
        %dma_wait3A_533 = tpu.memref_slice %arg2[%dma_wait3A_531, %dma_wait3A_532] : memref<10000x128xf32, #tpu.memory_space<hbm>> -> memref<128x128xf32, #tpu.memory_space<hbm>>
        %dma_wait3A_534 = arith.constant 0 : i32
        %dma_wait3A_535 = arith.constant 0 : i32
        %dma_wait3A_536 = tpu.memref_slice %arg2[%dma_wait3A_534, %dma_wait3A_535] : memref<10000x128xf32, #tpu.memory_space<hbm>> -> memref<128x128xf32, #tpu.memory_space<hbm>>
        tpu.wait_dma2 semaphore(%arg20 : memref<!tpu.dma_semaphore, #tpu.memory_space<semaphore_mem>>) src(%dma_wait3A_536 : memref<128x128xf32, #tpu.memory_space<hbm>>) dst(%arg13 : memref<128x128xf32, #tpu.memory_space<vmem>>)
        %run_scoped3A_537 = arith.constant 0 : i32
        "tpu.region"() ({
          %run_scoped3A_745 = tpu.sem_alloc : memref<!tpu.dma_semaphore, #tpu.memory_space<semaphore_mem>>
          %dma_start3A_746 = arith.constant 0 : i32
          %dma_start3A_747 = tpu.memref_slice %arg8[%run_scoped3A_537, %dma_start3A_746] : memref<2x128xi32, #tpu.memory_space<vmem>> -> memref<1x128xi32, #tpu.memory_space<vmem>>
          %dma_start3A_748 = tpu.memref_squeeze %dma_start3A_747 : memref<1x128xi32, #tpu.memory_space<vmem>> -> memref<128xi32, #tpu.memory_space<vmem>>
          %dma_start3A_749 = arith.constant 0 : i32
          %dma_start3A_750 = arith.constant 0 : i32
          %dma_start3A_751 = tpu.memref_slice %arg6[%dma_start3A_749, %dma_start3A_750] : memref<10000x128xf32, #tpu.memory_space<vmem_shared>> -> memref<10000x128xf32, #tpu.memory_space<vmem_shared>>
          tpu.enqueue_indirect_dma source(%arg13 : memref<128x128xf32, #tpu.memory_space<vmem>>) target(%dma_start3A_751 : memref<10000x128xf32, #tpu.memory_space<vmem_shared>>) offsets(%dma_start3A_748 : memref<128xi32, #tpu.memory_space<vmem>>) semaphore(%run_scoped3A_745 : memref<!tpu.dma_semaphore, #tpu.memory_space<semaphore_mem>>) {add = true}
          %dma_wait3A_752 = arith.constant 0 : i32
          %dma_wait3A_753 = tpu.memref_slice %arg8[%run_scoped3A_537, %dma_wait3A_752] : memref<2x128xi32, #tpu.memory_space<vmem>> -> memref<1x128xi32, #tpu.memory_space<vmem>>
          %dma_wait3A_754 = tpu.memref_squeeze %dma_wait3A_753 : memref<1x128xi32, #tpu.memory_space<vmem>> -> memref<128xi32, #tpu.memory_space<vmem>>
          %dma_wait3A_755 = arith.constant 0 : i32
          %dma_wait3A_756 = arith.constant 0 : i32
          %dma_wait3A_757 = tpu.memref_slice %arg6[%dma_wait3A_755, %dma_wait3A_756] : memref<10000x128xf32, #tpu.memory_space<vmem_shared>> -> memref<10000x128xf32, #tpu.memory_space<vmem_shared>>
          tpu.wait_indirect_dma semaphore(%run_scoped3A_745 : memref<!tpu.dma_semaphore, #tpu.memory_space<semaphore_mem>>) src(%arg13 : memref<128x128xf32, #tpu.memory_space<vmem>>) dst(%dma_wait3A_757 : memref<10000x128xf32, #tpu.memory_space<vmem_shared>>)
          tpu.yield
        }) : () -> ()
        %add3A_538 = arith.constant 4 : i32
        %add3A_539 = arith.addi %add3A_517, %add3A_538 : i32
        %mul3A_540 = arith.constant 128 : i32
        %mul3A_541 = arith.muli %add3A_539, %mul3A_540 : i32
        %add3A_542 = arith.addi %mul3A_2, %mul3A_541 : i32
        %dma_start3A_543 = arith.constant 0 : i32
        %dma_start3A_544 = tpu.memref_slice %arg3[%dma_start3A_543, %add3A_542] : memref<2x320000xi32, #tpu.memory_space<hbm>> -> memref<2x128xi32, #tpu.memory_space<hbm>>
        %dma_start3A_545 = arith.constant 0 : i32
        %dma_start3A_546 = tpu.memref_slice %arg3[%dma_start3A_545, %add3A_542] : memref<2x320000xi32, #tpu.memory_space<hbm>> -> memref<2x128xi32, #tpu.memory_space<hbm>>
        tpu.enqueue_dma source(%dma_start3A_546 : memref<2x128xi32, #tpu.memory_space<hbm>>) target(%arg8 : memref<2x128xi32, #tpu.memory_space<vmem>>) target_semaphore(%arg15 : memref<!tpu.dma_semaphore, #tpu.memory_space<semaphore_mem>>)
        %mul3A_547 = arith.constant 12 : i32
        %mul3A_548 = arith.muli %scan3A_348, %mul3A_547 : i32
        %add3A_549 = arith.constant 6 : i32
        %add3A_550 = arith.addi %mul3A_548, %add3A_549 : i32
        %dma_wait3A_551 = arith.constant 0 : i32
        %dma_wait3A_552 = arith.constant 0 : i32
        %dma_wait3A_553 = tpu.memref_slice %arg3[%dma_wait3A_551, %dma_wait3A_552] : memref<2x320000xi32, #tpu.memory_space<hbm>> -> memref<2x128xi32, #tpu.memory_space<hbm>>
        %dma_wait3A_554 = arith.constant 0 : i32
        %dma_wait3A_555 = arith.constant 0 : i32
        %dma_wait3A_556 = tpu.memref_slice %arg3[%dma_wait3A_554, %dma_wait3A_555] : memref<2x320000xi32, #tpu.memory_space<hbm>> -> memref<2x128xi32, #tpu.memory_space<hbm>>
        tpu.wait_dma2 semaphore(%arg14 : memref<!tpu.dma_semaphore, #tpu.memory_space<semaphore_mem>>) src(%dma_wait3A_556 : memref<2x128xi32, #tpu.memory_space<hbm>>) dst(%arg7 : memref<2x128xi32, #tpu.memory_space<vmem>>)
        %dma_start3A_557 = arith.constant 1 : i32
        %dma_start3A_558 = arith.constant 0 : i32
        %dma_start3A_559 = tpu.memref_slice %arg7[%dma_start3A_557, %dma_start3A_558] : memref<2x128xi32, #tpu.memory_space<vmem>> -> memref<1x128xi32, #tpu.memory_space<vmem>>
        %dma_start3A_560 = tpu.memref_squeeze %dma_start3A_559 : memref<1x128xi32, #tpu.memory_space<vmem>> -> memref<128xi32, #tpu.memory_space<vmem>>
        %dma_start3A_561 = arith.constant 0 : i32
        %dma_start3A_562 = arith.constant 0 : i32
        %dma_start3A_563 = tpu.memref_slice %arg2[%dma_start3A_561, %dma_start3A_562] : memref<10000x128xf32, #tpu.memory_space<hbm>> -> memref<10000x128xf32, #tpu.memory_space<hbm>>
        tpu.enqueue_indirect_dma source(%dma_start3A_563 : memref<10000x128xf32, #tpu.memory_space<hbm>>) target(%arg13 : memref<128x128xf32, #tpu.memory_space<vmem>>) offsets(%dma_start3A_560 : memref<128xi32, #tpu.memory_space<vmem>>) semaphore(%arg20 : memref<!tpu.dma_semaphore, #tpu.memory_space<semaphore_mem>>)
        %dma_wait3A_564 = arith.constant 0 : i32
        %dma_wait3A_565 = arith.constant 0 : i32
        %dma_wait3A_566 = tpu.memref_slice %arg2[%dma_wait3A_564, %dma_wait3A_565] : memref<10000x128xf32, #tpu.memory_space<hbm>> -> memref<128x128xf32, #tpu.memory_space<hbm>>
        %dma_wait3A_567 = arith.constant 0 : i32
        %dma_wait3A_568 = arith.constant 0 : i32
        %dma_wait3A_569 = tpu.memref_slice %arg2[%dma_wait3A_567, %dma_wait3A_568] : memref<10000x128xf32, #tpu.memory_space<hbm>> -> memref<128x128xf32, #tpu.memory_space<hbm>>
        tpu.wait_dma2 semaphore(%arg18 : memref<!tpu.dma_semaphore, #tpu.memory_space<semaphore_mem>>) src(%dma_wait3A_569 : memref<128x128xf32, #tpu.memory_space<hbm>>) dst(%arg11 : memref<128x128xf32, #tpu.memory_space<vmem>>)
        %run_scoped3A_570 = arith.constant 0 : i32
        "tpu.region"() ({
          %run_scoped3A_745 = tpu.sem_alloc : memref<!tpu.dma_semaphore, #tpu.memory_space<semaphore_mem>>
          %dma_start3A_746 = arith.constant 0 : i32
          %dma_start3A_747 = tpu.memref_slice %arg9[%run_scoped3A_570, %dma_start3A_746] : memref<2x128xi32, #tpu.memory_space<vmem>> -> memref<1x128xi32, #tpu.memory_space<vmem>>
          %dma_start3A_748 = tpu.memref_squeeze %dma_start3A_747 : memref<1x128xi32, #tpu.memory_space<vmem>> -> memref<128xi32, #tpu.memory_space<vmem>>
          %dma_start3A_749 = arith.constant 0 : i32
          %dma_start3A_750 = arith.constant 0 : i32
          %dma_start3A_751 = tpu.memref_slice %arg6[%dma_start3A_749, %dma_start3A_750] : memref<10000x128xf32, #tpu.memory_space<vmem_shared>> -> memref<10000x128xf32, #tpu.memory_space<vmem_shared>>
          tpu.enqueue_indirect_dma source(%arg11 : memref<128x128xf32, #tpu.memory_space<vmem>>) target(%dma_start3A_751 : memref<10000x128xf32, #tpu.memory_space<vmem_shared>>) offsets(%dma_start3A_748 : memref<128xi32, #tpu.memory_space<vmem>>) semaphore(%run_scoped3A_745 : memref<!tpu.dma_semaphore, #tpu.memory_space<semaphore_mem>>) {add = true}
          %dma_wait3A_752 = arith.constant 0 : i32
          %dma_wait3A_753 = tpu.memref_slice %arg9[%run_scoped3A_570, %dma_wait3A_752] : memref<2x128xi32, #tpu.memory_space<vmem>> -> memref<1x128xi32, #tpu.memory_space<vmem>>
          %dma_wait3A_754 = tpu.memref_squeeze %dma_wait3A_753 : memref<1x128xi32, #tpu.memory_space<vmem>> -> memref<128xi32, #tpu.memory_space<vmem>>
          %dma_wait3A_755 = arith.constant 0 : i32
          %dma_wait3A_756 = arith.constant 0 : i32
          %dma_wait3A_757 = tpu.memref_slice %arg6[%dma_wait3A_755, %dma_wait3A_756] : memref<10000x128xf32, #tpu.memory_space<vmem_shared>> -> memref<10000x128xf32, #tpu.memory_space<vmem_shared>>
          tpu.wait_indirect_dma semaphore(%run_scoped3A_745 : memref<!tpu.dma_semaphore, #tpu.memory_space<semaphore_mem>>) src(%arg11 : memref<128x128xf32, #tpu.memory_space<vmem>>) dst(%dma_wait3A_757 : memref<10000x128xf32, #tpu.memory_space<vmem_shared>>)
          tpu.yield
        }) : () -> ()
        %add3A_571 = arith.constant 4 : i32
        %add3A_572 = arith.addi %add3A_550, %add3A_571 : i32
        %mul3A_573 = arith.constant 128 : i32
        %mul3A_574 = arith.muli %add3A_572, %mul3A_573 : i32
        %add3A_575 = arith.addi %mul3A_2, %mul3A_574 : i32
        %dma_start3A_576 = arith.constant 0 : i32
        %dma_start3A_577 = tpu.memref_slice %arg3[%dma_start3A_576, %add3A_575] : memref<2x320000xi32, #tpu.memory_space<hbm>> -> memref<2x128xi32, #tpu.memory_space<hbm>>
        %dma_start3A_578 = arith.constant 0 : i32
        %dma_start3A_579 = tpu.memref_slice %arg3[%dma_start3A_578, %add3A_575] : memref<2x320000xi32, #tpu.memory_space<hbm>> -> memref<2x128xi32, #tpu.memory_space<hbm>>
        tpu.enqueue_dma source(%dma_start3A_579 : memref<2x128xi32, #tpu.memory_space<hbm>>) target(%arg9 : memref<2x128xi32, #tpu.memory_space<vmem>>) target_semaphore(%arg16 : memref<!tpu.dma_semaphore, #tpu.memory_space<semaphore_mem>>)
        %mul3A_580 = arith.constant 12 : i32
        %mul3A_581 = arith.muli %scan3A_348, %mul3A_580 : i32
        %add3A_582 = arith.constant 7 : i32
        %add3A_583 = arith.addi %mul3A_581, %add3A_582 : i32
        %dma_wait3A_584 = arith.constant 0 : i32
        %dma_wait3A_585 = arith.constant 0 : i32
        %dma_wait3A_586 = tpu.memref_slice %arg3[%dma_wait3A_584, %dma_wait3A_585] : memref<2x320000xi32, #tpu.memory_space<hbm>> -> memref<2x128xi32, #tpu.memory_space<hbm>>
        %dma_wait3A_587 = arith.constant 0 : i32
        %dma_wait3A_588 = arith.constant 0 : i32
        %dma_wait3A_589 = tpu.memref_slice %arg3[%dma_wait3A_587, %dma_wait3A_588] : memref<2x320000xi32, #tpu.memory_space<hbm>> -> memref<2x128xi32, #tpu.memory_space<hbm>>
        tpu.wait_dma2 semaphore(%arg15 : memref<!tpu.dma_semaphore, #tpu.memory_space<semaphore_mem>>) src(%dma_wait3A_589 : memref<2x128xi32, #tpu.memory_space<hbm>>) dst(%arg8 : memref<2x128xi32, #tpu.memory_space<vmem>>)
        %dma_start3A_590 = arith.constant 1 : i32
        %dma_start3A_591 = arith.constant 0 : i32
        %dma_start3A_592 = tpu.memref_slice %arg8[%dma_start3A_590, %dma_start3A_591] : memref<2x128xi32, #tpu.memory_space<vmem>> -> memref<1x128xi32, #tpu.memory_space<vmem>>
        %dma_start3A_593 = tpu.memref_squeeze %dma_start3A_592 : memref<1x128xi32, #tpu.memory_space<vmem>> -> memref<128xi32, #tpu.memory_space<vmem>>
        %dma_start3A_594 = arith.constant 0 : i32
        %dma_start3A_595 = arith.constant 0 : i32
        %dma_start3A_596 = tpu.memref_slice %arg2[%dma_start3A_594, %dma_start3A_595] : memref<10000x128xf32, #tpu.memory_space<hbm>> -> memref<10000x128xf32, #tpu.memory_space<hbm>>
        tpu.enqueue_indirect_dma source(%dma_start3A_596 : memref<10000x128xf32, #tpu.memory_space<hbm>>) target(%arg11 : memref<128x128xf32, #tpu.memory_space<vmem>>) offsets(%dma_start3A_593 : memref<128xi32, #tpu.memory_space<vmem>>) semaphore(%arg18 : memref<!tpu.dma_semaphore, #tpu.memory_space<semaphore_mem>>)
        %dma_wait3A_597 = arith.constant 0 : i32
        %dma_wait3A_598 = arith.constant 0 : i32
        %dma_wait3A_599 = tpu.memref_slice %arg2[%dma_wait3A_597, %dma_wait3A_598] : memref<10000x128xf32, #tpu.memory_space<hbm>> -> memref<128x128xf32, #tpu.memory_space<hbm>>
        %dma_wait3A_600 = arith.constant 0 : i32
        %dma_wait3A_601 = arith.constant 0 : i32
        %dma_wait3A_602 = tpu.memref_slice %arg2[%dma_wait3A_600, %dma_wait3A_601] : memref<10000x128xf32, #tpu.memory_space<hbm>> -> memref<128x128xf32, #tpu.memory_space<hbm>>
        tpu.wait_dma2 semaphore(%arg19 : memref<!tpu.dma_semaphore, #tpu.memory_space<semaphore_mem>>) src(%dma_wait3A_602 : memref<128x128xf32, #tpu.memory_space<hbm>>) dst(%arg12 : memref<128x128xf32, #tpu.memory_space<vmem>>)
        %run_scoped3A_603 = arith.constant 0 : i32
        "tpu.region"() ({
          %run_scoped3A_745 = tpu.sem_alloc : memref<!tpu.dma_semaphore, #tpu.memory_space<semaphore_mem>>
          %dma_start3A_746 = arith.constant 0 : i32
          %dma_start3A_747 = tpu.memref_slice %arg10[%run_scoped3A_603, %dma_start3A_746] : memref<2x128xi32, #tpu.memory_space<vmem>> -> memref<1x128xi32, #tpu.memory_space<vmem>>
          %dma_start3A_748 = tpu.memref_squeeze %dma_start3A_747 : memref<1x128xi32, #tpu.memory_space<vmem>> -> memref<128xi32, #tpu.memory_space<vmem>>
          %dma_start3A_749 = arith.constant 0 : i32
          %dma_start3A_750 = arith.constant 0 : i32
          %dma_start3A_751 = tpu.memref_slice %arg6[%dma_start3A_749, %dma_start3A_750] : memref<10000x128xf32, #tpu.memory_space<vmem_shared>> -> memref<10000x128xf32, #tpu.memory_space<vmem_shared>>
          tpu.enqueue_indirect_dma source(%arg12 : memref<128x128xf32, #tpu.memory_space<vmem>>) target(%dma_start3A_751 : memref<10000x128xf32, #tpu.memory_space<vmem_shared>>) offsets(%dma_start3A_748 : memref<128xi32, #tpu.memory_space<vmem>>) semaphore(%run_scoped3A_745 : memref<!tpu.dma_semaphore, #tpu.memory_space<semaphore_mem>>) {add = true}
          %dma_wait3A_752 = arith.constant 0 : i32
          %dma_wait3A_753 = tpu.memref_slice %arg10[%run_scoped3A_603, %dma_wait3A_752] : memref<2x128xi32, #tpu.memory_space<vmem>> -> memref<1x128xi32, #tpu.memory_space<vmem>>
          %dma_wait3A_754 = tpu.memref_squeeze %dma_wait3A_753 : memref<1x128xi32, #tpu.memory_space<vmem>> -> memref<128xi32, #tpu.memory_space<vmem>>
          %dma_wait3A_755 = arith.constant 0 : i32
          %dma_wait3A_756 = arith.constant 0 : i32
          %dma_wait3A_757 = tpu.memref_slice %arg6[%dma_wait3A_755, %dma_wait3A_756] : memref<10000x128xf32, #tpu.memory_space<vmem_shared>> -> memref<10000x128xf32, #tpu.memory_space<vmem_shared>>
          tpu.wait_indirect_dma semaphore(%run_scoped3A_745 : memref<!tpu.dma_semaphore, #tpu.memory_space<semaphore_mem>>) src(%arg12 : memref<128x128xf32, #tpu.memory_space<vmem>>) dst(%dma_wait3A_757 : memref<10000x128xf32, #tpu.memory_space<vmem_shared>>)
          tpu.yield
        }) : () -> ()
        %add3A_604 = arith.constant 4 : i32
        %add3A_605 = arith.addi %add3A_583, %add3A_604 : i32
        %mul3A_606 = arith.constant 128 : i32
        %mul3A_607 = arith.muli %add3A_605, %mul3A_606 : i32
        %add3A_608 = arith.addi %mul3A_2, %mul3A_607 : i32
        %dma_start3A_609 = arith.constant 0 : i32
        %dma_start3A_610 = tpu.memref_slice %arg3[%dma_start3A_609, %add3A_608] : memref<2x320000xi32, #tpu.memory_space<hbm>> -> memref<2x128xi32, #tpu.memory_space<hbm>>
        %dma_start3A_611 = arith.constant 0 : i32
        %dma_start3A_612 = tpu.memref_slice %arg3[%dma_start3A_611, %add3A_608] : memref<2x320000xi32, #tpu.memory_space<hbm>> -> memref<2x128xi32, #tpu.memory_space<hbm>>
        tpu.enqueue_dma source(%dma_start3A_612 : memref<2x128xi32, #tpu.memory_space<hbm>>) target(%arg10 : memref<2x128xi32, #tpu.memory_space<vmem>>) target_semaphore(%arg17 : memref<!tpu.dma_semaphore, #tpu.memory_space<semaphore_mem>>)
        %mul3A_613 = arith.constant 12 : i32
        %mul3A_614 = arith.muli %scan3A_348, %mul3A_613 : i32
        %add3A_615 = arith.constant 8 : i32
        %add3A_616 = arith.addi %mul3A_614, %add3A_615 : i32
        %dma_wait3A_617 = arith.constant 0 : i32
        %dma_wait3A_618 = arith.constant 0 : i32
        %dma_wait3A_619 = tpu.memref_slice %arg3[%dma_wait3A_617, %dma_wait3A_618] : memref<2x320000xi32, #tpu.memory_space<hbm>> -> memref<2x128xi32, #tpu.memory_space<hbm>>
        %dma_wait3A_620 = arith.constant 0 : i32
        %dma_wait3A_621 = arith.constant 0 : i32
        %dma_wait3A_622 = tpu.memref_slice %arg3[%dma_wait3A_620, %dma_wait3A_621] : memref<2x320000xi32, #tpu.memory_space<hbm>> -> memref<2x128xi32, #tpu.memory_space<hbm>>
        tpu.wait_dma2 semaphore(%arg16 : memref<!tpu.dma_semaphore, #tpu.memory_space<semaphore_mem>>) src(%dma_wait3A_622 : memref<2x128xi32, #tpu.memory_space<hbm>>) dst(%arg9 : memref<2x128xi32, #tpu.memory_space<vmem>>)
        %dma_start3A_623 = arith.constant 1 : i32
        %dma_start3A_624 = arith.constant 0 : i32
        %dma_start3A_625 = tpu.memref_slice %arg9[%dma_start3A_623, %dma_start3A_624] : memref<2x128xi32, #tpu.memory_space<vmem>> -> memref<1x128xi32, #tpu.memory_space<vmem>>
        %dma_start3A_626 = tpu.memref_squeeze %dma_start3A_625 : memref<1x128xi32, #tpu.memory_space<vmem>> -> memref<128xi32, #tpu.memory_space<vmem>>
        %dma_start3A_627 = arith.constant 0 : i32
        %dma_start3A_628 = arith.constant 0 : i32
        %dma_start3A_629 = tpu.memref_slice %arg2[%dma_start3A_627, %dma_start3A_628] : memref<10000x128xf32, #tpu.memory_space<hbm>> -> memref<10000x128xf32, #tpu.memory_space<hbm>>
        tpu.enqueue_indirect_dma source(%dma_start3A_629 : memref<10000x128xf32, #tpu.memory_space<hbm>>) target(%arg12 : memref<128x128xf32, #tpu.memory_space<vmem>>) offsets(%dma_start3A_626 : memref<128xi32, #tpu.memory_space<vmem>>) semaphore(%arg19 : memref<!tpu.dma_semaphore, #tpu.memory_space<semaphore_mem>>)
        %dma_wait3A_630 = arith.constant 0 : i32
        %dma_wait3A_631 = arith.constant 0 : i32
        %dma_wait3A_632 = tpu.memref_slice %arg2[%dma_wait3A_630, %dma_wait3A_631] : memref<10000x128xf32, #tpu.memory_space<hbm>> -> memref<128x128xf32, #tpu.memory_space<hbm>>
        %dma_wait3A_633 = arith.constant 0 : i32
        %dma_wait3A_634 = arith.constant 0 : i32
        %dma_wait3A_635 = tpu.memref_slice %arg2[%dma_wait3A_633, %dma_wait3A_634] : memref<10000x128xf32, #tpu.memory_space<hbm>> -> memref<128x128xf32, #tpu.memory_space<hbm>>
        tpu.wait_dma2 semaphore(%arg20 : memref<!tpu.dma_semaphore, #tpu.memory_space<semaphore_mem>>) src(%dma_wait3A_635 : memref<128x128xf32, #tpu.memory_space<hbm>>) dst(%arg13 : memref<128x128xf32, #tpu.memory_space<vmem>>)
        %run_scoped3A_636 = arith.constant 0 : i32
        "tpu.region"() ({
          %run_scoped3A_745 = tpu.sem_alloc : memref<!tpu.dma_semaphore, #tpu.memory_space<semaphore_mem>>
          %dma_start3A_746 = arith.constant 0 : i32
          %dma_start3A_747 = tpu.memref_slice %arg7[%run_scoped3A_636, %dma_start3A_746] : memref<2x128xi32, #tpu.memory_space<vmem>> -> memref<1x128xi32, #tpu.memory_space<vmem>>
          %dma_start3A_748 = tpu.memref_squeeze %dma_start3A_747 : memref<1x128xi32, #tpu.memory_space<vmem>> -> memref<128xi32, #tpu.memory_space<vmem>>
          %dma_start3A_749 = arith.constant 0 : i32
          %dma_start3A_750 = arith.constant 0 : i32
          %dma_start3A_751 = tpu.memref_slice %arg6[%dma_start3A_749, %dma_start3A_750] : memref<10000x128xf32, #tpu.memory_space<vmem_shared>> -> memref<10000x128xf32, #tpu.memory_space<vmem_shared>>
          tpu.enqueue_indirect_dma source(%arg13 : memref<128x128xf32, #tpu.memory_space<vmem>>) target(%dma_start3A_751 : memref<10000x128xf32, #tpu.memory_space<vmem_shared>>) offsets(%dma_start3A_748 : memref<128xi32, #tpu.memory_space<vmem>>) semaphore(%run_scoped3A_745 : memref<!tpu.dma_semaphore, #tpu.memory_space<semaphore_mem>>) {add = true}
          %dma_wait3A_752 = arith.constant 0 : i32
          %dma_wait3A_753 = tpu.memref_slice %arg7[%run_scoped3A_636, %dma_wait3A_752] : memref<2x128xi32, #tpu.memory_space<vmem>> -> memref<1x128xi32, #tpu.memory_space<vmem>>
          %dma_wait3A_754 = tpu.memref_squeeze %dma_wait3A_753 : memref<1x128xi32, #tpu.memory_space<vmem>> -> memref<128xi32, #tpu.memory_space<vmem>>
          %dma_wait3A_755 = arith.constant 0 : i32
          %dma_wait3A_756 = arith.constant 0 : i32
          %dma_wait3A_757 = tpu.memref_slice %arg6[%dma_wait3A_755, %dma_wait3A_756] : memref<10000x128xf32, #tpu.memory_space<vmem_shared>> -> memref<10000x128xf32, #tpu.memory_space<vmem_shared>>
          tpu.wait_indirect_dma semaphore(%run_scoped3A_745 : memref<!tpu.dma_semaphore, #tpu.memory_space<semaphore_mem>>) src(%arg13 : memref<128x128xf32, #tpu.memory_space<vmem>>) dst(%dma_wait3A_757 : memref<10000x128xf32, #tpu.memory_space<vmem_shared>>)
          tpu.yield
        }) : () -> ()
        %add3A_637 = arith.constant 4 : i32
        %add3A_638 = arith.addi %add3A_616, %add3A_637 : i32
        %mul3A_639 = arith.constant 128 : i32
        %mul3A_640 = arith.muli %add3A_638, %mul3A_639 : i32
        %add3A_641 = arith.addi %mul3A_2, %mul3A_640 : i32
        %dma_start3A_642 = arith.constant 0 : i32
        %dma_start3A_643 = tpu.memref_slice %arg3[%dma_start3A_642, %add3A_641] : memref<2x320000xi32, #tpu.memory_space<hbm>> -> memref<2x128xi32, #tpu.memory_space<hbm>>
        %dma_start3A_644 = arith.constant 0 : i32
        %dma_start3A_645 = tpu.memref_slice %arg3[%dma_start3A_644, %add3A_641] : memref<2x320000xi32, #tpu.memory_space<hbm>> -> memref<2x128xi32, #tpu.memory_space<hbm>>
        tpu.enqueue_dma source(%dma_start3A_645 : memref<2x128xi32, #tpu.memory_space<hbm>>) target(%arg7 : memref<2x128xi32, #tpu.memory_space<vmem>>) target_semaphore(%arg14 : memref<!tpu.dma_semaphore, #tpu.memory_space<semaphore_mem>>)
        %mul3A_646 = arith.constant 12 : i32
        %mul3A_647 = arith.muli %scan3A_348, %mul3A_646 : i32
        %add3A_648 = arith.constant 9 : i32
        %add3A_649 = arith.addi %mul3A_647, %add3A_648 : i32
        %dma_wait3A_650 = arith.constant 0 : i32
        %dma_wait3A_651 = arith.constant 0 : i32
        %dma_wait3A_652 = tpu.memref_slice %arg3[%dma_wait3A_650, %dma_wait3A_651] : memref<2x320000xi32, #tpu.memory_space<hbm>> -> memref<2x128xi32, #tpu.memory_space<hbm>>
        %dma_wait3A_653 = arith.constant 0 : i32
        %dma_wait3A_654 = arith.constant 0 : i32
        %dma_wait3A_655 = tpu.memref_slice %arg3[%dma_wait3A_653, %dma_wait3A_654] : memref<2x320000xi32, #tpu.memory_space<hbm>> -> memref<2x128xi32, #tpu.memory_space<hbm>>
        tpu.wait_dma2 semaphore(%arg17 : memref<!tpu.dma_semaphore, #tpu.memory_space<semaphore_mem>>) src(%dma_wait3A_655 : memref<2x128xi32, #tpu.memory_space<hbm>>) dst(%arg10 : memref<2x128xi32, #tpu.memory_space<vmem>>)
        %dma_start3A_656 = arith.constant 1 : i32
        %dma_start3A_657 = arith.constant 0 : i32
        %dma_start3A_658 = tpu.memref_slice %arg10[%dma_start3A_656, %dma_start3A_657] : memref<2x128xi32, #tpu.memory_space<vmem>> -> memref<1x128xi32, #tpu.memory_space<vmem>>
        %dma_start3A_659 = tpu.memref_squeeze %dma_start3A_658 : memref<1x128xi32, #tpu.memory_space<vmem>> -> memref<128xi32, #tpu.memory_space<vmem>>
        %dma_start3A_660 = arith.constant 0 : i32
        %dma_start3A_661 = arith.constant 0 : i32
        %dma_start3A_662 = tpu.memref_slice %arg2[%dma_start3A_660, %dma_start3A_661] : memref<10000x128xf32, #tpu.memory_space<hbm>> -> memref<10000x128xf32, #tpu.memory_space<hbm>>
        tpu.enqueue_indirect_dma source(%dma_start3A_662 : memref<10000x128xf32, #tpu.memory_space<hbm>>) target(%arg13 : memref<128x128xf32, #tpu.memory_space<vmem>>) offsets(%dma_start3A_659 : memref<128xi32, #tpu.memory_space<vmem>>) semaphore(%arg20 : memref<!tpu.dma_semaphore, #tpu.memory_space<semaphore_mem>>)
        %dma_wait3A_663 = arith.constant 0 : i32
        %dma_wait3A_664 = arith.constant 0 : i32
        %dma_wait3A_665 = tpu.memref_slice %arg2[%dma_wait3A_663, %dma_wait3A_664] : memref<10000x128xf32, #tpu.memory_space<hbm>> -> memref<128x128xf32, #tpu.memory_space<hbm>>
        %dma_wait3A_666 = arith.constant 0 : i32
        %dma_wait3A_667 = arith.constant 0 : i32
        %dma_wait3A_668 = tpu.memref_slice %arg2[%dma_wait3A_666, %dma_wait3A_667] : memref<10000x128xf32, #tpu.memory_space<hbm>> -> memref<128x128xf32, #tpu.memory_space<hbm>>
        tpu.wait_dma2 semaphore(%arg18 : memref<!tpu.dma_semaphore, #tpu.memory_space<semaphore_mem>>) src(%dma_wait3A_668 : memref<128x128xf32, #tpu.memory_space<hbm>>) dst(%arg11 : memref<128x128xf32, #tpu.memory_space<vmem>>)
        %run_scoped3A_669 = arith.constant 0 : i32
        "tpu.region"() ({
          %run_scoped3A_745 = tpu.sem_alloc : memref<!tpu.dma_semaphore, #tpu.memory_space<semaphore_mem>>
          %dma_start3A_746 = arith.constant 0 : i32
          %dma_start3A_747 = tpu.memref_slice %arg8[%run_scoped3A_669, %dma_start3A_746] : memref<2x128xi32, #tpu.memory_space<vmem>> -> memref<1x128xi32, #tpu.memory_space<vmem>>
          %dma_start3A_748 = tpu.memref_squeeze %dma_start3A_747 : memref<1x128xi32, #tpu.memory_space<vmem>> -> memref<128xi32, #tpu.memory_space<vmem>>
          %dma_start3A_749 = arith.constant 0 : i32
          %dma_start3A_750 = arith.constant 0 : i32
          %dma_start3A_751 = tpu.memref_slice %arg6[%dma_start3A_749, %dma_start3A_750] : memref<10000x128xf32, #tpu.memory_space<vmem_shared>> -> memref<10000x128xf32, #tpu.memory_space<vmem_shared>>
          tpu.enqueue_indirect_dma source(%arg11 : memref<128x128xf32, #tpu.memory_space<vmem>>) target(%dma_start3A_751 : memref<10000x128xf32, #tpu.memory_space<vmem_shared>>) offsets(%dma_start3A_748 : memref<128xi32, #tpu.memory_space<vmem>>) semaphore(%run_scoped3A_745 : memref<!tpu.dma_semaphore, #tpu.memory_space<semaphore_mem>>) {add = true}
          %dma_wait3A_752 = arith.constant 0 : i32
          %dma_wait3A_753 = tpu.memref_slice %arg8[%run_scoped3A_669, %dma_wait3A_752] : memref<2x128xi32, #tpu.memory_space<vmem>> -> memref<1x128xi32, #tpu.memory_space<vmem>>
          %dma_wait3A_754 = tpu.memref_squeeze %dma_wait3A_753 : memref<1x128xi32, #tpu.memory_space<vmem>> -> memref<128xi32, #tpu.memory_space<vmem>>
          %dma_wait3A_755 = arith.constant 0 : i32
          %dma_wait3A_756 = arith.constant 0 : i32
          %dma_wait3A_757 = tpu.memref_slice %arg6[%dma_wait3A_755, %dma_wait3A_756] : memref<10000x128xf32, #tpu.memory_space<vmem_shared>> -> memref<10000x128xf32, #tpu.memory_space<vmem_shared>>
          tpu.wait_indirect_dma semaphore(%run_scoped3A_745 : memref<!tpu.dma_semaphore, #tpu.memory_space<semaphore_mem>>) src(%arg11 : memref<128x128xf32, #tpu.memory_space<vmem>>) dst(%dma_wait3A_757 : memref<10000x128xf32, #tpu.memory_space<vmem_shared>>)
          tpu.yield
        }) : () -> ()
        %add3A_670 = arith.constant 4 : i32
        %add3A_671 = arith.addi %add3A_649, %add3A_670 : i32
        %mul3A_672 = arith.constant 128 : i32
        %mul3A_673 = arith.muli %add3A_671, %mul3A_672 : i32
        %add3A_674 = arith.addi %mul3A_2, %mul3A_673 : i32
        %dma_start3A_675 = arith.constant 0 : i32
        %dma_start3A_676 = tpu.memref_slice %arg3[%dma_start3A_675, %add3A_674] : memref<2x320000xi32, #tpu.memory_space<hbm>> -> memref<2x128xi32, #tpu.memory_space<hbm>>
        %dma_start3A_677 = arith.constant 0 : i32
        %dma_start3A_678 = tpu.memref_slice %arg3[%dma_start3A_677, %add3A_674] : memref<2x320000xi32, #tpu.memory_space<hbm>> -> memref<2x128xi32, #tpu.memory_space<hbm>>
        tpu.enqueue_dma source(%dma_start3A_678 : memref<2x128xi32, #tpu.memory_space<hbm>>) target(%arg8 : memref<2x128xi32, #tpu.memory_space<vmem>>) target_semaphore(%arg15 : memref<!tpu.dma_semaphore, #tpu.memory_space<semaphore_mem>>)
        %mul3A_679 = arith.constant 12 : i32
        %mul3A_680 = arith.muli %scan3A_348, %mul3A_679 : i32
        %add3A_681 = arith.constant 10 : i32
        %add3A_682 = arith.addi %mul3A_680, %add3A_681 : i32
        %dma_wait3A_683 = arith.constant 0 : i32
        %dma_wait3A_684 = arith.constant 0 : i32
        %dma_wait3A_685 = tpu.memref_slice %arg3[%dma_wait3A_683, %dma_wait3A_684] : memref<2x320000xi32, #tpu.memory_space<hbm>> -> memref<2x128xi32, #tpu.memory_space<hbm>>
        %dma_wait3A_686 = arith.constant 0 : i32
        %dma_wait3A_687 = arith.constant 0 : i32
        %dma_wait3A_688 = tpu.memref_slice %arg3[%dma_wait3A_686, %dma_wait3A_687] : memref<2x320000xi32, #tpu.memory_space<hbm>> -> memref<2x128xi32, #tpu.memory_space<hbm>>
        tpu.wait_dma2 semaphore(%arg14 : memref<!tpu.dma_semaphore, #tpu.memory_space<semaphore_mem>>) src(%dma_wait3A_688 : memref<2x128xi32, #tpu.memory_space<hbm>>) dst(%arg7 : memref<2x128xi32, #tpu.memory_space<vmem>>)
        %dma_start3A_689 = arith.constant 1 : i32
        %dma_start3A_690 = arith.constant 0 : i32
        %dma_start3A_691 = tpu.memref_slice %arg7[%dma_start3A_689, %dma_start3A_690] : memref<2x128xi32, #tpu.memory_space<vmem>> -> memref<1x128xi32, #tpu.memory_space<vmem>>
        %dma_start3A_692 = tpu.memref_squeeze %dma_start3A_691 : memref<1x128xi32, #tpu.memory_space<vmem>> -> memref<128xi32, #tpu.memory_space<vmem>>
        %dma_start3A_693 = arith.constant 0 : i32
        %dma_start3A_694 = arith.constant 0 : i32
        %dma_start3A_695 = tpu.memref_slice %arg2[%dma_start3A_693, %dma_start3A_694] : memref<10000x128xf32, #tpu.memory_space<hbm>> -> memref<10000x128xf32, #tpu.memory_space<hbm>>
        tpu.enqueue_indirect_dma source(%dma_start3A_695 : memref<10000x128xf32, #tpu.memory_space<hbm>>) target(%arg11 : memref<128x128xf32, #tpu.memory_space<vmem>>) offsets(%dma_start3A_692 : memref<128xi32, #tpu.memory_space<vmem>>) semaphore(%arg18 : memref<!tpu.dma_semaphore, #tpu.memory_space<semaphore_mem>>)
        %dma_wait3A_696 = arith.constant 0 : i32
        %dma_wait3A_697 = arith.constant 0 : i32
        %dma_wait3A_698 = tpu.memref_slice %arg2[%dma_wait3A_696, %dma_wait3A_697] : memref<10000x128xf32, #tpu.memory_space<hbm>> -> memref<128x128xf32, #tpu.memory_space<hbm>>
        %dma_wait3A_699 = arith.constant 0 : i32
        %dma_wait3A_700 = arith.constant 0 : i32
        %dma_wait3A_701 = tpu.memref_slice %arg2[%dma_wait3A_699, %dma_wait3A_700] : memref<10000x128xf32, #tpu.memory_space<hbm>> -> memref<128x128xf32, #tpu.memory_space<hbm>>
        tpu.wait_dma2 semaphore(%arg19 : memref<!tpu.dma_semaphore, #tpu.memory_space<semaphore_mem>>) src(%dma_wait3A_701 : memref<128x128xf32, #tpu.memory_space<hbm>>) dst(%arg12 : memref<128x128xf32, #tpu.memory_space<vmem>>)
        %run_scoped3A_702 = arith.constant 0 : i32
        "tpu.region"() ({
          %run_scoped3A_745 = tpu.sem_alloc : memref<!tpu.dma_semaphore, #tpu.memory_space<semaphore_mem>>
          %dma_start3A_746 = arith.constant 0 : i32
          %dma_start3A_747 = tpu.memref_slice %arg9[%run_scoped3A_702, %dma_start3A_746] : memref<2x128xi32, #tpu.memory_space<vmem>> -> memref<1x128xi32, #tpu.memory_space<vmem>>
          %dma_start3A_748 = tpu.memref_squeeze %dma_start3A_747 : memref<1x128xi32, #tpu.memory_space<vmem>> -> memref<128xi32, #tpu.memory_space<vmem>>
          %dma_start3A_749 = arith.constant 0 : i32
          %dma_start3A_750 = arith.constant 0 : i32
          %dma_start3A_751 = tpu.memref_slice %arg6[%dma_start3A_749, %dma_start3A_750] : memref<10000x128xf32, #tpu.memory_space<vmem_shared>> -> memref<10000x128xf32, #tpu.memory_space<vmem_shared>>
          tpu.enqueue_indirect_dma source(%arg12 : memref<128x128xf32, #tpu.memory_space<vmem>>) target(%dma_start3A_751 : memref<10000x128xf32, #tpu.memory_space<vmem_shared>>) offsets(%dma_start3A_748 : memref<128xi32, #tpu.memory_space<vmem>>) semaphore(%run_scoped3A_745 : memref<!tpu.dma_semaphore, #tpu.memory_space<semaphore_mem>>) {add = true}
          %dma_wait3A_752 = arith.constant 0 : i32
          %dma_wait3A_753 = tpu.memref_slice %arg9[%run_scoped3A_702, %dma_wait3A_752] : memref<2x128xi32, #tpu.memory_space<vmem>> -> memref<1x128xi32, #tpu.memory_space<vmem>>
          %dma_wait3A_754 = tpu.memref_squeeze %dma_wait3A_753 : memref<1x128xi32, #tpu.memory_space<vmem>> -> memref<128xi32, #tpu.memory_space<vmem>>
          %dma_wait3A_755 = arith.constant 0 : i32
          %dma_wait3A_756 = arith.constant 0 : i32
          %dma_wait3A_757 = tpu.memref_slice %arg6[%dma_wait3A_755, %dma_wait3A_756] : memref<10000x128xf32, #tpu.memory_space<vmem_shared>> -> memref<10000x128xf32, #tpu.memory_space<vmem_shared>>
          tpu.wait_indirect_dma semaphore(%run_scoped3A_745 : memref<!tpu.dma_semaphore, #tpu.memory_space<semaphore_mem>>) src(%arg12 : memref<128x128xf32, #tpu.memory_space<vmem>>) dst(%dma_wait3A_757 : memref<10000x128xf32, #tpu.memory_space<vmem_shared>>)
          tpu.yield
        }) : () -> ()
        %add3A_703 = arith.constant 4 : i32
        %add3A_704 = arith.addi %add3A_682, %add3A_703 : i32
        %mul3A_705 = arith.constant 128 : i32
        %mul3A_706 = arith.muli %add3A_704, %mul3A_705 : i32
        %add3A_707 = arith.addi %mul3A_2, %mul3A_706 : i32
        %dma_start3A_708 = arith.constant 0 : i32
        %dma_start3A_709 = tpu.memref_slice %arg3[%dma_start3A_708, %add3A_707] : memref<2x320000xi32, #tpu.memory_space<hbm>> -> memref<2x128xi32, #tpu.memory_space<hbm>>
        %dma_start3A_710 = arith.constant 0 : i32
        %dma_start3A_711 = tpu.memref_slice %arg3[%dma_start3A_710, %add3A_707] : memref<2x320000xi32, #tpu.memory_space<hbm>> -> memref<2x128xi32, #tpu.memory_space<hbm>>
        tpu.enqueue_dma source(%dma_start3A_711 : memref<2x128xi32, #tpu.memory_space<hbm>>) target(%arg9 : memref<2x128xi32, #tpu.memory_space<vmem>>) target_semaphore(%arg16 : memref<!tpu.dma_semaphore, #tpu.memory_space<semaphore_mem>>)
        %mul3A_712 = arith.constant 12 : i32
        %mul3A_713 = arith.muli %scan3A_348, %mul3A_712 : i32
        %add3A_714 = arith.constant 11 : i32
        %add3A_715 = arith.addi %mul3A_713, %add3A_714 : i32
        %dma_wait3A_716 = arith.constant 0 : i32
        %dma_wait3A_717 = arith.constant 0 : i32
        %dma_wait3A_718 = tpu.memref_slice %arg3[%dma_wait3A_716, %dma_wait3A_717] : memref<2x320000xi32, #tpu.memory_space<hbm>> -> memref<2x128xi32, #tpu.memory_space<hbm>>
        %dma_wait3A_719 = arith.constant 0 : i32
        %dma_wait3A_720 = arith.constant 0 : i32
        %dma_wait3A_721 = tpu.memref_slice %arg3[%dma_wait3A_719, %dma_wait3A_720] : memref<2x320000xi32, #tpu.memory_space<hbm>> -> memref<2x128xi32, #tpu.memory_space<hbm>>
        tpu.wait_dma2 semaphore(%arg15 : memref<!tpu.dma_semaphore, #tpu.memory_space<semaphore_mem>>) src(%dma_wait3A_721 : memref<2x128xi32, #tpu.memory_space<hbm>>) dst(%arg8 : memref<2x128xi32, #tpu.memory_space<vmem>>)
        %dma_start3A_722 = arith.constant 1 : i32
        %dma_start3A_723 = arith.constant 0 : i32
        %dma_start3A_724 = tpu.memref_slice %arg8[%dma_start3A_722, %dma_start3A_723] : memref<2x128xi32, #tpu.memory_space<vmem>> -> memref<1x128xi32, #tpu.memory_space<vmem>>
        %dma_start3A_725 = tpu.memref_squeeze %dma_start3A_724 : memref<1x128xi32, #tpu.memory_space<vmem>> -> memref<128xi32, #tpu.memory_space<vmem>>
        %dma_start3A_726 = arith.constant 0 : i32
        %dma_start3A_727 = arith.constant 0 : i32
        %dma_start3A_728 = tpu.memref_slice %arg2[%dma_start3A_726, %dma_start3A_727] : memref<10000x128xf32, #tpu.memory_space<hbm>> -> memref<10000x128xf32, #tpu.memory_space<hbm>>
        tpu.enqueue_indirect_dma source(%dma_start3A_728 : memref<10000x128xf32, #tpu.memory_space<hbm>>) target(%arg12 : memref<128x128xf32, #tpu.memory_space<vmem>>) offsets(%dma_start3A_725 : memref<128xi32, #tpu.memory_space<vmem>>) semaphore(%arg19 : memref<!tpu.dma_semaphore, #tpu.memory_space<semaphore_mem>>)
        %dma_wait3A_729 = arith.constant 0 : i32
        %dma_wait3A_730 = arith.constant 0 : i32
        %dma_wait3A_731 = tpu.memref_slice %arg2[%dma_wait3A_729, %dma_wait3A_730] : memref<10000x128xf32, #tpu.memory_space<hbm>> -> memref<128x128xf32, #tpu.memory_space<hbm>>
        %dma_wait3A_732 = arith.constant 0 : i32
        %dma_wait3A_733 = arith.constant 0 : i32
        %dma_wait3A_734 = tpu.memref_slice %arg2[%dma_wait3A_732, %dma_wait3A_733] : memref<10000x128xf32, #tpu.memory_space<hbm>> -> memref<128x128xf32, #tpu.memory_space<hbm>>
        tpu.wait_dma2 semaphore(%arg20 : memref<!tpu.dma_semaphore, #tpu.memory_space<semaphore_mem>>) src(%dma_wait3A_734 : memref<128x128xf32, #tpu.memory_space<hbm>>) dst(%arg13 : memref<128x128xf32, #tpu.memory_space<vmem>>)
        %run_scoped3A_735 = arith.constant 0 : i32
        "tpu.region"() ({
          %run_scoped3A_745 = tpu.sem_alloc : memref<!tpu.dma_semaphore, #tpu.memory_space<semaphore_mem>>
          %dma_start3A_746 = arith.constant 0 : i32
          %dma_start3A_747 = tpu.memref_slice %arg10[%run_scoped3A_735, %dma_start3A_746] : memref<2x128xi32, #tpu.memory_space<vmem>> -> memref<1x128xi32, #tpu.memory_space<vmem>>
          %dma_start3A_748 = tpu.memref_squeeze %dma_start3A_747 : memref<1x128xi32, #tpu.memory_space<vmem>> -> memref<128xi32, #tpu.memory_space<vmem>>
          %dma_start3A_749 = arith.constant 0 : i32
          %dma_start3A_750 = arith.constant 0 : i32
          %dma_start3A_751 = tpu.memref_slice %arg6[%dma_start3A_749, %dma_start3A_750] : memref<10000x128xf32, #tpu.memory_space<vmem_shared>> -> memref<10000x128xf32, #tpu.memory_space<vmem_shared>>
          tpu.enqueue_indirect_dma source(%arg13 : memref<128x128xf32, #tpu.memory_space<vmem>>) target(%dma_start3A_751 : memref<10000x128xf32, #tpu.memory_space<vmem_shared>>) offsets(%dma_start3A_748 : memref<128xi32, #tpu.memory_space<vmem>>) semaphore(%run_scoped3A_745 : memref<!tpu.dma_semaphore, #tpu.memory_space<semaphore_mem>>) {add = true}
          %dma_wait3A_752 = arith.constant 0 : i32
          %dma_wait3A_753 = tpu.memref_slice %arg10[%run_scoped3A_735, %dma_wait3A_752] : memref<2x128xi32, #tpu.memory_space<vmem>> -> memref<1x128xi32, #tpu.memory_space<vmem>>
          %dma_wait3A_754 = tpu.memref_squeeze %dma_wait3A_753 : memref<1x128xi32, #tpu.memory_space<vmem>> -> memref<128xi32, #tpu.memory_space<vmem>>
          %dma_wait3A_755 = arith.constant 0 : i32
          %dma_wait3A_756 = arith.constant 0 : i32
          %dma_wait3A_757 = tpu.memref_slice %arg6[%dma_wait3A_755, %dma_wait3A_756] : memref<10000x128xf32, #tpu.memory_space<vmem_shared>> -> memref<10000x128xf32, #tpu.memory_space<vmem_shared>>
          tpu.wait_indirect_dma semaphore(%run_scoped3A_745 : memref<!tpu.dma_semaphore, #tpu.memory_space<semaphore_mem>>) src(%arg13 : memref<128x128xf32, #tpu.memory_space<vmem>>) dst(%dma_wait3A_757 : memref<10000x128xf32, #tpu.memory_space<vmem_shared>>)
          tpu.yield
        }) : () -> ()
        %add3A_736 = arith.constant 4 : i32
        %add3A_737 = arith.addi %add3A_715, %add3A_736 : i32
        %mul3A_738 = arith.constant 128 : i32
        %mul3A_739 = arith.muli %add3A_737, %mul3A_738 : i32
        %add3A_740 = arith.addi %mul3A_2, %mul3A_739 : i32
        %dma_start3A_741 = arith.constant 0 : i32
        %dma_start3A_742 = tpu.memref_slice %arg3[%dma_start3A_741, %add3A_740] : memref<2x320000xi32, #tpu.memory_space<hbm>> -> memref<2x128xi32, #tpu.memory_space<hbm>>
        %dma_start3A_743 = arith.constant 0 : i32
        %dma_start3A_744 = tpu.memref_slice %arg3[%dma_start3A_743, %add3A_740] : memref<2x320000xi32, #tpu.memory_space<hbm>> -> memref<2x128xi32, #tpu.memory_space<hbm>>
        tpu.enqueue_dma source(%dma_start3A_744 : memref<2x128xi32, #tpu.memory_space<hbm>>) target(%arg10 : memref<2x128xi32, #tpu.memory_space<vmem>>) target_semaphore(%arg17 : memref<!tpu.dma_semaphore, #tpu.memory_space<semaphore_mem>>)
      }
      %scan3A_81 = arith.constant 12 : i32
      %dma_wait3A_82 = arith.constant 0 : i32
      %dma_wait3A_83 = arith.constant 0 : i32
      %dma_wait3A_84 = tpu.memref_slice %arg3[%dma_wait3A_82, %dma_wait3A_83] : memref<2x320000xi32, #tpu.memory_space<hbm>> -> memref<2x128xi32, #tpu.memory_space<hbm>>
      %dma_wait3A_85 = arith.constant 0 : i32
      %dma_wait3A_86 = arith.constant 0 : i32
      %dma_wait3A_87 = tpu.memref_slice %arg3[%dma_wait3A_85, %dma_wait3A_86] : memref<2x320000xi32, #tpu.memory_space<hbm>> -> memref<2x128xi32, #tpu.memory_space<hbm>>
      tpu.wait_dma2 semaphore(%arg16 : memref<!tpu.dma_semaphore, #tpu.memory_space<semaphore_mem>>) src(%dma_wait3A_87 : memref<2x128xi32, #tpu.memory_space<hbm>>) dst(%arg9 : memref<2x128xi32, #tpu.memory_space<vmem>>)
      %dma_start3A_88 = arith.constant 1 : i32
      %dma_start3A_89 = arith.constant 0 : i32
      %dma_start3A_90 = tpu.memref_slice %arg9[%dma_start3A_88, %dma_start3A_89] : memref<2x128xi32, #tpu.memory_space<vmem>> -> memref<1x128xi32, #tpu.memory_space<vmem>>
      %dma_start3A_91 = tpu.memref_squeeze %dma_start3A_90 : memref<1x128xi32, #tpu.memory_space<vmem>> -> memref<128xi32, #tpu.memory_space<vmem>>
      %dma_start3A_92 = arith.constant 0 : i32
      %dma_start3A_93 = arith.constant 0 : i32
      %dma_start3A_94 = tpu.memref_slice %arg2[%dma_start3A_92, %dma_start3A_93] : memref<10000x128xf32, #tpu.memory_space<hbm>> -> memref<10000x128xf32, #tpu.memory_space<hbm>>
      tpu.enqueue_indirect_dma source(%dma_start3A_94 : memref<10000x128xf32, #tpu.memory_space<hbm>>) target(%arg13 : memref<128x128xf32, #tpu.memory_space<vmem>>) offsets(%dma_start3A_91 : memref<128xi32, #tpu.memory_space<vmem>>) semaphore(%arg20 : memref<!tpu.dma_semaphore, #tpu.memory_space<semaphore_mem>>)
      %dma_wait3A_95 = arith.constant 0 : i32
      %dma_wait3A_96 = arith.constant 0 : i32
      %dma_wait3A_97 = tpu.memref_slice %arg2[%dma_wait3A_95, %dma_wait3A_96] : memref<10000x128xf32, #tpu.memory_space<hbm>> -> memref<128x128xf32, #tpu.memory_space<hbm>>
      %dma_wait3A_98 = arith.constant 0 : i32
      %dma_wait3A_99 = arith.constant 0 : i32
      %dma_wait3A_100 = tpu.memref_slice %arg2[%dma_wait3A_98, %dma_wait3A_99] : memref<10000x128xf32, #tpu.memory_space<hbm>> -> memref<128x128xf32, #tpu.memory_space<hbm>>
      tpu.wait_dma2 semaphore(%arg18 : memref<!tpu.dma_semaphore, #tpu.memory_space<semaphore_mem>>) src(%dma_wait3A_100 : memref<128x128xf32, #tpu.memory_space<hbm>>) dst(%arg11 : memref<128x128xf32, #tpu.memory_space<vmem>>)
      %run_scoped3A = arith.constant 0 : i32
      "tpu.region"() ({
        %run_scoped3A_348 = tpu.sem_alloc : memref<!tpu.dma_semaphore, #tpu.memory_space<semaphore_mem>>
        %dma_start3A_349 = arith.constant 0 : i32
        %dma_start3A_350 = tpu.memref_slice %arg7[%run_scoped3A, %dma_start3A_349] : memref<2x128xi32, #tpu.memory_space<vmem>> -> memref<1x128xi32, #tpu.memory_space<vmem>>
        %dma_start3A_351 = tpu.memref_squeeze %dma_start3A_350 : memref<1x128xi32, #tpu.memory_space<vmem>> -> memref<128xi32, #tpu.memory_space<vmem>>
        %dma_start3A_352 = arith.constant 0 : i32
        %dma_start3A_353 = arith.constant 0 : i32
        %dma_start3A_354 = tpu.memref_slice %arg6[%dma_start3A_352, %dma_start3A_353] : memref<10000x128xf32, #tpu.memory_space<vmem_shared>> -> memref<10000x128xf32, #tpu.memory_space<vmem_shared>>
        tpu.enqueue_indirect_dma source(%arg11 : memref<128x128xf32, #tpu.memory_space<vmem>>) target(%dma_start3A_354 : memref<10000x128xf32, #tpu.memory_space<vmem_shared>>) offsets(%dma_start3A_351 : memref<128xi32, #tpu.memory_space<vmem>>) semaphore(%run_scoped3A_348 : memref<!tpu.dma_semaphore, #tpu.memory_space<semaphore_mem>>) {add = true}
        %dma_wait3A_355 = arith.constant 0 : i32
        %dma_wait3A_356 = tpu.memref_slice %arg7[%run_scoped3A, %dma_wait3A_355] : memref<2x128xi32, #tpu.memory_space<vmem>> -> memref<1x128xi32, #tpu.memory_space<vmem>>
        %dma_wait3A_357 = tpu.memref_squeeze %dma_wait3A_356 : memref<1x128xi32, #tpu.memory_space<vmem>> -> memref<128xi32, #tpu.memory_space<vmem>>
        %dma_wait3A_358 = arith.constant 0 : i32
        %dma_wait3A_359 = arith.constant 0 : i32
        %dma_wait3A_360 = tpu.memref_slice %arg6[%dma_wait3A_358, %dma_wait3A_359] : memref<10000x128xf32, #tpu.memory_space<vmem_shared>> -> memref<10000x128xf32, #tpu.memory_space<vmem_shared>>
        tpu.wait_indirect_dma semaphore(%run_scoped3A_348 : memref<!tpu.dma_semaphore, #tpu.memory_space<semaphore_mem>>) src(%arg11 : memref<128x128xf32, #tpu.memory_space<vmem>>) dst(%dma_wait3A_360 : memref<10000x128xf32, #tpu.memory_space<vmem_shared>>)
        tpu.yield
      }) : () -> ()
      %add3A_101 = arith.constant 18944 : i32
      %add3A_102 = arith.addi %mul3A_2, %add3A_101 : i32
      %dma_start3A_103 = arith.constant 0 : i32
      %dma_start3A_104 = tpu.memref_slice %arg3[%dma_start3A_103, %add3A_102] : memref<2x320000xi32, #tpu.memory_space<hbm>> -> memref<2x128xi32, #tpu.memory_space<hbm>>
      %dma_start3A_105 = arith.constant 0 : i32
      %dma_start3A_106 = tpu.memref_slice %arg3[%dma_start3A_105, %add3A_102] : memref<2x320000xi32, #tpu.memory_space<hbm>> -> memref<2x128xi32, #tpu.memory_space<hbm>>
      tpu.enqueue_dma source(%dma_start3A_106 : memref<2x128xi32, #tpu.memory_space<hbm>>) target(%arg7 : memref<2x128xi32, #tpu.memory_space<vmem>>) target_semaphore(%arg14 : memref<!tpu.dma_semaphore, #tpu.memory_space<semaphore_mem>>)
      %dma_wait3A_107 = arith.constant 0 : i32
      %dma_wait3A_108 = arith.constant 0 : i32
      %dma_wait3A_109 = tpu.memref_slice %arg3[%dma_wait3A_107, %dma_wait3A_108] : memref<2x320000xi32, #tpu.memory_space<hbm>> -> memref<2x128xi32, #tpu.memory_space<hbm>>
      %dma_wait3A_110 = arith.constant 0 : i32
      %dma_wait3A_111 = arith.constant 0 : i32
      %dma_wait3A_112 = tpu.memref_slice %arg3[%dma_wait3A_110, %dma_wait3A_111] : memref<2x320000xi32, #tpu.memory_space<hbm>> -> memref<2x128xi32, #tpu.memory_space<hbm>>
      tpu.wait_dma2 semaphore(%arg17 : memref<!tpu.dma_semaphore, #tpu.memory_space<semaphore_mem>>) src(%dma_wait3A_112 : memref<2x128xi32, #tpu.memory_space<hbm>>) dst(%arg10 : memref<2x128xi32, #tpu.memory_space<vmem>>)
      %dma_start3A_113 = arith.constant 1 : i32
      %dma_start3A_114 = arith.constant 0 : i32
      %dma_start3A_115 = tpu.memref_slice %arg10[%dma_start3A_113, %dma_start3A_114] : memref<2x128xi32, #tpu.memory_space<vmem>> -> memref<1x128xi32, #tpu.memory_space<vmem>>
      %dma_start3A_116 = tpu.memref_squeeze %dma_start3A_115 : memref<1x128xi32, #tpu.memory_space<vmem>> -> memref<128xi32, #tpu.memory_space<vmem>>
      %dma_start3A_117 = arith.constant 0 : i32
      %dma_start3A_118 = arith.constant 0 : i32
      %dma_start3A_119 = tpu.memref_slice %arg2[%dma_start3A_117, %dma_start3A_118] : memref<10000x128xf32, #tpu.memory_space<hbm>> -> memref<10000x128xf32, #tpu.memory_space<hbm>>
      tpu.enqueue_indirect_dma source(%dma_start3A_119 : memref<10000x128xf32, #tpu.memory_space<hbm>>) target(%arg11 : memref<128x128xf32, #tpu.memory_space<vmem>>) offsets(%dma_start3A_116 : memref<128xi32, #tpu.memory_space<vmem>>) semaphore(%arg18 : memref<!tpu.dma_semaphore, #tpu.memory_space<semaphore_mem>>)
      %dma_wait3A_120 = arith.constant 0 : i32
      %dma_wait3A_121 = arith.constant 0 : i32
      %dma_wait3A_122 = tpu.memref_slice %arg2[%dma_wait3A_120, %dma_wait3A_121] : memref<10000x128xf32, #tpu.memory_space<hbm>> -> memref<128x128xf32, #tpu.memory_space<hbm>>
      %dma_wait3A_123 = arith.constant 0 : i32
      %dma_wait3A_124 = arith.constant 0 : i32
      %dma_wait3A_125 = tpu.memref_slice %arg2[%dma_wait3A_123, %dma_wait3A_124] : memref<10000x128xf32, #tpu.memory_space<hbm>> -> memref<128x128xf32, #tpu.memory_space<hbm>>
      tpu.wait_dma2 semaphore(%arg19 : memref<!tpu.dma_semaphore, #tpu.memory_space<semaphore_mem>>) src(%dma_wait3A_125 : memref<128x128xf32, #tpu.memory_space<hbm>>) dst(%arg12 : memref<128x128xf32, #tpu.memory_space<vmem>>)
      %run_scoped3A_126 = arith.constant 0 : i32
      "tpu.region"() ({
        %run_scoped3A_348 = tpu.sem_alloc : memref<!tpu.dma_semaphore, #tpu.memory_space<semaphore_mem>>
        %dma_start3A_349 = arith.constant 0 : i32
        %dma_start3A_350 = tpu.memref_slice %arg8[%run_scoped3A_126, %dma_start3A_349] : memref<2x128xi32, #tpu.memory_space<vmem>> -> memref<1x128xi32, #tpu.memory_space<vmem>>
        %dma_start3A_351 = tpu.memref_squeeze %dma_start3A_350 : memref<1x128xi32, #tpu.memory_space<vmem>> -> memref<128xi32, #tpu.memory_space<vmem>>
        %dma_start3A_352 = arith.constant 0 : i32
        %dma_start3A_353 = arith.constant 0 : i32
        %dma_start3A_354 = tpu.memref_slice %arg6[%dma_start3A_352, %dma_start3A_353] : memref<10000x128xf32, #tpu.memory_space<vmem_shared>> -> memref<10000x128xf32, #tpu.memory_space<vmem_shared>>
        tpu.enqueue_indirect_dma source(%arg12 : memref<128x128xf32, #tpu.memory_space<vmem>>) target(%dma_start3A_354 : memref<10000x128xf32, #tpu.memory_space<vmem_shared>>) offsets(%dma_start3A_351 : memref<128xi32, #tpu.memory_space<vmem>>) semaphore(%run_scoped3A_348 : memref<!tpu.dma_semaphore, #tpu.memory_space<semaphore_mem>>) {add = true}
        %dma_wait3A_355 = arith.constant 0 : i32
        %dma_wait3A_356 = tpu.memref_slice %arg8[%run_scoped3A_126, %dma_wait3A_355] : memref<2x128xi32, #tpu.memory_space<vmem>> -> memref<1x128xi32, #tpu.memory_space<vmem>>
        %dma_wait3A_357 = tpu.memref_squeeze %dma_wait3A_356 : memref<1x128xi32, #tpu.memory_space<vmem>> -> memref<128xi32, #tpu.memory_space<vmem>>
        %dma_wait3A_358 = arith.constant 0 : i32
        %dma_wait3A_359 = arith.constant 0 : i32
        %dma_wait3A_360 = tpu.memref_slice %arg6[%dma_wait3A_358, %dma_wait3A_359] : memref<10000x128xf32, #tpu.memory_space<vmem_shared>> -> memref<10000x128xf32, #tpu.memory_space<vmem_shared>>
        tpu.wait_indirect_dma semaphore(%run_scoped3A_348 : memref<!tpu.dma_semaphore, #tpu.memory_space<semaphore_mem>>) src(%arg12 : memref<128x128xf32, #tpu.memory_space<vmem>>) dst(%dma_wait3A_360 : memref<10000x128xf32, #tpu.memory_space<vmem_shared>>)
        tpu.yield
      }) : () -> ()
      %add3A_127 = arith.constant 19072 : i32
      %add3A_128 = arith.addi %mul3A_2, %add3A_127 : i32
      %dma_start3A_129 = arith.constant 0 : i32
      %dma_start3A_130 = tpu.memref_slice %arg3[%dma_start3A_129, %add3A_128] : memref<2x320000xi32, #tpu.memory_space<hbm>> -> memref<2x128xi32, #tpu.memory_space<hbm>>
      %dma_start3A_131 = arith.constant 0 : i32
      %dma_start3A_132 = tpu.memref_slice %arg3[%dma_start3A_131, %add3A_128] : memref<2x320000xi32, #tpu.memory_space<hbm>> -> memref<2x128xi32, #tpu.memory_space<hbm>>
      tpu.enqueue_dma source(%dma_start3A_132 : memref<2x128xi32, #tpu.memory_space<hbm>>) target(%arg8 : memref<2x128xi32, #tpu.memory_space<vmem>>) target_semaphore(%arg15 : memref<!tpu.dma_semaphore, #tpu.memory_space<semaphore_mem>>)
      %dma_wait3A_133 = arith.constant 0 : i32
      %dma_wait3A_134 = arith.constant 0 : i32
      %dma_wait3A_135 = tpu.memref_slice %arg3[%dma_wait3A_133, %dma_wait3A_134] : memref<2x320000xi32, #tpu.memory_space<hbm>> -> memref<2x128xi32, #tpu.memory_space<hbm>>
      %dma_wait3A_136 = arith.constant 0 : i32
      %dma_wait3A_137 = arith.constant 0 : i32
      %dma_wait3A_138 = tpu.memref_slice %arg3[%dma_wait3A_136, %dma_wait3A_137] : memref<2x320000xi32, #tpu.memory_space<hbm>> -> memref<2x128xi32, #tpu.memory_space<hbm>>
      tpu.wait_dma2 semaphore(%arg14 : memref<!tpu.dma_semaphore, #tpu.memory_space<semaphore_mem>>) src(%dma_wait3A_138 : memref<2x128xi32, #tpu.memory_space<hbm>>) dst(%arg7 : memref<2x128xi32, #tpu.memory_space<vmem>>)
      %dma_start3A_139 = arith.constant 1 : i32
      %dma_start3A_140 = arith.constant 0 : i32
      %dma_start3A_141 = tpu.memref_slice %arg7[%dma_start3A_139, %dma_start3A_140] : memref<2x128xi32, #tpu.memory_space<vmem>> -> memref<1x128xi32, #tpu.memory_space<vmem>>
      %dma_start3A_142 = tpu.memref_squeeze %dma_start3A_141 : memref<1x128xi32, #tpu.memory_space<vmem>> -> memref<128xi32, #tpu.memory_space<vmem>>
      %dma_start3A_143 = arith.constant 0 : i32
      %dma_start3A_144 = arith.constant 0 : i32
      %dma_start3A_145 = tpu.memref_slice %arg2[%dma_start3A_143, %dma_start3A_144] : memref<10000x128xf32, #tpu.memory_space<hbm>> -> memref<10000x128xf32, #tpu.memory_space<hbm>>
      tpu.enqueue_indirect_dma source(%dma_start3A_145 : memref<10000x128xf32, #tpu.memory_space<hbm>>) target(%arg12 : memref<128x128xf32, #tpu.memory_space<vmem>>) offsets(%dma_start3A_142 : memref<128xi32, #tpu.memory_space<vmem>>) semaphore(%arg19 : memref<!tpu.dma_semaphore, #tpu.memory_space<semaphore_mem>>)
      %dma_wait3A_146 = arith.constant 0 : i32
      %dma_wait3A_147 = arith.constant 0 : i32
      %dma_wait3A_148 = tpu.memref_slice %arg2[%dma_wait3A_146, %dma_wait3A_147] : memref<10000x128xf32, #tpu.memory_space<hbm>> -> memref<128x128xf32, #tpu.memory_space<hbm>>
      %dma_wait3A_149 = arith.constant 0 : i32
      %dma_wait3A_150 = arith.constant 0 : i32
      %dma_wait3A_151 = tpu.memref_slice %arg2[%dma_wait3A_149, %dma_wait3A_150] : memref<10000x128xf32, #tpu.memory_space<hbm>> -> memref<128x128xf32, #tpu.memory_space<hbm>>
      tpu.wait_dma2 semaphore(%arg20 : memref<!tpu.dma_semaphore, #tpu.memory_space<semaphore_mem>>) src(%dma_wait3A_151 : memref<128x128xf32, #tpu.memory_space<hbm>>) dst(%arg13 : memref<128x128xf32, #tpu.memory_space<vmem>>)
      %run_scoped3A_152 = arith.constant 0 : i32
      "tpu.region"() ({
        %run_scoped3A_348 = tpu.sem_alloc : memref<!tpu.dma_semaphore, #tpu.memory_space<semaphore_mem>>
        %dma_start3A_349 = arith.constant 0 : i32
        %dma_start3A_350 = tpu.memref_slice %arg9[%run_scoped3A_152, %dma_start3A_349] : memref<2x128xi32, #tpu.memory_space<vmem>> -> memref<1x128xi32, #tpu.memory_space<vmem>>
        %dma_start3A_351 = tpu.memref_squeeze %dma_start3A_350 : memref<1x128xi32, #tpu.memory_space<vmem>> -> memref<128xi32, #tpu.memory_space<vmem>>
        %dma_start3A_352 = arith.constant 0 : i32
        %dma_start3A_353 = arith.constant 0 : i32
        %dma_start3A_354 = tpu.memref_slice %arg6[%dma_start3A_352, %dma_start3A_353] : memref<10000x128xf32, #tpu.memory_space<vmem_shared>> -> memref<10000x128xf32, #tpu.memory_space<vmem_shared>>
        tpu.enqueue_indirect_dma source(%arg13 : memref<128x128xf32, #tpu.memory_space<vmem>>) target(%dma_start3A_354 : memref<10000x128xf32, #tpu.memory_space<vmem_shared>>) offsets(%dma_start3A_351 : memref<128xi32, #tpu.memory_space<vmem>>) semaphore(%run_scoped3A_348 : memref<!tpu.dma_semaphore, #tpu.memory_space<semaphore_mem>>) {add = true}
        %dma_wait3A_355 = arith.constant 0 : i32
        %dma_wait3A_356 = tpu.memref_slice %arg9[%run_scoped3A_152, %dma_wait3A_355] : memref<2x128xi32, #tpu.memory_space<vmem>> -> memref<1x128xi32, #tpu.memory_space<vmem>>
        %dma_wait3A_357 = tpu.memref_squeeze %dma_wait3A_356 : memref<1x128xi32, #tpu.memory_space<vmem>> -> memref<128xi32, #tpu.memory_space<vmem>>
        %dma_wait3A_358 = arith.constant 0 : i32
        %dma_wait3A_359 = arith.constant 0 : i32
        %dma_wait3A_360 = tpu.memref_slice %arg6[%dma_wait3A_358, %dma_wait3A_359] : memref<10000x128xf32, #tpu.memory_space<vmem_shared>> -> memref<10000x128xf32, #tpu.memory_space<vmem_shared>>
        tpu.wait_indirect_dma semaphore(%run_scoped3A_348 : memref<!tpu.dma_semaphore, #tpu.memory_space<semaphore_mem>>) src(%arg13 : memref<128x128xf32, #tpu.memory_space<vmem>>) dst(%dma_wait3A_360 : memref<10000x128xf32, #tpu.memory_space<vmem_shared>>)
        tpu.yield
      }) : () -> ()
      %add3A_153 = arith.constant 19200 : i32
      %add3A_154 = arith.addi %mul3A_2, %add3A_153 : i32
      %dma_start3A_155 = arith.constant 0 : i32
      %dma_start3A_156 = tpu.memref_slice %arg3[%dma_start3A_155, %add3A_154] : memref<2x320000xi32, #tpu.memory_space<hbm>> -> memref<2x128xi32, #tpu.memory_space<hbm>>
      %dma_start3A_157 = arith.constant 0 : i32
      %dma_start3A_158 = tpu.memref_slice %arg3[%dma_start3A_157, %add3A_154] : memref<2x320000xi32, #tpu.memory_space<hbm>> -> memref<2x128xi32, #tpu.memory_space<hbm>>
      tpu.enqueue_dma source(%dma_start3A_158 : memref<2x128xi32, #tpu.memory_space<hbm>>) target(%arg9 : memref<2x128xi32, #tpu.memory_space<vmem>>) target_semaphore(%arg16 : memref<!tpu.dma_semaphore, #tpu.memory_space<semaphore_mem>>)
      %dma_wait3A_159 = arith.constant 0 : i32
      %dma_wait3A_160 = arith.constant 0 : i32
      %dma_wait3A_161 = tpu.memref_slice %arg3[%dma_wait3A_159, %dma_wait3A_160] : memref<2x320000xi32, #tpu.memory_space<hbm>> -> memref<2x128xi32, #tpu.memory_space<hbm>>
      %dma_wait3A_162 = arith.constant 0 : i32
      %dma_wait3A_163 = arith.constant 0 : i32
      %dma_wait3A_164 = tpu.memref_slice %arg3[%dma_wait3A_162, %dma_wait3A_163] : memref<2x320000xi32, #tpu.memory_space<hbm>> -> memref<2x128xi32, #tpu.memory_space<hbm>>
      tpu.wait_dma2 semaphore(%arg15 : memref<!tpu.dma_semaphore, #tpu.memory_space<semaphore_mem>>) src(%dma_wait3A_164 : memref<2x128xi32, #tpu.memory_space<hbm>>) dst(%arg8 : memref<2x128xi32, #tpu.memory_space<vmem>>)
      %dma_start3A_165 = arith.constant 1 : i32
      %dma_start3A_166 = arith.constant 0 : i32
      %dma_start3A_167 = tpu.memref_slice %arg8[%dma_start3A_165, %dma_start3A_166] : memref<2x128xi32, #tpu.memory_space<vmem>> -> memref<1x128xi32, #tpu.memory_space<vmem>>
      %dma_start3A_168 = tpu.memref_squeeze %dma_start3A_167 : memref<1x128xi32, #tpu.memory_space<vmem>> -> memref<128xi32, #tpu.memory_space<vmem>>
      %dma_start3A_169 = arith.constant 0 : i32
      %dma_start3A_170 = arith.constant 0 : i32
      %dma_start3A_171 = tpu.memref_slice %arg2[%dma_start3A_169, %dma_start3A_170] : memref<10000x128xf32, #tpu.memory_space<hbm>> -> memref<10000x128xf32, #tpu.memory_space<hbm>>
      tpu.enqueue_indirect_dma source(%dma_start3A_171 : memref<10000x128xf32, #tpu.memory_space<hbm>>) target(%arg13 : memref<128x128xf32, #tpu.memory_space<vmem>>) offsets(%dma_start3A_168 : memref<128xi32, #tpu.memory_space<vmem>>) semaphore(%arg20 : memref<!tpu.dma_semaphore, #tpu.memory_space<semaphore_mem>>)
      %dma_wait3A_172 = arith.constant 0 : i32
      %dma_wait3A_173 = arith.constant 0 : i32
      %dma_wait3A_174 = tpu.memref_slice %arg2[%dma_wait3A_172, %dma_wait3A_173] : memref<10000x128xf32, #tpu.memory_space<hbm>> -> memref<128x128xf32, #tpu.memory_space<hbm>>
      %dma_wait3A_175 = arith.constant 0 : i32
      %dma_wait3A_176 = arith.constant 0 : i32
      %dma_wait3A_177 = tpu.memref_slice %arg2[%dma_wait3A_175, %dma_wait3A_176] : memref<10000x128xf32, #tpu.memory_space<hbm>> -> memref<128x128xf32, #tpu.memory_space<hbm>>
      tpu.wait_dma2 semaphore(%arg18 : memref<!tpu.dma_semaphore, #tpu.memory_space<semaphore_mem>>) src(%dma_wait3A_177 : memref<128x128xf32, #tpu.memory_space<hbm>>) dst(%arg11 : memref<128x128xf32, #tpu.memory_space<vmem>>)
      %run_scoped3A_178 = arith.constant 0 : i32
      "tpu.region"() ({
        %run_scoped3A_348 = tpu.sem_alloc : memref<!tpu.dma_semaphore, #tpu.memory_space<semaphore_mem>>
        %dma_start3A_349 = arith.constant 0 : i32
        %dma_start3A_350 = tpu.memref_slice %arg10[%run_scoped3A_178, %dma_start3A_349] : memref<2x128xi32, #tpu.memory_space<vmem>> -> memref<1x128xi32, #tpu.memory_space<vmem>>
        %dma_start3A_351 = tpu.memref_squeeze %dma_start3A_350 : memref<1x128xi32, #tpu.memory_space<vmem>> -> memref<128xi32, #tpu.memory_space<vmem>>
        %dma_start3A_352 = arith.constant 0 : i32
        %dma_start3A_353 = arith.constant 0 : i32
        %dma_start3A_354 = tpu.memref_slice %arg6[%dma_start3A_352, %dma_start3A_353] : memref<10000x128xf32, #tpu.memory_space<vmem_shared>> -> memref<10000x128xf32, #tpu.memory_space<vmem_shared>>
        tpu.enqueue_indirect_dma source(%arg11 : memref<128x128xf32, #tpu.memory_space<vmem>>) target(%dma_start3A_354 : memref<10000x128xf32, #tpu.memory_space<vmem_shared>>) offsets(%dma_start3A_351 : memref<128xi32, #tpu.memory_space<vmem>>) semaphore(%run_scoped3A_348 : memref<!tpu.dma_semaphore, #tpu.memory_space<semaphore_mem>>) {add = true}
        %dma_wait3A_355 = arith.constant 0 : i32
        %dma_wait3A_356 = tpu.memref_slice %arg10[%run_scoped3A_178, %dma_wait3A_355] : memref<2x128xi32, #tpu.memory_space<vmem>> -> memref<1x128xi32, #tpu.memory_space<vmem>>
        %dma_wait3A_357 = tpu.memref_squeeze %dma_wait3A_356 : memref<1x128xi32, #tpu.memory_space<vmem>> -> memref<128xi32, #tpu.memory_space<vmem>>
        %dma_wait3A_358 = arith.constant 0 : i32
        %dma_wait3A_359 = arith.constant 0 : i32
        %dma_wait3A_360 = tpu.memref_slice %arg6[%dma_wait3A_358, %dma_wait3A_359] : memref<10000x128xf32, #tpu.memory_space<vmem_shared>> -> memref<10000x128xf32, #tpu.memory_space<vmem_shared>>
        tpu.wait_indirect_dma semaphore(%run_scoped3A_348 : memref<!tpu.dma_semaphore, #tpu.memory_space<semaphore_mem>>) src(%arg11 : memref<128x128xf32, #tpu.memory_space<vmem>>) dst(%dma_wait3A_360 : memref<10000x128xf32, #tpu.memory_space<vmem_shared>>)
        tpu.yield
      }) : () -> ()
      %add3A_179 = arith.constant 19328 : i32
      %add3A_180 = arith.addi %mul3A_2, %add3A_179 : i32
      %dma_start3A_181 = arith.constant 0 : i32
      %dma_start3A_182 = tpu.memref_slice %arg3[%dma_start3A_181, %add3A_180] : memref<2x320000xi32, #tpu.memory_space<hbm>> -> memref<2x128xi32, #tpu.memory_space<hbm>>
      %dma_start3A_183 = arith.constant 0 : i32
      %dma_start3A_184 = tpu.memref_slice %arg3[%dma_start3A_183, %add3A_180] : memref<2x320000xi32, #tpu.memory_space<hbm>> -> memref<2x128xi32, #tpu.memory_space<hbm>>
      tpu.enqueue_dma source(%dma_start3A_184 : memref<2x128xi32, #tpu.memory_space<hbm>>) target(%arg10 : memref<2x128xi32, #tpu.memory_space<vmem>>) target_semaphore(%arg17 : memref<!tpu.dma_semaphore, #tpu.memory_space<semaphore_mem>>)
      %dma_wait3A_185 = arith.constant 0 : i32
      %dma_wait3A_186 = arith.constant 0 : i32
      %dma_wait3A_187 = tpu.memref_slice %arg3[%dma_wait3A_185, %dma_wait3A_186] : memref<2x320000xi32, #tpu.memory_space<hbm>> -> memref<2x128xi32, #tpu.memory_space<hbm>>
      %dma_wait3A_188 = arith.constant 0 : i32
      %dma_wait3A_189 = arith.constant 0 : i32
      %dma_wait3A_190 = tpu.memref_slice %arg3[%dma_wait3A_188, %dma_wait3A_189] : memref<2x320000xi32, #tpu.memory_space<hbm>> -> memref<2x128xi32, #tpu.memory_space<hbm>>
      tpu.wait_dma2 semaphore(%arg16 : memref<!tpu.dma_semaphore, #tpu.memory_space<semaphore_mem>>) src(%dma_wait3A_190 : memref<2x128xi32, #tpu.memory_space<hbm>>) dst(%arg9 : memref<2x128xi32, #tpu.memory_space<vmem>>)
      %dma_start3A_191 = arith.constant 1 : i32
      %dma_start3A_192 = arith.constant 0 : i32
      %dma_start3A_193 = tpu.memref_slice %arg9[%dma_start3A_191, %dma_start3A_192] : memref<2x128xi32, #tpu.memory_space<vmem>> -> memref<1x128xi32, #tpu.memory_space<vmem>>
      %dma_start3A_194 = tpu.memref_squeeze %dma_start3A_193 : memref<1x128xi32, #tpu.memory_space<vmem>> -> memref<128xi32, #tpu.memory_space<vmem>>
      %dma_start3A_195 = arith.constant 0 : i32
      %dma_start3A_196 = arith.constant 0 : i32
      %dma_start3A_197 = tpu.memref_slice %arg2[%dma_start3A_195, %dma_start3A_196] : memref<10000x128xf32, #tpu.memory_space<hbm>> -> memref<10000x128xf32, #tpu.memory_space<hbm>>
      tpu.enqueue_indirect_dma source(%dma_start3A_197 : memref<10000x128xf32, #tpu.memory_space<hbm>>) target(%arg11 : memref<128x128xf32, #tpu.memory_space<vmem>>) offsets(%dma_start3A_194 : memref<128xi32, #tpu.memory_space<vmem>>) semaphore(%arg18 : memref<!tpu.dma_semaphore, #tpu.memory_space<semaphore_mem>>)
      %dma_wait3A_198 = arith.constant 0 : i32
      %dma_wait3A_199 = arith.constant 0 : i32
      %dma_wait3A_200 = tpu.memref_slice %arg2[%dma_wait3A_198, %dma_wait3A_199] : memref<10000x128xf32, #tpu.memory_space<hbm>> -> memref<128x128xf32, #tpu.memory_space<hbm>>
      %dma_wait3A_201 = arith.constant 0 : i32
      %dma_wait3A_202 = arith.constant 0 : i32
      %dma_wait3A_203 = tpu.memref_slice %arg2[%dma_wait3A_201, %dma_wait3A_202] : memref<10000x128xf32, #tpu.memory_space<hbm>> -> memref<128x128xf32, #tpu.memory_space<hbm>>
      tpu.wait_dma2 semaphore(%arg19 : memref<!tpu.dma_semaphore, #tpu.memory_space<semaphore_mem>>) src(%dma_wait3A_203 : memref<128x128xf32, #tpu.memory_space<hbm>>) dst(%arg12 : memref<128x128xf32, #tpu.memory_space<vmem>>)
      %run_scoped3A_204 = arith.constant 0 : i32
      "tpu.region"() ({
        %run_scoped3A_348 = tpu.sem_alloc : memref<!tpu.dma_semaphore, #tpu.memory_space<semaphore_mem>>
        %dma_start3A_349 = arith.constant 0 : i32
        %dma_start3A_350 = tpu.memref_slice %arg7[%run_scoped3A_204, %dma_start3A_349] : memref<2x128xi32, #tpu.memory_space<vmem>> -> memref<1x128xi32, #tpu.memory_space<vmem>>
        %dma_start3A_351 = tpu.memref_squeeze %dma_start3A_350 : memref<1x128xi32, #tpu.memory_space<vmem>> -> memref<128xi32, #tpu.memory_space<vmem>>
        %dma_start3A_352 = arith.constant 0 : i32
        %dma_start3A_353 = arith.constant 0 : i32
        %dma_start3A_354 = tpu.memref_slice %arg6[%dma_start3A_352, %dma_start3A_353] : memref<10000x128xf32, #tpu.memory_space<vmem_shared>> -> memref<10000x128xf32, #tpu.memory_space<vmem_shared>>
        tpu.enqueue_indirect_dma source(%arg12 : memref<128x128xf32, #tpu.memory_space<vmem>>) target(%dma_start3A_354 : memref<10000x128xf32, #tpu.memory_space<vmem_shared>>) offsets(%dma_start3A_351 : memref<128xi32, #tpu.memory_space<vmem>>) semaphore(%run_scoped3A_348 : memref<!tpu.dma_semaphore, #tpu.memory_space<semaphore_mem>>) {add = true}
        %dma_wait3A_355 = arith.constant 0 : i32
        %dma_wait3A_356 = tpu.memref_slice %arg7[%run_scoped3A_204, %dma_wait3A_355] : memref<2x128xi32, #tpu.memory_space<vmem>> -> memref<1x128xi32, #tpu.memory_space<vmem>>
        %dma_wait3A_357 = tpu.memref_squeeze %dma_wait3A_356 : memref<1x128xi32, #tpu.memory_space<vmem>> -> memref<128xi32, #tpu.memory_space<vmem>>
        %dma_wait3A_358 = arith.constant 0 : i32
        %dma_wait3A_359 = arith.constant 0 : i32
        %dma_wait3A_360 = tpu.memref_slice %arg6[%dma_wait3A_358, %dma_wait3A_359] : memref<10000x128xf32, #tpu.memory_space<vmem_shared>> -> memref<10000x128xf32, #tpu.memory_space<vmem_shared>>
        tpu.wait_indirect_dma semaphore(%run_scoped3A_348 : memref<!tpu.dma_semaphore, #tpu.memory_space<semaphore_mem>>) src(%arg12 : memref<128x128xf32, #tpu.memory_space<vmem>>) dst(%dma_wait3A_360 : memref<10000x128xf32, #tpu.memory_space<vmem_shared>>)
        tpu.yield
      }) : () -> ()
      %add3A_205 = arith.constant 19456 : i32
      %add3A_206 = arith.addi %mul3A_2, %add3A_205 : i32
      %dma_start3A_207 = arith.constant 0 : i32
      %dma_start3A_208 = tpu.memref_slice %arg3[%dma_start3A_207, %add3A_206] : memref<2x320000xi32, #tpu.memory_space<hbm>> -> memref<2x128xi32, #tpu.memory_space<hbm>>
      %dma_start3A_209 = arith.constant 0 : i32
      %dma_start3A_210 = tpu.memref_slice %arg3[%dma_start3A_209, %add3A_206] : memref<2x320000xi32, #tpu.memory_space<hbm>> -> memref<2x128xi32, #tpu.memory_space<hbm>>
      tpu.enqueue_dma source(%dma_start3A_210 : memref<2x128xi32, #tpu.memory_space<hbm>>) target(%arg7 : memref<2x128xi32, #tpu.memory_space<vmem>>) target_semaphore(%arg14 : memref<!tpu.dma_semaphore, #tpu.memory_space<semaphore_mem>>)
      %dma_wait3A_211 = arith.constant 0 : i32
      %dma_wait3A_212 = arith.constant 0 : i32
      %dma_wait3A_213 = tpu.memref_slice %arg3[%dma_wait3A_211, %dma_wait3A_212] : memref<2x320000xi32, #tpu.memory_space<hbm>> -> memref<2x128xi32, #tpu.memory_space<hbm>>
      %dma_wait3A_214 = arith.constant 0 : i32
      %dma_wait3A_215 = arith.constant 0 : i32
      %dma_wait3A_216 = tpu.memref_slice %arg3[%dma_wait3A_214, %dma_wait3A_215] : memref<2x320000xi32, #tpu.memory_space<hbm>> -> memref<2x128xi32, #tpu.memory_space<hbm>>
      tpu.wait_dma2 semaphore(%arg17 : memref<!tpu.dma_semaphore, #tpu.memory_space<semaphore_mem>>) src(%dma_wait3A_216 : memref<2x128xi32, #tpu.memory_space<hbm>>) dst(%arg10 : memref<2x128xi32, #tpu.memory_space<vmem>>)
      %dma_start3A_217 = arith.constant 1 : i32
      %dma_start3A_218 = arith.constant 0 : i32
      %dma_start3A_219 = tpu.memref_slice %arg10[%dma_start3A_217, %dma_start3A_218] : memref<2x128xi32, #tpu.memory_space<vmem>> -> memref<1x128xi32, #tpu.memory_space<vmem>>
      %dma_start3A_220 = tpu.memref_squeeze %dma_start3A_219 : memref<1x128xi32, #tpu.memory_space<vmem>> -> memref<128xi32, #tpu.memory_space<vmem>>
      %dma_start3A_221 = arith.constant 0 : i32
      %dma_start3A_222 = arith.constant 0 : i32
      %dma_start3A_223 = tpu.memref_slice %arg2[%dma_start3A_221, %dma_start3A_222] : memref<10000x128xf32, #tpu.memory_space<hbm>> -> memref<10000x128xf32, #tpu.memory_space<hbm>>
      tpu.enqueue_indirect_dma source(%dma_start3A_223 : memref<10000x128xf32, #tpu.memory_space<hbm>>) target(%arg12 : memref<128x128xf32, #tpu.memory_space<vmem>>) offsets(%dma_start3A_220 : memref<128xi32, #tpu.memory_space<vmem>>) semaphore(%arg19 : memref<!tpu.dma_semaphore, #tpu.memory_space<semaphore_mem>>)
      %dma_wait3A_224 = arith.constant 0 : i32
      %dma_wait3A_225 = arith.constant 0 : i32
      %dma_wait3A_226 = tpu.memref_slice %arg2[%dma_wait3A_224, %dma_wait3A_225] : memref<10000x128xf32, #tpu.memory_space<hbm>> -> memref<128x128xf32, #tpu.memory_space<hbm>>
      %dma_wait3A_227 = arith.constant 0 : i32
      %dma_wait3A_228 = arith.constant 0 : i32
      %dma_wait3A_229 = tpu.memref_slice %arg2[%dma_wait3A_227, %dma_wait3A_228] : memref<10000x128xf32, #tpu.memory_space<hbm>> -> memref<128x128xf32, #tpu.memory_space<hbm>>
      tpu.wait_dma2 semaphore(%arg20 : memref<!tpu.dma_semaphore, #tpu.memory_space<semaphore_mem>>) src(%dma_wait3A_229 : memref<128x128xf32, #tpu.memory_space<hbm>>) dst(%arg13 : memref<128x128xf32, #tpu.memory_space<vmem>>)
      %run_scoped3A_230 = arith.constant 0 : i32
      "tpu.region"() ({
        %run_scoped3A_348 = tpu.sem_alloc : memref<!tpu.dma_semaphore, #tpu.memory_space<semaphore_mem>>
        %dma_start3A_349 = arith.constant 0 : i32
        %dma_start3A_350 = tpu.memref_slice %arg8[%run_scoped3A_230, %dma_start3A_349] : memref<2x128xi32, #tpu.memory_space<vmem>> -> memref<1x128xi32, #tpu.memory_space<vmem>>
        %dma_start3A_351 = tpu.memref_squeeze %dma_start3A_350 : memref<1x128xi32, #tpu.memory_space<vmem>> -> memref<128xi32, #tpu.memory_space<vmem>>
        %dma_start3A_352 = arith.constant 0 : i32
        %dma_start3A_353 = arith.constant 0 : i32
        %dma_start3A_354 = tpu.memref_slice %arg6[%dma_start3A_352, %dma_start3A_353] : memref<10000x128xf32, #tpu.memory_space<vmem_shared>> -> memref<10000x128xf32, #tpu.memory_space<vmem_shared>>
        tpu.enqueue_indirect_dma source(%arg13 : memref<128x128xf32, #tpu.memory_space<vmem>>) target(%dma_start3A_354 : memref<10000x128xf32, #tpu.memory_space<vmem_shared>>) offsets(%dma_start3A_351 : memref<128xi32, #tpu.memory_space<vmem>>) semaphore(%run_scoped3A_348 : memref<!tpu.dma_semaphore, #tpu.memory_space<semaphore_mem>>) {add = true}
        %dma_wait3A_355 = arith.constant 0 : i32
        %dma_wait3A_356 = tpu.memref_slice %arg8[%run_scoped3A_230, %dma_wait3A_355] : memref<2x128xi32, #tpu.memory_space<vmem>> -> memref<1x128xi32, #tpu.memory_space<vmem>>
        %dma_wait3A_357 = tpu.memref_squeeze %dma_wait3A_356 : memref<1x128xi32, #tpu.memory_space<vmem>> -> memref<128xi32, #tpu.memory_space<vmem>>
        %dma_wait3A_358 = arith.constant 0 : i32
        %dma_wait3A_359 = arith.constant 0 : i32
        %dma_wait3A_360 = tpu.memref_slice %arg6[%dma_wait3A_358, %dma_wait3A_359] : memref<10000x128xf32, #tpu.memory_space<vmem_shared>> -> memref<10000x128xf32, #tpu.memory_space<vmem_shared>>
        tpu.wait_indirect_dma semaphore(%run_scoped3A_348 : memref<!tpu.dma_semaphore, #tpu.memory_space<semaphore_mem>>) src(%arg13 : memref<128x128xf32, #tpu.memory_space<vmem>>) dst(%dma_wait3A_360 : memref<10000x128xf32, #tpu.memory_space<vmem_shared>>)
        tpu.yield
      }) : () -> ()
      %add3A_231 = arith.constant 19584 : i32
      %add3A_232 = arith.addi %mul3A_2, %add3A_231 : i32
      %dma_start3A_233 = arith.constant 0 : i32
      %dma_start3A_234 = tpu.memref_slice %arg3[%dma_start3A_233, %add3A_232] : memref<2x320000xi32, #tpu.memory_space<hbm>> -> memref<2x128xi32, #tpu.memory_space<hbm>>
      %dma_start3A_235 = arith.constant 0 : i32
      %dma_start3A_236 = tpu.memref_slice %arg3[%dma_start3A_235, %add3A_232] : memref<2x320000xi32, #tpu.memory_space<hbm>> -> memref<2x128xi32, #tpu.memory_space<hbm>>
      tpu.enqueue_dma source(%dma_start3A_236 : memref<2x128xi32, #tpu.memory_space<hbm>>) target(%arg8 : memref<2x128xi32, #tpu.memory_space<vmem>>) target_semaphore(%arg15 : memref<!tpu.dma_semaphore, #tpu.memory_space<semaphore_mem>>)
      %dma_wait3A_237 = arith.constant 0 : i32
      %dma_wait3A_238 = arith.constant 0 : i32
      %dma_wait3A_239 = tpu.memref_slice %arg3[%dma_wait3A_237, %dma_wait3A_238] : memref<2x320000xi32, #tpu.memory_space<hbm>> -> memref<2x128xi32, #tpu.memory_space<hbm>>
      %dma_wait3A_240 = arith.constant 0 : i32
      %dma_wait3A_241 = arith.constant 0 : i32
      %dma_wait3A_242 = tpu.memref_slice %arg3[%dma_wait3A_240, %dma_wait3A_241] : memref<2x320000xi32, #tpu.memory_space<hbm>> -> memref<2x128xi32, #tpu.memory_space<hbm>>
      tpu.wait_dma2 semaphore(%arg14 : memref<!tpu.dma_semaphore, #tpu.memory_space<semaphore_mem>>) src(%dma_wait3A_242 : memref<2x128xi32, #tpu.memory_space<hbm>>) dst(%arg7 : memref<2x128xi32, #tpu.memory_space<vmem>>)
      %dma_start3A_243 = arith.constant 1 : i32
      %dma_start3A_244 = arith.constant 0 : i32
      %dma_start3A_245 = tpu.memref_slice %arg7[%dma_start3A_243, %dma_start3A_244] : memref<2x128xi32, #tpu.memory_space<vmem>> -> memref<1x128xi32, #tpu.memory_space<vmem>>
      %dma_start3A_246 = tpu.memref_squeeze %dma_start3A_245 : memref<1x128xi32, #tpu.memory_space<vmem>> -> memref<128xi32, #tpu.memory_space<vmem>>
      %dma_start3A_247 = arith.constant 0 : i32
      %dma_start3A_248 = arith.constant 0 : i32
      %dma_start3A_249 = tpu.memref_slice %arg2[%dma_start3A_247, %dma_start3A_248] : memref<10000x128xf32, #tpu.memory_space<hbm>> -> memref<10000x128xf32, #tpu.memory_space<hbm>>
      tpu.enqueue_indirect_dma source(%dma_start3A_249 : memref<10000x128xf32, #tpu.memory_space<hbm>>) target(%arg13 : memref<128x128xf32, #tpu.memory_space<vmem>>) offsets(%dma_start3A_246 : memref<128xi32, #tpu.memory_space<vmem>>) semaphore(%arg20 : memref<!tpu.dma_semaphore, #tpu.memory_space<semaphore_mem>>)
      %dma_wait3A_250 = arith.constant 0 : i32
      %dma_wait3A_251 = arith.constant 0 : i32
      %dma_wait3A_252 = tpu.memref_slice %arg2[%dma_wait3A_250, %dma_wait3A_251] : memref<10000x128xf32, #tpu.memory_space<hbm>> -> memref<128x128xf32, #tpu.memory_space<hbm>>
      %dma_wait3A_253 = arith.constant 0 : i32
      %dma_wait3A_254 = arith.constant 0 : i32
      %dma_wait3A_255 = tpu.memref_slice %arg2[%dma_wait3A_253, %dma_wait3A_254] : memref<10000x128xf32, #tpu.memory_space<hbm>> -> memref<128x128xf32, #tpu.memory_space<hbm>>
      tpu.wait_dma2 semaphore(%arg18 : memref<!tpu.dma_semaphore, #tpu.memory_space<semaphore_mem>>) src(%dma_wait3A_255 : memref<128x128xf32, #tpu.memory_space<hbm>>) dst(%arg11 : memref<128x128xf32, #tpu.memory_space<vmem>>)
      %run_scoped3A_256 = arith.constant 0 : i32
      "tpu.region"() ({
        %run_scoped3A_348 = tpu.sem_alloc : memref<!tpu.dma_semaphore, #tpu.memory_space<semaphore_mem>>
        %dma_start3A_349 = arith.constant 0 : i32
        %dma_start3A_350 = tpu.memref_slice %arg9[%run_scoped3A_256, %dma_start3A_349] : memref<2x128xi32, #tpu.memory_space<vmem>> -> memref<1x128xi32, #tpu.memory_space<vmem>>
        %dma_start3A_351 = tpu.memref_squeeze %dma_start3A_350 : memref<1x128xi32, #tpu.memory_space<vmem>> -> memref<128xi32, #tpu.memory_space<vmem>>
        %dma_start3A_352 = arith.constant 0 : i32
        %dma_start3A_353 = arith.constant 0 : i32
        %dma_start3A_354 = tpu.memref_slice %arg6[%dma_start3A_352, %dma_start3A_353] : memref<10000x128xf32, #tpu.memory_space<vmem_shared>> -> memref<10000x128xf32, #tpu.memory_space<vmem_shared>>
        tpu.enqueue_indirect_dma source(%arg11 : memref<128x128xf32, #tpu.memory_space<vmem>>) target(%dma_start3A_354 : memref<10000x128xf32, #tpu.memory_space<vmem_shared>>) offsets(%dma_start3A_351 : memref<128xi32, #tpu.memory_space<vmem>>) semaphore(%run_scoped3A_348 : memref<!tpu.dma_semaphore, #tpu.memory_space<semaphore_mem>>) {add = true}
        %dma_wait3A_355 = arith.constant 0 : i32
        %dma_wait3A_356 = tpu.memref_slice %arg9[%run_scoped3A_256, %dma_wait3A_355] : memref<2x128xi32, #tpu.memory_space<vmem>> -> memref<1x128xi32, #tpu.memory_space<vmem>>
        %dma_wait3A_357 = tpu.memref_squeeze %dma_wait3A_356 : memref<1x128xi32, #tpu.memory_space<vmem>> -> memref<128xi32, #tpu.memory_space<vmem>>
        %dma_wait3A_358 = arith.constant 0 : i32
        %dma_wait3A_359 = arith.constant 0 : i32
        %dma_wait3A_360 = tpu.memref_slice %arg6[%dma_wait3A_358, %dma_wait3A_359] : memref<10000x128xf32, #tpu.memory_space<vmem_shared>> -> memref<10000x128xf32, #tpu.memory_space<vmem_shared>>
        tpu.wait_indirect_dma semaphore(%run_scoped3A_348 : memref<!tpu.dma_semaphore, #tpu.memory_space<semaphore_mem>>) src(%arg11 : memref<128x128xf32, #tpu.memory_space<vmem>>) dst(%dma_wait3A_360 : memref<10000x128xf32, #tpu.memory_space<vmem_shared>>)
        tpu.yield
      }) : () -> ()
      %add3A_257 = arith.constant 19712 : i32
      %add3A_258 = arith.addi %mul3A_2, %add3A_257 : i32
      %dma_start3A_259 = arith.constant 0 : i32
      %dma_start3A_260 = tpu.memref_slice %arg3[%dma_start3A_259, %add3A_258] : memref<2x320000xi32, #tpu.memory_space<hbm>> -> memref<2x128xi32, #tpu.memory_space<hbm>>
      %dma_start3A_261 = arith.constant 0 : i32
      %dma_start3A_262 = tpu.memref_slice %arg3[%dma_start3A_261, %add3A_258] : memref<2x320000xi32, #tpu.memory_space<hbm>> -> memref<2x128xi32, #tpu.memory_space<hbm>>
      tpu.enqueue_dma source(%dma_start3A_262 : memref<2x128xi32, #tpu.memory_space<hbm>>) target(%arg9 : memref<2x128xi32, #tpu.memory_space<vmem>>) target_semaphore(%arg16 : memref<!tpu.dma_semaphore, #tpu.memory_space<semaphore_mem>>)
      %dma_wait3A_263 = arith.constant 0 : i32
      %dma_wait3A_264 = arith.constant 0 : i32
      %dma_wait3A_265 = tpu.memref_slice %arg3[%dma_wait3A_263, %dma_wait3A_264] : memref<2x320000xi32, #tpu.memory_space<hbm>> -> memref<2x128xi32, #tpu.memory_space<hbm>>
      %dma_wait3A_266 = arith.constant 0 : i32
      %dma_wait3A_267 = arith.constant 0 : i32
      %dma_wait3A_268 = tpu.memref_slice %arg3[%dma_wait3A_266, %dma_wait3A_267] : memref<2x320000xi32, #tpu.memory_space<hbm>> -> memref<2x128xi32, #tpu.memory_space<hbm>>
      tpu.wait_dma2 semaphore(%arg15 : memref<!tpu.dma_semaphore, #tpu.memory_space<semaphore_mem>>) src(%dma_wait3A_268 : memref<2x128xi32, #tpu.memory_space<hbm>>) dst(%arg8 : memref<2x128xi32, #tpu.memory_space<vmem>>)
      %dma_start3A_269 = arith.constant 1 : i32
      %dma_start3A_270 = arith.constant 0 : i32
      %dma_start3A_271 = tpu.memref_slice %arg8[%dma_start3A_269, %dma_start3A_270] : memref<2x128xi32, #tpu.memory_space<vmem>> -> memref<1x128xi32, #tpu.memory_space<vmem>>
      %dma_start3A_272 = tpu.memref_squeeze %dma_start3A_271 : memref<1x128xi32, #tpu.memory_space<vmem>> -> memref<128xi32, #tpu.memory_space<vmem>>
      %dma_start3A_273 = arith.constant 0 : i32
      %dma_start3A_274 = arith.constant 0 : i32
      %dma_start3A_275 = tpu.memref_slice %arg2[%dma_start3A_273, %dma_start3A_274] : memref<10000x128xf32, #tpu.memory_space<hbm>> -> memref<10000x128xf32, #tpu.memory_space<hbm>>
      tpu.enqueue_indirect_dma source(%dma_start3A_275 : memref<10000x128xf32, #tpu.memory_space<hbm>>) target(%arg11 : memref<128x128xf32, #tpu.memory_space<vmem>>) offsets(%dma_start3A_272 : memref<128xi32, #tpu.memory_space<vmem>>) semaphore(%arg18 : memref<!tpu.dma_semaphore, #tpu.memory_space<semaphore_mem>>)
      %dma_wait3A_276 = arith.constant 0 : i32
      %dma_wait3A_277 = arith.constant 0 : i32
      %dma_wait3A_278 = tpu.memref_slice %arg2[%dma_wait3A_276, %dma_wait3A_277] : memref<10000x128xf32, #tpu.memory_space<hbm>> -> memref<128x128xf32, #tpu.memory_space<hbm>>
      %dma_wait3A_279 = arith.constant 0 : i32
      %dma_wait3A_280 = arith.constant 0 : i32
      %dma_wait3A_281 = tpu.memref_slice %arg2[%dma_wait3A_279, %dma_wait3A_280] : memref<10000x128xf32, #tpu.memory_space<hbm>> -> memref<128x128xf32, #tpu.memory_space<hbm>>
      tpu.wait_dma2 semaphore(%arg19 : memref<!tpu.dma_semaphore, #tpu.memory_space<semaphore_mem>>) src(%dma_wait3A_281 : memref<128x128xf32, #tpu.memory_space<hbm>>) dst(%arg12 : memref<128x128xf32, #tpu.memory_space<vmem>>)
      %run_scoped3A_282 = arith.constant 0 : i32
      "tpu.region"() ({
        %run_scoped3A_348 = tpu.sem_alloc : memref<!tpu.dma_semaphore, #tpu.memory_space<semaphore_mem>>
        %dma_start3A_349 = arith.constant 0 : i32
        %dma_start3A_350 = tpu.memref_slice %arg10[%run_scoped3A_282, %dma_start3A_349] : memref<2x128xi32, #tpu.memory_space<vmem>> -> memref<1x128xi32, #tpu.memory_space<vmem>>
        %dma_start3A_351 = tpu.memref_squeeze %dma_start3A_350 : memref<1x128xi32, #tpu.memory_space<vmem>> -> memref<128xi32, #tpu.memory_space<vmem>>
        %dma_start3A_352 = arith.constant 0 : i32
        %dma_start3A_353 = arith.constant 0 : i32
        %dma_start3A_354 = tpu.memref_slice %arg6[%dma_start3A_352, %dma_start3A_353] : memref<10000x128xf32, #tpu.memory_space<vmem_shared>> -> memref<10000x128xf32, #tpu.memory_space<vmem_shared>>
        tpu.enqueue_indirect_dma source(%arg12 : memref<128x128xf32, #tpu.memory_space<vmem>>) target(%dma_start3A_354 : memref<10000x128xf32, #tpu.memory_space<vmem_shared>>) offsets(%dma_start3A_351 : memref<128xi32, #tpu.memory_space<vmem>>) semaphore(%run_scoped3A_348 : memref<!tpu.dma_semaphore, #tpu.memory_space<semaphore_mem>>) {add = true}
        %dma_wait3A_355 = arith.constant 0 : i32
        %dma_wait3A_356 = tpu.memref_slice %arg10[%run_scoped3A_282, %dma_wait3A_355] : memref<2x128xi32, #tpu.memory_space<vmem>> -> memref<1x128xi32, #tpu.memory_space<vmem>>
        %dma_wait3A_357 = tpu.memref_squeeze %dma_wait3A_356 : memref<1x128xi32, #tpu.memory_space<vmem>> -> memref<128xi32, #tpu.memory_space<vmem>>
        %dma_wait3A_358 = arith.constant 0 : i32
        %dma_wait3A_359 = arith.constant 0 : i32
        %dma_wait3A_360 = tpu.memref_slice %arg6[%dma_wait3A_358, %dma_wait3A_359] : memref<10000x128xf32, #tpu.memory_space<vmem_shared>> -> memref<10000x128xf32, #tpu.memory_space<vmem_shared>>
        tpu.wait_indirect_dma semaphore(%run_scoped3A_348 : memref<!tpu.dma_semaphore, #tpu.memory_space<semaphore_mem>>) src(%arg12 : memref<128x128xf32, #tpu.memory_space<vmem>>) dst(%dma_wait3A_360 : memref<10000x128xf32, #tpu.memory_space<vmem_shared>>)
        tpu.yield
      }) : () -> ()
      %add3A_283 = arith.constant 19840 : i32
      %add3A_284 = arith.addi %mul3A_2, %add3A_283 : i32
      %dma_start3A_285 = arith.constant 0 : i32
      %dma_start3A_286 = tpu.memref_slice %arg3[%dma_start3A_285, %add3A_284] : memref<2x320000xi32, #tpu.memory_space<hbm>> -> memref<2x128xi32, #tpu.memory_space<hbm>>
      %dma_start3A_287 = arith.constant 0 : i32
      %dma_start3A_288 = tpu.memref_slice %arg3[%dma_start3A_287, %add3A_284] : memref<2x320000xi32, #tpu.memory_space<hbm>> -> memref<2x128xi32, #tpu.memory_space<hbm>>
      tpu.enqueue_dma source(%dma_start3A_288 : memref<2x128xi32, #tpu.memory_space<hbm>>) target(%arg10 : memref<2x128xi32, #tpu.memory_space<vmem>>) target_semaphore(%arg17 : memref<!tpu.dma_semaphore, #tpu.memory_space<semaphore_mem>>)
      %dma_wait3A_289 = arith.constant 0 : i32
      %dma_wait3A_290 = arith.constant 0 : i32
      %dma_wait3A_291 = tpu.memref_slice %arg3[%dma_wait3A_289, %dma_wait3A_290] : memref<2x320000xi32, #tpu.memory_space<hbm>> -> memref<2x128xi32, #tpu.memory_space<hbm>>
      %dma_wait3A_292 = arith.constant 0 : i32
      %dma_wait3A_293 = arith.constant 0 : i32
      %dma_wait3A_294 = tpu.memref_slice %arg3[%dma_wait3A_292, %dma_wait3A_293] : memref<2x320000xi32, #tpu.memory_space<hbm>> -> memref<2x128xi32, #tpu.memory_space<hbm>>
      tpu.wait_dma2 semaphore(%arg16 : memref<!tpu.dma_semaphore, #tpu.memory_space<semaphore_mem>>) src(%dma_wait3A_294 : memref<2x128xi32, #tpu.memory_space<hbm>>) dst(%arg9 : memref<2x128xi32, #tpu.memory_space<vmem>>)
      %dma_start3A_295 = arith.constant 1 : i32
      %dma_start3A_296 = arith.constant 0 : i32
      %dma_start3A_297 = tpu.memref_slice %arg9[%dma_start3A_295, %dma_start3A_296] : memref<2x128xi32, #tpu.memory_space<vmem>> -> memref<1x128xi32, #tpu.memory_space<vmem>>
      %dma_start3A_298 = tpu.memref_squeeze %dma_start3A_297 : memref<1x128xi32, #tpu.memory_space<vmem>> -> memref<128xi32, #tpu.memory_space<vmem>>
      %dma_start3A_299 = arith.constant 0 : i32
      %dma_start3A_300 = arith.constant 0 : i32
      %dma_start3A_301 = tpu.memref_slice %arg2[%dma_start3A_299, %dma_start3A_300] : memref<10000x128xf32, #tpu.memory_space<hbm>> -> memref<10000x128xf32, #tpu.memory_space<hbm>>
      tpu.enqueue_indirect_dma source(%dma_start3A_301 : memref<10000x128xf32, #tpu.memory_space<hbm>>) target(%arg12 : memref<128x128xf32, #tpu.memory_space<vmem>>) offsets(%dma_start3A_298 : memref<128xi32, #tpu.memory_space<vmem>>) semaphore(%arg19 : memref<!tpu.dma_semaphore, #tpu.memory_space<semaphore_mem>>)
      %dma_wait3A_302 = arith.constant 0 : i32
      %dma_wait3A_303 = arith.constant 0 : i32
      %dma_wait3A_304 = tpu.memref_slice %arg2[%dma_wait3A_302, %dma_wait3A_303] : memref<10000x128xf32, #tpu.memory_space<hbm>> -> memref<128x128xf32, #tpu.memory_space<hbm>>
      %dma_wait3A_305 = arith.constant 0 : i32
      %dma_wait3A_306 = arith.constant 0 : i32
      %dma_wait3A_307 = tpu.memref_slice %arg2[%dma_wait3A_305, %dma_wait3A_306] : memref<10000x128xf32, #tpu.memory_space<hbm>> -> memref<128x128xf32, #tpu.memory_space<hbm>>
      tpu.wait_dma2 semaphore(%arg20 : memref<!tpu.dma_semaphore, #tpu.memory_space<semaphore_mem>>) src(%dma_wait3A_307 : memref<128x128xf32, #tpu.memory_space<hbm>>) dst(%arg13 : memref<128x128xf32, #tpu.memory_space<vmem>>)
      %run_scoped3A_308 = arith.constant 0 : i32
      "tpu.region"() ({
        %run_scoped3A_348 = tpu.sem_alloc : memref<!tpu.dma_semaphore, #tpu.memory_space<semaphore_mem>>
        %dma_start3A_349 = arith.constant 0 : i32
        %dma_start3A_350 = tpu.memref_slice %arg7[%run_scoped3A_308, %dma_start3A_349] : memref<2x128xi32, #tpu.memory_space<vmem>> -> memref<1x128xi32, #tpu.memory_space<vmem>>
        %dma_start3A_351 = tpu.memref_squeeze %dma_start3A_350 : memref<1x128xi32, #tpu.memory_space<vmem>> -> memref<128xi32, #tpu.memory_space<vmem>>
        %dma_start3A_352 = arith.constant 0 : i32
        %dma_start3A_353 = arith.constant 0 : i32
        %dma_start3A_354 = tpu.memref_slice %arg6[%dma_start3A_352, %dma_start3A_353] : memref<10000x128xf32, #tpu.memory_space<vmem_shared>> -> memref<10000x128xf32, #tpu.memory_space<vmem_shared>>
        tpu.enqueue_indirect_dma source(%arg13 : memref<128x128xf32, #tpu.memory_space<vmem>>) target(%dma_start3A_354 : memref<10000x128xf32, #tpu.memory_space<vmem_shared>>) offsets(%dma_start3A_351 : memref<128xi32, #tpu.memory_space<vmem>>) semaphore(%run_scoped3A_348 : memref<!tpu.dma_semaphore, #tpu.memory_space<semaphore_mem>>) {add = true}
        %dma_wait3A_355 = arith.constant 0 : i32
        %dma_wait3A_356 = tpu.memref_slice %arg7[%run_scoped3A_308, %dma_wait3A_355] : memref<2x128xi32, #tpu.memory_space<vmem>> -> memref<1x128xi32, #tpu.memory_space<vmem>>
        %dma_wait3A_357 = tpu.memref_squeeze %dma_wait3A_356 : memref<1x128xi32, #tpu.memory_space<vmem>> -> memref<128xi32, #tpu.memory_space<vmem>>
        %dma_wait3A_358 = arith.constant 0 : i32
        %dma_wait3A_359 = arith.constant 0 : i32
        %dma_wait3A_360 = tpu.memref_slice %arg6[%dma_wait3A_358, %dma_wait3A_359] : memref<10000x128xf32, #tpu.memory_space<vmem_shared>> -> memref<10000x128xf32, #tpu.memory_space<vmem_shared>>
        tpu.wait_indirect_dma semaphore(%run_scoped3A_348 : memref<!tpu.dma_semaphore, #tpu.memory_space<semaphore_mem>>) src(%arg13 : memref<128x128xf32, #tpu.memory_space<vmem>>) dst(%dma_wait3A_360 : memref<10000x128xf32, #tpu.memory_space<vmem_shared>>)
        tpu.yield
      }) : () -> ()
      %dma_wait3A_309 = arith.constant 0 : i32
      %dma_wait3A_310 = arith.constant 0 : i32
      %dma_wait3A_311 = tpu.memref_slice %arg3[%dma_wait3A_309, %dma_wait3A_310] : memref<2x320000xi32, #tpu.memory_space<hbm>> -> memref<2x128xi32, #tpu.memory_space<hbm>>
      %dma_wait3A_312 = arith.constant 0 : i32
      %dma_wait3A_313 = arith.constant 0 : i32
      %dma_wait3A_314 = tpu.memref_slice %arg3[%dma_wait3A_312, %dma_wait3A_313] : memref<2x320000xi32, #tpu.memory_space<hbm>> -> memref<2x128xi32, #tpu.memory_space<hbm>>
      tpu.wait_dma2 semaphore(%arg17 : memref<!tpu.dma_semaphore, #tpu.memory_space<semaphore_mem>>) src(%dma_wait3A_314 : memref<2x128xi32, #tpu.memory_space<hbm>>) dst(%arg10 : memref<2x128xi32, #tpu.memory_space<vmem>>)
      %dma_start3A_315 = arith.constant 1 : i32
      %dma_start3A_316 = arith.constant 0 : i32
      %dma_start3A_317 = tpu.memref_slice %arg10[%dma_start3A_315, %dma_start3A_316] : memref<2x128xi32, #tpu.memory_space<vmem>> -> memref<1x128xi32, #tpu.memory_space<vmem>>
      %dma_start3A_318 = tpu.memref_squeeze %dma_start3A_317 : memref<1x128xi32, #tpu.memory_space<vmem>> -> memref<128xi32, #tpu.memory_space<vmem>>
      %dma_start3A_319 = arith.constant 0 : i32
      %dma_start3A_320 = arith.constant 0 : i32
      %dma_start3A_321 = tpu.memref_slice %arg2[%dma_start3A_319, %dma_start3A_320] : memref<10000x128xf32, #tpu.memory_space<hbm>> -> memref<10000x128xf32, #tpu.memory_space<hbm>>
      tpu.enqueue_indirect_dma source(%dma_start3A_321 : memref<10000x128xf32, #tpu.memory_space<hbm>>) target(%arg13 : memref<128x128xf32, #tpu.memory_space<vmem>>) offsets(%dma_start3A_318 : memref<128xi32, #tpu.memory_space<vmem>>) semaphore(%arg20 : memref<!tpu.dma_semaphore, #tpu.memory_space<semaphore_mem>>)
      %dma_wait3A_322 = arith.constant 0 : i32
      %dma_wait3A_323 = arith.constant 0 : i32
      %dma_wait3A_324 = tpu.memref_slice %arg2[%dma_wait3A_322, %dma_wait3A_323] : memref<10000x128xf32, #tpu.memory_space<hbm>> -> memref<128x128xf32, #tpu.memory_space<hbm>>
      %dma_wait3A_325 = arith.constant 0 : i32
      %dma_wait3A_326 = arith.constant 0 : i32
      %dma_wait3A_327 = tpu.memref_slice %arg2[%dma_wait3A_325, %dma_wait3A_326] : memref<10000x128xf32, #tpu.memory_space<hbm>> -> memref<128x128xf32, #tpu.memory_space<hbm>>
      tpu.wait_dma2 semaphore(%arg18 : memref<!tpu.dma_semaphore, #tpu.memory_space<semaphore_mem>>) src(%dma_wait3A_327 : memref<128x128xf32, #tpu.memory_space<hbm>>) dst(%arg11 : memref<128x128xf32, #tpu.memory_space<vmem>>)
      %run_scoped3A_328 = arith.constant 0 : i32
      "tpu.region"() ({
        %run_scoped3A_348 = tpu.sem_alloc : memref<!tpu.dma_semaphore, #tpu.memory_space<semaphore_mem>>
        %dma_start3A_349 = arith.constant 0 : i32
        %dma_start3A_350 = tpu.memref_slice %arg8[%run_scoped3A_328, %dma_start3A_349] : memref<2x128xi32, #tpu.memory_space<vmem>> -> memref<1x128xi32, #tpu.memory_space<vmem>>
        %dma_start3A_351 = tpu.memref_squeeze %dma_start3A_350 : memref<1x128xi32, #tpu.memory_space<vmem>> -> memref<128xi32, #tpu.memory_space<vmem>>
        %dma_start3A_352 = arith.constant 0 : i32
        %dma_start3A_353 = arith.constant 0 : i32
        %dma_start3A_354 = tpu.memref_slice %arg6[%dma_start3A_352, %dma_start3A_353] : memref<10000x128xf32, #tpu.memory_space<vmem_shared>> -> memref<10000x128xf32, #tpu.memory_space<vmem_shared>>
        tpu.enqueue_indirect_dma source(%arg11 : memref<128x128xf32, #tpu.memory_space<vmem>>) target(%dma_start3A_354 : memref<10000x128xf32, #tpu.memory_space<vmem_shared>>) offsets(%dma_start3A_351 : memref<128xi32, #tpu.memory_space<vmem>>) semaphore(%run_scoped3A_348 : memref<!tpu.dma_semaphore, #tpu.memory_space<semaphore_mem>>) {add = true}
        %dma_wait3A_355 = arith.constant 0 : i32
        %dma_wait3A_356 = tpu.memref_slice %arg8[%run_scoped3A_328, %dma_wait3A_355] : memref<2x128xi32, #tpu.memory_space<vmem>> -> memref<1x128xi32, #tpu.memory_space<vmem>>
        %dma_wait3A_357 = tpu.memref_squeeze %dma_wait3A_356 : memref<1x128xi32, #tpu.memory_space<vmem>> -> memref<128xi32, #tpu.memory_space<vmem>>
        %dma_wait3A_358 = arith.constant 0 : i32
        %dma_wait3A_359 = arith.constant 0 : i32
        %dma_wait3A_360 = tpu.memref_slice %arg6[%dma_wait3A_358, %dma_wait3A_359] : memref<10000x128xf32, #tpu.memory_space<vmem_shared>> -> memref<10000x128xf32, #tpu.memory_space<vmem_shared>>
        tpu.wait_indirect_dma semaphore(%run_scoped3A_348 : memref<!tpu.dma_semaphore, #tpu.memory_space<semaphore_mem>>) src(%arg11 : memref<128x128xf32, #tpu.memory_space<vmem>>) dst(%dma_wait3A_360 : memref<10000x128xf32, #tpu.memory_space<vmem_shared>>)
        tpu.yield
      }) : () -> ()
      %dma_wait3A_329 = arith.constant 0 : i32
      %dma_wait3A_330 = arith.constant 0 : i32
      %dma_wait3A_331 = tpu.memref_slice %arg2[%dma_wait3A_329, %dma_wait3A_330] : memref<10000x128xf32, #tpu.memory_space<hbm>> -> memref<128x128xf32, #tpu.memory_space<hbm>>
      %dma_wait3A_332 = arith.constant 0 : i32
      %dma_wait3A_333 = arith.constant 0 : i32
      %dma_wait3A_334 = tpu.memref_slice %arg2[%dma_wait3A_332, %dma_wait3A_333] : memref<10000x128xf32, #tpu.memory_space<hbm>> -> memref<128x128xf32, #tpu.memory_space<hbm>>
      tpu.wait_dma2 semaphore(%arg19 : memref<!tpu.dma_semaphore, #tpu.memory_space<semaphore_mem>>) src(%dma_wait3A_334 : memref<128x128xf32, #tpu.memory_space<hbm>>) dst(%arg12 : memref<128x128xf32, #tpu.memory_space<vmem>>)
      %run_scoped3A_335 = arith.constant 0 : i32
      "tpu.region"() ({
        %run_scoped3A_348 = tpu.sem_alloc : memref<!tpu.dma_semaphore, #tpu.memory_space<semaphore_mem>>
        %dma_start3A_349 = arith.constant 0 : i32
        %dma_start3A_350 = tpu.memref_slice %arg9[%run_scoped3A_335, %dma_start3A_349] : memref<2x128xi32, #tpu.memory_space<vmem>> -> memref<1x128xi32, #tpu.memory_space<vmem>>
        %dma_start3A_351 = tpu.memref_squeeze %dma_start3A_350 : memref<1x128xi32, #tpu.memory_space<vmem>> -> memref<128xi32, #tpu.memory_space<vmem>>
        %dma_start3A_352 = arith.constant 0 : i32
        %dma_start3A_353 = arith.constant 0 : i32
        %dma_start3A_354 = tpu.memref_slice %arg6[%dma_start3A_352, %dma_start3A_353] : memref<10000x128xf32, #tpu.memory_space<vmem_shared>> -> memref<10000x128xf32, #tpu.memory_space<vmem_shared>>
        tpu.enqueue_indirect_dma source(%arg12 : memref<128x128xf32, #tpu.memory_space<vmem>>) target(%dma_start3A_354 : memref<10000x128xf32, #tpu.memory_space<vmem_shared>>) offsets(%dma_start3A_351 : memref<128xi32, #tpu.memory_space<vmem>>) semaphore(%run_scoped3A_348 : memref<!tpu.dma_semaphore, #tpu.memory_space<semaphore_mem>>) {add = true}
        %dma_wait3A_355 = arith.constant 0 : i32
        %dma_wait3A_356 = tpu.memref_slice %arg9[%run_scoped3A_335, %dma_wait3A_355] : memref<2x128xi32, #tpu.memory_space<vmem>> -> memref<1x128xi32, #tpu.memory_space<vmem>>
        %dma_wait3A_357 = tpu.memref_squeeze %dma_wait3A_356 : memref<1x128xi32, #tpu.memory_space<vmem>> -> memref<128xi32, #tpu.memory_space<vmem>>
        %dma_wait3A_358 = arith.constant 0 : i32
        %dma_wait3A_359 = arith.constant 0 : i32
        %dma_wait3A_360 = tpu.memref_slice %arg6[%dma_wait3A_358, %dma_wait3A_359] : memref<10000x128xf32, #tpu.memory_space<vmem_shared>> -> memref<10000x128xf32, #tpu.memory_space<vmem_shared>>
        tpu.wait_indirect_dma semaphore(%run_scoped3A_348 : memref<!tpu.dma_semaphore, #tpu.memory_space<semaphore_mem>>) src(%arg12 : memref<128x128xf32, #tpu.memory_space<vmem>>) dst(%dma_wait3A_360 : memref<10000x128xf32, #tpu.memory_space<vmem_shared>>)
        tpu.yield
      }) : () -> ()
      %dma_wait3A_336 = arith.constant 0 : i32
      %dma_wait3A_337 = arith.constant 0 : i32
      %dma_wait3A_338 = tpu.memref_slice %arg2[%dma_wait3A_336, %dma_wait3A_337] : memref<10000x128xf32, #tpu.memory_space<hbm>> -> memref<128x128xf32, #tpu.memory_space<hbm>>
      %dma_wait3A_339 = arith.constant 0 : i32
      %dma_wait3A_340 = arith.constant 0 : i32
      %dma_wait3A_341 = tpu.memref_slice %arg2[%dma_wait3A_339, %dma_wait3A_340] : memref<10000x128xf32, #tpu.memory_space<hbm>> -> memref<128x128xf32, #tpu.memory_space<hbm>>
      tpu.wait_dma2 semaphore(%arg20 : memref<!tpu.dma_semaphore, #tpu.memory_space<semaphore_mem>>) src(%dma_wait3A_341 : memref<128x128xf32, #tpu.memory_space<hbm>>) dst(%arg13 : memref<128x128xf32, #tpu.memory_space<vmem>>)
      %run_scoped3A_342 = arith.constant 0 : i32
      "tpu.region"() ({
        %run_scoped3A_348 = tpu.sem_alloc : memref<!tpu.dma_semaphore, #tpu.memory_space<semaphore_mem>>
        %dma_start3A_349 = arith.constant 0 : i32
        %dma_start3A_350 = tpu.memref_slice %arg10[%run_scoped3A_342, %dma_start3A_349] : memref<2x128xi32, #tpu.memory_space<vmem>> -> memref<1x128xi32, #tpu.memory_space<vmem>>
        %dma_start3A_351 = tpu.memref_squeeze %dma_start3A_350 : memref<1x128xi32, #tpu.memory_space<vmem>> -> memref<128xi32, #tpu.memory_space<vmem>>
        %dma_start3A_352 = arith.constant 0 : i32
        %dma_start3A_353 = arith.constant 0 : i32
        %dma_start3A_354 = tpu.memref_slice %arg6[%dma_start3A_352, %dma_start3A_353] : memref<10000x128xf32, #tpu.memory_space<vmem_shared>> -> memref<10000x128xf32, #tpu.memory_space<vmem_shared>>
        tpu.enqueue_indirect_dma source(%arg13 : memref<128x128xf32, #tpu.memory_space<vmem>>) target(%dma_start3A_354 : memref<10000x128xf32, #tpu.memory_space<vmem_shared>>) offsets(%dma_start3A_351 : memref<128xi32, #tpu.memory_space<vmem>>) semaphore(%run_scoped3A_348 : memref<!tpu.dma_semaphore, #tpu.memory_space<semaphore_mem>>) {add = true}
        %dma_wait3A_355 = arith.constant 0 : i32
        %dma_wait3A_356 = tpu.memref_slice %arg10[%run_scoped3A_342, %dma_wait3A_355] : memref<2x128xi32, #tpu.memory_space<vmem>> -> memref<1x128xi32, #tpu.memory_space<vmem>>
        %dma_wait3A_357 = tpu.memref_squeeze %dma_wait3A_356 : memref<1x128xi32, #tpu.memory_space<vmem>> -> memref<128xi32, #tpu.memory_space<vmem>>
        %dma_wait3A_358 = arith.constant 0 : i32
        %dma_wait3A_359 = arith.constant 0 : i32
        %dma_wait3A_360 = tpu.memref_slice %arg6[%dma_wait3A_358, %dma_wait3A_359] : memref<10000x128xf32, #tpu.memory_space<vmem_shared>> -> memref<10000x128xf32, #tpu.memory_space<vmem_shared>>
        tpu.wait_indirect_dma semaphore(%run_scoped3A_348 : memref<!tpu.dma_semaphore, #tpu.memory_space<semaphore_mem>>) src(%arg13 : memref<128x128xf32, #tpu.memory_space<vmem>>) dst(%dma_wait3A_360 : memref<10000x128xf32, #tpu.memory_space<vmem_shared>>)
        tpu.yield
      }) : () -> ()
      %lt3A_343 = arith.constant 4 : i32
      %lt3A_344 = arith.cmpi slt, %arg1, %lt3A_343 : i32
      %convert_element_type3A_345 = arith.extui %lt3A_344 : i1 to i32
      %cond3A_346 = arith.constant 0 : i32
      %cond3A_347 = arith.cmpi ne, %convert_element_type3A_345, %cond3A_346 : i32
      scf.if %cond3A_347 {
        %mul3A_348 = arith.constant 128 : i32
        %mul3A_349 = arith.muli %arg1, %mul3A_348 : i32
        %add3A_350 = arith.constant 319488 : i32
        %add3A_351 = arith.addi %add3A_350, %mul3A_349 : i32
        "tpu.region"() ({
          %run_scoped3A_366 = tpu.sem_alloc : memref<!tpu.dma_semaphore, #tpu.memory_space<semaphore_mem>>
          %dma_start3A_367 = arith.constant 0 : i32
          %dma_start3A_368 = tpu.memref_slice %arg3[%dma_start3A_367, %add3A_351] : memref<2x320000xi32, #tpu.memory_space<hbm>> -> memref<2x128xi32, #tpu.memory_space<hbm>>
          %dma_start3A_369 = arith.constant 0 : i32
          %dma_start3A_370 = tpu.memref_slice %arg3[%dma_start3A_369, %add3A_351] : memref<2x320000xi32, #tpu.memory_space<hbm>> -> memref<2x128xi32, #tpu.memory_space<hbm>>
          tpu.enqueue_dma source(%dma_start3A_370 : memref<2x128xi32, #tpu.memory_space<hbm>>) target(%arg7 : memref<2x128xi32, #tpu.memory_space<vmem>>) target_semaphore(%run_scoped3A_366 : memref<!tpu.dma_semaphore, #tpu.memory_space<semaphore_mem>>)
          %dma_wait3A_371 = arith.constant 0 : i32
          %dma_wait3A_372 = tpu.memref_slice %arg3[%dma_wait3A_371, %add3A_351] : memref<2x320000xi32, #tpu.memory_space<hbm>> -> memref<2x128xi32, #tpu.memory_space<hbm>>
          %dma_wait3A_373 = arith.constant 0 : i32
          %dma_wait3A_374 = tpu.memref_slice %arg3[%dma_wait3A_373, %add3A_351] : memref<2x320000xi32, #tpu.memory_space<hbm>> -> memref<2x128xi32, #tpu.memory_space<hbm>>
          tpu.wait_dma2 semaphore(%run_scoped3A_366 : memref<!tpu.dma_semaphore, #tpu.memory_space<semaphore_mem>>) src(%dma_wait3A_374 : memref<2x128xi32, #tpu.memory_space<hbm>>) dst(%arg7 : memref<2x128xi32, #tpu.memory_space<vmem>>)
          tpu.yield
        }) : () -> ()
        %dma_start3A_352 = arith.constant 1 : i32
        %dma_start3A_353 = arith.constant 0 : i32
        %dma_start3A_354 = tpu.memref_slice %arg7[%dma_start3A_352, %dma_start3A_353] : memref<2x128xi32, #tpu.memory_space<vmem>> -> memref<1x128xi32, #tpu.memory_space<vmem>>
        %dma_start3A_355 = tpu.memref_squeeze %dma_start3A_354 : memref<1x128xi32, #tpu.memory_space<vmem>> -> memref<128xi32, #tpu.memory_space<vmem>>
        %dma_start3A_356 = arith.constant 0 : i32
        %dma_start3A_357 = arith.constant 0 : i32
        %dma_start3A_358 = tpu.memref_slice %arg2[%dma_start3A_356, %dma_start3A_357] : memref<10000x128xf32, #tpu.memory_space<hbm>> -> memref<10000x128xf32, #tpu.memory_space<hbm>>
        tpu.enqueue_indirect_dma source(%dma_start3A_358 : memref<10000x128xf32, #tpu.memory_space<hbm>>) target(%arg11 : memref<128x128xf32, #tpu.memory_space<vmem>>) offsets(%dma_start3A_355 : memref<128xi32, #tpu.memory_space<vmem>>) semaphore(%arg18 : memref<!tpu.dma_semaphore, #tpu.memory_space<semaphore_mem>>)
        %dma_wait3A_359 = arith.constant 0 : i32
        %dma_wait3A_360 = arith.constant 0 : i32
        %dma_wait3A_361 = tpu.memref_slice %arg2[%dma_wait3A_359, %dma_wait3A_360] : memref<10000x128xf32, #tpu.memory_space<hbm>> -> memref<128x128xf32, #tpu.memory_space<hbm>>
        %dma_wait3A_362 = arith.constant 0 : i32
        %dma_wait3A_363 = arith.constant 0 : i32
        %dma_wait3A_364 = tpu.memref_slice %arg2[%dma_wait3A_362, %dma_wait3A_363] : memref<10000x128xf32, #tpu.memory_space<hbm>> -> memref<128x128xf32, #tpu.memory_space<hbm>>
        tpu.wait_dma2 semaphore(%arg18 : memref<!tpu.dma_semaphore, #tpu.memory_space<semaphore_mem>>) src(%dma_wait3A_364 : memref<128x128xf32, #tpu.memory_space<hbm>>) dst(%arg11 : memref<128x128xf32, #tpu.memory_space<vmem>>)
        %run_scoped3A_365 = arith.constant 0 : i32
        "tpu.region"() ({
          %run_scoped3A_366 = tpu.sem_alloc : memref<!tpu.dma_semaphore, #tpu.memory_space<semaphore_mem>>
          %dma_start3A_367 = arith.constant 0 : i32
          %dma_start3A_368 = tpu.memref_slice %arg7[%run_scoped3A_365, %dma_start3A_367] : memref<2x128xi32, #tpu.memory_space<vmem>> -> memref<1x128xi32, #tpu.memory_space<vmem>>
          %dma_start3A_369 = tpu.memref_squeeze %dma_start3A_368 : memref<1x128xi32, #tpu.memory_space<vmem>> -> memref<128xi32, #tpu.memory_space<vmem>>
          %dma_start3A_370 = arith.constant 0 : i32
          %dma_start3A_371 = arith.constant 0 : i32
          %dma_start3A_372 = tpu.memref_slice %arg6[%dma_start3A_370, %dma_start3A_371] : memref<10000x128xf32, #tpu.memory_space<vmem_shared>> -> memref<10000x128xf32, #tpu.memory_space<vmem_shared>>
          tpu.enqueue_indirect_dma source(%arg11 : memref<128x128xf32, #tpu.memory_space<vmem>>) target(%dma_start3A_372 : memref<10000x128xf32, #tpu.memory_space<vmem_shared>>) offsets(%dma_start3A_369 : memref<128xi32, #tpu.memory_space<vmem>>) semaphore(%run_scoped3A_366 : memref<!tpu.dma_semaphore, #tpu.memory_space<semaphore_mem>>) {add = true}
          %dma_wait3A_373 = arith.constant 0 : i32
          %dma_wait3A_374 = tpu.memref_slice %arg7[%run_scoped3A_365, %dma_wait3A_373] : memref<2x128xi32, #tpu.memory_space<vmem>> -> memref<1x128xi32, #tpu.memory_space<vmem>>
          %dma_wait3A_375 = tpu.memref_squeeze %dma_wait3A_374 : memref<1x128xi32, #tpu.memory_space<vmem>> -> memref<128xi32, #tpu.memory_space<vmem>>
          %dma_wait3A_376 = arith.constant 0 : i32
          %dma_wait3A_377 = arith.constant 0 : i32
          %dma_wait3A_378 = tpu.memref_slice %arg6[%dma_wait3A_376, %dma_wait3A_377] : memref<10000x128xf32, #tpu.memory_space<vmem_shared>> -> memref<10000x128xf32, #tpu.memory_space<vmem_shared>>
          tpu.wait_indirect_dma semaphore(%run_scoped3A_366 : memref<!tpu.dma_semaphore, #tpu.memory_space<semaphore_mem>>) src(%arg11 : memref<128x128xf32, #tpu.memory_space<vmem>>) dst(%dma_wait3A_378 : memref<10000x128xf32, #tpu.memory_space<vmem_shared>>)
          tpu.yield
        }) : () -> ()
      } else {
      }
    } else {
    }
    %barrier3A = arith.constant 0 : index
    tpu.barrier barrier_id(%barrier3A)
    %eq3A_10 = arith.constant 0 : i32
    %eq3A_11 = arith.cmpi eq, %arg0, %eq3A_10 : i32
    %convert_element_type3A_12 = arith.extui %eq3A_11 : i1 to i32
    %cond3A_13 = arith.constant 0 : i32
    %cond3A_14 = arith.cmpi ne, %convert_element_type3A_12, %cond3A_13 : i32
    scf.if %cond3A_14 {
      %lt3A = arith.constant 15 : i32
      %lt3A_20 = arith.cmpi slt, %arg1, %lt3A : i32
      %convert_element_type3A_21 = arith.extui %lt3A_20 : i1 to i32
      %cond3A_22 = arith.constant 0 : i32
      %cond3A_23 = arith.cmpi ne, %convert_element_type3A_21, %cond3A_22 : i32
      scf.if %cond3A_23 {
        "tpu.region"() ({
          %run_scoped3A = tpu.sem_alloc : memref<!tpu.dma_semaphore, #tpu.memory_space<semaphore_mem>>
          %dma_start3A = arith.constant 0 : i32
          %dma_start3A_29 = tpu.memref_slice %arg4[%mul3A_0, %dma_start3A] : memref<10000x128xf32, #tpu.memory_space<hbm>> -> memref<640x128xf32, #tpu.memory_space<hbm>>
          %dma_start3A_30 = arith.constant 0 : i32
          %dma_start3A_31 = tpu.memref_slice %arg6[%mul3A_0, %dma_start3A_30] : memref<10000x128xf32, #tpu.memory_space<vmem_shared>> -> memref<640x128xf32, #tpu.memory_space<vmem_shared>>
          tpu.enqueue_dma source(%dma_start3A_31 : memref<640x128xf32, #tpu.memory_space<vmem_shared>>) target(%dma_start3A_29 : memref<640x128xf32, #tpu.memory_space<hbm>>) target_semaphore(%run_scoped3A : memref<!tpu.dma_semaphore, #tpu.memory_space<semaphore_mem>>)
          %dma_wait3A = arith.constant 0 : i32
          %dma_wait3A_32 = tpu.memref_slice %arg4[%mul3A_0, %dma_wait3A] : memref<10000x128xf32, #tpu.memory_space<hbm>> -> memref<640x128xf32, #tpu.memory_space<hbm>>
          %dma_wait3A_33 = arith.constant 0 : i32
          %dma_wait3A_34 = tpu.memref_slice %arg6[%mul3A_0, %dma_wait3A_33] : memref<10000x128xf32, #tpu.memory_space<vmem_shared>> -> memref<640x128xf32, #tpu.memory_space<vmem_shared>>
          tpu.wait_dma2 semaphore(%run_scoped3A : memref<!tpu.dma_semaphore, #tpu.memory_space<semaphore_mem>>) src(%dma_wait3A_34 : memref<640x128xf32, #tpu.memory_space<vmem_shared>>) dst(%dma_wait3A_32 : memref<640x128xf32, #tpu.memory_space<hbm>>)
          tpu.yield
        }) : () -> ()
      } else {
      }
      %eq3A_24 = arith.constant 15 : i32
      %eq3A_25 = arith.cmpi eq, %arg1, %eq3A_24 : i32
      %convert_element_type3A_26 = arith.extui %eq3A_25 : i1 to i32
      %cond3A_27 = arith.constant 0 : i32
      %cond3A_28 = arith.cmpi ne, %convert_element_type3A_26, %cond3A_27 : i32
      scf.if %cond3A_28 {
        "tpu.region"() ({
          %run_scoped3A = tpu.sem_alloc : memref<!tpu.dma_semaphore, #tpu.memory_space<semaphore_mem>>
          %dma_start3A = arith.constant 9600 : i32
          %dma_start3A_29 = arith.constant 0 : i32
          %dma_start3A_30 = tpu.memref_slice %arg4[%dma_start3A, %dma_start3A_29] : memref<10000x128xf32, #tpu.memory_space<hbm>> -> memref<400x128xf32, #tpu.memory_space<hbm>>
          %dma_start3A_31 = arith.constant 9600 : i32
          %dma_start3A_32 = arith.constant 0 : i32
          %dma_start3A_33 = tpu.memref_slice %arg6[%dma_start3A_31, %dma_start3A_32] : memref<10000x128xf32, #tpu.memory_space<vmem_shared>> -> memref<400x128xf32, #tpu.memory_space<vmem_shared>>
          tpu.enqueue_dma source(%dma_start3A_33 : memref<400x128xf32, #tpu.memory_space<vmem_shared>>) target(%dma_start3A_30 : memref<400x128xf32, #tpu.memory_space<hbm>>) target_semaphore(%run_scoped3A : memref<!tpu.dma_semaphore, #tpu.memory_space<semaphore_mem>>)
          %dma_wait3A = arith.constant 9600 : i32
          %dma_wait3A_34 = arith.constant 0 : i32
          %dma_wait3A_35 = tpu.memref_slice %arg4[%dma_wait3A, %dma_wait3A_34] : memref<10000x128xf32, #tpu.memory_space<hbm>> -> memref<400x128xf32, #tpu.memory_space<hbm>>
          %dma_wait3A_36 = arith.constant 9600 : i32
          %dma_wait3A_37 = arith.constant 0 : i32
          %dma_wait3A_38 = tpu.memref_slice %arg6[%dma_wait3A_36, %dma_wait3A_37] : memref<10000x128xf32, #tpu.memory_space<vmem_shared>> -> memref<400x128xf32, #tpu.memory_space<vmem_shared>>
          tpu.wait_dma2 semaphore(%run_scoped3A : memref<!tpu.dma_semaphore, #tpu.memory_space<semaphore_mem>>) src(%dma_wait3A_38 : memref<400x128xf32, #tpu.memory_space<vmem_shared>>) dst(%dma_wait3A_35 : memref<400x128xf32, #tpu.memory_space<hbm>>)
          tpu.yield
        }) : () -> ()
      } else {
      }
    } else {
    }
    %eq3A_15 = arith.constant 1 : i32
    %eq3A_16 = arith.cmpi eq, %arg0, %eq3A_15 : i32
    %convert_element_type3A_17 = arith.extui %eq3A_16 : i1 to i32
    %cond3A_18 = arith.constant 0 : i32
    %cond3A_19 = arith.cmpi ne, %convert_element_type3A_17, %cond3A_18 : i32
    scf.if %cond3A_19 {
      %lt3A = arith.constant 15 : i32
      %lt3A_20 = arith.cmpi slt, %arg1, %lt3A : i32
      %convert_element_type3A_21 = arith.extui %lt3A_20 : i1 to i32
      %cond3A_22 = arith.constant 0 : i32
      %cond3A_23 = arith.cmpi ne, %convert_element_type3A_21, %cond3A_22 : i32
      scf.if %cond3A_23 {
        "tpu.region"() ({
          %run_scoped3A = tpu.sem_alloc : memref<!tpu.dma_semaphore, #tpu.memory_space<semaphore_mem>>
          %dma_start3A = arith.constant 0 : i32
          %dma_start3A_29 = tpu.memref_slice %arg5[%mul3A_0, %dma_start3A] : memref<10000x128xf32, #tpu.memory_space<hbm>> -> memref<640x128xf32, #tpu.memory_space<hbm>>
          %dma_start3A_30 = arith.constant 0 : i32
          %dma_start3A_31 = tpu.memref_slice %arg6[%mul3A_0, %dma_start3A_30] : memref<10000x128xf32, #tpu.memory_space<vmem_shared>> -> memref<640x128xf32, #tpu.memory_space<vmem_shared>>
          tpu.enqueue_dma source(%dma_start3A_31 : memref<640x128xf32, #tpu.memory_space<vmem_shared>>) target(%dma_start3A_29 : memref<640x128xf32, #tpu.memory_space<hbm>>) target_semaphore(%run_scoped3A : memref<!tpu.dma_semaphore, #tpu.memory_space<semaphore_mem>>)
          %dma_wait3A = arith.constant 0 : i32
          %dma_wait3A_32 = tpu.memref_slice %arg5[%mul3A_0, %dma_wait3A] : memref<10000x128xf32, #tpu.memory_space<hbm>> -> memref<640x128xf32, #tpu.memory_space<hbm>>
          %dma_wait3A_33 = arith.constant 0 : i32
          %dma_wait3A_34 = tpu.memref_slice %arg6[%mul3A_0, %dma_wait3A_33] : memref<10000x128xf32, #tpu.memory_space<vmem_shared>> -> memref<640x128xf32, #tpu.memory_space<vmem_shared>>
          tpu.wait_dma2 semaphore(%run_scoped3A : memref<!tpu.dma_semaphore, #tpu.memory_space<semaphore_mem>>) src(%dma_wait3A_34 : memref<640x128xf32, #tpu.memory_space<vmem_shared>>) dst(%dma_wait3A_32 : memref<640x128xf32, #tpu.memory_space<hbm>>)
          tpu.yield
        }) : () -> ()
      } else {
      }
      %eq3A_24 = arith.constant 15 : i32
      %eq3A_25 = arith.cmpi eq, %arg1, %eq3A_24 : i32
      %convert_element_type3A_26 = arith.extui %eq3A_25 : i1 to i32
      %cond3A_27 = arith.constant 0 : i32
      %cond3A_28 = arith.cmpi ne, %convert_element_type3A_26, %cond3A_27 : i32
      scf.if %cond3A_28 {
        "tpu.region"() ({
          %run_scoped3A = tpu.sem_alloc : memref<!tpu.dma_semaphore, #tpu.memory_space<semaphore_mem>>
          %dma_start3A = arith.constant 9600 : i32
          %dma_start3A_29 = arith.constant 0 : i32
          %dma_start3A_30 = tpu.memref_slice %arg5[%dma_start3A, %dma_start3A_29] : memref<10000x128xf32, #tpu.memory_space<hbm>> -> memref<400x128xf32, #tpu.memory_space<hbm>>
          %dma_start3A_31 = arith.constant 9600 : i32
          %dma_start3A_32 = arith.constant 0 : i32
          %dma_start3A_33 = tpu.memref_slice %arg6[%dma_start3A_31, %dma_start3A_32] : memref<10000x128xf32, #tpu.memory_space<vmem_shared>> -> memref<400x128xf32, #tpu.memory_space<vmem_shared>>
          tpu.enqueue_dma source(%dma_start3A_33 : memref<400x128xf32, #tpu.memory_space<vmem_shared>>) target(%dma_start3A_30 : memref<400x128xf32, #tpu.memory_space<hbm>>) target_semaphore(%run_scoped3A : memref<!tpu.dma_semaphore, #tpu.memory_space<semaphore_mem>>)
          %dma_wait3A = arith.constant 9600 : i32
          %dma_wait3A_34 = arith.constant 0 : i32
          %dma_wait3A_35 = tpu.memref_slice %arg5[%dma_wait3A, %dma_wait3A_34] : memref<10000x128xf32, #tpu.memory_space<hbm>> -> memref<400x128xf32, #tpu.memory_space<hbm>>
          %dma_wait3A_36 = arith.constant 9600 : i32
          %dma_wait3A_37 = arith.constant 0 : i32
          %dma_wait3A_38 = tpu.memref_slice %arg6[%dma_wait3A_36, %dma_wait3A_37] : memref<10000x128xf32, #tpu.memory_space<vmem_shared>> -> memref<400x128xf32, #tpu.memory_space<vmem_shared>>
          tpu.wait_dma2 semaphore(%run_scoped3A : memref<!tpu.dma_semaphore, #tpu.memory_space<semaphore_mem>>) src(%dma_wait3A_38 : memref<400x128xf32, #tpu.memory_space<vmem_shared>>) dst(%dma_wait3A_35 : memref<400x128xf32, #tpu.memory_space<hbm>>)
          tpu.yield
        }) : () -> ()
      } else {
      }
    } else {
    }
    return
  }
}

module attributes {stable_mosaic.version = 14 : i64} {
  func.func @_dense_body(%arg0: i32, %arg1: memref<2000x128xf32, #tpu.memory_space<vmem>>, %arg2: memref<2000x128xf32, #tpu.memory_space<vmem>>, %arg3: memref<128x128xf32, #tpu.memory_space<vmem>>, %arg4: memref<1x128xf32, #tpu.memory_space<vmem>>, %arg5: memref<1x128xf32, #tpu.memory_space<vmem>>, %arg6: memref<1x128xf32, #tpu.memory_space<vmem>>, %arg7: memref<128x128xf32, #tpu.memory_space<vmem>>, %arg8: memref<1x128xf32, #tpu.memory_space<vmem>>, %arg9: memref<1x128xf32, #tpu.memory_space<vmem>>, %arg10: memref<1x128xf32, #tpu.memory_space<vmem>>, %arg11: memref<256x128xf32, #tpu.memory_space<vmem>>, %arg12: memref<256x128xf32, #tpu.memory_space<vmem>>, %arg13: memref<1x256xf32, #tpu.memory_space<vmem>>, %arg14: memref<128x256xf32, #tpu.memory_space<vmem>>, %arg15: memref<1x128xf32, #tpu.memory_space<vmem>>, %arg16: memref<2000x128xf32, #tpu.memory_space<vmem>>) attributes {dimension_semantics = [#tpu.dimension_semantics<arbitrary>], iteration_bounds = array<i64: 5>, scalar_prefetch = 0 : i64, scratch_operands = 0 : i64, tpu.core_type = #tpu.core_type<tc>, window_params = [{transform_indices = @transform_0, window_bounds = array<i64: 2000, 128>}, {transform_indices = @transform_1, window_bounds = array<i64: 2000, 128>}, {pipeline_mode = #tpu.pipeline_mode<synchronous>, transform_indices = @transform_2, window_bounds = array<i64: 128, 128>}, {pipeline_mode = #tpu.pipeline_mode<synchronous>, transform_indices = @transform_3, window_bounds = array<i64: 1, 128>}, {pipeline_mode = #tpu.pipeline_mode<synchronous>, transform_indices = @transform_4, window_bounds = array<i64: 1, 128>}, {pipeline_mode = #tpu.pipeline_mode<synchronous>, transform_indices = @transform_5, window_bounds = array<i64: 1, 128>}, {pipeline_mode = #tpu.pipeline_mode<synchronous>, transform_indices = @transform_6, window_bounds = array<i64: 128, 128>}, {pipeline_mode = #tpu.pipeline_mode<synchronous>, transform_indices = @transform_7, window_bounds = array<i64: 1, 128>}, {pipeline_mode = #tpu.pipeline_mode<synchronous>, transform_indices = @transform_8, window_bounds = array<i64: 1, 128>}, {pipeline_mode = #tpu.pipeline_mode<synchronous>, transform_indices = @transform_9, window_bounds = array<i64: 1, 128>}, {pipeline_mode = #tpu.pipeline_mode<synchronous>, transform_indices = @transform_10, window_bounds = array<i64: 256, 128>}, {pipeline_mode = #tpu.pipeline_mode<synchronous>, transform_indices = @transform_11, window_bounds = array<i64: 256, 128>}, {pipeline_mode = #tpu.pipeline_mode<synchronous>, transform_indices = @transform_12, window_bounds = array<i64: 1, 256>}, {pipeline_mode = #tpu.pipeline_mode<synchronous>, transform_indices = @transform_13, window_bounds = array<i64: 128, 256>}, {pipeline_mode = #tpu.pipeline_mode<synchronous>, transform_indices = @transform_14, window_bounds = array<i64: 1, 128>}, {transform_indices = @transform_15, window_bounds = array<i64: 2000, 128>}]} {
    %get3A = arith.constant 0 : index
    %get3A_0 = arith.constant 0 : index
    %get3A_1 = vector.load %arg1[%get3A, %get3A_0] : memref<2000x128xf32, #tpu.memory_space<vmem>>, vector<2000x128xf32>
    %get3A_2 = arith.constant 0 : index
    %get3A_3 = arith.constant 0 : index
    %get3A_4 = vector.load %arg3[%get3A_2, %get3A_3] : memref<128x128xf32, #tpu.memory_space<vmem>>, vector<128x128xf32>
    %get3A_5 = arith.constant 0 : index
    %get3A_6 = arith.constant 0 : index
    %get3A_7 = vector.load %arg4[%get3A_5, %get3A_6] : memref<1x128xf32, #tpu.memory_space<vmem>>, vector<1x128xf32>
    %get3A_8 = arith.constant 0 : index
    %get3A_9 = arith.constant 0 : index
    %get3A_10 = vector.load %arg5[%get3A_8, %get3A_9] : memref<1x128xf32, #tpu.memory_space<vmem>>, vector<1x128xf32>
    %get3A_11 = arith.constant 0 : index
    %get3A_12 = arith.constant 0 : index
    %get3A_13 = vector.load %arg6[%get3A_11, %get3A_12] : memref<1x128xf32, #tpu.memory_space<vmem>>, vector<1x128xf32>
    %dot_general3A = arith.constant dense<0.000000e+00> : vector<2000x128xf32>
    %dot_general3A_14 = tpu.matmul %get3A_1, %get3A_4, %dot_general3A {dimension_numbers = #tpu.dot_dimension_numbers<[1], [1], [0], [0], [0, 0, 1, 0], [], []>, transpose_lhs_hint = false} : vector<2000x128xf32>, vector<128x128xf32>, vector<2000x128xf32> -> vector<2000x128xf32>
    %add3A = vector.broadcast %get3A_7 : vector<1x128xf32> to vector<2000x128xf32>
    %add3A_15 = arith.addf %dot_general3A_14, %add3A : vector<2000x128xf32>
    %reduce_sum3A = arith.constant dense<0.000000e+00> : vector<2000xf32>
    %reduce_sum3A_16 = vector.multi_reduction <add>, %add3A_15, %reduce_sum3A [1] : vector<2000x128xf32> to vector<2000xf32>
    %broadcast_in_dim3A = vector.shape_cast %reduce_sum3A_16 : vector<2000xf32> to vector<2000x1xf32>
    %div3A = arith.constant 1.280000e+02 : f32
    %div3A_17 = vector.broadcast %div3A : f32 to vector<2000x1xf32>
    %div3A_18 = arith.divf %broadcast_in_dim3A, %div3A_17 : vector<2000x1xf32>
    %sub3A = vector.broadcast %div3A_18 : vector<2000x1xf32> to vector<2000x128xf32>
    %sub3A_19 = arith.subf %add3A_15, %sub3A : vector<2000x128xf32>
    %sub3A_20 = vector.broadcast %div3A_18 : vector<2000x1xf32> to vector<2000x128xf32>
    %sub3A_21 = arith.subf %add3A_15, %sub3A_20 : vector<2000x128xf32>
    %mul3A = arith.mulf %sub3A_19, %sub3A_21 : vector<2000x128xf32>
    %reduce_sum3A_22 = arith.constant dense<0.000000e+00> : vector<2000xf32>
    %reduce_sum3A_23 = vector.multi_reduction <add>, %mul3A, %reduce_sum3A_22 [1] : vector<2000x128xf32> to vector<2000xf32>
    %broadcast_in_dim3A_24 = vector.shape_cast %reduce_sum3A_23 : vector<2000xf32> to vector<2000x1xf32>
    %div3A_25 = arith.constant 1.280000e+02 : f32
    %div3A_26 = vector.broadcast %div3A_25 : f32 to vector<2000x1xf32>
    %div3A_27 = arith.divf %broadcast_in_dim3A_24, %div3A_26 : vector<2000x1xf32>
    %sub3A_28 = vector.broadcast %div3A_18 : vector<2000x1xf32> to vector<2000x128xf32>
    %sub3A_29 = arith.subf %add3A_15, %sub3A_28 : vector<2000x128xf32>
    %add3A_30 = arith.constant 9.99999974E-6 : f32
    %add3A_31 = vector.broadcast %add3A_30 : f32 to vector<2000x1xf32>
    %add3A_32 = arith.addf %div3A_27, %add3A_31 : vector<2000x1xf32>
    %rsqrt3A = math.rsqrt %add3A_32 : vector<2000x1xf32>
    %mul3A_33 = vector.broadcast %rsqrt3A : vector<2000x1xf32> to vector<2000x128xf32>
    %mul3A_34 = arith.mulf %sub3A_29, %mul3A_33 : vector<2000x128xf32>
    %mul3A_35 = vector.broadcast %get3A_10 : vector<1x128xf32> to vector<2000x128xf32>
    %mul3A_36 = arith.mulf %mul3A_34, %mul3A_35 : vector<2000x128xf32>
    %add3A_37 = vector.broadcast %get3A_13 : vector<1x128xf32> to vector<2000x128xf32>
    %add3A_38 = arith.addf %mul3A_36, %add3A_37 : vector<2000x128xf32>
    %max3A = arith.constant 0.000000e+00 : f32
    %max3A_39 = vector.broadcast %max3A : f32 to vector<2000x128xf32>
    %max3A_40 = arith.maximumf %add3A_38, %max3A_39 : vector<2000x128xf32>
    %add3A_41 = arith.addf %get3A_1, %max3A_40 : vector<2000x128xf32>
    %get3A_42 = arith.constant 0 : index
    %get3A_43 = arith.constant 0 : index
    %get3A_44 = vector.load %arg2[%get3A_42, %get3A_43] : memref<2000x128xf32, #tpu.memory_space<vmem>>, vector<2000x128xf32>
    %get3A_45 = arith.constant 0 : index
    %get3A_46 = arith.constant 0 : index
    %get3A_47 = vector.load %arg7[%get3A_45, %get3A_46] : memref<128x128xf32, #tpu.memory_space<vmem>>, vector<128x128xf32>
    %get3A_48 = arith.constant 0 : index
    %get3A_49 = arith.constant 0 : index
    %get3A_50 = vector.load %arg8[%get3A_48, %get3A_49] : memref<1x128xf32, #tpu.memory_space<vmem>>, vector<1x128xf32>
    %get3A_51 = arith.constant 0 : index
    %get3A_52 = arith.constant 0 : index
    %get3A_53 = vector.load %arg9[%get3A_51, %get3A_52] : memref<1x128xf32, #tpu.memory_space<vmem>>, vector<1x128xf32>
    %get3A_54 = arith.constant 0 : index
    %get3A_55 = arith.constant 0 : index
    %get3A_56 = vector.load %arg10[%get3A_54, %get3A_55] : memref<1x128xf32, #tpu.memory_space<vmem>>, vector<1x128xf32>
    %dot_general3A_57 = arith.constant dense<0.000000e+00> : vector<2000x128xf32>
    %dot_general3A_58 = tpu.matmul %get3A_44, %get3A_47, %dot_general3A_57 {dimension_numbers = #tpu.dot_dimension_numbers<[1], [1], [0], [0], [0, 0, 1, 0], [], []>, transpose_lhs_hint = false} : vector<2000x128xf32>, vector<128x128xf32>, vector<2000x128xf32> -> vector<2000x128xf32>
    %add3A_59 = vector.broadcast %get3A_50 : vector<1x128xf32> to vector<2000x128xf32>
    %add3A_60 = arith.addf %dot_general3A_58, %add3A_59 : vector<2000x128xf32>
    %reduce_sum3A_61 = arith.constant dense<0.000000e+00> : vector<2000xf32>
    %reduce_sum3A_62 = vector.multi_reduction <add>, %add3A_60, %reduce_sum3A_61 [1] : vector<2000x128xf32> to vector<2000xf32>
    %broadcast_in_dim3A_63 = vector.shape_cast %reduce_sum3A_62 : vector<2000xf32> to vector<2000x1xf32>
    %div3A_64 = arith.constant 1.280000e+02 : f32
    %div3A_65 = vector.broadcast %div3A_64 : f32 to vector<2000x1xf32>
    %div3A_66 = arith.divf %broadcast_in_dim3A_63, %div3A_65 : vector<2000x1xf32>
    %sub3A_67 = vector.broadcast %div3A_66 : vector<2000x1xf32> to vector<2000x128xf32>
    %sub3A_68 = arith.subf %add3A_60, %sub3A_67 : vector<2000x128xf32>
    %sub3A_69 = vector.broadcast %div3A_66 : vector<2000x1xf32> to vector<2000x128xf32>
    %sub3A_70 = arith.subf %add3A_60, %sub3A_69 : vector<2000x128xf32>
    %mul3A_71 = arith.mulf %sub3A_68, %sub3A_70 : vector<2000x128xf32>
    %reduce_sum3A_72 = arith.constant dense<0.000000e+00> : vector<2000xf32>
    %reduce_sum3A_73 = vector.multi_reduction <add>, %mul3A_71, %reduce_sum3A_72 [1] : vector<2000x128xf32> to vector<2000xf32>
    %broadcast_in_dim3A_74 = vector.shape_cast %reduce_sum3A_73 : vector<2000xf32> to vector<2000x1xf32>
    %div3A_75 = arith.constant 1.280000e+02 : f32
    %div3A_76 = vector.broadcast %div3A_75 : f32 to vector<2000x1xf32>
    %div3A_77 = arith.divf %broadcast_in_dim3A_74, %div3A_76 : vector<2000x1xf32>
    %sub3A_78 = vector.broadcast %div3A_66 : vector<2000x1xf32> to vector<2000x128xf32>
    %sub3A_79 = arith.subf %add3A_60, %sub3A_78 : vector<2000x128xf32>
    %add3A_80 = arith.constant 9.99999974E-6 : f32
    %add3A_81 = vector.broadcast %add3A_80 : f32 to vector<2000x1xf32>
    %add3A_82 = arith.addf %div3A_77, %add3A_81 : vector<2000x1xf32>
    %rsqrt3A_83 = math.rsqrt %add3A_82 : vector<2000x1xf32>
    %mul3A_84 = vector.broadcast %rsqrt3A_83 : vector<2000x1xf32> to vector<2000x128xf32>
    %mul3A_85 = arith.mulf %sub3A_79, %mul3A_84 : vector<2000x128xf32>
    %mul3A_86 = vector.broadcast %get3A_53 : vector<1x128xf32> to vector<2000x128xf32>
    %mul3A_87 = arith.mulf %mul3A_85, %mul3A_86 : vector<2000x128xf32>
    %add3A_88 = vector.broadcast %get3A_56 : vector<1x128xf32> to vector<2000x128xf32>
    %add3A_89 = arith.addf %mul3A_87, %add3A_88 : vector<2000x128xf32>
    %max3A_90 = arith.constant 0.000000e+00 : f32
    %max3A_91 = vector.broadcast %max3A_90 : f32 to vector<2000x128xf32>
    %max3A_92 = arith.maximumf %add3A_89, %max3A_91 : vector<2000x128xf32>
    %add3A_93 = arith.addf %get3A_44, %max3A_92 : vector<2000x128xf32>
    %get3A_94 = arith.constant 0 : index
    %get3A_95 = arith.constant 0 : index
    %get3A_96 = vector.load %arg11[%get3A_94, %get3A_95] : memref<256x128xf32, #tpu.memory_space<vmem>>, vector<256x128xf32>
    %dot_general3A_97 = arith.constant dense<0.000000e+00> : vector<2000x256xf32>
    %dot_general3A_98 = tpu.matmul %add3A_41, %get3A_96, %dot_general3A_97 {dimension_numbers = #tpu.dot_dimension_numbers<[1], [1], [0], [0], [0, 0, 1, 0], [], []>, transpose_lhs_hint = false} : vector<2000x128xf32>, vector<256x128xf32>, vector<2000x256xf32> -> vector<2000x256xf32>
    %get3A_99 = arith.constant 0 : index
    %get3A_100 = arith.constant 0 : index
    %get3A_101 = vector.load %arg12[%get3A_99, %get3A_100] : memref<256x128xf32, #tpu.memory_space<vmem>>, vector<256x128xf32>
    %dot_general3A_102 = arith.constant dense<0.000000e+00> : vector<2000x256xf32>
    %dot_general3A_103 = tpu.matmul %add3A_93, %get3A_101, %dot_general3A_102 {dimension_numbers = #tpu.dot_dimension_numbers<[1], [1], [0], [0], [0, 0, 1, 0], [], []>, transpose_lhs_hint = false} : vector<2000x128xf32>, vector<256x128xf32>, vector<2000x256xf32> -> vector<2000x256xf32>
    %add3A_104 = arith.addf %dot_general3A_98, %dot_general3A_103 : vector<2000x256xf32>
    %get3A_105 = arith.constant 0 : index
    %get3A_106 = arith.constant 0 : index
    %get3A_107 = vector.load %arg13[%get3A_105, %get3A_106] : memref<1x256xf32, #tpu.memory_space<vmem>>, vector<1x256xf32>
    %add3A_108 = vector.broadcast %get3A_107 : vector<1x256xf32> to vector<2000x256xf32>
    %add3A_109 = arith.addf %add3A_104, %add3A_108 : vector<2000x256xf32>
    %max3A_110 = arith.constant 0.000000e+00 : f32
    %max3A_111 = vector.broadcast %max3A_110 : f32 to vector<2000x256xf32>
    %max3A_112 = arith.maximumf %add3A_109, %max3A_111 : vector<2000x256xf32>
    %get3A_113 = arith.constant 0 : index
    %get3A_114 = arith.constant 0 : index
    %get3A_115 = vector.load %arg14[%get3A_113, %get3A_114] : memref<128x256xf32, #tpu.memory_space<vmem>>, vector<128x256xf32>
    %dot_general3A_116 = arith.constant dense<0.000000e+00> : vector<2000x128xf32>
    %dot_general3A_117 = tpu.matmul %max3A_112, %get3A_115, %dot_general3A_116 {dimension_numbers = #tpu.dot_dimension_numbers<[1], [1], [0], [0], [0, 0, 1, 0], [], []>, transpose_lhs_hint = false} : vector<2000x256xf32>, vector<128x256xf32>, vector<2000x128xf32> -> vector<2000x128xf32>
    %get3A_118 = arith.constant 0 : index
    %get3A_119 = arith.constant 0 : index
    %get3A_120 = vector.load %arg15[%get3A_118, %get3A_119] : memref<1x128xf32, #tpu.memory_space<vmem>>, vector<1x128xf32>
    %add3A_121 = vector.broadcast %get3A_120 : vector<1x128xf32> to vector<2000x128xf32>
    %add3A_122 = arith.addf %dot_general3A_117, %add3A_121 : vector<2000x128xf32>
    %max3A_123 = arith.constant 0.000000e+00 : f32
    %max3A_124 = vector.broadcast %max3A_123 : f32 to vector<2000x128xf32>
    %max3A_125 = arith.maximumf %add3A_122, %max3A_124 : vector<2000x128xf32>
    %swap3A = arith.constant 0 : index
    %swap3A_126 = arith.constant 0 : index
    %swap3A_127 = vector.load %arg16[%swap3A, %swap3A_126] : memref<2000x128xf32, #tpu.memory_space<vmem>>, vector<2000x128xf32>
    tpu.vector_store %arg16[%swap3A, %swap3A_126], %max3A_125 {strides = array<i32>} : memref<2000x128xf32, #tpu.memory_space<vmem>>, vector<2000x128xf32>,
    return
  }
  func.func @transform_0(%arg0: i32) -> (i32, i32) {
    %c0_i32 = arith.constant 0 : i32
    %c0_i32_0 = arith.constant 0 : i32
    return %arg0, %c0_i32 : i32, i32
  }
  func.func @transform_1(%arg0: i32) -> (i32, i32) {
    %c0_i32 = arith.constant 0 : i32
    %c0_i32_0 = arith.constant 0 : i32
    return %arg0, %c0_i32 : i32, i32
  }
  func.func @transform_2(%arg0: i32) -> (i32, i32) {
    %c0_i32 = arith.constant 0 : i32
    %c0_i32_0 = arith.constant 0 : i32
    %c0_i32_1 = arith.constant 0 : i32
    return %c0_i32, %c0_i32_0 : i32, i32
  }
  func.func @transform_3(%arg0: i32) -> (i32, i32) {
    %c0_i32 = arith.constant 0 : i32
    %c0_i32_0 = arith.constant 0 : i32
    %c0_i32_1 = arith.constant 0 : i32
    return %c0_i32, %c0_i32_0 : i32, i32
  }
  func.func @transform_4(%arg0: i32) -> (i32, i32) {
    %c0_i32 = arith.constant 0 : i32
    %c0_i32_0 = arith.constant 0 : i32
    %c0_i32_1 = arith.constant 0 : i32
    return %c0_i32, %c0_i32_0 : i32, i32
  }
  func.func @transform_5(%arg0: i32) -> (i32, i32) {
    %c0_i32 = arith.constant 0 : i32
    %c0_i32_0 = arith.constant 0 : i32
    %c0_i32_1 = arith.constant 0 : i32
    return %c0_i32, %c0_i32_0 : i32, i32
  }
  func.func @transform_6(%arg0: i32) -> (i32, i32) {
    %c0_i32 = arith.constant 0 : i32
    %c0_i32_0 = arith.constant 0 : i32
    %c0_i32_1 = arith.constant 0 : i32
    return %c0_i32, %c0_i32_0 : i32, i32
  }
  func.func @transform_7(%arg0: i32) -> (i32, i32) {
    %c0_i32 = arith.constant 0 : i32
    %c0_i32_0 = arith.constant 0 : i32
    %c0_i32_1 = arith.constant 0 : i32
    return %c0_i32, %c0_i32_0 : i32, i32
  }
  func.func @transform_8(%arg0: i32) -> (i32, i32) {
    %c0_i32 = arith.constant 0 : i32
    %c0_i32_0 = arith.constant 0 : i32
    %c0_i32_1 = arith.constant 0 : i32
    return %c0_i32, %c0_i32_0 : i32, i32
  }
  func.func @transform_9(%arg0: i32) -> (i32, i32) {
    %c0_i32 = arith.constant 0 : i32
    %c0_i32_0 = arith.constant 0 : i32
    %c0_i32_1 = arith.constant 0 : i32
    return %c0_i32, %c0_i32_0 : i32, i32
  }
  func.func @transform_10(%arg0: i32) -> (i32, i32) {
    %c0_i32 = arith.constant 0 : i32
    %c0_i32_0 = arith.constant 0 : i32
    %c0_i32_1 = arith.constant 0 : i32
    return %c0_i32, %c0_i32_0 : i32, i32
  }
  func.func @transform_11(%arg0: i32) -> (i32, i32) {
    %c0_i32 = arith.constant 0 : i32
    %c0_i32_0 = arith.constant 0 : i32
    %c0_i32_1 = arith.constant 0 : i32
    return %c0_i32, %c0_i32_0 : i32, i32
  }
  func.func @transform_12(%arg0: i32) -> (i32, i32) {
    %c0_i32 = arith.constant 0 : i32
    %c0_i32_0 = arith.constant 0 : i32
    %c0_i32_1 = arith.constant 0 : i32
    return %c0_i32, %c0_i32_0 : i32, i32
  }
  func.func @transform_13(%arg0: i32) -> (i32, i32) {
    %c0_i32 = arith.constant 0 : i32
    %c0_i32_0 = arith.constant 0 : i32
    %c0_i32_1 = arith.constant 0 : i32
    return %c0_i32, %c0_i32_0 : i32, i32
  }
  func.func @transform_14(%arg0: i32) -> (i32, i32) {
    %c0_i32 = arith.constant 0 : i32
    %c0_i32_0 = arith.constant 0 : i32
    %c0_i32_1 = arith.constant 0 : i32
    return %c0_i32, %c0_i32_0 : i32, i32
  }
  func.func @transform_15(%arg0: i32) -> (i32, i32) {
    %c0_i32 = arith.constant 0 : i32
    %c0_i32_0 = arith.constant 0 : i32
    return %arg0, %c0_i32 : i32, i32
  }
}

</mosaic_0001>

<sc_bundles>
// kernel: _impl.4.cloned.1.call-start
scs
__scs_entry_jumppad:
0x0: {  	(pc) =	sbr.rel $0x88, $3  }
0x1: {  	(tag) =	ssettag $0x0;
	lr =	simm.s32 $0x1  }
0x2: {  	[smem:$0x3F93] =	sst lr;
	_ =	strace $0xD0000000  }
0x3: {  	_ = 	snop  }
0x4: {  	_ = 	snop  }
0x5: {  	_ = 	snop  }
0x6: {  	_ = 	snop  }
0x7: {  	_ = 	snop  }
__scs_overlays_trampoline_lowered:
0x8: {  	[smem:$0x3FA2] =	sst s0  }
0x9: {  	[smem:$0x3FA3] =	sst s1  }
0xa: {  	[smem:$0x3FA4] =	sst s2  }
0xb: {  	[smem:$0x3FA5] =	sst s3  }
0xc: {  	[smem:$0x3FA6] =	sst s4  }
0xd: {  	[smem:$0x3FA7] =	sst s5  }
0xe: {  	[smem:$0x3FA8] =	sst s6  }
0xf: {  	[smem:$0x3FA9] =	sst s7  }
0x10: {  	[smem:$0x3FAA] =	sst s8  }
0x11: {  	[smem:$0x3FAB] =	sst s9;
	s0 =	simm.s32 @!p0 $0x0  }
0x12: {  	s1 =	sld [smem:$0x3F91];
	s0 =	simm.s32 @p0 $0x1  }
0x13: {  	[smem:$0x3FAC] =	sst s0;
	s0 =	simm.s32 @!p1 $0x0  }
0x14: {  	s2 =	sld [smem:$0x3F90];
	s0 =	simm.s32 @p1 $0x1  }
0x15: {  	[smem:$0x3FAD] =	sst s0;
	s0 =	simm.s32 @!p2 $0x0  }
0x16: {  	s3 =	sld [smem:$0x3FDB];
	s0 =	simm.s32 @p2 $0x1  }
0x17: {  	s4 =	simm.s32 $0x1BF5;
	[smem:$0x3FAF] =	sst s0  }
0x18: {  	s0 =	sld [smem:$0x3F92];
	_ =	swait.ge [sflag:s4], $0x0  }
0x19: {  	s7 =	sld [smem:$0x3F93]  }
0x1a: {  	s8 =	sadd.s32 $0xFFFFE003, lr  }
0x1b: {  	s9 =	sadd.s32 $0xFFFFFEF7, lr;
	s5 =	simm.s32 $0xFFFFFFFF;
	p2 =	slt.u32 s8, $0xFFFFF086  }
0x1c: {  	p1 =	slt.u32 s9, $0xF7A;
	s5 =	simm.s32 @!p2 $0x0  }
0x1d: {  	s5 =	simm.s32 @p1 $0x1;
	p0 =	seq.s32 s7, s2  }
0x1e: {  	s7 =	smul.u32 @!p0 $0xF7A, s2;
	p2 =	seq.s32 @!p0 s5, $0x0  }
0x1f: {  	s9 =	smul.u32 $0xF7A, s1;
	s8 =	simm.s32 @!p0 $0x1BF5;
	p2 =	por !p2, p0  }
0x20: {  	[sflag:s8] =	ssyncset.s32 @!p0 $0xFFFFF086;
	s6 =	sadd.s32 @!p0 s3, s7;
	s7 =	simm.s32 @!p0 $0x108  }
0x21: {  	s3 =	sadd.s32 s3, s9;
	s6 =	sadd.s32 @!p0 $0x88, s6;
	s7 =	simm.s32 @p2 $0x1082  }
0x22: {  	[simem:s7], [sflag:s8] =	dma.local @!p0 [hbm:s6], $0xF7A  }
0x23: {  	s9 =	sor.u32 $0xD0000000, s2;
	s6 =	simm.s32 $0x108;
	_ =	swait.ge @!p0 [sflag:s8], $0x0  }
0x24: {  	s3 =	sadd.s32 $0x88, s3;
	s6 =	simm.s32 @!p1 $0x1082;
	[sflag:s4] =	ssyncset.s32 $0xFFFFF086  }
0x25: {  	[simem:s6], [sflag:s4] =	dma.local [hbm:s3], $0xF7A  }
0x26: {  	[smem:$0x3F93] =	sst s1;
	(tag) =	ssettag s2;
	_ =	strace s9  }
0x27: {  	s1 =	sld [smem:$0x3FA3]  }
0x28: {  	s2 =	sld [smem:$0x3FA4]  }
0x29: {  	s4 =	sld [smem:$0x3FA6]  }
0x2a: {  	p0 =	seq.s32 s5, $0x0;
	s5 =	sld [smem:$0x3FA7]  }
0x2b: {  	s6 =	sld [smem:$0x3FA8]  }
0x2c: {  	s7 =	sld [smem:$0x3FA9]  }
0x2d: {  	s3 =	simm.s32 $0x108;
	s8 =	sld [smem:$0x3FAA]  }
0x2e: {  	s3 =	simm.s32 @!p0 $0x1082;
	s9 =	sld [smem:$0x3FAB]  }
0x2f: {  	lr =	sadd.s32 s0, s3;
	s0 =	sld [smem:$0x3FA2]  }
0x30: {  	s3 =	sld [smem:$0x3FA5]  }
0x31: {  	[smem:$0x3FAE] =	sst s10  }
0x32: {  	s10 =	sld [smem:$0x3FAC];
	_ =	sdelay $0x3  }
0x33: {  	p0 =	seq.s32 s10, $0x1;
	s10 =	sld [smem:$0x3FAE];
	_ =	sdelay $0x3  }
0x34: {  	[smem:$0x3FAE] =	sst s10  }
0x35: {  	s10 =	sld [smem:$0x3FAD];
	_ =	sdelay $0x3  }
0x36: {  	p1 =	seq.s32 s10, $0x1;
	s10 =	sld [smem:$0x3FAE];
	_ =	sdelay $0x3  }
0x37: {  	[smem:$0x3FAE] =	sst s10  }
0x38: {  	s10 =	sld [smem:$0x3FAF]  }
0x39: {  	_ = 	snop;
	(pc) =	sbr.ind lr, $3  }
0x3a: {  	_ = 	snop  }
0x3b: {  	_ = 	snop  }
0x3c: {  	p2 =	seq.s32 s10, $0x1;
	s10 =	sld [smem:$0x3FAE]  }
0x3d: {  	_ =	shalt  }
0x3e: {  	_ =	shalt  }
0x3f: {  	_ =	shalt  }
0x40: {  	_ =	shalt  }
0x41: {  	_ =	shalt  }
0x42: {  	_ =	shalt  }
0x43: {  	_ =	shalt  }
0x44: {  	_ =	shalt  }
0x45: {  	_ =	shalt  }
0x46: {  	_ =	shalt  }
0x47: {  	_ =	shalt  }
0x48: {  	_ =	shalt  }
0x49: {  	_ =	shalt  }
0x4a: {  	_ =	shalt  }
0x4b: {  	_ =	shalt  }
0x4c: {  	_ =	shalt  }
0x4d: {  	_ =	shalt  }
0x4e: {  	_ =	shalt  }
0x4f: {  	_ =	shalt  }
0x50: {  	_ =	shalt  }
0x51: {  	_ =	shalt  }
0x52: {  	_ =	shalt  }
0x53: {  	_ =	shalt  }
0x54: {  	_ =	shalt  }
0x55: {  	_ =	shalt  }
0x56: {  	_ =	shalt  }
0x57: {  	_ =	shalt  }
0x58: {  	_ =	shalt  }
0x59: {  	_ =	shalt  }
0x5a: {  	_ =	shalt  }
0x5b: {  	_ =	shalt  }
0x5c: {  	_ =	shalt  }
0x5d: {  	_ =	shalt  }
0x5e: {  	_ =	shalt  }
0x5f: {  	_ =	shalt  }
0x60: {  	_ =	shalt  }
0x61: {  	_ =	shalt  }
0x62: {  	_ =	shalt  }
0x63: {  	_ =	shalt  }
0x64: {  	_ =	shalt  }
0x65: {  	_ =	shalt  }
0x66: {  	_ =	shalt  }
0x67: {  	_ =	shalt  }
0x68: {  	_ =	shalt  }
0x69: {  	_ =	shalt  }
0x6a: {  	_ =	shalt  }
0x6b: {  	_ =	shalt  }
0x6c: {  	_ =	shalt  }
0x6d: {  	_ =	shalt  }
0x6e: {  	_ =	shalt  }
0x6f: {  	_ =	shalt  }
0x70: {  	_ =	shalt  }
0x71: {  	_ =	shalt  }
0x72: {  	_ =	shalt  }
0x73: {  	_ =	shalt  }
0x74: {  	_ =	shalt  }
0x75: {  	_ =	shalt  }
0x76: {  	_ =	shalt  }
0x77: {  	_ =	shalt  }
0x78: {  	_ =	shalt  }
0x79: {  	_ =	shalt  }
0x7a: {  	_ =	shalt  }
0x7b: {  	_ =	shalt  }
0x7c: {  	_ =	shalt  }
0x7d: {  	_ =	shalt  }
0x7e: {  	_ =	shalt  }
0x7f: {  	_ =	shalt  }
0x80: {  	_ =	shalt  }
0x81: {  	_ =	shalt  }
0x82: {  	_ =	shalt  }
0x83: {  	_ =	shalt  }
0x84: {  	_ =	shalt  }
0x85: {  	_ =	shalt  }
0x86: {  	_ =	shalt  }
0x87: {  	_ =	shalt  }
.Lfunc_end0:
.L_simem_size_0:
called_computation_lowered:
.L_overlay_start_0:
0x88: {  	s2 =	sld [smem:$0x3FD9]  }
0x89: {  	s3 =	sld [smem:$0x3FFE];
	_ =	sdelay $0x1  }
0x8a: {  	s1 =	srdreg.scid  }
0x8b: {  	s0 =	sand.u32 $0x1, s1  }
0x8c: {  	s17 =	sshll.u32 s0, $0xA;
	s2 =	sadd.s32 s3, s2  }
0x8d: {  	s2 =	sadd.s32 s2, s17  }
0x8e: {  	[smem:$0x3FBA] =	sst s2  }
0x8f: {  	_ = 	snop  }
0x90: {  	s2 =	sld [smem:$0x3FC9]  }
0x91: {  	s18 =	sld [smem:$0x3FC8]  }
0x92: {  	s4 =	sld [smem:$0x3FD0];
	(tm) =	ssettm $0x1  }
0x93: {  	s5 =	sld [smem:$0x3FFB];
	_ =	sdelay $0x3  }
0x94: {  	_ =	strace s5  }
0x95: {  	s5 =	sld [smem:$0x3FFC];
	_ =	sdelay $0x3  }
0x96: {  	_ =	strace s5  }
0x97: {  	s5 =	sld [smem:$0x3FFD];
	_ =	sdelay $0x3  }
0x98: {  	_ =	strace s5  }
0x99: {  	_ =	strace $0x8FFFFFFF  }
0x9a: {  	s19 =	sld [smem:$0x3FDB];
	_ =	sdelay $0x1  }
0x9b: {  	s6 =	simm.s32 $_scs_section_size  }
0x9c: {  	s7 =	simm.s32 $_size__tile_overlayer_lowered;
	s8 =	simm.s32 $_tile_overlayer_lowered  }
0x9d: {  	s22 =	simm.s32 $0x1BFF;
	s21 =	sshll.u32 s8, $0x1;
	s5 =	sadd.s32 s6, s19  }
0x9e: {  	s9 =	simm.s32 $0x0;
	s20 =	sshll.u32 s7, $0x1;
	s7 =	sadd.s32 s21, s5  }
0x9f: {  	[timem:s9], [sflag:s22] =	dma.local [hbm:s7], s20  }
0xa0: {  	_ =	swait.ge [sflag:s22], s20  }
0xa1: {  	s6 =	ssub.s32 $0x0, s20;
	[sflag:s22] =	ssyncset.done $0x0  }
0xa2: {  	[sflag:s22] =	ssyncadd.s32 s6;
	_ =	sdelay $0x1  }
0xa3: {  	s23 =	simm.s32 $0x1B8B  }
0xa4: {  	_ =	swait.ge [sflag:s23], $0x1  }
0xa5: {  	[sflag:s23] =	ssyncset.done $0x0  }
0xa6: {  	s25 =	simm.s32 $0x1B8E;
	s24 =	sld [smem:$0x3FFE];
	[sflag:s23] =	ssyncadd.s32 $0xFFFFFFFF  }
0xa7: {  	s26 =	simm.s32 $execute0_lowered;
	[smem:$0x3FD2] =	sst s25  }
0xa8: {  	s7 =	sshll.u32 s26, $0x1;
	_ =	strace $0x80000046;
	[dreg:$0x1] =	wrdreg $0xFFFFFFFF  }
0xa9: {  	s28 =	simm.s32 $_size_execute0_lowered;
	s5 =	sadd.s32 s5, s7;
	[dreg:$0x0] =	wrdreg $0x0  }
0xaa: {  	s7 =	sshll.u32 s28, $0x1;
	[dreg:$0x2] =	wrdreg s5  }
0xab: {  	[dreg:$0x3] =	wrdreg s7  }
0xac: {  	[dreg:$0x4] =	wrdreg $0xC0  }
0xad: {  	_ =	task [dreg:s9], $0x5FFFF  }
0xae: {  	[dreg:$0x1] =	wrdreg $0xFFFFFFFF  }
0xaf: {  	[dreg:$0x0] =	wrdreg $0x60  }
0xb0: {  	[dreg:$0x2] =	wrdreg s2  }
0xb1: {  	[dreg:$0x3] =	wrdreg s18  }
0xb2: {  	[dreg:$0x4] =	wrdreg s4  }
0xb3: {  	[dreg:$0x5] =	wrdreg s24  }
0xb4: {  	[dreg:$0x6] =	wrdreg $0x0  }
0xb5: {  	[dreg:$0x7] =	wrdreg $0x9  }
0xb6: {  	_ =	task.clear_ibuf [dreg:s9], $0x8FFFF;
	_ =	strace $0x90000046  }
0xb7: {  	s29 =	simm.s32 $0x9;
	_ =	strace $0x80000048  }
0xb8: {  	_ =	swait.ge [sflag:s29], $0x1  }
0xb9: {  	[sflag:s29] =	ssyncadd.s32 $0xFFFFFFFF  }
0xba: {  	_ =	strace $0x90000048  }
0xbb: {  	_ =	sfence  }
0xbc: {  	s30 =	sld [smem:$0x0];
	_ =	sdelay $0x2  }
0xbd: {  	s31 =	sshll.u32 s1, $0xD;
	s1 =	sshrl.u32 s1, $0x2  }
0xbe: {  	s3 =	sand.u32 $0x4000, s31;
	s1 =	sadd.s32 s1, s30  }
0xbf: {  	s0 =	sor.u32 s3, s0;
	s1 =	sshll.u32 s1, $0x11  }
0xc0: {  	s0 =	sor.u32 s1, s0  }
0xc1: {  	s0 =	sadd.s32 $0x8F2B, s0  }
0xc2: {  	[sflag:s0] =	ssyncadd.remote.s32 $0x1  }
0xc3: {  	_ =	sfence.sel $0xFFFF  }
0xc4: {  	[dreg:$0x0] =	wrdreg $0xFFFFFFFF;
	(pc) =	sbr.abs _section_cstart, $3  }
0xc5: {  	[dreg:$0x1] =	wrdreg $0xFFFFFFFF  }
0xc6: {  	_ =	task.clear_ibuf [dreg:s9], $0x2FFFF;
	_ =	strace $0x9FFFFFFF  }
0xc7: {  	(tm) =	ssettm $0x7FFFFFFF  }
tec
execute0_lowered:
.L_overlay_start_1:
0x0: {  	(tag) =	ssettag $0x1  }
0x1: {  	s1 =	rddreg [dreg:$0x0]  }
0x2: {  	s0 =	rddreg [dreg:$0x1]  }
0x3: {  	s2 =	rddreg [dreg:$0x2]  }
0x4: {  	s6 =	rddreg [dreg:$0x3]  }
0x5: {  	s3 =	rddreg [dreg:$0x4];
	s4 =	simm.s32 $0x0;
	s15 =	stileid.u32  }
0x6: {  	s5 =	srdreg.scid;
	s28 =	simm.s32 $0x13880;
	s7 =	smul.u32 $0x2800, s15  }
0x7: {  	s29 =	simm.s32 $0x13980;
	s30 =	simm.s32 $0x13A80;
	s9 =	smul.u32 $0x1380, s15  }
0x8: {  	s31 =	simm.s32 $0x13B80;
	[smem:$0x7FF] =	sst s4;
	s12 =	smul.u32 $0x50000, s15  }
0x9: {  	s8 =	sand.u32 $0x1, s5;
	s18 =	smul.u32 $0x9C00, s15;
	s24 =	sadd.s32 $0x12C000, s3  }
0xa: {  	s17 =	sshll.u32 s15, $0x5;
	p1 =	seq.s32 s15, $0xF;
	p2 =	sgt.u32 s15, $0x3  }
0xb: {  	s15 =	simm.s32 $0x13B00;
	_ =	strace $0x80000047;
	s5 =	ssub.s32 $0x2, s8  }
0xc: {  	[dreg:$0x19] =	wrdreg s24;
	p0 =	sne.s32 s8, $0x0;
	s24 =	sadd.s32 $0x25800, s2  }
0xd: {  	s8 =	simm.s32 $0x8;
	s10 =	sadd.s32 s7, s6;
	s11 =	sshrl.u32 s5, $0x1  }
0xe: {  	s20 =	sshrl.u32 s12, $0x2;
	s22 =	sshrl.u32 s18, $0x3;
	s23 =	sadd.s32 s1, s7  }
0xf: {  	[dreg:$0x16] =	wrdreg s24;
	s24 =	simm.s32 $0x13C80;
	s13 =	ssub.s32 s5, s11  }
0x10: {  	[dreg:$0x9] =	wrdreg s23;
	s12 =	sadd.s32 s0, s22;
	s22 =	sadd.s32 $0x27E00, s6  }
0x11: {  	s5 =	sadd.s32 s0, s9;
	s23 =	sadd.s32 s2, s7;
	[dreg:$0x14] =	wrdreg s22  }
0x12: {  	s0 =	sadd.s32 s17, s0;
	s9 =	sadd.s32 $0x20, s5;
	[dreg:$0x15] =	wrdreg s23  }
0x13: {  	s2 =	simm.s32 $0x1BC80;
	s19 =	sadd.s32 $0x40, s5;
	[dreg:$0x6] =	wrdreg s9  }
0x14: {  	s6 =	simm.s32 $0x5;
	s21 =	sadd.s32 $0x60, s5;
	[dreg:$0x7] =	wrdreg s19  }
0x15: {  	s7 =	simm.s32 $0x13900;
	s14 =	sadd.s32 $0x1280, s12;
	[dreg:$0x8] =	wrdreg s21  }
0x16: {  	s17 =	simm.s32 $0x0;
	s25 =	sadd.s32 $0x12A0, s12;
	[dreg:$0xa] =	wrdreg s14  }
0x17: {  	s26 =	sadd.s32 $0x12C0, s12;
	s11 =	sadd.s32 $0x12E0, s12;
	[dreg:$0xb] =	wrdreg s25  }
0x18: {  	s16 =	sadd.s32 $0x1300, s12;
	s18 =	sadd.s32 $0x1320, s12;
	[dreg:$0xc] =	wrdreg s26  }
0x19: {  	s0 =	sadd.s32 $0x13800, s0;
	s22 =	simm.s32 $0x80;
	[dreg:$0xd] =	wrdreg s11  }
0x1a: {  	s23 =	simm.s32 $0x17C80;
	s9 =	sadd.s32 s20, s3;
	[dreg:$0xe] =	wrdreg s16  }
0x1b: {  	[dreg:$0xf] =	wrdreg s18;
	s19 =	sadd.s32 $0x1340, s12;
	s20 =	sadd.s32 $0x1360, s12  }
0x1c: {  	[dreg:$0x12] =	wrdreg s0;
	s21 =	sadd.s32 $0x2600, s10;
	s25 =	smax.u32 s13, $0x1  }
.Ltmp0:
0x1d: {  	s26 =	sadd.s32 $0x25800, s1;
	[dreg:$0x10] =	wrdreg s19;
	(pc) =	sbr.rel .LBB2_1-.Ltmp0, $4  }
0x1e: {  	s0 =	simm.s32 $0x1;
	s10 =	simm.s32 $0x4;
	[dreg:$0x11] =	wrdreg s20  }
0x1f: {  	s12 =	simm.s32 $0x6;
	s13 =	simm.s32 $0x13A00;
	[dreg:$0x13] =	wrdreg s21  }
0x20: {  	s14 =	simm.s32 $0x7;
	s16 =	simm.s32 $0x13C00;
	[dreg:$0x17] =	wrdreg s25  }
0x21: {  	[dreg:$0x18] =	wrdreg s26;
	s21 =	simm.s32 $0x2;
	s20 =	simm.s32 $0x3  }
.LBB2_15:
0x22: {  	s11 =	rddreg [dreg:$0x19]  }
0x23: {  	s19 =	rddreg [dreg:$0x14];
	s26 =	simm.s32 $0x1FC8;
	s18 =	sshrl.u32 s11, $0x3  }
0x24: {  	[hbm:s19], [sflag:s26] =	dma.local [spmem:s18], $0x1900  }
0x25: {  	_ =	swait.ge [sflag:s8], $0x1900  }
0x26: {  	[sflag:s8] =	ssyncset.done $0x0  }
0x27: {  	[sflag:s8] =	ssyncadd.s32 $0xFFFFE700  }
.LBB2_16:
0x28: {  	s17 =	sadd.s32 $0x1, s17;
	s18 =	rddreg [dreg:$0x17]  }
0x29: {  	p3 =	sne.s32 s17, s18  }
.Ltmp1:
0x2a: {  	_ = 	snop;
	(pc) =	sbr.rel @!p3 .LBB2_17-.Ltmp1, $1  }
0x2b: {  	_ =	sdelay $0x3  }
.LBB2_1:
0x2c: {  	[tilespmem:s28], [sflag:$0x1] =	stream.linear.gather [hbm4b:s5+s4], $0x100, $0x38;
	[tilespmem:$0x1FC80] =	vst v63  }
0x2d: {  	s18 =	rddreg [dreg:$0x6]  }
0x2e: {  	s25 =	rddreg [dreg:$0x7]  }
0x2f: {  	[tilespmem:s29], [sflag:$0x2] =	stream.linear.gather [hbm4b:s18+s4], $0x100, $0x38;
	[tilespmem:$0x1FC80] =	vst v63  }
0x30: {  	s26 =	rddreg [dreg:$0x8]  }
0x31: {  	[tilespmem:s30], [sflag:$0x3] =	stream.linear.gather [hbm4b:s25+s4], $0x100, $0x38;
	[tilespmem:$0x1FC80] =	vst v63  }
.Ltmp2:
0x32: {  	s18 =	stileid.u32;
	(pc) =	sbr.rel @p0 .LBB2_6-.Ltmp2, $4  }
0x33: {  	[tilespmem:s31], [sflag:$0x4] =	stream.linear.gather [hbm4b:s26+s4], $0x100, $0x38;
	[tilespmem:$0x1FC80] =	vst v63  }
0x34: {  	s19 =	sshll.u32 @!p1 s18, $0x6;
	_ =	swait.ge [sflag:s0], $0x100  }
0x35: {  	s18 =	sshrl.u32 @!p1 s9, $0x3;
	[sflag:s0] =	ssyncset.done $0x0;
	s11 =	rddreg [dreg:$0x19]  }
0x36: {  	s19 =	sor.u32 @!p1 $0x1C08, s19;
	[sflag:s0] =	ssyncadd.s32 $0xFFFFFF00;
	s25 =	sshrl.u32 @p1 s11, $0x3  }
0x37: {  	[tilespmem:s24], [sflag:$0x5] =	stream.indirect.gather [hbm4b:s1+s22], $0x80, s28, s22, $0xb8;
	[tilespmem:$0x1FC80] =	vst v63  }
0x38: {  	_ =	swait.ge [sflag:s21], $0x100  }
0x39: {  	[sflag:s21] =	ssyncset.done $0x0  }
0x3a: {  	s26 =	simm.s32 @p1 $0x1FC8;
	s11 =	rddreg [dreg:$0x18];
	[sflag:s21] =	ssyncadd.s32 $0xFFFFFF00  }
0x3b: {  	[tilespmem:s23], [sflag:$0x6] =	stream.indirect.gather [hbm4b:s1+s22], $0x80, s29, s22, $0xb8;
	[tilespmem:$0x1FC80] =	vst v63  }
0x3c: {  	[spmem:s25], [sflag:s26] =	dma.local @p1 [hbm:s11], $0x1900  }
0x3d: {  	s25 =	simm.s32 @p1 $0x8  }
0x3e: {  	_ =	swait.ge @p1 [sflag:s25], $0x1900  }
0x3f: {  	[sflag:s25] =	ssyncset.done @p1 $0x0  }
0x40: {  	[sflag:s25] =	ssyncadd.s32 @p1 $0xFFFFE700;
	s25 =	rddreg [dreg:$0x9]  }
0x41: {  	[spmem:s18], [sflag:s19] =	dma.local @!p1 [hbm:s25], $0x2800  }
0x42: {  	s18 =	simm.s32 @!p1 $0x8  }
0x43: {  	_ =	swait.ge @!p1 [sflag:s18], $0x2800  }
0x44: {  	[sflag:s18] =	ssyncset.done @!p1 $0x0  }
0x45: {  	[sflag:s18] =	ssyncadd.s32 @!p1 $0xFFFFD800  }
0x46: {  	[bflag:$0x0] =	sbarrier.arrive $0xFFFF  }
0x47: {  	_ =	swait.ge [sflag:s20], $0x100  }
0x48: {  	[sflag:s20] =	ssyncset.done $0x0  }
0x49: {  	[sflag:s20] =	ssyncadd.s32 $0xFFFFFF00  }
0x4a: {  	[tilespmem:s2], [sflag:$0x7] =	stream.indirect.gather [hbm4b:s1+s22], $0x80, s30, s22, $0xb8;
	[tilespmem:$0x1FC80] =	vst v63  }
0x4b: {  	_ =	swait.ge [sflag:s6], $0x4000  }
0x4c: {  	[sflag:s6] =	ssyncset.done $0x0  }
0x4d: {  	[sflag:s6] =	ssyncadd.s32 $0xFFFFC000  }
0x4e: {  	[spmem:s3] =	stream.indirect.scatter.add.f32 [tilespmem:s24], [sflag:$0x8], $0x80, s7, s22, $0xb8;
	[tilespmem:$0x1FC80] =	vst v63  }
0x4f: {  	_ =	swait.ge [sflag:s8], $0x4000  }
0x50: {  	s19 =	sadd.s32 $0x0, s5;
	[sflag:s8] =	ssyncset.done $0x0  }
0x51: {  	s25 =	sadd.s32 $0x80, s19;
	[sflag:s8] =	ssyncadd.s32 $0xFFFFC000  }
0x52: {  	[tilespmem:s28], [sflag:$0x1] =	stream.linear.gather [hbm4b:s25+s4], $0x100, $0x38;
	[tilespmem:$0x1FC80] =	vst v63  }
0x53: {  	_ =	swait.ge [sflag:s10], $0x100  }
0x54: {  	[sflag:s10] =	ssyncset.done $0x0  }
0x55: {  	[sflag:s10] =	ssyncadd.s32 $0xFFFFFF00  }
0x56: {  	[tilespmem:s24], [sflag:$0x5] =	stream.indirect.gather [hbm4b:s1+s22], $0x80, s31, s22, $0xb8;
	[tilespmem:$0x1FC80] =	vst v63  }
0x57: {  	_ =	swait.ge [sflag:s12], $0x4000  }
0x58: {  	[sflag:s12] =	ssyncset.done $0x0  }
0x59: {  	[sflag:s12] =	ssyncadd.s32 $0xFFFFC000  }
0x5a: {  	[spmem:s3] =	stream.indirect.scatter.add.f32 [tilespmem:s23], [sflag:$0x8], $0x80, s13, s22, $0xb8;
	[tilespmem:$0x1FC80] =	vst v63  }
0x5b: {  	_ =	swait.ge [sflag:s8], $0x4000  }
0x5c: {  	[sflag:s8] =	ssyncset.done $0x0  }
0x5d: {  	s26 =	sadd.s32 $0xA0, s19;
	[sflag:s8] =	ssyncadd.s32 $0xFFFFC000  }
0x5e: {  	[tilespmem:s29], [sflag:$0x2] =	stream.linear.gather [hbm4b:s26+s4], $0x100, $0x38;
	[tilespmem:$0x1FC80] =	vst v63  }
0x5f: {  	_ =	swait.ge [sflag:s0], $0x100  }
0x60: {  	[sflag:s0] =	ssyncset.done $0x0  }
0x61: {  	[sflag:s0] =	ssyncadd.s32 $0xFFFFFF00  }
0x62: {  	[tilespmem:s23], [sflag:$0x6] =	stream.indirect.gather [hbm4b:s1+s22], $0x80, s28, s22, $0xb8;
	[tilespmem:$0x1FC80] =	vst v63  }
0x63: {  	_ =	swait.ge [sflag:s14], $0x4000  }
0x64: {  	[sflag:s14] =	ssyncset.done $0x0  }
0x65: {  	[sflag:s14] =	ssyncadd.s32 $0xFFFFC000  }
0x66: {  	[spmem:s3] =	stream.indirect.scatter.add.f32 [tilespmem:s2], [sflag:$0x8], $0x80, s15, s22, $0xb8;
	[tilespmem:$0x1FC80] =	vst v63  }
0x67: {  	_ =	swait.ge [sflag:s8], $0x4000  }
0x68: {  	[sflag:s8] =	ssyncset.done $0x0  }
0x69: {  	s11 =	sadd.s32 $0xC0, s19;
	[sflag:s8] =	ssyncadd.s32 $0xFFFFC000  }
0x6a: {  	[tilespmem:s30], [sflag:$0x3] =	stream.linear.gather [hbm4b:s11+s4], $0x100, $0x38;
	[tilespmem:$0x1FC80] =	vst v63  }
0x6b: {  	_ =	swait.ge [sflag:s21], $0x100  }
0x6c: {  	[sflag:s21] =	ssyncset.done $0x0  }
0x6d: {  	[sflag:s21] =	ssyncadd.s32 $0xFFFFFF00  }
0x6e: {  	[tilespmem:s2], [sflag:$0x7] =	stream.indirect.gather [hbm4b:s1+s22], $0x80, s29, s22, $0xb8;
	[tilespmem:$0x1FC80] =	vst v63  }
0x6f: {  	_ =	swait.ge [sflag:s6], $0x4000  }
0x70: {  	[sflag:s6] =	ssyncset.done $0x0  }
0x71: {  	[sflag:s6] =	ssyncadd.s32 $0xFFFFC000  }
0x72: {  	[spmem:s3] =	stream.indirect.scatter.add.f32 [tilespmem:s24], [sflag:$0x8], $0x80, s16, s22, $0xb8;
	[tilespmem:$0x1FC80] =	vst v63  }
0x73: {  	_ =	swait.ge [sflag:s8], $0x4000  }
0x74: {  	[sflag:s8] =	ssyncset.done $0x0  }
0x75: {  	s25 =	sadd.s32 $0xE0, s19;
	[sflag:s8] =	ssyncadd.s32 $0xFFFFC000  }
0x76: {  	[tilespmem:s31], [sflag:$0x4] =	stream.linear.gather [hbm4b:s25+s4], $0x100, $0x38;
	[tilespmem:$0x1FC80] =	vst v63  }
0x77: {  	_ =	swait.ge [sflag:s20], $0x100  }
0x78: {  	[sflag:s20] =	ssyncset.done $0x0  }
0x79: {  	[sflag:s20] =	ssyncadd.s32 $0xFFFFFF00  }
0x7a: {  	[tilespmem:s24], [sflag:$0x5] =	stream.indirect.gather [hbm4b:s1+s22], $0x80, s30, s22, $0xb8;
	[tilespmem:$0x1FC80] =	vst v63  }
0x7b: {  	_ =	swait.ge [sflag:s12], $0x4000  }
0x7c: {  	[sflag:s12] =	ssyncset.done $0x0  }
0x7d: {  	[sflag:s12] =	ssyncadd.s32 $0xFFFFC000  }
0x7e: {  	[spmem:s3] =	stream.indirect.scatter.add.f32 [tilespmem:s23], [sflag:$0x8], $0x80, s7, s22, $0xb8;
	[tilespmem:$0x1FC80] =	vst v63  }
0x7f: {  	_ =	swait.ge [sflag:s8], $0x4000  }
0x80: {  	[sflag:s8] =	ssyncset.done $0x0  }
0x81: {  	s26 =	sadd.s32 $0x100, s19;
	[sflag:s8] =	ssyncadd.s32 $0xFFFFC000  }
0x82: {  	[tilespmem:s28], [sflag:$0x1] =	stream.linear.gather [hbm4b:s26+s4], $0x100, $0x38;
	[tilespmem:$0x1FC80] =	vst v63  }
0x83: {  	_ =	swait.ge [sflag:s10], $0x100  }
0x84: {  	[sflag:s10] =	ssyncset.done $0x0  }
0x85: {  	[sflag:s10] =	ssyncadd.s32 $0xFFFFFF00  }
0x86: {  	[tilespmem:s23], [sflag:$0x6] =	stream.indirect.gather [hbm4b:s1+s22], $0x80, s31, s22, $0xb8;
	[tilespmem:$0x1FC80] =	vst v63  }
0x87: {  	_ =	swait.ge [sflag:s14], $0x4000  }
0x88: {  	[sflag:s14] =	ssyncset.done $0x0  }
0x89: {  	[sflag:s14] =	ssyncadd.s32 $0xFFFFC000  }
0x8a: {  	[spmem:s3] =	stream.indirect.scatter.add.f32 [tilespmem:s2], [sflag:$0x8], $0x80, s13, s22, $0xb8;
	[tilespmem:$0x1FC80] =	vst v63  }
0x8b: {  	_ =	swait.ge [sflag:s8], $0x4000  }
0x8c: {  	[sflag:s8] =	ssyncset.done $0x0  }
0x8d: {  	s11 =	sadd.s32 $0x120, s19;
	[sflag:s8] =	ssyncadd.s32 $0xFFFFC000  }
0x8e: {  	[tilespmem:s29], [sflag:$0x2] =	stream.linear.gather [hbm4b:s11+s4], $0x100, $0x38;
	[tilespmem:$0x1FC80] =	vst v63  }
0x8f: {  	_ =	swait.ge [sflag:s0], $0x100  }
0x90: {  	[sflag:s0] =	ssyncset.done $0x0  }
0x91: {  	[sflag:s0] =	ssyncadd.s32 $0xFFFFFF00  }
0x92: {  	[tilespmem:s2], [sflag:$0x7] =	stream.indirect.gather [hbm4b:s1+s22], $0x80, s28, s22, $0xb8;
	[tilespmem:$0x1FC80] =	vst v63  }
0x93: {  	_ =	swait.ge [sflag:s6], $0x4000  }
0x94: {  	[sflag:s6] =	ssyncset.done $0x0  }
0x95: {  	[sflag:s6] =	ssyncadd.s32 $0xFFFFC000  }
0x96: {  	[spmem:s3] =	stream.indirect.scatter.add.f32 [tilespmem:s24], [sflag:$0x8], $0x80, s15, s22, $0xb8;
	[tilespmem:$0x1FC80] =	vst v63  }
0x97: {  	_ =	swait.ge [sflag:s8], $0x4000  }
0x98: {  	[sflag:s8] =	ssyncset.done $0x0  }
0x99: {  	s25 =	sadd.s32 $0x140, s19;
	[sflag:s8] =	ssyncadd.s32 $0xFFFFC000  }
0x9a: {  	[tilespmem:s30], [sflag:$0x3] =	stream.linear.gather [hbm4b:s25+s4], $0x100, $0x38;
	[tilespmem:$0x1FC80] =	vst v63  }
0x9b: {  	_ =	swait.ge [sflag:s21], $0x100  }
0x9c: {  	[sflag:s21] =	ssyncset.done $0x0  }
0x9d: {  	[sflag:s21] =	ssyncadd.s32 $0xFFFFFF00  }
0x9e: {  	[tilespmem:s24], [sflag:$0x5] =	stream.indirect.gather [hbm4b:s1+s22], $0x80, s29, s22, $0xb8;
	[tilespmem:$0x1FC80] =	vst v63  }
0x9f: {  	_ =	swait.ge [sflag:s12], $0x4000  }
0xa0: {  	[sflag:s12] =	ssyncset.done $0x0  }
0xa1: {  	[sflag:s12] =	ssyncadd.s32 $0xFFFFC000  }
0xa2: {  	[spmem:s3] =	stream.indirect.scatter.add.f32 [tilespmem:s23], [sflag:$0x8], $0x80, s16, s22, $0xb8;
	[tilespmem:$0x1FC80] =	vst v63  }
0xa3: {  	_ =	swait.ge [sflag:s8], $0x4000  }
0xa4: {  	[sflag:s8] =	ssyncset.done $0x0  }
0xa5: {  	s26 =	sadd.s32 $0x160, s19;
	[sflag:s8] =	ssyncadd.s32 $0xFFFFC000  }
0xa6: {  	[tilespmem:s31], [sflag:$0x4] =	stream.linear.gather [hbm4b:s26+s4], $0x100, $0x38;
	[tilespmem:$0x1FC80] =	vst v63  }
0xa7: {  	_ =	swait.ge [sflag:s20], $0x100  }
0xa8: {  	[sflag:s20] =	ssyncset.done $0x0  }
0xa9: {  	[sflag:s20] =	ssyncadd.s32 $0xFFFFFF00  }
0xaa: {  	[tilespmem:s23], [sflag:$0x6] =	stream.indirect.gather [hbm4b:s1+s22], $0x80, s30, s22, $0xb8;
	[tilespmem:$0x1FC80] =	vst v63  }
0xab: {  	_ =	swait.ge [sflag:s14], $0x4000  }
0xac: {  	[sflag:s14] =	ssyncset.done $0x0  }
0xad: {  	[sflag:s14] =	ssyncadd.s32 $0xFFFFC000  }
0xae: {  	[spmem:s3] =	stream.indirect.scatter.add.f32 [tilespmem:s2], [sflag:$0x8], $0x80, s7, s22, $0xb8;
	[tilespmem:$0x1FC80] =	vst v63  }
0xaf: {  	_ =	swait.ge [sflag:s8], $0x4000  }
0xb0: {  	[sflag:s8] =	ssyncset.done $0x0  }
0xb1: {  	s11 =	sadd.s32 $0x180, s19;
	[sflag:s8] =	ssyncadd.s32 $0xFFFFC000  }
0xb2: {  	[tilespmem:s28], [sflag:$0x1] =	stream.linear.gather [hbm4b:s11+s4], $0x100, $0x38;
	[tilespmem:$0x1FC80] =	vst v63  }
0xb3: {  	_ =	swait.ge [sflag:s10], $0x100  }
0xb4: {  	[sflag:s10] =	ssyncset.done $0x0  }
0xb5: {  	[sflag:s10] =	ssyncadd.s32 $0xFFFFFF00  }
0xb6: {  	[tilespmem:s2], [sflag:$0x7] =	stream.indirect.gather [hbm4b:s1+s22], $0x80, s31, s22, $0xb8;
	[tilespmem:$0x1FC80] =	vst v63  }
0xb7: {  	_ =	swait.ge [sflag:s6], $0x4000  }
0xb8: {  	[sflag:s6] =	ssyncset.done $0x0  }
0xb9: {  	[sflag:s6] =	ssyncadd.s32 $0xFFFFC000  }
0xba: {  	[spmem:s3] =	stream.indirect.scatter.add.f32 [tilespmem:s24], [sflag:$0x8], $0x80, s13, s22, $0xb8;
	[tilespmem:$0x1FC80] =	vst v63  }
0xbb: {  	_ =	swait.ge [sflag:s8], $0x4000  }
0xbc: {  	[sflag:s8] =	ssyncset.done $0x0  }
0xbd: {  	s25 =	sadd.s32 $0x1A0, s19;
	[sflag:s8] =	ssyncadd.s32 $0xFFFFC000  }
0xbe: {  	[tilespmem:s29], [sflag:$0x2] =	stream.linear.gather [hbm4b:s25+s4], $0x100, $0x38;
	[tilespmem:$0x1FC80] =	vst v63  }
0xbf: {  	_ =	swait.ge [sflag:s0], $0x100  }
0xc0: {  	[sflag:s0] =	ssyncset.done $0x0  }
0xc1: {  	[sflag:s0] =	ssyncadd.s32 $0xFFFFFF00  }
0xc2: {  	[tilespmem:s24], [sflag:$0x5] =	stream.indirect.gather [hbm4b:s1+s22], $0x80, s28, s22, $0xb8;
	[tilespmem:$0x1FC80] =	vst v63  }
0xc3: {  	_ =	swait.ge [sflag:s12], $0x4000  }
0xc4: {  	[sflag:s12] =	ssyncset.done $0x0  }
0xc5: {  	[sflag:s12] =	ssyncadd.s32 $0xFFFFC000  }
0xc6: {  	[spmem:s3] =	stream.indirect.scatter.add.f32 [tilespmem:s23], [sflag:$0x8], $0x80, s15, s22, $0xb8;
	[tilespmem:$0x1FC80] =	vst v63  }
0xc7: {  	_ =	swait.ge [sflag:s8], $0x4000  }
0xc8: {  	[sflag:s8] =	ssyncset.done $0x0  }
0xc9: {  	s26 =	sadd.s32 $0x1C0, s19;
	[sflag:s8] =	ssyncadd.s32 $0xFFFFC000  }
0xca: {  	[tilespmem:s30], [sflag:$0x3] =	stream.linear.gather [hbm4b:s26+s4], $0x100, $0x38;
	[tilespmem:$0x1FC80] =	vst v63  }
0xcb: {  	_ =	swait.ge [sflag:s21], $0x100  }
0xcc: {  	[sflag:s21] =	ssyncset.done $0x0  }
0xcd: {  	[sflag:s21] =	ssyncadd.s32 $0xFFFFFF00  }
0xce: {  	[tilespmem:s23], [sflag:$0x6] =	stream.indirect.gather [hbm4b:s1+s22], $0x80, s29, s22, $0xb8;
	[tilespmem:$0x1FC80] =	vst v63  }
0xcf: {  	_ =	swait.ge [sflag:s14], $0x4000  }
0xd0: {  	[sflag:s14] =	ssyncset.done $0x0  }
0xd1: {  	[sflag:s14] =	ssyncadd.s32 $0xFFFFC000  }
0xd2: {  	[spmem:s3] =	stream.indirect.scatter.add.f32 [tilespmem:s2], [sflag:$0x8], $0x80, s16, s22, $0xb8;
	[tilespmem:$0x1FC80] =	vst v63  }
0xd3: {  	_ =	swait.ge [sflag:s8], $0x4000  }
0xd4: {  	[sflag:s8] =	ssyncset.done $0x0  }
0xd5: {  	s18 =	simm.s32 $0x180;
	s19 =	sadd.s32 $0x1E0, s19;
	[sflag:s8] =	ssyncadd.s32 $0xFFFFC000  }
.LBB2_3:
0xd6: {  	[tilespmem:s31], [sflag:$0x4] =	stream.linear.gather [hbm4b:s19+s4], $0x100, $0x38;
	[tilespmem:$0x1FC80] =	vst v63  }
0xd7: {  	s19 =	smov.u32 s18  }
0xd8: {  	p3 =	sne.s32 s18, $0x1080;
	s18 =	sadd.s32 $0x180, s18;
	_ =	swait.ge [sflag:s20], $0x100  }
0xd9: {  	[sflag:s20] =	ssyncset.done $0x0  }
0xda: {  	[sflag:s20] =	ssyncadd.s32 $0xFFFFFF00  }
0xdb: {  	[tilespmem:s2], [sflag:$0x7] =	stream.indirect.gather [hbm4b:s1+s22], $0x80, s30, s22, $0xb8;
	[tilespmem:$0x1FC80] =	vst v63  }
0xdc: {  	_ =	swait.ge [sflag:s6], $0x4000  }
0xdd: {  	[sflag:s6] =	ssyncset.done $0x0  }
0xde: {  	[sflag:s6] =	ssyncadd.s32 $0xFFFFC000  }
0xdf: {  	[spmem:s3] =	stream.indirect.scatter.add.f32 [tilespmem:s24], [sflag:$0x8], $0x80, s7, s22, $0xb8;
	[tilespmem:$0x1FC80] =	vst v63  }
0xe0: {  	_ =	swait.ge [sflag:s8], $0x4000  }
0xe1: {  	s19 =	sadd.s32 s19, s5;
	[sflag:s8] =	ssyncset.done $0x0  }
0xe2: {  	s25 =	sadd.s32 $0x80, s19;
	[sflag:s8] =	ssyncadd.s32 $0xFFFFC000  }
0xe3: {  	[tilespmem:s28], [sflag:$0x1] =	stream.linear.gather [hbm4b:s25+s4], $0x100, $0x38;
	[tilespmem:$0x1FC80] =	vst v63  }
0xe4: {  	_ =	swait.ge [sflag:s10], $0x100  }
0xe5: {  	[sflag:s10] =	ssyncset.done $0x0  }
0xe6: {  	[sflag:s10] =	ssyncadd.s32 $0xFFFFFF00  }
0xe7: {  	[tilespmem:s24], [sflag:$0x5] =	stream.indirect.gather [hbm4b:s1+s22], $0x80, s31, s22, $0xb8;
	[tilespmem:$0x1FC80] =	vst v63  }
0xe8: {  	_ =	swait.ge [sflag:s12], $0x4000  }
0xe9: {  	[sflag:s12] =	ssyncset.done $0x0  }
0xea: {  	[sflag:s12] =	ssyncadd.s32 $0xFFFFC000  }
0xeb: {  	[spmem:s3] =	stream.indirect.scatter.add.f32 [tilespmem:s23], [sflag:$0x8], $0x80, s13, s22, $0xb8;
	[tilespmem:$0x1FC80] =	vst v63  }
0xec: {  	_ =	swait.ge [sflag:s8], $0x4000  }
0xed: {  	[sflag:s8] =	ssyncset.done $0x0  }
0xee: {  	s25 =	sadd.s32 $0xA0, s19;
	[sflag:s8] =	ssyncadd.s32 $0xFFFFC000  }
0xef: {  	[tilespmem:s29], [sflag:$0x2] =	stream.linear.gather [hbm4b:s25+s4], $0x100, $0x38;
	[tilespmem:$0x1FC80] =	vst v63  }
0xf0: {  	_ =	swait.ge [sflag:s0], $0x100  }
0xf1: {  	[sflag:s0] =	ssyncset.done $0x0  }
0xf2: {  	[sflag:s0] =	ssyncadd.s32 $0xFFFFFF00  }
0xf3: {  	[tilespmem:s23], [sflag:$0x6] =	stream.indirect.gather [hbm4b:s1+s22], $0x80, s28, s22, $0xb8;
	[tilespmem:$0x1FC80] =	vst v63  }
0xf4: {  	_ =	swait.ge [sflag:s14], $0x4000  }
0xf5: {  	[sflag:s14] =	ssyncset.done $0x0  }
0xf6: {  	[sflag:s14] =	ssyncadd.s32 $0xFFFFC000  }
0xf7: {  	[spmem:s3] =	stream.indirect.scatter.add.f32 [tilespmem:s2], [sflag:$0x8], $0x80, s15, s22, $0xb8;
	[tilespmem:$0x1FC80] =	vst v63  }
0xf8: {  	_ =	swait.ge [sflag:s8], $0x4000  }
0xf9: {  	[sflag:s8] =	ssyncset.done $0x0  }
0xfa: {  	s25 =	sadd.s32 $0xC0, s19;
	[sflag:s8] =	ssyncadd.s32 $0xFFFFC000  }
0xfb: {  	[tilespmem:s30], [sflag:$0x3] =	stream.linear.gather [hbm4b:s25+s4], $0x100, $0x38;
	[tilespmem:$0x1FC80] =	vst v63  }
0xfc: {  	_ =	swait.ge [sflag:s21], $0x100  }
0xfd: {  	[sflag:s21] =	ssyncset.done $0x0  }
0xfe: {  	[sflag:s21] =	ssyncadd.s32 $0xFFFFFF00  }
0xff: {  	[tilespmem:s2], [sflag:$0x7] =	stream.indirect.gather [hbm4b:s1+s22], $0x80, s29, s22, $0xb8;
	[tilespmem:$0x1FC80] =	vst v63  }
0x100: {  	_ =	swait.ge [sflag:s6], $0x4000  }
0x101: {  	[sflag:s6] =	ssyncset.done $0x0  }
0x102: {  	[sflag:s6] =	ssyncadd.s32 $0xFFFFC000  }
0x103: {  	[spmem:s3] =	stream.indirect.scatter.add.f32 [tilespmem:s24], [sflag:$0x8], $0x80, s16, s22, $0xb8;
	[tilespmem:$0x1FC80] =	vst v63  }
0x104: {  	_ =	swait.ge [sflag:s8], $0x4000  }
0x105: {  	[sflag:s8] =	ssyncset.done $0x0  }
0x106: {  	s25 =	sadd.s32 $0xE0, s19;
	[sflag:s8] =	ssyncadd.s32 $0xFFFFC000  }
0x107: {  	[tilespmem:s31], [sflag:$0x4] =	stream.linear.gather [hbm4b:s25+s4], $0x100, $0x38;
	[tilespmem:$0x1FC80] =	vst v63  }
0x108: {  	_ =	swait.ge [sflag:s20], $0x100  }
0x109: {  	[sflag:s20] =	ssyncset.done $0x0  }
0x10a: {  	[sflag:s20] =	ssyncadd.s32 $0xFFFFFF00  }
0x10b: {  	[tilespmem:s24], [sflag:$0x5] =	stream.indirect.gather [hbm4b:s1+s22], $0x80, s30, s22, $0xb8;
	[tilespmem:$0x1FC80] =	vst v63  }
0x10c: {  	_ =	swait.ge [sflag:s12], $0x4000  }
0x10d: {  	[sflag:s12] =	ssyncset.done $0x0  }
0x10e: {  	[sflag:s12] =	ssyncadd.s32 $0xFFFFC000  }
0x10f: {  	[spmem:s3] =	stream.indirect.scatter.add.f32 [tilespmem:s23], [sflag:$0x8], $0x80, s7, s22, $0xb8;
	[tilespmem:$0x1FC80] =	vst v63  }
0x110: {  	_ =	swait.ge [sflag:s8], $0x4000  }
0x111: {  	[sflag:s8] =	ssyncset.done $0x0  }
0x112: {  	s25 =	sadd.s32 $0x100, s19;
	[sflag:s8] =	ssyncadd.s32 $0xFFFFC000  }
0x113: {  	[tilespmem:s28], [sflag:$0x1] =	stream.linear.gather [hbm4b:s25+s4], $0x100, $0x38;
	[tilespmem:$0x1FC80] =	vst v63  }
0x114: {  	_ =	swait.ge [sflag:s10], $0x100  }
0x115: {  	[sflag:s10] =	ssyncset.done $0x0  }
0x116: {  	[sflag:s10] =	ssyncadd.s32 $0xFFFFFF00  }
0x117: {  	[tilespmem:s23], [sflag:$0x6] =	stream.indirect.gather [hbm4b:s1+s22], $0x80, s31, s22, $0xb8;
	[tilespmem:$0x1FC80] =	vst v63  }
0x118: {  	_ =	swait.ge [sflag:s14], $0x4000  }
0x119: {  	[sflag:s14] =	ssyncset.done $0x0  }
0x11a: {  	[sflag:s14] =	ssyncadd.s32 $0xFFFFC000  }
0x11b: {  	[spmem:s3] =	stream.indirect.scatter.add.f32 [tilespmem:s2], [sflag:$0x8], $0x80, s13, s22, $0xb8;
	[tilespmem:$0x1FC80] =	vst v63  }
0x11c: {  	_ =	swait.ge [sflag:s8], $0x4000  }
0x11d: {  	[sflag:s8] =	ssyncset.done $0x0  }
0x11e: {  	s25 =	sadd.s32 $0x120, s19;
	[sflag:s8] =	ssyncadd.s32 $0xFFFFC000  }
0x11f: {  	[tilespmem:s29], [sflag:$0x2] =	stream.linear.gather [hbm4b:s25+s4], $0x100, $0x38;
	[tilespmem:$0x1FC80] =	vst v63  }
0x120: {  	_ =	swait.ge [sflag:s0], $0x100  }
0x121: {  	[sflag:s0] =	ssyncset.done $0x0  }
0x122: {  	[sflag:s0] =	ssyncadd.s32 $0xFFFFFF00  }
0x123: {  	[tilespmem:s2], [sflag:$0x7] =	stream.indirect.gather [hbm4b:s1+s22], $0x80, s28, s22, $0xb8;
	[tilespmem:$0x1FC80] =	vst v63  }
0x124: {  	_ =	swait.ge [sflag:s6], $0x4000  }
0x125: {  	[sflag:s6] =	ssyncset.done $0x0  }
0x126: {  	[sflag:s6] =	ssyncadd.s32 $0xFFFFC000  }
0x127: {  	[spmem:s3] =	stream.indirect.scatter.add.f32 [tilespmem:s24], [sflag:$0x8], $0x80, s15, s22, $0xb8;
	[tilespmem:$0x1FC80] =	vst v63  }
0x128: {  	_ =	swait.ge [sflag:s8], $0x4000  }
0x129: {  	[sflag:s8] =	ssyncset.done $0x0  }
0x12a: {  	s25 =	sadd.s32 $0x140, s19;
	[sflag:s8] =	ssyncadd.s32 $0xFFFFC000  }
0x12b: {  	[tilespmem:s30], [sflag:$0x3] =	stream.linear.gather [hbm4b:s25+s4], $0x100, $0x38;
	[tilespmem:$0x1FC80] =	vst v63  }
0x12c: {  	_ =	swait.ge [sflag:s21], $0x100  }
0x12d: {  	[sflag:s21] =	ssyncset.done $0x0  }
0x12e: {  	[sflag:s21] =	ssyncadd.s32 $0xFFFFFF00  }
0x12f: {  	[tilespmem:s24], [sflag:$0x5] =	stream.indirect.gather [hbm4b:s1+s22], $0x80, s29, s22, $0xb8;
	[tilespmem:$0x1FC80] =	vst v63  }
0x130: {  	_ =	swait.ge [sflag:s12], $0x4000  }
0x131: {  	[sflag:s12] =	ssyncset.done $0x0  }
0x132: {  	[sflag:s12] =	ssyncadd.s32 $0xFFFFC000  }
0x133: {  	[spmem:s3] =	stream.indirect.scatter.add.f32 [tilespmem:s23], [sflag:$0x8], $0x80, s16, s22, $0xb8;
	[tilespmem:$0x1FC80] =	vst v63  }
0x134: {  	_ =	swait.ge [sflag:s8], $0x4000  }
0x135: {  	[sflag:s8] =	ssyncset.done $0x0  }
0x136: {  	s25 =	sadd.s32 $0x160, s19;
	[sflag:s8] =	ssyncadd.s32 $0xFFFFC000  }
0x137: {  	[tilespmem:s31], [sflag:$0x4] =	stream.linear.gather [hbm4b:s25+s4], $0x100, $0x38;
	[tilespmem:$0x1FC80] =	vst v63  }
0x138: {  	_ =	swait.ge [sflag:s20], $0x100  }
0x139: {  	[sflag:s20] =	ssyncset.done $0x0  }
0x13a: {  	[sflag:s20] =	ssyncadd.s32 $0xFFFFFF00  }
0x13b: {  	[tilespmem:s23], [sflag:$0x6] =	stream.indirect.gather [hbm4b:s1+s22], $0x80, s30, s22, $0xb8;
	[tilespmem:$0x1FC80] =	vst v63  }
0x13c: {  	_ =	swait.ge [sflag:s14], $0x4000  }
0x13d: {  	[sflag:s14] =	ssyncset.done $0x0  }
0x13e: {  	[sflag:s14] =	ssyncadd.s32 $0xFFFFC000  }
0x13f: {  	[spmem:s3] =	stream.indirect.scatter.add.f32 [tilespmem:s2], [sflag:$0x8], $0x80, s7, s22, $0xb8;
	[tilespmem:$0x1FC80] =	vst v63  }
0x140: {  	_ =	swait.ge [sflag:s8], $0x4000  }
0x141: {  	[sflag:s8] =	ssyncset.done $0x0  }
0x142: {  	s25 =	sadd.s32 $0x180, s19;
	[sflag:s8] =	ssyncadd.s32 $0xFFFFC000  }
0x143: {  	[tilespmem:s28], [sflag:$0x1] =	stream.linear.gather [hbm4b:s25+s4], $0x100, $0x38;
	[tilespmem:$0x1FC80] =	vst v63  }
0x144: {  	_ =	swait.ge [sflag:s10], $0x100  }
0x145: {  	[sflag:s10] =	ssyncset.done $0x0  }
0x146: {  	[sflag:s10] =	ssyncadd.s32 $0xFFFFFF00  }
0x147: {  	[tilespmem:s2], [sflag:$0x7] =	stream.indirect.gather [hbm4b:s1+s22], $0x80, s31, s22, $0xb8;
	[tilespmem:$0x1FC80] =	vst v63  }
0x148: {  	_ =	swait.ge [sflag:s6], $0x4000  }
0x149: {  	[sflag:s6] =	ssyncset.done $0x0  }
0x14a: {  	[sflag:s6] =	ssyncadd.s32 $0xFFFFC000  }
0x14b: {  	[spmem:s3] =	stream.indirect.scatter.add.f32 [tilespmem:s24], [sflag:$0x8], $0x80, s13, s22, $0xb8;
	[tilespmem:$0x1FC80] =	vst v63  }
0x14c: {  	_ =	swait.ge [sflag:s8], $0x4000  }
0x14d: {  	[sflag:s8] =	ssyncset.done $0x0  }
0x14e: {  	s25 =	sadd.s32 $0x1A0, s19;
	[sflag:s8] =	ssyncadd.s32 $0xFFFFC000  }
0x14f: {  	[tilespmem:s29], [sflag:$0x2] =	stream.linear.gather [hbm4b:s25+s4], $0x100, $0x38;
	[tilespmem:$0x1FC80] =	vst v63  }
0x150: {  	_ =	swait.ge [sflag:s0], $0x100  }
0x151: {  	[sflag:s0] =	ssyncset.done $0x0  }
0x152: {  	[sflag:s0] =	ssyncadd.s32 $0xFFFFFF00  }
0x153: {  	[tilespmem:s24], [sflag:$0x5] =	stream.indirect.gather [hbm4b:s1+s22], $0x80, s28, s22, $0xb8;
	[tilespmem:$0x1FC80] =	vst v63  }
0x154: {  	_ =	swait.ge [sflag:s12], $0x4000  }
0x155: {  	[sflag:s12] =	ssyncset.done $0x0  }
0x156: {  	[sflag:s12] =	ssyncadd.s32 $0xFFFFC000  }
0x157: {  	[spmem:s3] =	stream.indirect.scatter.add.f32 [tilespmem:s23], [sflag:$0x8], $0x80, s15, s22, $0xb8;
	[tilespmem:$0x1FC80] =	vst v63  }
0x158: {  	_ =	swait.ge [sflag:s8], $0x4000  }
0x159: {  	[sflag:s8] =	ssyncset.done $0x0  }
0x15a: {  	s25 =	sadd.s32 $0x1C0, s19;
	[sflag:s8] =	ssyncadd.s32 $0xFFFFC000  }
0x15b: {  	[tilespmem:s30], [sflag:$0x3] =	stream.linear.gather [hbm4b:s25+s4], $0x100, $0x38;
	[tilespmem:$0x1FC80] =	vst v63  }
0x15c: {  	_ =	swait.ge [sflag:s21], $0x100  }
0x15d: {  	[sflag:s21] =	ssyncset.done $0x0  }
0x15e: {  	[sflag:s21] =	ssyncadd.s32 $0xFFFFFF00  }
0x15f: {  	[tilespmem:s23], [sflag:$0x6] =	stream.indirect.gather [hbm4b:s1+s22], $0x80, s29, s22, $0xb8;
	[tilespmem:$0x1FC80] =	vst v63  }
0x160: {  	_ =	swait.ge [sflag:s14], $0x4000  }
0x161: {  	[sflag:s14] =	ssyncset.done $0x0  }
.Ltmp3:
0x162: {  	[sflag:s14] =	ssyncadd.s32 $0xFFFFC000;
	(pc) =	sbr.rel @p3 .LBB2_3-.Ltmp3, $4  }
0x163: {  	[spmem:s3] =	stream.indirect.scatter.add.f32 [tilespmem:s2], [sflag:$0x8], $0x80, s16, s22, $0xb8;
	[tilespmem:$0x1FC80] =	vst v63  }
0x164: {  	_ =	swait.ge [sflag:s8], $0x4000  }
0x165: {  	[sflag:s8] =	ssyncset.done $0x0  }
0x166: {  	s19 =	sadd.s32 $0x1E0, s19;
	[sflag:s8] =	ssyncadd.s32 $0xFFFFC000  }
0x167: {  	[tilespmem:s31], [sflag:$0x4] =	stream.linear.gather [hbm4b:s19+s4], $0x100, $0x38;
	[tilespmem:$0x1FC80] =	vst v63  }
0x168: {  	_ =	swait.ge [sflag:s20], $0x100  }
0x169: {  	[sflag:s20] =	ssyncset.done $0x0  }
0x16a: {  	[sflag:s20] =	ssyncadd.s32 $0xFFFFFF00  }
0x16b: {  	[tilespmem:s2], [sflag:$0x7] =	stream.indirect.gather [hbm4b:s1+s22], $0x80, s30, s22, $0xb8;
	[tilespmem:$0x1FC80] =	vst v63  }
0x16c: {  	_ =	swait.ge [sflag:s6], $0x4000  }
0x16d: {  	[sflag:s6] =	ssyncset.done $0x0  }
0x16e: {  	[sflag:s6] =	ssyncadd.s32 $0xFFFFC000  }
0x16f: {  	[spmem:s3] =	stream.indirect.scatter.add.f32 [tilespmem:s24], [sflag:$0x8], $0x80, s7, s22, $0xb8;
	[tilespmem:$0x1FC80] =	vst v63  }
0x170: {  	_ =	swait.ge [sflag:s8], $0x4000  }
0x171: {  	[sflag:s8] =	ssyncset.done $0x0  }
0x172: {  	s18 =	rddreg [dreg:$0xa];
	[sflag:s8] =	ssyncadd.s32 $0xFFFFC000  }
0x173: {  	[tilespmem:s28], [sflag:$0x1] =	stream.linear.gather [hbm4b:s18+s4], $0x100, $0x38;
	[tilespmem:$0x1FC80] =	vst v63  }
0x174: {  	_ =	swait.ge [sflag:s10], $0x100  }
0x175: {  	[sflag:s10] =	ssyncset.done $0x0  }
0x176: {  	[sflag:s10] =	ssyncadd.s32 $0xFFFFFF00  }
0x177: {  	[tilespmem:s24], [sflag:$0x5] =	stream.indirect.gather [hbm4b:s1+s22], $0x80, s31, s22, $0xb8;
	[tilespmem:$0x1FC80] =	vst v63  }
0x178: {  	_ =	swait.ge [sflag:s12], $0x4000  }
0x179: {  	[sflag:s12] =	ssyncset.done $0x0  }
0x17a: {  	[sflag:s12] =	ssyncadd.s32 $0xFFFFC000  }
0x17b: {  	[spmem:s3] =	stream.indirect.scatter.add.f32 [tilespmem:s23], [sflag:$0x8], $0x80, s13, s22, $0xb8;
	[tilespmem:$0x1FC80] =	vst v63  }
0x17c: {  	_ =	swait.ge [sflag:s8], $0x4000  }
0x17d: {  	[sflag:s8] =	ssyncset.done $0x0  }
0x17e: {  	s19 =	rddreg [dreg:$0xb];
	[sflag:s8] =	ssyncadd.s32 $0xFFFFC000  }
0x17f: {  	[tilespmem:s29], [sflag:$0x2] =	stream.linear.gather [hbm4b:s19+s4], $0x100, $0x38;
	[tilespmem:$0x1FC80] =	vst v63  }
0x180: {  	_ =	swait.ge [sflag:s0], $0x100  }
0x181: {  	[sflag:s0] =	ssyncset.done $0x0  }
0x182: {  	[sflag:s0] =	ssyncadd.s32 $0xFFFFFF00  }
0x183: {  	[tilespmem:s23], [sflag:$0x6] =	stream.indirect.gather [hbm4b:s1+s22], $0x80, s28, s22, $0xb8;
	[tilespmem:$0x1FC80] =	vst v63  }
0x184: {  	_ =	swait.ge [sflag:s14], $0x4000  }
0x185: {  	[sflag:s14] =	ssyncset.done $0x0  }
0x186: {  	[sflag:s14] =	ssyncadd.s32 $0xFFFFC000  }
0x187: {  	[spmem:s3] =	stream.indirect.scatter.add.f32 [tilespmem:s2], [sflag:$0x8], $0x80, s15, s22, $0xb8;
	[tilespmem:$0x1FC80] =	vst v63  }
0x188: {  	_ =	swait.ge [sflag:s8], $0x4000  }
0x189: {  	[sflag:s8] =	ssyncset.done $0x0  }
0x18a: {  	s25 =	rddreg [dreg:$0xc];
	[sflag:s8] =	ssyncadd.s32 $0xFFFFC000  }
0x18b: {  	[tilespmem:s30], [sflag:$0x3] =	stream.linear.gather [hbm4b:s25+s4], $0x100, $0x38;
	[tilespmem:$0x1FC80] =	vst v63  }
0x18c: {  	_ =	swait.ge [sflag:s21], $0x100  }
0x18d: {  	[sflag:s21] =	ssyncset.done $0x0  }
0x18e: {  	[sflag:s21] =	ssyncadd.s32 $0xFFFFFF00  }
0x18f: {  	[tilespmem:s2], [sflag:$0x7] =	stream.indirect.gather [hbm4b:s1+s22], $0x80, s29, s22, $0xb8;
	[tilespmem:$0x1FC80] =	vst v63  }
0x190: {  	_ =	swait.ge [sflag:s6], $0x4000  }
0x191: {  	[sflag:s6] =	ssyncset.done $0x0  }
0x192: {  	[sflag:s6] =	ssyncadd.s32 $0xFFFFC000  }
0x193: {  	[spmem:s3] =	stream.indirect.scatter.add.f32 [tilespmem:s24], [sflag:$0x8], $0x80, s16, s22, $0xb8;
	[tilespmem:$0x1FC80] =	vst v63  }
0x194: {  	_ =	swait.ge [sflag:s8], $0x4000  }
0x195: {  	[sflag:s8] =	ssyncset.done $0x0  }
0x196: {  	s26 =	rddreg [dreg:$0xd];
	[sflag:s8] =	ssyncadd.s32 $0xFFFFC000  }
0x197: {  	[tilespmem:s31], [sflag:$0x4] =	stream.linear.gather [hbm4b:s26+s4], $0x100, $0x38;
	[tilespmem:$0x1FC80] =	vst v63  }
0x198: {  	_ =	swait.ge [sflag:s20], $0x100  }
0x199: {  	[sflag:s20] =	ssyncset.done $0x0  }
0x19a: {  	[sflag:s20] =	ssyncadd.s32 $0xFFFFFF00  }
0x19b: {  	[tilespmem:s24], [sflag:$0x5] =	stream.indirect.gather [hbm4b:s1+s22], $0x80, s30, s22, $0xb8;
	[tilespmem:$0x1FC80] =	vst v63  }
0x19c: {  	_ =	swait.ge [sflag:s12], $0x4000  }
0x19d: {  	[sflag:s12] =	ssyncset.done $0x0  }
0x19e: {  	[sflag:s12] =	ssyncadd.s32 $0xFFFFC000  }
0x19f: {  	[spmem:s3] =	stream.indirect.scatter.add.f32 [tilespmem:s23], [sflag:$0x8], $0x80, s7, s22, $0xb8;
	[tilespmem:$0x1FC80] =	vst v63  }
0x1a0: {  	_ =	swait.ge [sflag:s8], $0x4000  }
0x1a1: {  	[sflag:s8] =	ssyncset.done $0x0  }
0x1a2: {  	s11 =	rddreg [dreg:$0xe];
	[sflag:s8] =	ssyncadd.s32 $0xFFFFC000  }
0x1a3: {  	[tilespmem:s28], [sflag:$0x1] =	stream.linear.gather [hbm4b:s11+s4], $0x100, $0x38;
	[tilespmem:$0x1FC80] =	vst v63  }
0x1a4: {  	_ =	swait.ge [sflag:s10], $0x100  }
0x1a5: {  	[sflag:s10] =	ssyncset.done $0x0  }
0x1a6: {  	[sflag:s10] =	ssyncadd.s32 $0xFFFFFF00  }
0x1a7: {  	[tilespmem:s23], [sflag:$0x6] =	stream.indirect.gather [hbm4b:s1+s22], $0x80, s31, s22, $0xb8;
	[tilespmem:$0x1FC80] =	vst v63  }
0x1a8: {  	_ =	swait.ge [sflag:s14], $0x4000  }
0x1a9: {  	[sflag:s14] =	ssyncset.done $0x0  }
0x1aa: {  	[sflag:s14] =	ssyncadd.s32 $0xFFFFC000  }
0x1ab: {  	[spmem:s3] =	stream.indirect.scatter.add.f32 [tilespmem:s2], [sflag:$0x8], $0x80, s13, s22, $0xb8;
	[tilespmem:$0x1FC80] =	vst v63  }
0x1ac: {  	_ =	swait.ge [sflag:s8], $0x4000  }
0x1ad: {  	[sflag:s8] =	ssyncset.done $0x0  }
0x1ae: {  	s19 =	rddreg [dreg:$0xf];
	[sflag:s8] =	ssyncadd.s32 $0xFFFFC000  }
0x1af: {  	[tilespmem:s29], [sflag:$0x2] =	stream.linear.gather [hbm4b:s19+s4], $0x100, $0x38;
	[tilespmem:$0x1FC80] =	vst v63  }
0x1b0: {  	_ =	swait.ge [sflag:s0], $0x100  }
0x1b1: {  	[sflag:s0] =	ssyncset.done $0x0  }
0x1b2: {  	[sflag:s0] =	ssyncadd.s32 $0xFFFFFF00  }
0x1b3: {  	[tilespmem:s2], [sflag:$0x7] =	stream.indirect.gather [hbm4b:s1+s22], $0x80, s28, s22, $0xb8;
	[tilespmem:$0x1FC80] =	vst v63  }
0x1b4: {  	_ =	swait.ge [sflag:s6], $0x4000  }
0x1b5: {  	[sflag:s6] =	ssyncset.done $0x0  }
0x1b6: {  	[sflag:s6] =	ssyncadd.s32 $0xFFFFC000  }
0x1b7: {  	[spmem:s3] =	stream.indirect.scatter.add.f32 [tilespmem:s24], [sflag:$0x8], $0x80, s15, s22, $0xb8;
	[tilespmem:$0x1FC80] =	vst v63  }
0x1b8: {  	_ =	swait.ge [sflag:s8], $0x4000  }
0x1b9: {  	[sflag:s8] =	ssyncset.done $0x0  }
0x1ba: {  	s25 =	rddreg [dreg:$0x10];
	[sflag:s8] =	ssyncadd.s32 $0xFFFFC000  }
0x1bb: {  	[tilespmem:s30], [sflag:$0x3] =	stream.linear.gather [hbm4b:s25+s4], $0x100, $0x38;
	[tilespmem:$0x1FC80] =	vst v63  }
0x1bc: {  	_ =	swait.ge [sflag:s21], $0x100  }
0x1bd: {  	[sflag:s21] =	ssyncset.done $0x0  }
0x1be: {  	[sflag:s21] =	ssyncadd.s32 $0xFFFFFF00  }
0x1bf: {  	[tilespmem:s24], [sflag:$0x5] =	stream.indirect.gather [hbm4b:s1+s22], $0x80, s29, s22, $0xb8;
	[tilespmem:$0x1FC80] =	vst v63  }
0x1c0: {  	_ =	swait.ge [sflag:s12], $0x4000  }
0x1c1: {  	[sflag:s12] =	ssyncset.done $0x0  }
0x1c2: {  	[sflag:s12] =	ssyncadd.s32 $0xFFFFC000  }
0x1c3: {  	[spmem:s3] =	stream.indirect.scatter.add.f32 [tilespmem:s23], [sflag:$0x8], $0x80, s16, s22, $0xb8;
	[tilespmem:$0x1FC80] =	vst v63  }
0x1c4: {  	_ =	swait.ge [sflag:s8], $0x4000  }
0x1c5: {  	[sflag:s8] =	ssyncset.done $0x0  }
0x1c6: {  	s26 =	rddreg [dreg:$0x11];
	[sflag:s8] =	ssyncadd.s32 $0xFFFFC000  }
0x1c7: {  	[tilespmem:s31], [sflag:$0x4] =	stream.linear.gather [hbm4b:s26+s4], $0x100, $0x38;
	[tilespmem:$0x1FC80] =	vst v63  }
0x1c8: {  	_ =	swait.ge [sflag:s20], $0x100  }
0x1c9: {  	[sflag:s20] =	ssyncset.done $0x0  }
0x1ca: {  	[sflag:s20] =	ssyncadd.s32 $0xFFFFFF00  }
0x1cb: {  	[tilespmem:s23], [sflag:$0x6] =	stream.indirect.gather [hbm4b:s1+s22], $0x80, s30, s22, $0xb8;
	[tilespmem:$0x1FC80] =	vst v63  }
0x1cc: {  	_ =	swait.ge [sflag:s14], $0x4000  }
0x1cd: {  	[sflag:s14] =	ssyncset.done $0x0  }
0x1ce: {  	[sflag:s14] =	ssyncadd.s32 $0xFFFFC000  }
0x1cf: {  	[spmem:s3] =	stream.indirect.scatter.add.f32 [tilespmem:s2], [sflag:$0x8], $0x80, s7, s22, $0xb8;
	[tilespmem:$0x1FC80] =	vst v63  }
0x1d0: {  	_ =	swait.ge [sflag:s8], $0x4000  }
0x1d1: {  	[sflag:s8] =	ssyncset.done $0x0  }
0x1d2: {  	[sflag:s8] =	ssyncadd.s32 $0xFFFFC000  }
0x1d3: {  	_ =	swait.ge [sflag:s10], $0x100  }
0x1d4: {  	[sflag:s10] =	ssyncset.done $0x0  }
0x1d5: {  	[sflag:s10] =	ssyncadd.s32 $0xFFFFFF00  }
0x1d6: {  	[tilespmem:s2], [sflag:$0x7] =	stream.indirect.gather [hbm4b:s1+s22], $0x80, s31, s22, $0xb8;
	[tilespmem:$0x1FC80] =	vst v63  }
0x1d7: {  	_ =	swait.ge [sflag:s6], $0x4000  }
0x1d8: {  	[sflag:s6] =	ssyncset.done $0x0  }
0x1d9: {  	[sflag:s6] =	ssyncadd.s32 $0xFFFFC000  }
0x1da: {  	[spmem:s3] =	stream.indirect.scatter.add.f32 [tilespmem:s24], [sflag:$0x8], $0x80, s13, s22, $0xb8;
	[tilespmem:$0x1FC80] =	vst v63  }
0x1db: {  	_ =	swait.ge [sflag:s8], $0x4000  }
0x1dc: {  	[sflag:s8] =	ssyncset.done $0x0  }
0x1dd: {  	[sflag:s8] =	ssyncadd.s32 $0xFFFFC000  }
0x1de: {  	_ =	swait.ge [sflag:s12], $0x4000  }
0x1df: {  	[sflag:s12] =	ssyncset.done $0x0  }
0x1e0: {  	[sflag:s12] =	ssyncadd.s32 $0xFFFFC000  }
0x1e1: {  	[spmem:s3] =	stream.indirect.scatter.add.f32 [tilespmem:s23], [sflag:$0x8], $0x80, s15, s22, $0xb8;
	[tilespmem:$0x1FC80] =	vst v63  }
0x1e2: {  	_ =	swait.ge [sflag:s8], $0x4000  }
0x1e3: {  	[sflag:s8] =	ssyncset.done $0x0  }
0x1e4: {  	[sflag:s8] =	ssyncadd.s32 $0xFFFFC000  }
0x1e5: {  	_ =	swait.ge [sflag:s14], $0x4000  }
0x1e6: {  	[sflag:s14] =	ssyncset.done $0x0  }
.Ltmp4:
0x1e7: {  	[sflag:s14] =	ssyncadd.s32 $0xFFFFC000;
	(pc) =	sbr.rel @p2 .LBB2_10-.Ltmp4, $4  }
0x1e8: {  	[spmem:s3] =	stream.indirect.scatter.add.f32 [tilespmem:s2], [sflag:$0x8], $0x80, s16, s22, $0xb8;
	[tilespmem:$0x1FC80] =	vst v63  }
0x1e9: {  	_ =	swait.ge [sflag:s8], $0x4000  }
0x1ea: {  	[sflag:s8] =	ssyncset.done $0x0  }
0x1eb: {  	[sflag:s8] =	ssyncadd.s32 $0xFFFFC000  }
0x1ec: {  	s18 =	rddreg [dreg:$0x12]  }
0x1ed: {  	[tilespmem:s28], [sflag:$0x8] =	stream.linear.gather [hbm4b:s18+s4], $0x100, $0x38;
	[tilespmem:$0x1FC80] =	vst v63  }
0x1ee: {  	_ =	swait.ge [sflag:s8], $0x100  }
0x1ef: {  	[sflag:s8] =	ssyncset.done $0x0  }
0x1f0: {  	[sflag:s8] =	ssyncadd.s32 $0xFFFFFF00  }
0x1f1: {  	[tilespmem:s24], [sflag:$0x5] =	stream.indirect.gather [hbm4b:s1+s22], $0x80, s28, s22, $0xb8;
	[tilespmem:$0x1FC80] =	vst v63  }
0x1f2: {  	_ =	swait.ge [sflag:s6], $0x4000  }
0x1f3: {  	[sflag:s6] =	ssyncset.done $0x0  }
0x1f4: {  	[sflag:s6] =	ssyncadd.s32 $0xFFFFC000  }
0x1f5: {  	[spmem:s3] =	stream.indirect.scatter.add.f32 [tilespmem:s24], [sflag:$0x8], $0x80, s7, s22, $0xb8;
	[tilespmem:$0x1FC80] =	vst v63  }
.Ltmp5:
0x1f6: {  	_ =	swait.ge [sflag:s8], $0x4000;
	(pc) =	sbr.rel .LBB2_11-.Ltmp5, $3  }
0x1f7: {  	[sflag:s8] =	ssyncset.done $0x0  }
0x1f8: {  	[sflag:s8] =	ssyncadd.s32 $0xFFFFC000  }
0x1f9: {  	[bflag:$0x0] =	sbarrier.arrive $0xFFFF;
	_ =	sdelay $0x1  }
.LBB2_6:
0x1fa: {  	[tilespmem:s24], [sflag:$0x5] =	stream.indirect.gather [hbm4b:s1+s22], $0x80, s7, s22, $0xb8;
	[tilespmem:$0x1FC80] =	vst v63  }
0x1fb: {  	_ =	swait.ge [sflag:s21], $0x100  }
0x1fc: {  	[sflag:s21] =	ssyncset.done $0x0  }
0x1fd: {  	s26 =	simm.s32 @p1 $0x1FC8;
	s11 =	rddreg [dreg:$0x18];
	[sflag:s21] =	ssyncadd.s32 $0xFFFFFF00  }
0x1fe: {  	[tilespmem:s23], [sflag:$0x6] =	stream.indirect.gather [hbm4b:s1+s22], $0x80, s13, s22, $0xb8;
	[tilespmem:$0x1FC80] =	vst v63  }
0x1ff: {  	[spmem:s25], [sflag:s26] =	dma.local @p1 [hbm:s11], $0x1900  }
0x200: {  	s25 =	simm.s32 @p1 $0x8  }
0x201: {  	_ =	swait.ge @p1 [sflag:s25], $0x1900  }
0x202: {  	[sflag:s25] =	ssyncset.done @p1 $0x0  }
0x203: {  	[sflag:s25] =	ssyncadd.s32 @p1 $0xFFFFE700;
	s25 =	rddreg [dreg:$0x9]  }
0x204: {  	[spmem:s18], [sflag:s19] =	dma.local @!p1 [hbm:s25], $0x2800  }
0x205: {  	s18 =	simm.s32 @!p1 $0x8  }
0x206: {  	_ =	swait.ge @!p1 [sflag:s18], $0x2800  }
0x207: {  	[sflag:s18] =	ssyncset.done @!p1 $0x0  }
0x208: {  	[sflag:s18] =	ssyncadd.s32 @!p1 $0xFFFFD800  }
0x209: {  	[bflag:$0x0] =	sbarrier.arrive $0xFFFF  }
0x20a: {  	_ =	swait.ge [sflag:s20], $0x100  }
0x20b: {  	[sflag:s20] =	ssyncset.done $0x0  }
0x20c: {  	[sflag:s20] =	ssyncadd.s32 $0xFFFFFF00  }
0x20d: {  	[tilespmem:s2], [sflag:$0x7] =	stream.indirect.gather [hbm4b:s1+s22], $0x80, s15, s22, $0xb8;
	[tilespmem:$0x1FC80] =	vst v63  }
0x20e: {  	_ =	swait.ge [sflag:s6], $0x4000  }
0x20f: {  	[sflag:s6] =	ssyncset.done $0x0  }
0x210: {  	[sflag:s6] =	ssyncadd.s32 $0xFFFFC000  }
0x211: {  	[spmem:s3] =	stream.indirect.scatter.add.f32 [tilespmem:s24], [sflag:$0x8], $0x80, s28, s22, $0xb8;
	[tilespmem:$0x1FC80] =	vst v63  }
0x212: {  	_ =	swait.ge [sflag:s8], $0x4000  }
0x213: {  	s19 =	sadd.s32 $0x0, s5;
	[sflag:s8] =	ssyncset.done $0x0  }
0x214: {  	s25 =	sadd.s32 $0x80, s19;
	[sflag:s8] =	ssyncadd.s32 $0xFFFFC000  }
0x215: {  	[tilespmem:s28], [sflag:$0x1] =	stream.linear.gather [hbm4b:s25+s4], $0x100, $0x38;
	[tilespmem:$0x1FC80] =	vst v63  }
0x216: {  	_ =	swait.ge [sflag:s10], $0x100  }
0x217: {  	[sflag:s10] =	ssyncset.done $0x0  }
0x218: {  	[sflag:s10] =	ssyncadd.s32 $0xFFFFFF00  }
0x219: {  	[tilespmem:s24], [sflag:$0x5] =	stream.indirect.gather [hbm4b:s1+s22], $0x80, s16, s22, $0xb8;
	[tilespmem:$0x1FC80] =	vst v63  }
0x21a: {  	_ =	swait.ge [sflag:s12], $0x4000  }
0x21b: {  	[sflag:s12] =	ssyncset.done $0x0  }
0x21c: {  	[sflag:s12] =	ssyncadd.s32 $0xFFFFC000  }
0x21d: {  	[spmem:s3] =	stream.indirect.scatter.add.f32 [tilespmem:s23], [sflag:$0x8], $0x80, s29, s22, $0xb8;
	[tilespmem:$0x1FC80] =	vst v63  }
0x21e: {  	_ =	swait.ge [sflag:s8], $0x4000  }
0x21f: {  	[sflag:s8] =	ssyncset.done $0x0  }
0x220: {  	s26 =	sadd.s32 $0xA0, s19;
	[sflag:s8] =	ssyncadd.s32 $0xFFFFC000  }
0x221: {  	[tilespmem:s29], [sflag:$0x2] =	stream.linear.gather [hbm4b:s26+s4], $0x100, $0x38;
	[tilespmem:$0x1FC80] =	vst v63  }
0x222: {  	_ =	swait.ge [sflag:s0], $0x100  }
0x223: {  	[sflag:s0] =	ssyncset.done $0x0  }
0x224: {  	[sflag:s0] =	ssyncadd.s32 $0xFFFFFF00  }
0x225: {  	[tilespmem:s23], [sflag:$0x6] =	stream.indirect.gather [hbm4b:s1+s22], $0x80, s7, s22, $0xb8;
	[tilespmem:$0x1FC80] =	vst v63  }
0x226: {  	_ =	swait.ge [sflag:s14], $0x4000  }
0x227: {  	[sflag:s14] =	ssyncset.done $0x0  }
0x228: {  	[sflag:s14] =	ssyncadd.s32 $0xFFFFC000  }
0x229: {  	[spmem:s3] =	stream.indirect.scatter.add.f32 [tilespmem:s2], [sflag:$0x8], $0x80, s30, s22, $0xb8;
	[tilespmem:$0x1FC80] =	vst v63  }
0x22a: {  	_ =	swait.ge [sflag:s8], $0x4000  }
0x22b: {  	[sflag:s8] =	ssyncset.done $0x0  }
0x22c: {  	s11 =	sadd.s32 $0xC0, s19;
	[sflag:s8] =	ssyncadd.s32 $0xFFFFC000  }
0x22d: {  	[tilespmem:s30], [sflag:$0x3] =	stream.linear.gather [hbm4b:s11+s4], $0x100, $0x38;
	[tilespmem:$0x1FC80] =	vst v63  }
0x22e: {  	_ =	swait.ge [sflag:s21], $0x100  }
0x22f: {  	[sflag:s21] =	ssyncset.done $0x0  }
0x230: {  	[sflag:s21] =	ssyncadd.s32 $0xFFFFFF00  }
0x231: {  	[tilespmem:s2], [sflag:$0x7] =	stream.indirect.gather [hbm4b:s1+s22], $0x80, s13, s22, $0xb8;
	[tilespmem:$0x1FC80] =	vst v63  }
0x232: {  	_ =	swait.ge [sflag:s6], $0x4000  }
0x233: {  	[sflag:s6] =	ssyncset.done $0x0  }
0x234: {  	[sflag:s6] =	ssyncadd.s32 $0xFFFFC000  }
0x235: {  	[spmem:s3] =	stream.indirect.scatter.add.f32 [tilespmem:s24], [sflag:$0x8], $0x80, s31, s22, $0xb8;
	[tilespmem:$0x1FC80] =	vst v63  }
0x236: {  	_ =	swait.ge [sflag:s8], $0x4000  }
0x237: {  	[sflag:s8] =	ssyncset.done $0x0  }
0x238: {  	s25 =	sadd.s32 $0xE0, s19;
	[sflag:s8] =	ssyncadd.s32 $0xFFFFC000  }
0x239: {  	[tilespmem:s31], [sflag:$0x4] =	stream.linear.gather [hbm4b:s25+s4], $0x100, $0x38;
	[tilespmem:$0x1FC80] =	vst v63  }
0x23a: {  	_ =	swait.ge [sflag:s20], $0x100  }
0x23b: {  	[sflag:s20] =	ssyncset.done $0x0  }
0x23c: {  	[sflag:s20] =	ssyncadd.s32 $0xFFFFFF00  }
0x23d: {  	[tilespmem:s24], [sflag:$0x5] =	stream.indirect.gather [hbm4b:s1+s22], $0x80, s15, s22, $0xb8;
	[tilespmem:$0x1FC80] =	vst v63  }
0x23e: {  	_ =	swait.ge [sflag:s12], $0x4000  }
0x23f: {  	[sflag:s12] =	ssyncset.done $0x0  }
0x240: {  	[sflag:s12] =	ssyncadd.s32 $0xFFFFC000  }
0x241: {  	[spmem:s3] =	stream.indirect.scatter.add.f32 [tilespmem:s23], [sflag:$0x8], $0x80, s28, s22, $0xb8;
	[tilespmem:$0x1FC80] =	vst v63  }
0x242: {  	_ =	swait.ge [sflag:s8], $0x4000  }
0x243: {  	[sflag:s8] =	ssyncset.done $0x0  }
0x244: {  	s26 =	sadd.s32 $0x100, s19;
	[sflag:s8] =	ssyncadd.s32 $0xFFFFC000  }
0x245: {  	[tilespmem:s28], [sflag:$0x1] =	stream.linear.gather [hbm4b:s26+s4], $0x100, $0x38;
	[tilespmem:$0x1FC80] =	vst v63  }
0x246: {  	_ =	swait.ge [sflag:s10], $0x100  }
0x247: {  	[sflag:s10] =	ssyncset.done $0x0  }
0x248: {  	[sflag:s10] =	ssyncadd.s32 $0xFFFFFF00  }
0x249: {  	[tilespmem:s23], [sflag:$0x6] =	stream.indirect.gather [hbm4b:s1+s22], $0x80, s16, s22, $0xb8;
	[tilespmem:$0x1FC80] =	vst v63  }
0x24a: {  	_ =	swait.ge [sflag:s14], $0x4000  }
0x24b: {  	[sflag:s14] =	ssyncset.done $0x0  }
0x24c: {  	[sflag:s14] =	ssyncadd.s32 $0xFFFFC000  }
0x24d: {  	[spmem:s3] =	stream.indirect.scatter.add.f32 [tilespmem:s2], [sflag:$0x8], $0x80, s29, s22, $0xb8;
	[tilespmem:$0x1FC80] =	vst v63  }
0x24e: {  	_ =	swait.ge [sflag:s8], $0x4000  }
0x24f: {  	[sflag:s8] =	ssyncset.done $0x0  }
0x250: {  	s11 =	sadd.s32 $0x120, s19;
	[sflag:s8] =	ssyncadd.s32 $0xFFFFC000  }
0x251: {  	[tilespmem:s29], [sflag:$0x2] =	stream.linear.gather [hbm4b:s11+s4], $0x100, $0x38;
	[tilespmem:$0x1FC80] =	vst v63  }
0x252: {  	_ =	swait.ge [sflag:s0], $0x100  }
0x253: {  	[sflag:s0] =	ssyncset.done $0x0  }
0x254: {  	[sflag:s0] =	ssyncadd.s32 $0xFFFFFF00  }
0x255: {  	[tilespmem:s2], [sflag:$0x7] =	stream.indirect.gather [hbm4b:s1+s22], $0x80, s7, s22, $0xb8;
	[tilespmem:$0x1FC80] =	vst v63  }
0x256: {  	_ =	swait.ge [sflag:s6], $0x4000  }
0x257: {  	[sflag:s6] =	ssyncset.done $0x0  }
0x258: {  	[sflag:s6] =	ssyncadd.s32 $0xFFFFC000  }
0x259: {  	[spmem:s3] =	stream.indirect.scatter.add.f32 [tilespmem:s24], [sflag:$0x8], $0x80, s30, s22, $0xb8;
	[tilespmem:$0x1FC80] =	vst v63  }
0x25a: {  	_ =	swait.ge [sflag:s8], $0x4000  }
0x25b: {  	[sflag:s8] =	ssyncset.done $0x0  }
0x25c: {  	s25 =	sadd.s32 $0x140, s19;
	[sflag:s8] =	ssyncadd.s32 $0xFFFFC000  }
0x25d: {  	[tilespmem:s30], [sflag:$0x3] =	stream.linear.gather [hbm4b:s25+s4], $0x100, $0x38;
	[tilespmem:$0x1FC80] =	vst v63  }
0x25e: {  	_ =	swait.ge [sflag:s21], $0x100  }
0x25f: {  	[sflag:s21] =	ssyncset.done $0x0  }
0x260: {  	[sflag:s21] =	ssyncadd.s32 $0xFFFFFF00  }
0x261: {  	[tilespmem:s24], [sflag:$0x5] =	stream.indirect.gather [hbm4b:s1+s22], $0x80, s13, s22, $0xb8;
	[tilespmem:$0x1FC80] =	vst v63  }
0x262: {  	_ =	swait.ge [sflag:s12], $0x4000  }
0x263: {  	[sflag:s12] =	ssyncset.done $0x0  }
0x264: {  	[sflag:s12] =	ssyncadd.s32 $0xFFFFC000  }
0x265: {  	[spmem:s3] =	stream.indirect.scatter.add.f32 [tilespmem:s23], [sflag:$0x8], $0x80, s31, s22, $0xb8;
	[tilespmem:$0x1FC80] =	vst v63  }
0x266: {  	_ =	swait.ge [sflag:s8], $0x4000  }
0x267: {  	[sflag:s8] =	ssyncset.done $0x0  }
0x268: {  	s26 =	sadd.s32 $0x160, s19;
	[sflag:s8] =	ssyncadd.s32 $0xFFFFC000  }
0x269: {  	[tilespmem:s31], [sflag:$0x4] =	stream.linear.gather [hbm4b:s26+s4], $0x100, $0x38;
	[tilespmem:$0x1FC80] =	vst v63  }
0x26a: {  	_ =	swait.ge [sflag:s20], $0x100  }
0x26b: {  	[sflag:s20] =	ssyncset.done $0x0  }
0x26c: {  	[sflag:s20] =	ssyncadd.s32 $0xFFFFFF00  }
0x26d: {  	[tilespmem:s23], [sflag:$0x6] =	stream.indirect.gather [hbm4b:s1+s22], $0x80, s15, s22, $0xb8;
	[tilespmem:$0x1FC80] =	vst v63  }
0x26e: {  	_ =	swait.ge [sflag:s14], $0x4000  }
0x26f: {  	[sflag:s14] =	ssyncset.done $0x0  }
0x270: {  	[sflag:s14] =	ssyncadd.s32 $0xFFFFC000  }
0x271: {  	[spmem:s3] =	stream.indirect.scatter.add.f32 [tilespmem:s2], [sflag:$0x8], $0x80, s28, s22, $0xb8;
	[tilespmem:$0x1FC80] =	vst v63  }
0x272: {  	_ =	swait.ge [sflag:s8], $0x4000  }
0x273: {  	[sflag:s8] =	ssyncset.done $0x0  }
0x274: {  	s11 =	sadd.s32 $0x180, s19;
	[sflag:s8] =	ssyncadd.s32 $0xFFFFC000  }
0x275: {  	[tilespmem:s28], [sflag:$0x1] =	stream.linear.gather [hbm4b:s11+s4], $0x100, $0x38;
	[tilespmem:$0x1FC80] =	vst v63  }
0x276: {  	_ =	swait.ge [sflag:s10], $0x100  }
0x277: {  	[sflag:s10] =	ssyncset.done $0x0  }
0x278: {  	[sflag:s10] =	ssyncadd.s32 $0xFFFFFF00  }
0x279: {  	[tilespmem:s2], [sflag:$0x7] =	stream.indirect.gather [hbm4b:s1+s22], $0x80, s16, s22, $0xb8;
	[tilespmem:$0x1FC80] =	vst v63  }
0x27a: {  	_ =	swait.ge [sflag:s6], $0x4000  }
0x27b: {  	[sflag:s6] =	ssyncset.done $0x0  }
0x27c: {  	[sflag:s6] =	ssyncadd.s32 $0xFFFFC000  }
0x27d: {  	[spmem:s3] =	stream.indirect.scatter.add.f32 [tilespmem:s24], [sflag:$0x8], $0x80, s29, s22, $0xb8;
	[tilespmem:$0x1FC80] =	vst v63  }
0x27e: {  	_ =	swait.ge [sflag:s8], $0x4000  }
0x27f: {  	[sflag:s8] =	ssyncset.done $0x0  }
0x280: {  	s25 =	sadd.s32 $0x1A0, s19;
	[sflag:s8] =	ssyncadd.s32 $0xFFFFC000  }
0x281: {  	[tilespmem:s29], [sflag:$0x2] =	stream.linear.gather [hbm4b:s25+s4], $0x100, $0x38;
	[tilespmem:$0x1FC80] =	vst v63  }
0x282: {  	_ =	swait.ge [sflag:s0], $0x100  }
0x283: {  	[sflag:s0] =	ssyncset.done $0x0  }
0x284: {  	[sflag:s0] =	ssyncadd.s32 $0xFFFFFF00  }
0x285: {  	[tilespmem:s24], [sflag:$0x5] =	stream.indirect.gather [hbm4b:s1+s22], $0x80, s7, s22, $0xb8;
	[tilespmem:$0x1FC80] =	vst v63  }
0x286: {  	_ =	swait.ge [sflag:s12], $0x4000  }
0x287: {  	[sflag:s12] =	ssyncset.done $0x0  }
0x288: {  	[sflag:s12] =	ssyncadd.s32 $0xFFFFC000  }
0x289: {  	[spmem:s3] =	stream.indirect.scatter.add.f32 [tilespmem:s23], [sflag:$0x8], $0x80, s30, s22, $0xb8;
	[tilespmem:$0x1FC80] =	vst v63  }
0x28a: {  	_ =	swait.ge [sflag:s8], $0x4000  }
0x28b: {  	[sflag:s8] =	ssyncset.done $0x0  }
0x28c: {  	s26 =	sadd.s32 $0x1C0, s19;
	[sflag:s8] =	ssyncadd.s32 $0xFFFFC000  }
0x28d: {  	[tilespmem:s30], [sflag:$0x3] =	stream.linear.gather [hbm4b:s26+s4], $0x100, $0x38;
	[tilespmem:$0x1FC80] =	vst v63  }
0x28e: {  	_ =	swait.ge [sflag:s21], $0x100  }
0x28f: {  	[sflag:s21] =	ssyncset.done $0x0  }
0x290: {  	[sflag:s21] =	ssyncadd.s32 $0xFFFFFF00  }
0x291: {  	[tilespmem:s23], [sflag:$0x6] =	stream.indirect.gather [hbm4b:s1+s22], $0x80, s13, s22, $0xb8;
	[tilespmem:$0x1FC80] =	vst v63  }
0x292: {  	_ =	swait.ge [sflag:s14], $0x4000  }
0x293: {  	[sflag:s14] =	ssyncset.done $0x0  }
0x294: {  	[sflag:s14] =	ssyncadd.s32 $0xFFFFC000  }
0x295: {  	[spmem:s3] =	stream.indirect.scatter.add.f32 [tilespmem:s2], [sflag:$0x8], $0x80, s31, s22, $0xb8;
	[tilespmem:$0x1FC80] =	vst v63  }
0x296: {  	_ =	swait.ge [sflag:s8], $0x4000  }
0x297: {  	[sflag:s8] =	ssyncset.done $0x0  }
0x298: {  	s18 =	simm.s32 $0x180;
	s19 =	sadd.s32 $0x1E0, s19;
	[sflag:s8] =	ssyncadd.s32 $0xFFFFC000  }
.LBB2_7:
0x299: {  	[tilespmem:s31], [sflag:$0x4] =	stream.linear.gather [hbm4b:s19+s4], $0x100, $0x38;
	[tilespmem:$0x1FC80] =	vst v63  }
0x29a: {  	s19 =	smov.u32 s18  }
0x29b: {  	p3 =	sne.s32 s18, $0x1080;
	s18 =	sadd.s32 $0x180, s18;
	_ =	swait.ge [sflag:s20], $0x100  }
0x29c: {  	[sflag:s20] =	ssyncset.done $0x0  }
0x29d: {  	[sflag:s20] =	ssyncadd.s32 $0xFFFFFF00  }
0x29e: {  	[tilespmem:s2], [sflag:$0x7] =	stream.indirect.gather [hbm4b:s1+s22], $0x80, s15, s22, $0xb8;
	[tilespmem:$0x1FC80] =	vst v63  }
0x29f: {  	_ =	swait.ge [sflag:s6], $0x4000  }
0x2a0: {  	[sflag:s6] =	ssyncset.done $0x0  }
0x2a1: {  	[sflag:s6] =	ssyncadd.s32 $0xFFFFC000  }
0x2a2: {  	[spmem:s3] =	stream.indirect.scatter.add.f32 [tilespmem:s24], [sflag:$0x8], $0x80, s28, s22, $0xb8;
	[tilespmem:$0x1FC80] =	vst v63  }
0x2a3: {  	_ =	swait.ge [sflag:s8], $0x4000  }
0x2a4: {  	s19 =	sadd.s32 s19, s5;
	[sflag:s8] =	ssyncset.done $0x0  }
0x2a5: {  	s25 =	sadd.s32 $0x80, s19;
	[sflag:s8] =	ssyncadd.s32 $0xFFFFC000  }
0x2a6: {  	[tilespmem:s28], [sflag:$0x1] =	stream.linear.gather [hbm4b:s25+s4], $0x100, $0x38;
	[tilespmem:$0x1FC80] =	vst v63  }
0x2a7: {  	_ =	swait.ge [sflag:s10], $0x100  }
0x2a8: {  	[sflag:s10] =	ssyncset.done $0x0  }
0x2a9: {  	[sflag:s10] =	ssyncadd.s32 $0xFFFFFF00  }
0x2aa: {  	[tilespmem:s24], [sflag:$0x5] =	stream.indirect.gather [hbm4b:s1+s22], $0x80, s16, s22, $0xb8;
	[tilespmem:$0x1FC80] =	vst v63  }
0x2ab: {  	_ =	swait.ge [sflag:s12], $0x4000  }
0x2ac: {  	[sflag:s12] =	ssyncset.done $0x0  }
0x2ad: {  	[sflag:s12] =	ssyncadd.s32 $0xFFFFC000  }
0x2ae: {  	[spmem:s3] =	stream.indirect.scatter.add.f32 [tilespmem:s23], [sflag:$0x8], $0x80, s29, s22, $0xb8;
	[tilespmem:$0x1FC80] =	vst v63  }
0x2af: {  	_ =	swait.ge [sflag:s8], $0x4000  }
0x2b0: {  	[sflag:s8] =	ssyncset.done $0x0  }
0x2b1: {  	s25 =	sadd.s32 $0xA0, s19;
	[sflag:s8] =	ssyncadd.s32 $0xFFFFC000  }
0x2b2: {  	[tilespmem:s29], [sflag:$0x2] =	stream.linear.gather [hbm4b:s25+s4], $0x100, $0x38;
	[tilespmem:$0x1FC80] =	vst v63  }
0x2b3: {  	_ =	swait.ge [sflag:s0], $0x100  }
0x2b4: {  	[sflag:s0] =	ssyncset.done $0x0  }
0x2b5: {  	[sflag:s0] =	ssyncadd.s32 $0xFFFFFF00  }
0x2b6: {  	[tilespmem:s23], [sflag:$0x6] =	stream.indirect.gather [hbm4b:s1+s22], $0x80, s7, s22, $0xb8;
	[tilespmem:$0x1FC80] =	vst v63  }
0x2b7: {  	_ =	swait.ge [sflag:s14], $0x4000  }
0x2b8: {  	[sflag:s14] =	ssyncset.done $0x0  }
0x2b9: {  	[sflag:s14] =	ssyncadd.s32 $0xFFFFC000  }
0x2ba: {  	[spmem:s3] =	stream.indirect.scatter.add.f32 [tilespmem:s2], [sflag:$0x8], $0x80, s30, s22, $0xb8;
	[tilespmem:$0x1FC80] =	vst v63  }
0x2bb: {  	_ =	swait.ge [sflag:s8], $0x4000  }
0x2bc: {  	[sflag:s8] =	ssyncset.done $0x0  }
0x2bd: {  	s25 =	sadd.s32 $0xC0, s19;
	[sflag:s8] =	ssyncadd.s32 $0xFFFFC000  }
0x2be: {  	[tilespmem:s30], [sflag:$0x3] =	stream.linear.gather [hbm4b:s25+s4], $0x100, $0x38;
	[tilespmem:$0x1FC80] =	vst v63  }
0x2bf: {  	_ =	swait.ge [sflag:s21], $0x100  }
0x2c0: {  	[sflag:s21] =	ssyncset.done $0x0  }
0x2c1: {  	[sflag:s21] =	ssyncadd.s32 $0xFFFFFF00  }
0x2c2: {  	[tilespmem:s2], [sflag:$0x7] =	stream.indirect.gather [hbm4b:s1+s22], $0x80, s13, s22, $0xb8;
	[tilespmem:$0x1FC80] =	vst v63  }
0x2c3: {  	_ =	swait.ge [sflag:s6], $0x4000  }
0x2c4: {  	[sflag:s6] =	ssyncset.done $0x0  }
0x2c5: {  	[sflag:s6] =	ssyncadd.s32 $0xFFFFC000  }
0x2c6: {  	[spmem:s3] =	stream.indirect.scatter.add.f32 [tilespmem:s24], [sflag:$0x8], $0x80, s31, s22, $0xb8;
	[tilespmem:$0x1FC80] =	vst v63  }
0x2c7: {  	_ =	swait.ge [sflag:s8], $0x4000  }
0x2c8: {  	[sflag:s8] =	ssyncset.done $0x0  }
0x2c9: {  	s25 =	sadd.s32 $0xE0, s19;
	[sflag:s8] =	ssyncadd.s32 $0xFFFFC000  }
0x2ca: {  	[tilespmem:s31], [sflag:$0x4] =	stream.linear.gather [hbm4b:s25+s4], $0x100, $0x38;
	[tilespmem:$0x1FC80] =	vst v63  }
0x2cb: {  	_ =	swait.ge [sflag:s20], $0x100  }
0x2cc: {  	[sflag:s20] =	ssyncset.done $0x0  }
0x2cd: {  	[sflag:s20] =	ssyncadd.s32 $0xFFFFFF00  }
0x2ce: {  	[tilespmem:s24], [sflag:$0x5] =	stream.indirect.gather [hbm4b:s1+s22], $0x80, s15, s22, $0xb8;
	[tilespmem:$0x1FC80] =	vst v63  }
0x2cf: {  	_ =	swait.ge [sflag:s12], $0x4000  }
0x2d0: {  	[sflag:s12] =	ssyncset.done $0x0  }
0x2d1: {  	[sflag:s12] =	ssyncadd.s32 $0xFFFFC000  }
0x2d2: {  	[spmem:s3] =	stream.indirect.scatter.add.f32 [tilespmem:s23], [sflag:$0x8], $0x80, s28, s22, $0xb8;
	[tilespmem:$0x1FC80] =	vst v63  }
0x2d3: {  	_ =	swait.ge [sflag:s8], $0x4000  }
0x2d4: {  	[sflag:s8] =	ssyncset.done $0x0  }
0x2d5: {  	s25 =	sadd.s32 $0x100, s19;
	[sflag:s8] =	ssyncadd.s32 $0xFFFFC000  }
0x2d6: {  	[tilespmem:s28], [sflag:$0x1] =	stream.linear.gather [hbm4b:s25+s4], $0x100, $0x38;
	[tilespmem:$0x1FC80] =	vst v63  }
0x2d7: {  	_ =	swait.ge [sflag:s10], $0x100  }
0x2d8: {  	[sflag:s10] =	ssyncset.done $0x0  }
0x2d9: {  	[sflag:s10] =	ssyncadd.s32 $0xFFFFFF00  }
0x2da: {  	[tilespmem:s23], [sflag:$0x6] =	stream.indirect.gather [hbm4b:s1+s22], $0x80, s16, s22, $0xb8;
	[tilespmem:$0x1FC80] =	vst v63  }
0x2db: {  	_ =	swait.ge [sflag:s14], $0x4000  }
0x2dc: {  	[sflag:s14] =	ssyncset.done $0x0  }
0x2dd: {  	[sflag:s14] =	ssyncadd.s32 $0xFFFFC000  }
0x2de: {  	[spmem:s3] =	stream.indirect.scatter.add.f32 [tilespmem:s2], [sflag:$0x8], $0x80, s29, s22, $0xb8;
	[tilespmem:$0x1FC80] =	vst v63  }
0x2df: {  	_ =	swait.ge [sflag:s8], $0x4000  }
0x2e0: {  	[sflag:s8] =	ssyncset.done $0x0  }
0x2e1: {  	s25 =	sadd.s32 $0x120, s19;
	[sflag:s8] =	ssyncadd.s32 $0xFFFFC000  }
0x2e2: {  	[tilespmem:s29], [sflag:$0x2] =	stream.linear.gather [hbm4b:s25+s4], $0x100, $0x38;
	[tilespmem:$0x1FC80] =	vst v63  }
0x2e3: {  	_ =	swait.ge [sflag:s0], $0x100  }
0x2e4: {  	[sflag:s0] =	ssyncset.done $0x0  }
0x2e5: {  	[sflag:s0] =	ssyncadd.s32 $0xFFFFFF00  }
0x2e6: {  	[tilespmem:s2], [sflag:$0x7] =	stream.indirect.gather [hbm4b:s1+s22], $0x80, s7, s22, $0xb8;
	[tilespmem:$0x1FC80] =	vst v63  }
0x2e7: {  	_ =	swait.ge [sflag:s6], $0x4000  }
0x2e8: {  	[sflag:s6] =	ssyncset.done $0x0  }
0x2e9: {  	[sflag:s6] =	ssyncadd.s32 $0xFFFFC000  }
0x2ea: {  	[spmem:s3] =	stream.indirect.scatter.add.f32 [tilespmem:s24], [sflag:$0x8], $0x80, s30, s22, $0xb8;
	[tilespmem:$0x1FC80] =	vst v63  }
0x2eb: {  	_ =	swait.ge [sflag:s8], $0x4000  }
0x2ec: {  	[sflag:s8] =	ssyncset.done $0x0  }
0x2ed: {  	s25 =	sadd.s32 $0x140, s19;
	[sflag:s8] =	ssyncadd.s32 $0xFFFFC000  }
0x2ee: {  	[tilespmem:s30], [sflag:$0x3] =	stream.linear.gather [hbm4b:s25+s4], $0x100, $0x38;
	[tilespmem:$0x1FC80] =	vst v63  }
0x2ef: {  	_ =	swait.ge [sflag:s21], $0x100  }
0x2f0: {  	[sflag:s21] =	ssyncset.done $0x0  }
0x2f1: {  	[sflag:s21] =	ssyncadd.s32 $0xFFFFFF00  }
0x2f2: {  	[tilespmem:s24], [sflag:$0x5] =	stream.indirect.gather [hbm4b:s1+s22], $0x80, s13, s22, $0xb8;
	[tilespmem:$0x1FC80] =	vst v63  }
0x2f3: {  	_ =	swait.ge [sflag:s12], $0x4000  }
0x2f4: {  	[sflag:s12] =	ssyncset.done $0x0  }
0x2f5: {  	[sflag:s12] =	ssyncadd.s32 $0xFFFFC000  }
0x2f6: {  	[spmem:s3] =	stream.indirect.scatter.add.f32 [tilespmem:s23], [sflag:$0x8], $0x80, s31, s22, $0xb8;
	[tilespmem:$0x1FC80] =	vst v63  }
0x2f7: {  	_ =	swait.ge [sflag:s8], $0x4000  }
0x2f8: {  	[sflag:s8] =	ssyncset.done $0x0  }
0x2f9: {  	s25 =	sadd.s32 $0x160, s19;
	[sflag:s8] =	ssyncadd.s32 $0xFFFFC000  }
0x2fa: {  	[tilespmem:s31], [sflag:$0x4] =	stream.linear.gather [hbm4b:s25+s4], $0x100, $0x38;
	[tilespmem:$0x1FC80] =	vst v63  }
0x2fb: {  	_ =	swait.ge [sflag:s20], $0x100  }
0x2fc: {  	[sflag:s20] =	ssyncset.done $0x0  }
0x2fd: {  	[sflag:s20] =	ssyncadd.s32 $0xFFFFFF00  }
0x2fe: {  	[tilespmem:s23], [sflag:$0x6] =	stream.indirect.gather [hbm4b:s1+s22], $0x80, s15, s22, $0xb8;
	[tilespmem:$0x1FC80] =	vst v63  }
0x2ff: {  	_ =	swait.ge [sflag:s14], $0x4000  }
0x300: {  	[sflag:s14] =	ssyncset.done $0x0  }
0x301: {  	[sflag:s14] =	ssyncadd.s32 $0xFFFFC000  }
0x302: {  	[spmem:s3] =	stream.indirect.scatter.add.f32 [tilespmem:s2], [sflag:$0x8], $0x80, s28, s22, $0xb8;
	[tilespmem:$0x1FC80] =	vst v63  }
0x303: {  	_ =	swait.ge [sflag:s8], $0x4000  }
0x304: {  	[sflag:s8] =	ssyncset.done $0x0  }
0x305: {  	s25 =	sadd.s32 $0x180, s19;
	[sflag:s8] =	ssyncadd.s32 $0xFFFFC000  }
0x306: {  	[tilespmem:s28], [sflag:$0x1] =	stream.linear.gather [hbm4b:s25+s4], $0x100, $0x38;
	[tilespmem:$0x1FC80] =	vst v63  }
0x307: {  	_ =	swait.ge [sflag:s10], $0x100  }
0x308: {  	[sflag:s10] =	ssyncset.done $0x0  }
0x309: {  	[sflag:s10] =	ssyncadd.s32 $0xFFFFFF00  }
0x30a: {  	[tilespmem:s2], [sflag:$0x7] =	stream.indirect.gather [hbm4b:s1+s22], $0x80, s16, s22, $0xb8;
	[tilespmem:$0x1FC80] =	vst v63  }
0x30b: {  	_ =	swait.ge [sflag:s6], $0x4000  }
0x30c: {  	[sflag:s6] =	ssyncset.done $0x0  }
0x30d: {  	[sflag:s6] =	ssyncadd.s32 $0xFFFFC000  }
0x30e: {  	[spmem:s3] =	stream.indirect.scatter.add.f32 [tilespmem:s24], [sflag:$0x8], $0x80, s29, s22, $0xb8;
	[tilespmem:$0x1FC80] =	vst v63  }
0x30f: {  	_ =	swait.ge [sflag:s8], $0x4000  }
0x310: {  	[sflag:s8] =	ssyncset.done $0x0  }
0x311: {  	s25 =	sadd.s32 $0x1A0, s19;
	[sflag:s8] =	ssyncadd.s32 $0xFFFFC000  }
0x312: {  	[tilespmem:s29], [sflag:$0x2] =	stream.linear.gather [hbm4b:s25+s4], $0x100, $0x38;
	[tilespmem:$0x1FC80] =	vst v63  }
0x313: {  	_ =	swait.ge [sflag:s0], $0x100  }
0x314: {  	[sflag:s0] =	ssyncset.done $0x0  }
0x315: {  	[sflag:s0] =	ssyncadd.s32 $0xFFFFFF00  }
0x316: {  	[tilespmem:s24], [sflag:$0x5] =	stream.indirect.gather [hbm4b:s1+s22], $0x80, s7, s22, $0xb8;
	[tilespmem:$0x1FC80] =	vst v63  }
0x317: {  	_ =	swait.ge [sflag:s12], $0x4000  }
0x318: {  	[sflag:s12] =	ssyncset.done $0x0  }
0x319: {  	[sflag:s12] =	ssyncadd.s32 $0xFFFFC000  }
0x31a: {  	[spmem:s3] =	stream.indirect.scatter.add.f32 [tilespmem:s23], [sflag:$0x8], $0x80, s30, s22, $0xb8;
	[tilespmem:$0x1FC80] =	vst v63  }
0x31b: {  	_ =	swait.ge [sflag:s8], $0x4000  }
0x31c: {  	[sflag:s8] =	ssyncset.done $0x0  }
0x31d: {  	s25 =	sadd.s32 $0x1C0, s19;
	[sflag:s8] =	ssyncadd.s32 $0xFFFFC000  }
0x31e: {  	[tilespmem:s30], [sflag:$0x3] =	stream.linear.gather [hbm4b:s25+s4], $0x100, $0x38;
	[tilespmem:$0x1FC80] =	vst v63  }
0x31f: {  	_ =	swait.ge [sflag:s21], $0x100  }
0x320: {  	[sflag:s21] =	ssyncset.done $0x0  }
0x321: {  	[sflag:s21] =	ssyncadd.s32 $0xFFFFFF00  }
0x322: {  	[tilespmem:s23], [sflag:$0x6] =	stream.indirect.gather [hbm4b:s1+s22], $0x80, s13, s22, $0xb8;
	[tilespmem:$0x1FC80] =	vst v63  }
0x323: {  	_ =	swait.ge [sflag:s14], $0x4000  }
0x324: {  	[sflag:s14] =	ssyncset.done $0x0  }
.Ltmp6:
0x325: {  	[sflag:s14] =	ssyncadd.s32 $0xFFFFC000;
	(pc) =	sbr.rel @p3 .LBB2_7-.Ltmp6, $4  }
0x326: {  	[spmem:s3] =	stream.indirect.scatter.add.f32 [tilespmem:s2], [sflag:$0x8], $0x80, s31, s22, $0xb8;
	[tilespmem:$0x1FC80] =	vst v63  }
0x327: {  	_ =	swait.ge [sflag:s8], $0x4000  }
0x328: {  	[sflag:s8] =	ssyncset.done $0x0  }
0x329: {  	s19 =	sadd.s32 $0x1E0, s19;
	[sflag:s8] =	ssyncadd.s32 $0xFFFFC000  }
0x32a: {  	[tilespmem:s31], [sflag:$0x4] =	stream.linear.gather [hbm4b:s19+s4], $0x100, $0x38;
	[tilespmem:$0x1FC80] =	vst v63  }
0x32b: {  	_ =	swait.ge [sflag:s20], $0x100  }
0x32c: {  	[sflag:s20] =	ssyncset.done $0x0  }
0x32d: {  	[sflag:s20] =	ssyncadd.s32 $0xFFFFFF00  }
0x32e: {  	[tilespmem:s2], [sflag:$0x7] =	stream.indirect.gather [hbm4b:s1+s22], $0x80, s15, s22, $0xb8;
	[tilespmem:$0x1FC80] =	vst v63  }
0x32f: {  	_ =	swait.ge [sflag:s6], $0x4000  }
0x330: {  	[sflag:s6] =	ssyncset.done $0x0  }
0x331: {  	[sflag:s6] =	ssyncadd.s32 $0xFFFFC000  }
0x332: {  	[spmem:s3] =	stream.indirect.scatter.add.f32 [tilespmem:s24], [sflag:$0x8], $0x80, s28, s22, $0xb8;
	[tilespmem:$0x1FC80] =	vst v63  }
0x333: {  	_ =	swait.ge [sflag:s8], $0x4000  }
0x334: {  	[sflag:s8] =	ssyncset.done $0x0  }
0x335: {  	s18 =	rddreg [dreg:$0xa];
	[sflag:s8] =	ssyncadd.s32 $0xFFFFC000  }
0x336: {  	[tilespmem:s28], [sflag:$0x1] =	stream.linear.gather [hbm4b:s18+s4], $0x100, $0x38;
	[tilespmem:$0x1FC80] =	vst v63  }
0x337: {  	_ =	swait.ge [sflag:s10], $0x100  }
0x338: {  	[sflag:s10] =	ssyncset.done $0x0  }
0x339: {  	[sflag:s10] =	ssyncadd.s32 $0xFFFFFF00  }
0x33a: {  	[tilespmem:s24], [sflag:$0x5] =	stream.indirect.gather [hbm4b:s1+s22], $0x80, s16, s22, $0xb8;
	[tilespmem:$0x1FC80] =	vst v63  }
0x33b: {  	_ =	swait.ge [sflag:s12], $0x4000  }
0x33c: {  	[sflag:s12] =	ssyncset.done $0x0  }
0x33d: {  	[sflag:s12] =	ssyncadd.s32 $0xFFFFC000  }
0x33e: {  	[spmem:s3] =	stream.indirect.scatter.add.f32 [tilespmem:s23], [sflag:$0x8], $0x80, s29, s22, $0xb8;
	[tilespmem:$0x1FC80] =	vst v63  }
0x33f: {  	_ =	swait.ge [sflag:s8], $0x4000  }
0x340: {  	[sflag:s8] =	ssyncset.done $0x0  }
0x341: {  	s19 =	rddreg [dreg:$0xb];
	[sflag:s8] =	ssyncadd.s32 $0xFFFFC000  }
0x342: {  	[tilespmem:s29], [sflag:$0x2] =	stream.linear.gather [hbm4b:s19+s4], $0x100, $0x38;
	[tilespmem:$0x1FC80] =	vst v63  }
0x343: {  	_ =	swait.ge [sflag:s0], $0x100  }
0x344: {  	[sflag:s0] =	ssyncset.done $0x0  }
0x345: {  	[sflag:s0] =	ssyncadd.s32 $0xFFFFFF00  }
0x346: {  	[tilespmem:s23], [sflag:$0x6] =	stream.indirect.gather [hbm4b:s1+s22], $0x80, s7, s22, $0xb8;
	[tilespmem:$0x1FC80] =	vst v63  }
0x347: {  	_ =	swait.ge [sflag:s14], $0x4000  }
0x348: {  	[sflag:s14] =	ssyncset.done $0x0  }
0x349: {  	[sflag:s14] =	ssyncadd.s32 $0xFFFFC000  }
0x34a: {  	[spmem:s3] =	stream.indirect.scatter.add.f32 [tilespmem:s2], [sflag:$0x8], $0x80, s30, s22, $0xb8;
	[tilespmem:$0x1FC80] =	vst v63  }
0x34b: {  	_ =	swait.ge [sflag:s8], $0x4000  }
0x34c: {  	[sflag:s8] =	ssyncset.done $0x0  }
0x34d: {  	s25 =	rddreg [dreg:$0xc];
	[sflag:s8] =	ssyncadd.s32 $0xFFFFC000  }
0x34e: {  	[tilespmem:s30], [sflag:$0x3] =	stream.linear.gather [hbm4b:s25+s4], $0x100, $0x38;
	[tilespmem:$0x1FC80] =	vst v63  }
0x34f: {  	_ =	swait.ge [sflag:s21], $0x100  }
0x350: {  	[sflag:s21] =	ssyncset.done $0x0  }
0x351: {  	[sflag:s21] =	ssyncadd.s32 $0xFFFFFF00  }
0x352: {  	[tilespmem:s2], [sflag:$0x7] =	stream.indirect.gather [hbm4b:s1+s22], $0x80, s13, s22, $0xb8;
	[tilespmem:$0x1FC80] =	vst v63  }
0x353: {  	_ =	swait.ge [sflag:s6], $0x4000  }
0x354: {  	[sflag:s6] =	ssyncset.done $0x0  }
0x355: {  	[sflag:s6] =	ssyncadd.s32 $0xFFFFC000  }
0x356: {  	[spmem:s3] =	stream.indirect.scatter.add.f32 [tilespmem:s24], [sflag:$0x8], $0x80, s31, s22, $0xb8;
	[tilespmem:$0x1FC80] =	vst v63  }
0x357: {  	_ =	swait.ge [sflag:s8], $0x4000  }
0x358: {  	[sflag:s8] =	ssyncset.done $0x0  }
0x359: {  	s26 =	rddreg [dreg:$0xd];
	[sflag:s8] =	ssyncadd.s32 $0xFFFFC000  }
0x35a: {  	[tilespmem:s31], [sflag:$0x4] =	stream.linear.gather [hbm4b:s26+s4], $0x100, $0x38;
	[tilespmem:$0x1FC80] =	vst v63  }
0x35b: {  	_ =	swait.ge [sflag:s20], $0x100  }
0x35c: {  	[sflag:s20] =	ssyncset.done $0x0  }
0x35d: {  	[sflag:s20] =	ssyncadd.s32 $0xFFFFFF00  }
0x35e: {  	[tilespmem:s24], [sflag:$0x5] =	stream.indirect.gather [hbm4b:s1+s22], $0x80, s15, s22, $0xb8;
	[tilespmem:$0x1FC80] =	vst v63  }
0x35f: {  	_ =	swait.ge [sflag:s12], $0x4000  }
0x360: {  	[sflag:s12] =	ssyncset.done $0x0  }
0x361: {  	[sflag:s12] =	ssyncadd.s32 $0xFFFFC000  }
0x362: {  	[spmem:s3] =	stream.indirect.scatter.add.f32 [tilespmem:s23], [sflag:$0x8], $0x80, s28, s22, $0xb8;
	[tilespmem:$0x1FC80] =	vst v63  }
0x363: {  	_ =	swait.ge [sflag:s8], $0x4000  }
0x364: {  	[sflag:s8] =	ssyncset.done $0x0  }
0x365: {  	s11 =	rddreg [dreg:$0xe];
	[sflag:s8] =	ssyncadd.s32 $0xFFFFC000  }
0x366: {  	[tilespmem:s28], [sflag:$0x1] =	stream.linear.gather [hbm4b:s11+s4], $0x100, $0x38;
	[tilespmem:$0x1FC80] =	vst v63  }
0x367: {  	_ =	swait.ge [sflag:s10], $0x100  }
0x368: {  	[sflag:s10] =	ssyncset.done $0x0  }
0x369: {  	[sflag:s10] =	ssyncadd.s32 $0xFFFFFF00  }
0x36a: {  	[tilespmem:s23], [sflag:$0x6] =	stream.indirect.gather [hbm4b:s1+s22], $0x80, s16, s22, $0xb8;
	[tilespmem:$0x1FC80] =	vst v63  }
0x36b: {  	_ =	swait.ge [sflag:s14], $0x4000  }
0x36c: {  	[sflag:s14] =	ssyncset.done $0x0  }
0x36d: {  	[sflag:s14] =	ssyncadd.s32 $0xFFFFC000  }
0x36e: {  	[spmem:s3] =	stream.indirect.scatter.add.f32 [tilespmem:s2], [sflag:$0x8], $0x80, s29, s22, $0xb8;
	[tilespmem:$0x1FC80] =	vst v63  }
0x36f: {  	_ =	swait.ge [sflag:s8], $0x4000  }
0x370: {  	[sflag:s8] =	ssyncset.done $0x0  }
0x371: {  	s19 =	rddreg [dreg:$0xf];
	[sflag:s8] =	ssyncadd.s32 $0xFFFFC000  }
0x372: {  	[tilespmem:s29], [sflag:$0x2] =	stream.linear.gather [hbm4b:s19+s4], $0x100, $0x38;
	[tilespmem:$0x1FC80] =	vst v63  }
0x373: {  	_ =	swait.ge [sflag:s0], $0x100  }
0x374: {  	[sflag:s0] =	ssyncset.done $0x0  }
0x375: {  	[sflag:s0] =	ssyncadd.s32 $0xFFFFFF00  }
0x376: {  	[tilespmem:s2], [sflag:$0x7] =	stream.indirect.gather [hbm4b:s1+s22], $0x80, s7, s22, $0xb8;
	[tilespmem:$0x1FC80] =	vst v63  }
0x377: {  	_ =	swait.ge [sflag:s6], $0x4000  }
0x378: {  	[sflag:s6] =	ssyncset.done $0x0  }
0x379: {  	[sflag:s6] =	ssyncadd.s32 $0xFFFFC000  }
0x37a: {  	[spmem:s3] =	stream.indirect.scatter.add.f32 [tilespmem:s24], [sflag:$0x8], $0x80, s30, s22, $0xb8;
	[tilespmem:$0x1FC80] =	vst v63  }
0x37b: {  	_ =	swait.ge [sflag:s8], $0x4000  }
0x37c: {  	[sflag:s8] =	ssyncset.done $0x0  }
0x37d: {  	s25 =	rddreg [dreg:$0x10];
	[sflag:s8] =	ssyncadd.s32 $0xFFFFC000  }
0x37e: {  	[tilespmem:s30], [sflag:$0x3] =	stream.linear.gather [hbm4b:s25+s4], $0x100, $0x38;
	[tilespmem:$0x1FC80] =	vst v63  }
0x37f: {  	_ =	swait.ge [sflag:s21], $0x100  }
0x380: {  	[sflag:s21] =	ssyncset.done $0x0  }
0x381: {  	[sflag:s21] =	ssyncadd.s32 $0xFFFFFF00  }
0x382: {  	[tilespmem:s24], [sflag:$0x5] =	stream.indirect.gather [hbm4b:s1+s22], $0x80, s13, s22, $0xb8;
	[tilespmem:$0x1FC80] =	vst v63  }
0x383: {  	_ =	swait.ge [sflag:s12], $0x4000  }
0x384: {  	[sflag:s12] =	ssyncset.done $0x0  }
0x385: {  	[sflag:s12] =	ssyncadd.s32 $0xFFFFC000  }
0x386: {  	[spmem:s3] =	stream.indirect.scatter.add.f32 [tilespmem:s23], [sflag:$0x8], $0x80, s31, s22, $0xb8;
	[tilespmem:$0x1FC80] =	vst v63  }
0x387: {  	_ =	swait.ge [sflag:s8], $0x4000  }
0x388: {  	[sflag:s8] =	ssyncset.done $0x0  }
0x389: {  	s26 =	rddreg [dreg:$0x11];
	[sflag:s8] =	ssyncadd.s32 $0xFFFFC000  }
0x38a: {  	[tilespmem:s31], [sflag:$0x4] =	stream.linear.gather [hbm4b:s26+s4], $0x100, $0x38;
	[tilespmem:$0x1FC80] =	vst v63  }
0x38b: {  	_ =	swait.ge [sflag:s20], $0x100  }
0x38c: {  	[sflag:s20] =	ssyncset.done $0x0  }
0x38d: {  	[sflag:s20] =	ssyncadd.s32 $0xFFFFFF00  }
0x38e: {  	[tilespmem:s23], [sflag:$0x6] =	stream.indirect.gather [hbm4b:s1+s22], $0x80, s15, s22, $0xb8;
	[tilespmem:$0x1FC80] =	vst v63  }
0x38f: {  	_ =	swait.ge [sflag:s14], $0x4000  }
0x390: {  	[sflag:s14] =	ssyncset.done $0x0  }
0x391: {  	[sflag:s14] =	ssyncadd.s32 $0xFFFFC000  }
0x392: {  	[spmem:s3] =	stream.indirect.scatter.add.f32 [tilespmem:s2], [sflag:$0x8], $0x80, s28, s22, $0xb8;
	[tilespmem:$0x1FC80] =	vst v63  }
0x393: {  	_ =	swait.ge [sflag:s8], $0x4000  }
0x394: {  	[sflag:s8] =	ssyncset.done $0x0  }
0x395: {  	[sflag:s8] =	ssyncadd.s32 $0xFFFFC000  }
0x396: {  	_ =	swait.ge [sflag:s10], $0x100  }
0x397: {  	[sflag:s10] =	ssyncset.done $0x0  }
0x398: {  	[sflag:s10] =	ssyncadd.s32 $0xFFFFFF00  }
0x399: {  	[tilespmem:s2], [sflag:$0x7] =	stream.indirect.gather [hbm4b:s1+s22], $0x80, s16, s22, $0xb8;
	[tilespmem:$0x1FC80] =	vst v63  }
0x39a: {  	_ =	swait.ge [sflag:s6], $0x4000  }
0x39b: {  	[sflag:s6] =	ssyncset.done $0x0  }
0x39c: {  	[sflag:s6] =	ssyncadd.s32 $0xFFFFC000  }
0x39d: {  	[spmem:s3] =	stream.indirect.scatter.add.f32 [tilespmem:s24], [sflag:$0x8], $0x80, s29, s22, $0xb8;
	[tilespmem:$0x1FC80] =	vst v63  }
0x39e: {  	_ =	swait.ge [sflag:s8], $0x4000  }
0x39f: {  	[sflag:s8] =	ssyncset.done $0x0  }
0x3a0: {  	[sflag:s8] =	ssyncadd.s32 $0xFFFFC000  }
0x3a1: {  	_ =	swait.ge [sflag:s12], $0x4000  }
0x3a2: {  	[sflag:s12] =	ssyncset.done $0x0  }
0x3a3: {  	[sflag:s12] =	ssyncadd.s32 $0xFFFFC000  }
0x3a4: {  	[spmem:s3] =	stream.indirect.scatter.add.f32 [tilespmem:s23], [sflag:$0x8], $0x80, s30, s22, $0xb8;
	[tilespmem:$0x1FC80] =	vst v63  }
0x3a5: {  	_ =	swait.ge [sflag:s8], $0x4000  }
0x3a6: {  	[sflag:s8] =	ssyncset.done $0x0  }
0x3a7: {  	[sflag:s8] =	ssyncadd.s32 $0xFFFFC000  }
0x3a8: {  	_ =	swait.ge [sflag:s14], $0x4000  }
0x3a9: {  	[sflag:s14] =	ssyncset.done $0x0  }
.Ltmp7:
0x3aa: {  	[sflag:s14] =	ssyncadd.s32 $0xFFFFC000;
	(pc) =	sbr.rel @p2 .LBB2_13-.Ltmp7, $4  }
0x3ab: {  	[spmem:s3] =	stream.indirect.scatter.add.f32 [tilespmem:s2], [sflag:$0x8], $0x80, s31, s22, $0xb8;
	[tilespmem:$0x1FC80] =	vst v63  }
0x3ac: {  	_ =	swait.ge [sflag:s8], $0x4000  }
0x3ad: {  	[sflag:s8] =	ssyncset.done $0x0  }
0x3ae: {  	[sflag:s8] =	ssyncadd.s32 $0xFFFFC000  }
0x3af: {  	s18 =	rddreg [dreg:$0x12]  }
0x3b0: {  	[tilespmem:s28], [sflag:$0x8] =	stream.linear.gather [hbm4b:s18+s4], $0x100, $0x38;
	[tilespmem:$0x1FC80] =	vst v63  }
0x3b1: {  	_ =	swait.ge [sflag:s8], $0x100  }
0x3b2: {  	[sflag:s8] =	ssyncset.done $0x0  }
0x3b3: {  	[sflag:s8] =	ssyncadd.s32 $0xFFFFFF00  }
0x3b4: {  	[tilespmem:s24], [sflag:$0x5] =	stream.indirect.gather [hbm4b:s1+s22], $0x80, s7, s22, $0xb8;
	[tilespmem:$0x1FC80] =	vst v63  }
0x3b5: {  	_ =	swait.ge [sflag:s6], $0x4000  }
0x3b6: {  	[sflag:s6] =	ssyncset.done $0x0  }
0x3b7: {  	[sflag:s6] =	ssyncadd.s32 $0xFFFFC000  }
0x3b8: {  	[spmem:s3] =	stream.indirect.scatter.add.f32 [tilespmem:s24], [sflag:$0x8], $0x80, s28, s22, $0xb8;
	[tilespmem:$0x1FC80] =	vst v63  }
.Ltmp8:
0x3b9: {  	_ =	swait.ge [sflag:s8], $0x4000;
	(pc) =	sbr.rel .LBB2_14-.Ltmp8, $3  }
0x3ba: {  	[sflag:s8] =	ssyncset.done $0x0  }
0x3bb: {  	[sflag:s8] =	ssyncadd.s32 $0xFFFFC000  }
0x3bc: {  	[bflag:$0x0] =	sbarrier.arrive $0xFFFF;
	_ =	sdelay $0x1  }
.LBB2_10:
.Ltmp9:
0x3bd: {  	(pc) =	sbr.rel @!p1 .LBB2_11-.Ltmp9, $2  }
0x3be: {  	_ =	sdelay $0x1  }
0x3bf: {  	[bflag:$0x0] =	sbarrier.arrive $0xFFFF;
	_ =	sdelay $0x1  }
0x3c0: {  	s11 =	rddreg [dreg:$0x19]  }
0x3c1: {  	s19 =	rddreg [dreg:$0x16]  }
.Ltmp10:
0x3c2: {  	s26 =	simm.s32 $0x1FC8;
	s18 =	sshrl.u32 s11, $0x3;
	(pc) =	sbr.rel .LBB2_16-.Ltmp10, $4  }
0x3c3: {  	[hbm:s19], [sflag:s26] =	dma.local [spmem:s18], $0x1900  }
0x3c4: {  	_ =	swait.ge [sflag:s8], $0x1900  }
0x3c5: {  	[sflag:s8] =	ssyncset.done $0x0  }
0x3c6: {  	[sflag:s8] =	ssyncadd.s32 $0xFFFFE700  }
.LBB2_11:
0x3c7: {  	s18 =	stileid.u32  }
0x3c8: {  	s19 =	sshrl.u32 s9, $0x3;
	s18 =	sshll.u32 s18, $0x6  }
.Ltmp11:
0x3c9: {  	s25 =	rddreg [dreg:$0x15];
	s18 =	sor.u32 $0x1C08, s18;
	(pc) =	sbr.rel .LBB2_16-.Ltmp11, $4  }
0x3ca: {  	[hbm:s25], [sflag:s18] =	dma.local [spmem:s19], $0x2800  }
0x3cb: {  	_ =	swait.ge [sflag:s8], $0x2800  }
0x3cc: {  	[sflag:s8] =	ssyncset.done $0x0  }
0x3cd: {  	[sflag:s8] =	ssyncadd.s32 $0xFFFFD800  }
.LBB2_13:
.Ltmp12:
0x3ce: {  	(pc) =	sbr.rel @p1 .LBB2_15-.Ltmp12, $2  }
0x3cf: {  	_ =	sdelay $0x1  }
0x3d0: {  	[bflag:$0x0] =	sbarrier.arrive $0xFFFF;
	_ =	sdelay $0x1  }
.LBB2_14:
0x3d1: {  	s18 =	stileid.u32  }
0x3d2: {  	s19 =	sshrl.u32 s9, $0x3;
	s18 =	sshll.u32 s18, $0x6  }
.Ltmp13:
0x3d3: {  	s25 =	rddreg [dreg:$0x13];
	s18 =	sor.u32 $0x1C08, s18;
	(pc) =	sbr.rel .LBB2_16-.Ltmp13, $4  }
0x3d4: {  	[hbm:s25], [sflag:s18] =	dma.local [spmem:s19], $0x2800  }
0x3d5: {  	_ =	swait.ge [sflag:s8], $0x2800  }
0x3d6: {  	[sflag:s8] =	ssyncset.done $0x0  }
0x3d7: {  	[sflag:s8] =	ssyncadd.s32 $0xFFFFD800  }
.LBB2_17:
0x3d8: {  	_ =	sfence.sel $0x180000  }
0x3d9: {  	[bflag:$0x0] =	sbarrier.arrive $0xFFFF  }
0x3da: {  	_ =	strace $0x90000047  }
0x3db: {  	s0 =	stileid.u32;
	[bflag:$0x2] =	sbarrier.arrive $0xFFFF  }
0x3dc: {  	p0 =	sne.s32 s0, $0x0;
	s0 =	rddreg [dreg:$0x5]  }
0x3dd: {  	s0 =	sadd.s32 @!p0 $0x100000, s0  }
0x3de: {  	[sflag:s0] =	ssyncadd.tile.s32 @!p0 $0x1;
	_ =	shalt  }
.Lfunc_end2:
_tile_overlayer_lowered:
.L_overlay_start_2:
0x3df: {  	(tag) =	ssettag $0x2  }
0x3e0: {  	s0 =	rddreg [dreg:$0x0];
	s2 =	stileid.u32  }
0x3e1: {  	s1 =	rddreg [dreg:$0x1];
	p0 =	sne.s32 s2, $0x0  }
0x3e2: {  	s3 =	rddreg [dreg:$0x2];
	[bflag:$0x3] =	sbarrier.arrive $0xFFFF;
	s2 =	simm.s32 @!p0 $0x1C08  }
0x3e3: {  	[timem:s3], [sflag:s2] =	dma.local @!p0 [hbm:s0], s1  }
0x3e4: {  	s0 =	simm.s32 @!p0 $0x8  }
0x3e5: {  	_ =	swait.ge @!p0 [sflag:s0], s1  }
0x3e6: {  	s1 =	ssub.s32 @!p0 $0x0, s1;
	[sflag:s0] =	ssyncset.done @!p0 $0x0  }
0x3e7: {  	[sflag:s0] =	ssyncadd.s32 @!p0 s1  }
0x3e8: {  	[bflag:$0x3] =	sbarrier.arrive $0xFFFF  }
0x3e9: {  	_ =	shalt  }

</sc_bundles>
